<compile_context>
chip_gen: v7x
topology: tpu7x:2x2x1
jax: 0.10.2.dev20260603
libtpu: 0.0.44.dev20260713+nightly
codegen_flags: <defaults>
</compile_context>

<pallas_src>
import functools

import jax
import jax.numpy as jnp
from jax import lax
from jax.experimental import pallas as pl
from jax.experimental.pallas import tpu as pltpu
import jax.experimental.pallas.tpu_sc as plsc

_N_NODES = 10000
_N_EDGES = 320000
_NF = 128
_EPS = 1e-5

_NC, _NS = 2, 16
_NW = _NC * _NS
_EPW = _N_EDGES // _NW
_CH = 80
_NCH = _EPW // _CH
_NBUF = 3
_RPS = 624
_REM = _N_NODES - _NS * _RPS


def _sc_segsum(h, src3, dst3, zeros):
    mesh = plsc.VectorSubcoreMesh(core_axis_name="c", subcore_axis_name="s")

    @functools.partial(
        pl.kernel,
        out_type=jax.ShapeDtypeStruct((_NC * _N_NODES, _NF), jnp.float32),
        mesh=mesh,
        scratch_types=[
            pltpu.VMEM((_NBUF, _CH), jnp.int32),
            pltpu.VMEM((_NBUF, _CH), jnp.int32),
            pltpu.VMEM((_NBUF, _CH, _NF), jnp.float32),
            pltpu.VMEM_SHARED((_N_NODES, _NF), jnp.float32),
            pltpu.SemaphoreType.DMA,
            pltpu.SemaphoreType.DMA,
            pltpu.SemaphoreType.DMA,
            pltpu.SemaphoreType.DMA,
            pltpu.SemaphoreType.DMA,
            pltpu.SemaphoreType.DMA,
            pltpu.SemaphoreType.DMA,
            pltpu.SemaphoreType.DMA,
            pltpu.SemaphoreType.DMA,
        ],
    )
    def k(h_hbm, src_hbm, dst_hbm, zeros_hbm, out_hbm, sidx, didx, rows, acc,
          g0s, g1s, g2s, s0s, s1s, s2s, d0s, d1s, d2s):
        gsems = (g0s, g1s, g2s)
        ssems = (s0s, s1s, s2s)
        dsems = (d0s, d1s, d2s)
        c = lax.axis_index("c")
        s = lax.axis_index("s")
        wid = s * _NC + c
        r0 = s * _RPS

        @pl.when(c == 0)
        def _():
            pltpu.sync_copy(h_hbm.at[pl.ds(r0, _RPS)], acc.at[pl.ds(r0, _RPS)])

            @pl.when(s == 0)
            def _():
                pltpu.sync_copy(h_hbm.at[pl.ds(_NS * _RPS, _REM)],
                                acc.at[pl.ds(_NS * _RPS, _REM)])

        @pl.when(c != 0)
        def _():
            pltpu.sync_copy(zeros_hbm.at[pl.ds(r0, _RPS)], acc.at[pl.ds(r0, _RPS)])

            @pl.when(s == 0)
            def _():
                pltpu.sync_copy(zeros_hbm.at[pl.ds(_NS * _RPS, _REM)],
                                acc.at[pl.ds(_NS * _RPS, _REM)])

        plsc.subcore_barrier()

        ebase = wid * _EPW

        def istart_src(j, b):
            pltpu.async_copy(src_hbm.at[pl.ds(ebase + j * _CH, _CH)],
                             sidx.at[b], ssems[b])

        def iwait_src(j, b):
            pltpu.make_async_copy(src_hbm.at[pl.ds(ebase + j * _CH, _CH)],
                                  sidx.at[b], ssems[b]).wait()

        def istart_dst(j, b):
            pltpu.async_copy(dst_hbm.at[pl.ds(ebase + j * _CH, _CH)],
                             didx.at[b], dsems[b])

        def iwait_dst(j, b):
            pltpu.make_async_copy(dst_hbm.at[pl.ds(ebase + j * _CH, _CH)],
                                  didx.at[b], dsems[b]).wait()

        def gstart(b):
            pltpu.async_copy(h_hbm.at[sidx.at[b]], rows.at[b], gsems[b])

        def gwait(b):
            pltpu.make_async_copy(h_hbm.at[sidx.at[b]], rows.at[b],
                                  gsems[b]).wait()

        def turn(j, b, steady):
            gwait(b)
            if steady:
                @pl.when(j + _NBUF < _NCH)
                def _():
                    istart_src(j + _NBUF, b)
            iwait_dst(j, b)
            pltpu.sync_copy(rows.at[b], acc.at[didx.at[b]], add=True)
            if steady:
                @pl.when(j + _NBUF < _NCH)
                def _():
                    istart_dst(j + _NBUF, b)
                    iwait_src(j + _NBUF, b)
                    gstart(b)

        for b in range(_NBUF):
            istart_src(b, b)
            istart_dst(b, b)
        for b in range(_NBUF):
            iwait_src(b, b)
            gstart(b)

        def body(i, carry):
            for b in range(_NBUF):
                turn(i * _NBUF + b, b, steady=True)
            return carry

        lax.fori_loop(0, _NCH // _NBUF, body, 0)
        for b in range(_NCH % _NBUF):
            turn((_NCH // _NBUF) * _NBUF + b, b, steady=False)

        plsc.subcore_barrier()
        pltpu.sync_copy(acc.at[pl.ds(r0, _RPS)],
                        out_hbm.at[pl.ds(c * _N_NODES + r0, _RPS)])

        @pl.when(s == 0)
        def _():
            pltpu.sync_copy(acc.at[pl.ds(_NS * _RPS, _REM)],
                            out_hbm.at[pl.ds(c * _N_NODES + _NS * _RPS, _REM)])

    return k(h, src3, dst3, zeros)


def _rsqrt(v):
    r = lax.rsqrt(v)
    return r * (1.5 - 0.5 * v * r * r)


def _colmean(h):
    s1 = jnp.sum(h.reshape(125, 80, _NF), axis=0)
    return jnp.sum(s1, axis=0, keepdims=True) * (1.0 / _N_NODES)


def _bn(h, g, b):
    mu = _colmean(h)
    d = h - mu
    var = _colmean(d * d)
    return d * _rsqrt(var + _EPS) * g + b


def _dot3(a, b):
    return jax.lax.dot_general(a, b, (((1,), (0,)), ((), ())),
                               preferred_element_type=jnp.float32)


def _tc_transform(x, wt_t, bt, g, b):
    def body(x_ref, w_ref, bt_ref, g_ref, b_ref, out_ref):
        h = _dot3(x_ref[...], w_ref[...])
        h = h + bt_ref[...]
        out_ref[...] = _bn(h, g_ref[...], b_ref[...])

    return pl.pallas_call(
        body,
        out_shape=jax.ShapeDtypeStruct((_N_NODES, _NF), jnp.float32),
    )(x, wt_t, bt.reshape(1, _NF), g.reshape(1, _NF), b.reshape(1, _NF))


def _tc_layer(parts, w1_t, w2_t, g, b):
    def body(p_ref, w1_ref, w2_ref, g_ref, b_ref, out_ref):
        z = p_ref[0] + p_ref[1]
        z = _dot3(z, w1_ref[...])
        z = jnp.maximum(z, 0.0)
        z = _dot3(z, w2_ref[...])
        h = jnp.maximum(z, 0.0)
        out_ref[...] = _bn(h, g_ref[...], b_ref[...])

    return pl.pallas_call(
        body,
        out_shape=jax.ShapeDtypeStruct((_N_NODES, _NF), jnp.float32),
    )(parts, w1_t, w2_t, g.reshape(1, _NF), b.reshape(1, _NF))


def kernel(x, edge_index, batch, W_t, b_t, g0, b0, W1, W2, gammas, betas):
    src3 = edge_index[0]
    dst3 = edge_index[1]
    zeros = jnp.zeros((_N_NODES, _NF), jnp.float32)
    h = _tc_transform(x, W_t.T, b_t, g0, b0)
    for i in range(3):
        parts = _sc_segsum(h, src3, dst3, zeros)
        h = _tc_layer(parts.reshape(_NC, _N_NODES, _NF),
                      W1[i].T, W2[i].T, gammas[i], betas[i])
    return h

# --- scband reference (transcript-rebuilt; emitter-appended) ---
"""Pipeline reference for scband-gin-26465588478351 (READ-ONLY COPY).

The authoritative reference and input builder live on the scoring server;
editing this copy changes nothing except your own understanding.
"""

import jax, jax.numpy as jnp
import numpy as np

N_NODES = 10000
N_EDGES = 320000
NFEAT = 128
NHID = 128
NLAYER = 3
NUM_GRAPHS = 8
BN_EPS = 1e-5


def setup_inputs(seed: int = 0) -> dict:
    key = jax.random.key(seed)
    ks = jax.random.split(key, 10)
    x = jax.random.normal(ks[0], (N_NODES, NFEAT), dtype=jnp.float32)
    edge_index = jax.random.randint(ks[1], (2, N_EDGES), 0, N_NODES, dtype=jnp.int32)
    batch = jnp.sort(jax.random.randint(ks[2], (N_NODES,), 0, NUM_GRAPHS, dtype=jnp.int32))
    s_in = 1.0 / np.sqrt(NFEAT)
    s_h = 1.0 / np.sqrt(NHID)
    # transform: Linear(nfeat, nhid) with bias, then BatchNorm1d(nhid)
    W_t = jax.random.uniform(ks[3], (NHID, NFEAT), jnp.float32, -s_in, s_in)
    b_t = jax.random.uniform(ks[4], (NHID,), jnp.float32, -s_in, s_in)
    g0 = jnp.ones((NHID,), jnp.float32)
    b0 = jnp.zeros((NHID,), jnp.float32)
    # per-layer GIN MLP: Linear(nhid,nhid,bias=False) -> ReLU -> Linear(nhid,nhid,bias=False)
    W1 = jax.random.uniform(ks[5], (NLAYER, NHID, NHID), jnp.float32, -s_h, s_h)
    W2 = jax.random.uniform(ks[6], (NLAYER, NHID, NHID), jnp.float32, -s_h, s_h)
    gammas = jnp.ones((NLAYER, NHID), jnp.float32)
    betas = jnp.zeros((NLAYER, NHID), jnp.float32)
    return {"x": x, "edge_index": edge_index, "batch": batch, "W_t": W_t, "b_t": b_t,
            "g0": g0, "b0": b0, "W1": W1, "W2": W2, "gammas": gammas, "betas": betas}


def _batch_norm(h, gamma, beta):
    # BatchNorm1d in training mode: biased batch statistics
    mean = jnp.mean(h, axis=0)
    var = jnp.mean((h - mean) ** 2, axis=0)
    return (h - mean) * jax.lax.rsqrt(var + BN_EPS) * gamma + beta


def reference(x, edge_index, batch, W_t, b_t, g0, b0, W1, W2, gammas, betas):
    # x = self.transform(x) : Linear + BatchNorm1d
    h = x @ W_t.T + b_t
    h = _batch_norm(h, g0, b0)
    src = edge_index[0]
    dst = edge_index[1]
    for i in range(NLAYER):
        # dropout(p=0) is identity
        # GINConv with eps=0: nn((1+eps)*x + sum_{j in N(i)} x_j)
        agg = jax.ops.segment_sum(h[src], dst, num_segments=N_NODES)
        z = h + agg
        z = z @ W1[i].T
        z = jax.nn.relu(z)
        z = z @ W2[i].T
        h = jax.nn.relu(z)  # self.act
        h = _batch_norm(h, gammas[i], betas[i])
    # emb_list = [h[batch == g] for g in range(NUM_GRAPHS)]; since batch is sorted,
    # concatenating emb_list reproduces h exactly, so return the node embeddings.
    return h

if __name__ == "__main__":
    import jax
    _d = setup_inputs()
    print(jax.jit(kernel)(*tuple(_d.values())))

</pallas_src>

<mosaic_0001>
#map = affine_map<(d0, d1) -> (0, 0)>
#map1 = affine_map<(d0, d1) -> (0)>
module attributes {stable_mosaic.version = 14 : i64} {
  func.func @k(%arg0: i32, %arg1: i32, %arg2: memref<10000x128xf32, #tpu.memory_space<hbm>>, %arg3: memref<320000xi32, #tpu.memory_space<hbm>>, %arg4: memref<320000xi32, #tpu.memory_space<hbm>>, %arg5: memref<10000x128xf32, #tpu.memory_space<hbm>>, %arg6: memref<20000x128xf32, #tpu.memory_space<hbm>>, %arg7: memref<3x80xi32, #tpu.memory_space<vmem>>, %arg8: memref<3x80xi32, #tpu.memory_space<vmem>>, %arg9: memref<3x80x128xf32, #tpu.memory_space<vmem>>, %arg10: memref<10000x128xf32, #tpu.memory_space<vmem_shared>>, %arg11: memref<!tpu.dma_semaphore, #tpu.memory_space<semaphore_mem>>, %arg12: memref<!tpu.dma_semaphore, #tpu.memory_space<semaphore_mem>>, %arg13: memref<!tpu.dma_semaphore, #tpu.memory_space<semaphore_mem>>, %arg14: memref<!tpu.dma_semaphore, #tpu.memory_space<semaphore_mem>>, %arg15: memref<!tpu.dma_semaphore, #tpu.memory_space<semaphore_mem>>, %arg16: memref<!tpu.dma_semaphore, #tpu.memory_space<semaphore_mem>>, %arg17: memref<!tpu.dma_semaphore, #tpu.memory_space<semaphore_mem>>, %arg18: memref<!tpu.dma_semaphore, #tpu.memory_space<semaphore_mem>>, %arg19: memref<!tpu.dma_semaphore, #tpu.memory_space<semaphore_mem>>) attributes {dimension_semantics = [#tpu.dimension_semantics<core_parallel>, #tpu.dimension_semantics<subcore_parallel>], iteration_bounds = array<i64: 2, 16>, scalar_prefetch = 0 : i64, scratch_operands = 13 : i64, tpu.core_type = #tpu.core_type<sc_vector_subcore>, window_params = [{transform_indices = #map}, {transform_indices = #map1}, {transform_indices = #map1}, {transform_indices = #map}, {transform_indices = #map}]} {
    %mul3A = arith.constant 2 : i32
    %mul3A_0 = arith.muli %arg1, %mul3A : i32
    %add3A = arith.addi %mul3A_0, %arg0 : i32
    %mul3A_1 = arith.constant 624 : i32
    %mul3A_2 = arith.muli %arg1, %mul3A_1 : i32
    %eq3A = arith.constant 0 : i32
    %eq3A_3 = arith.cmpi eq, %arg0, %eq3A : i32
    %convert_element_type3A = arith.extui %eq3A_3 : i1 to i32
    %cond3A = arith.constant 0 : i32
    %cond3A_4 = arith.cmpi ne, %convert_element_type3A, %cond3A : i32
    scf.if %cond3A_4 {
      "tpu.region"() ({
        %run_scoped3A_212 = tpu.sem_alloc : memref<!tpu.dma_semaphore, #tpu.memory_space<semaphore_mem>>
        %dma_start3A_213 = arith.constant 0 : i32
        %dma_start3A_214 = tpu.memref_slice %arg10[%mul3A_2, %dma_start3A_213] : memref<10000x128xf32, #tpu.memory_space<vmem_shared>> -> memref<624x128xf32, #tpu.memory_space<vmem_shared>>
        %dma_start3A_215 = arith.constant 0 : i32
        %dma_start3A_216 = tpu.memref_slice %arg2[%mul3A_2, %dma_start3A_215] : memref<10000x128xf32, #tpu.memory_space<hbm>> -> memref<624x128xf32, #tpu.memory_space<hbm>>
        tpu.enqueue_dma source(%dma_start3A_216 : memref<624x128xf32, #tpu.memory_space<hbm>>) target(%dma_start3A_214 : memref<624x128xf32, #tpu.memory_space<vmem_shared>>) target_semaphore(%run_scoped3A_212 : memref<!tpu.dma_semaphore, #tpu.memory_space<semaphore_mem>>)
        %dma_wait3A_217 = arith.constant 0 : i32
        %dma_wait3A_218 = tpu.memref_slice %arg10[%mul3A_2, %dma_wait3A_217] : memref<10000x128xf32, #tpu.memory_space<vmem_shared>> -> memref<624x128xf32, #tpu.memory_space<vmem_shared>>
        %dma_wait3A_219 = arith.constant 0 : i32
        %dma_wait3A_220 = tpu.memref_slice %arg2[%mul3A_2, %dma_wait3A_219] : memref<10000x128xf32, #tpu.memory_space<hbm>> -> memref<624x128xf32, #tpu.memory_space<hbm>>
        tpu.wait_dma2 semaphore(%run_scoped3A_212 : memref<!tpu.dma_semaphore, #tpu.memory_space<semaphore_mem>>) src(%dma_wait3A_220 : memref<624x128xf32, #tpu.memory_space<hbm>>) dst(%dma_wait3A_218 : memref<624x128xf32, #tpu.memory_space<vmem_shared>>)
        tpu.yield
      }) : () -> ()
      %eq3A_207 = arith.constant 0 : i32
      %eq3A_208 = arith.cmpi eq, %arg1, %eq3A_207 : i32
      %convert_element_type3A_209 = arith.extui %eq3A_208 : i1 to i32
      %cond3A_210 = arith.constant 0 : i32
      %cond3A_211 = arith.cmpi ne, %convert_element_type3A_209, %cond3A_210 : i32
      scf.if %cond3A_211 {
        "tpu.region"() ({
          %run_scoped3A_212 = tpu.sem_alloc : memref<!tpu.dma_semaphore, #tpu.memory_space<semaphore_mem>>
          %dma_start3A_213 = arith.constant 9984 : i32
          %dma_start3A_214 = arith.constant 0 : i32
          %dma_start3A_215 = tpu.memref_slice %arg10[%dma_start3A_213, %dma_start3A_214] : memref<10000x128xf32, #tpu.memory_space<vmem_shared>> -> memref<16x128xf32, #tpu.memory_space<vmem_shared>>
          %dma_start3A_216 = arith.constant 9984 : i32
          %dma_start3A_217 = arith.constant 0 : i32
          %dma_start3A_218 = tpu.memref_slice %arg2[%dma_start3A_216, %dma_start3A_217] : memref<10000x128xf32, #tpu.memory_space<hbm>> -> memref<16x128xf32, #tpu.memory_space<hbm>>
          tpu.enqueue_dma source(%dma_start3A_218 : memref<16x128xf32, #tpu.memory_space<hbm>>) target(%dma_start3A_215 : memref<16x128xf32, #tpu.memory_space<vmem_shared>>) target_semaphore(%run_scoped3A_212 : memref<!tpu.dma_semaphore, #tpu.memory_space<semaphore_mem>>)
          %dma_wait3A_219 = arith.constant 9984 : i32
          %dma_wait3A_220 = arith.constant 0 : i32
          %dma_wait3A_221 = tpu.memref_slice %arg10[%dma_wait3A_219, %dma_wait3A_220] : memref<10000x128xf32, #tpu.memory_space<vmem_shared>> -> memref<16x128xf32, #tpu.memory_space<vmem_shared>>
          %dma_wait3A_222 = arith.constant 9984 : i32
          %dma_wait3A_223 = arith.constant 0 : i32
          %dma_wait3A_224 = tpu.memref_slice %arg2[%dma_wait3A_222, %dma_wait3A_223] : memref<10000x128xf32, #tpu.memory_space<hbm>> -> memref<16x128xf32, #tpu.memory_space<hbm>>
          tpu.wait_dma2 semaphore(%run_scoped3A_212 : memref<!tpu.dma_semaphore, #tpu.memory_space<semaphore_mem>>) src(%dma_wait3A_224 : memref<16x128xf32, #tpu.memory_space<hbm>>) dst(%dma_wait3A_221 : memref<16x128xf32, #tpu.memory_space<vmem_shared>>)
          tpu.yield
        }) : () -> ()
      } else {
      }
    } else {
    }
    %ne3A = arith.constant 0 : i32
    %ne3A_5 = arith.cmpi ne, %arg0, %ne3A : i32
    %convert_element_type3A_6 = arith.extui %ne3A_5 : i1 to i32
    %cond3A_7 = arith.constant 0 : i32
    %cond3A_8 = arith.cmpi ne, %convert_element_type3A_6, %cond3A_7 : i32
    scf.if %cond3A_8 {
      "tpu.region"() ({
        %run_scoped3A_212 = tpu.sem_alloc : memref<!tpu.dma_semaphore, #tpu.memory_space<semaphore_mem>>
        %dma_start3A_213 = arith.constant 0 : i32
        %dma_start3A_214 = tpu.memref_slice %arg10[%mul3A_2, %dma_start3A_213] : memref<10000x128xf32, #tpu.memory_space<vmem_shared>> -> memref<624x128xf32, #tpu.memory_space<vmem_shared>>
        %dma_start3A_215 = arith.constant 0 : i32
        %dma_start3A_216 = tpu.memref_slice %arg5[%mul3A_2, %dma_start3A_215] : memref<10000x128xf32, #tpu.memory_space<hbm>> -> memref<624x128xf32, #tpu.memory_space<hbm>>
        tpu.enqueue_dma source(%dma_start3A_216 : memref<624x128xf32, #tpu.memory_space<hbm>>) target(%dma_start3A_214 : memref<624x128xf32, #tpu.memory_space<vmem_shared>>) target_semaphore(%run_scoped3A_212 : memref<!tpu.dma_semaphore, #tpu.memory_space<semaphore_mem>>)
        %dma_wait3A_217 = arith.constant 0 : i32
        %dma_wait3A_218 = tpu.memref_slice %arg10[%mul3A_2, %dma_wait3A_217] : memref<10000x128xf32, #tpu.memory_space<vmem_shared>> -> memref<624x128xf32, #tpu.memory_space<vmem_shared>>
        %dma_wait3A_219 = arith.constant 0 : i32
        %dma_wait3A_220 = tpu.memref_slice %arg5[%mul3A_2, %dma_wait3A_219] : memref<10000x128xf32, #tpu.memory_space<hbm>> -> memref<624x128xf32, #tpu.memory_space<hbm>>
        tpu.wait_dma2 semaphore(%run_scoped3A_212 : memref<!tpu.dma_semaphore, #tpu.memory_space<semaphore_mem>>) src(%dma_wait3A_220 : memref<624x128xf32, #tpu.memory_space<hbm>>) dst(%dma_wait3A_218 : memref<624x128xf32, #tpu.memory_space<vmem_shared>>)
        tpu.yield
      }) : () -> ()
      %eq3A_207 = arith.constant 0 : i32
      %eq3A_208 = arith.cmpi eq, %arg1, %eq3A_207 : i32
      %convert_element_type3A_209 = arith.extui %eq3A_208 : i1 to i32
      %cond3A_210 = arith.constant 0 : i32
      %cond3A_211 = arith.cmpi ne, %convert_element_type3A_209, %cond3A_210 : i32
      scf.if %cond3A_211 {
        "tpu.region"() ({
          %run_scoped3A_212 = tpu.sem_alloc : memref<!tpu.dma_semaphore, #tpu.memory_space<semaphore_mem>>
          %dma_start3A_213 = arith.constant 9984 : i32
          %dma_start3A_214 = arith.constant 0 : i32
          %dma_start3A_215 = tpu.memref_slice %arg10[%dma_start3A_213, %dma_start3A_214] : memref<10000x128xf32, #tpu.memory_space<vmem_shared>> -> memref<16x128xf32, #tpu.memory_space<vmem_shared>>
          %dma_start3A_216 = arith.constant 9984 : i32
          %dma_start3A_217 = arith.constant 0 : i32
          %dma_start3A_218 = tpu.memref_slice %arg5[%dma_start3A_216, %dma_start3A_217] : memref<10000x128xf32, #tpu.memory_space<hbm>> -> memref<16x128xf32, #tpu.memory_space<hbm>>
          tpu.enqueue_dma source(%dma_start3A_218 : memref<16x128xf32, #tpu.memory_space<hbm>>) target(%dma_start3A_215 : memref<16x128xf32, #tpu.memory_space<vmem_shared>>) target_semaphore(%run_scoped3A_212 : memref<!tpu.dma_semaphore, #tpu.memory_space<semaphore_mem>>)
          %dma_wait3A_219 = arith.constant 9984 : i32
          %dma_wait3A_220 = arith.constant 0 : i32
          %dma_wait3A_221 = tpu.memref_slice %arg10[%dma_wait3A_219, %dma_wait3A_220] : memref<10000x128xf32, #tpu.memory_space<vmem_shared>> -> memref<16x128xf32, #tpu.memory_space<vmem_shared>>
          %dma_wait3A_222 = arith.constant 9984 : i32
          %dma_wait3A_223 = arith.constant 0 : i32
          %dma_wait3A_224 = tpu.memref_slice %arg5[%dma_wait3A_222, %dma_wait3A_223] : memref<10000x128xf32, #tpu.memory_space<hbm>> -> memref<16x128xf32, #tpu.memory_space<hbm>>
          tpu.wait_dma2 semaphore(%run_scoped3A_212 : memref<!tpu.dma_semaphore, #tpu.memory_space<semaphore_mem>>) src(%dma_wait3A_224 : memref<16x128xf32, #tpu.memory_space<hbm>>) dst(%dma_wait3A_221 : memref<16x128xf32, #tpu.memory_space<vmem_shared>>)
          tpu.yield
        }) : () -> ()
      } else {
      }
    } else {
    }
    %barrier3A = arith.constant 0 : index
    tpu.barrier barrier_id(%barrier3A)
    %mul3A_9 = arith.constant 10000 : i32
    %mul3A_10 = arith.muli %add3A, %mul3A_9 : i32
    %add3A_11 = arith.constant 0 : i32
    %add3A_12 = arith.addi %mul3A_10, %add3A_11 : i32
    %dma_start3A = arith.constant 0 : i32
    %dma_start3A_13 = arith.constant 0 : i32
    %dma_start3A_14 = tpu.memref_slice %arg7[%dma_start3A, %dma_start3A_13] : memref<3x80xi32, #tpu.memory_space<vmem>> -> memref<1x80xi32, #tpu.memory_space<vmem>>
    %dma_start3A_15 = tpu.memref_squeeze %dma_start3A_14 : memref<1x80xi32, #tpu.memory_space<vmem>> -> memref<80xi32, #tpu.memory_space<vmem>>
    %dma_start3A_16 = tpu.memref_slice %arg3[%add3A_12] : memref<320000xi32, #tpu.memory_space<hbm>> -> memref<80xi32, #tpu.memory_space<hbm>>
    %dma_start3A_17 = arith.constant 0 : i32
    %dma_start3A_18 = tpu.memref_slice %arg7[%dma_start3A, %dma_start3A_17] : memref<3x80xi32, #tpu.memory_space<vmem>> -> memref<1x80xi32, #tpu.memory_space<vmem>>
    %dma_start3A_19 = tpu.memref_squeeze %dma_start3A_18 : memref<1x80xi32, #tpu.memory_space<vmem>> -> memref<80xi32, #tpu.memory_space<vmem>>
    %dma_start3A_20 = tpu.memref_slice %arg3[%add3A_12] : memref<320000xi32, #tpu.memory_space<hbm>> -> memref<80xi32, #tpu.memory_space<hbm>>
    tpu.enqueue_dma source(%dma_start3A_20 : memref<80xi32, #tpu.memory_space<hbm>>) target(%dma_start3A_19 : memref<80xi32, #tpu.memory_space<vmem>>) target_semaphore(%arg14 : memref<!tpu.dma_semaphore, #tpu.memory_space<semaphore_mem>>)
    %add3A_21 = arith.constant 0 : i32
    %add3A_22 = arith.addi %mul3A_10, %add3A_21 : i32
    %dma_start3A_23 = arith.constant 0 : i32
    %dma_start3A_24 = arith.constant 0 : i32
    %dma_start3A_25 = tpu.memref_slice %arg8[%dma_start3A_23, %dma_start3A_24] : memref<3x80xi32, #tpu.memory_space<vmem>> -> memref<1x80xi32, #tpu.memory_space<vmem>>
    %dma_start3A_26 = tpu.memref_squeeze %dma_start3A_25 : memref<1x80xi32, #tpu.memory_space<vmem>> -> memref<80xi32, #tpu.memory_space<vmem>>
    %dma_start3A_27 = tpu.memref_slice %arg4[%add3A_22] : memref<320000xi32, #tpu.memory_space<hbm>> -> memref<80xi32, #tpu.memory_space<hbm>>
    %dma_start3A_28 = arith.constant 0 : i32
    %dma_start3A_29 = tpu.memref_slice %arg8[%dma_start3A_23, %dma_start3A_28] : memref<3x80xi32, #tpu.memory_space<vmem>> -> memref<1x80xi32, #tpu.memory_space<vmem>>
    %dma_start3A_30 = tpu.memref_squeeze %dma_start3A_29 : memref<1x80xi32, #tpu.memory_space<vmem>> -> memref<80xi32, #tpu.memory_space<vmem>>
    %dma_start3A_31 = tpu.memref_slice %arg4[%add3A_22] : memref<320000xi32, #tpu.memory_space<hbm>> -> memref<80xi32, #tpu.memory_space<hbm>>
    tpu.enqueue_dma source(%dma_start3A_31 : memref<80xi32, #tpu.memory_space<hbm>>) target(%dma_start3A_30 : memref<80xi32, #tpu.memory_space<vmem>>) target_semaphore(%arg17 : memref<!tpu.dma_semaphore, #tpu.memory_space<semaphore_mem>>)
    %add3A_32 = arith.constant 80 : i32
    %add3A_33 = arith.addi %mul3A_10, %add3A_32 : i32
    %dma_start3A_34 = arith.constant 1 : i32
    %dma_start3A_35 = arith.constant 0 : i32
    %dma_start3A_36 = tpu.memref_slice %arg7[%dma_start3A_34, %dma_start3A_35] : memref<3x80xi32, #tpu.memory_space<vmem>> -> memref<1x80xi32, #tpu.memory_space<vmem>>
    %dma_start3A_37 = tpu.memref_squeeze %dma_start3A_36 : memref<1x80xi32, #tpu.memory_space<vmem>> -> memref<80xi32, #tpu.memory_space<vmem>>
    %dma_start3A_38 = tpu.memref_slice %arg3[%add3A_33] : memref<320000xi32, #tpu.memory_space<hbm>> -> memref<80xi32, #tpu.memory_space<hbm>>
    %dma_start3A_39 = arith.constant 0 : i32
    %dma_start3A_40 = tpu.memref_slice %arg7[%dma_start3A_34, %dma_start3A_39] : memref<3x80xi32, #tpu.memory_space<vmem>> -> memref<1x80xi32, #tpu.memory_space<vmem>>
    %dma_start3A_41 = tpu.memref_squeeze %dma_start3A_40 : memref<1x80xi32, #tpu.memory_space<vmem>> -> memref<80xi32, #tpu.memory_space<vmem>>
    %dma_start3A_42 = tpu.memref_slice %arg3[%add3A_33] : memref<320000xi32, #tpu.memory_space<hbm>> -> memref<80xi32, #tpu.memory_space<hbm>>
    tpu.enqueue_dma source(%dma_start3A_42 : memref<80xi32, #tpu.memory_space<hbm>>) target(%dma_start3A_41 : memref<80xi32, #tpu.memory_space<vmem>>) target_semaphore(%arg15 : memref<!tpu.dma_semaphore, #tpu.memory_space<semaphore_mem>>)
    %add3A_43 = arith.constant 80 : i32
    %add3A_44 = arith.addi %mul3A_10, %add3A_43 : i32
    %dma_start3A_45 = arith.constant 1 : i32
    %dma_start3A_46 = arith.constant 0 : i32
    %dma_start3A_47 = tpu.memref_slice %arg8[%dma_start3A_45, %dma_start3A_46] : memref<3x80xi32, #tpu.memory_space<vmem>> -> memref<1x80xi32, #tpu.memory_space<vmem>>
    %dma_start3A_48 = tpu.memref_squeeze %dma_start3A_47 : memref<1x80xi32, #tpu.memory_space<vmem>> -> memref<80xi32, #tpu.memory_space<vmem>>
    %dma_start3A_49 = tpu.memref_slice %arg4[%add3A_44] : memref<320000xi32, #tpu.memory_space<hbm>> -> memref<80xi32, #tpu.memory_space<hbm>>
    %dma_start3A_50 = arith.constant 0 : i32
    %dma_start3A_51 = tpu.memref_slice %arg8[%dma_start3A_45, %dma_start3A_50] : memref<3x80xi32, #tpu.memory_space<vmem>> -> memref<1x80xi32, #tpu.memory_space<vmem>>
    %dma_start3A_52 = tpu.memref_squeeze %dma_start3A_51 : memref<1x80xi32, #tpu.memory_space<vmem>> -> memref<80xi32, #tpu.memory_space<vmem>>
    %dma_start3A_53 = tpu.memref_slice %arg4[%add3A_44] : memref<320000xi32, #tpu.memory_space<hbm>> -> memref<80xi32, #tpu.memory_space<hbm>>
    tpu.enqueue_dma source(%dma_start3A_53 : memref<80xi32, #tpu.memory_space<hbm>>) target(%dma_start3A_52 : memref<80xi32, #tpu.memory_space<vmem>>) target_semaphore(%arg18 : memref<!tpu.dma_semaphore, #tpu.memory_space<semaphore_mem>>)
    %add3A_54 = arith.constant 160 : i32
    %add3A_55 = arith.addi %mul3A_10, %add3A_54 : i32
    %dma_start3A_56 = arith.constant 2 : i32
    %dma_start3A_57 = arith.constant 0 : i32
    %dma_start3A_58 = tpu.memref_slice %arg7[%dma_start3A_56, %dma_start3A_57] : memref<3x80xi32, #tpu.memory_space<vmem>> -> memref<1x80xi32, #tpu.memory_space<vmem>>
    %dma_start3A_59 = tpu.memref_squeeze %dma_start3A_58 : memref<1x80xi32, #tpu.memory_space<vmem>> -> memref<80xi32, #tpu.memory_space<vmem>>
    %dma_start3A_60 = tpu.memref_slice %arg3[%add3A_55] : memref<320000xi32, #tpu.memory_space<hbm>> -> memref<80xi32, #tpu.memory_space<hbm>>
    %dma_start3A_61 = arith.constant 0 : i32
    %dma_start3A_62 = tpu.memref_slice %arg7[%dma_start3A_56, %dma_start3A_61] : memref<3x80xi32, #tpu.memory_space<vmem>> -> memref<1x80xi32, #tpu.memory_space<vmem>>
    %dma_start3A_63 = tpu.memref_squeeze %dma_start3A_62 : memref<1x80xi32, #tpu.memory_space<vmem>> -> memref<80xi32, #tpu.memory_space<vmem>>
    %dma_start3A_64 = tpu.memref_slice %arg3[%add3A_55] : memref<320000xi32, #tpu.memory_space<hbm>> -> memref<80xi32, #tpu.memory_space<hbm>>
    tpu.enqueue_dma source(%dma_start3A_64 : memref<80xi32, #tpu.memory_space<hbm>>) target(%dma_start3A_63 : memref<80xi32, #tpu.memory_space<vmem>>) target_semaphore(%arg16 : memref<!tpu.dma_semaphore, #tpu.memory_space<semaphore_mem>>)
    %add3A_65 = arith.constant 160 : i32
    %add3A_66 = arith.addi %mul3A_10, %add3A_65 : i32
    %dma_start3A_67 = arith.constant 2 : i32
    %dma_start3A_68 = arith.constant 0 : i32
    %dma_start3A_69 = tpu.memref_slice %arg8[%dma_start3A_67, %dma_start3A_68] : memref<3x80xi32, #tpu.memory_space<vmem>> -> memref<1x80xi32, #tpu.memory_space<vmem>>
    %dma_start3A_70 = tpu.memref_squeeze %dma_start3A_69 : memref<1x80xi32, #tpu.memory_space<vmem>> -> memref<80xi32, #tpu.memory_space<vmem>>
    %dma_start3A_71 = tpu.memref_slice %arg4[%add3A_66] : memref<320000xi32, #tpu.memory_space<hbm>> -> memref<80xi32, #tpu.memory_space<hbm>>
    %dma_start3A_72 = arith.constant 0 : i32
    %dma_start3A_73 = tpu.memref_slice %arg8[%dma_start3A_67, %dma_start3A_72] : memref<3x80xi32, #tpu.memory_space<vmem>> -> memref<1x80xi32, #tpu.memory_space<vmem>>
    %dma_start3A_74 = tpu.memref_squeeze %dma_start3A_73 : memref<1x80xi32, #tpu.memory_space<vmem>> -> memref<80xi32, #tpu.memory_space<vmem>>
    %dma_start3A_75 = tpu.memref_slice %arg4[%add3A_66] : memref<320000xi32, #tpu.memory_space<hbm>> -> memref<80xi32, #tpu.memory_space<hbm>>
    tpu.enqueue_dma source(%dma_start3A_75 : memref<80xi32, #tpu.memory_space<hbm>>) target(%dma_start3A_74 : memref<80xi32, #tpu.memory_space<vmem>>) target_semaphore(%arg19 : memref<!tpu.dma_semaphore, #tpu.memory_space<semaphore_mem>>)
    %add3A_76 = arith.constant 0 : i32
    %add3A_77 = arith.addi %mul3A_10, %add3A_76 : i32
    %dma_wait3A = arith.constant 0 : i32
    %dma_wait3A_78 = arith.constant 0 : i32
    %dma_wait3A_79 = tpu.memref_slice %arg7[%dma_wait3A, %dma_wait3A_78] : memref<3x80xi32, #tpu.memory_space<vmem>> -> memref<1x80xi32, #tpu.memory_space<vmem>>
    %dma_wait3A_80 = tpu.memref_squeeze %dma_wait3A_79 : memref<1x80xi32, #tpu.memory_space<vmem>> -> memref<80xi32, #tpu.memory_space<vmem>>
    %dma_wait3A_81 = tpu.memref_slice %arg3[%add3A_77] : memref<320000xi32, #tpu.memory_space<hbm>> -> memref<80xi32, #tpu.memory_space<hbm>>
    %dma_wait3A_82 = arith.constant 0 : i32
    %dma_wait3A_83 = tpu.memref_slice %arg7[%dma_wait3A, %dma_wait3A_82] : memref<3x80xi32, #tpu.memory_space<vmem>> -> memref<1x80xi32, #tpu.memory_space<vmem>>
    %dma_wait3A_84 = tpu.memref_squeeze %dma_wait3A_83 : memref<1x80xi32, #tpu.memory_space<vmem>> -> memref<80xi32, #tpu.memory_space<vmem>>
    %dma_wait3A_85 = tpu.memref_slice %arg3[%add3A_77] : memref<320000xi32, #tpu.memory_space<hbm>> -> memref<80xi32, #tpu.memory_space<hbm>>
    tpu.wait_dma2 semaphore(%arg14 : memref<!tpu.dma_semaphore, #tpu.memory_space<semaphore_mem>>) src(%dma_wait3A_85 : memref<80xi32, #tpu.memory_space<hbm>>) dst(%dma_wait3A_84 : memref<80xi32, #tpu.memory_space<vmem>>)
    %dma_start3A_86 = arith.constant 0 : i32
    %dma_start3A_87 = arith.constant 0 : i32
    %dma_start3A_88 = arith.constant 0 : i32
    %dma_start3A_89 = arith.constant 0 : i32
    %dma_start3A_90 = tpu.memref_slice %arg9[%dma_start3A_87, %dma_start3A_88, %dma_start3A_89] : memref<3x80x128xf32, #tpu.memory_space<vmem>> -> memref<1x80x128xf32, #tpu.memory_space<vmem>>
    %dma_start3A_91 = tpu.memref_squeeze %dma_start3A_90 : memref<1x80x128xf32, #tpu.memory_space<vmem>> -> memref<80x128xf32, #tpu.memory_space<vmem>>
    %dma_start3A_92 = arith.constant 0 : i32
    %dma_start3A_93 = tpu.memref_slice %arg7[%dma_start3A_86, %dma_start3A_92] : memref<3x80xi32, #tpu.memory_space<vmem>> -> memref<1x80xi32, #tpu.memory_space<vmem>>
    %dma_start3A_94 = tpu.memref_squeeze %dma_start3A_93 : memref<1x80xi32, #tpu.memory_space<vmem>> -> memref<80xi32, #tpu.memory_space<vmem>>
    %dma_start3A_95 = arith.constant 0 : i32
    %dma_start3A_96 = arith.constant 0 : i32
    %dma_start3A_97 = tpu.memref_slice %arg2[%dma_start3A_95, %dma_start3A_96] : memref<10000x128xf32, #tpu.memory_space<hbm>> -> memref<10000x128xf32, #tpu.memory_space<hbm>>
    tpu.enqueue_indirect_dma source(%dma_start3A_97 : memref<10000x128xf32, #tpu.memory_space<hbm>>) target(%dma_start3A_91 : memref<80x128xf32, #tpu.memory_space<vmem>>) offsets(%dma_start3A_94 : memref<80xi32, #tpu.memory_space<vmem>>) semaphore(%arg11 : memref<!tpu.dma_semaphore, #tpu.memory_space<semaphore_mem>>)
    %add3A_98 = arith.constant 80 : i32
    %add3A_99 = arith.addi %mul3A_10, %add3A_98 : i32
    %dma_wait3A_100 = arith.constant 1 : i32
    %dma_wait3A_101 = arith.constant 0 : i32
    %dma_wait3A_102 = tpu.memref_slice %arg7[%dma_wait3A_100, %dma_wait3A_101] : memref<3x80xi32, #tpu.memory_space<vmem>> -> memref<1x80xi32, #tpu.memory_space<vmem>>
    %dma_wait3A_103 = tpu.memref_squeeze %dma_wait3A_102 : memref<1x80xi32, #tpu.memory_space<vmem>> -> memref<80xi32, #tpu.memory_space<vmem>>
    %dma_wait3A_104 = tpu.memref_slice %arg3[%add3A_99] : memref<320000xi32, #tpu.memory_space<hbm>> -> memref<80xi32, #tpu.memory_space<hbm>>
    %dma_wait3A_105 = arith.constant 0 : i32
    %dma_wait3A_106 = tpu.memref_slice %arg7[%dma_wait3A_100, %dma_wait3A_105] : memref<3x80xi32, #tpu.memory_space<vmem>> -> memref<1x80xi32, #tpu.memory_space<vmem>>
    %dma_wait3A_107 = tpu.memref_squeeze %dma_wait3A_106 : memref<1x80xi32, #tpu.memory_space<vmem>> -> memref<80xi32, #tpu.memory_space<vmem>>
    %dma_wait3A_108 = tpu.memref_slice %arg3[%add3A_99] : memref<320000xi32, #tpu.memory_space<hbm>> -> memref<80xi32, #tpu.memory_space<hbm>>
    tpu.wait_dma2 semaphore(%arg15 : memref<!tpu.dma_semaphore, #tpu.memory_space<semaphore_mem>>) src(%dma_wait3A_108 : memref<80xi32, #tpu.memory_space<hbm>>) dst(%dma_wait3A_107 : memref<80xi32, #tpu.memory_space<vmem>>)
    %dma_start3A_109 = arith.constant 1 : i32
    %dma_start3A_110 = arith.constant 1 : i32
    %dma_start3A_111 = arith.constant 0 : i32
    %dma_start3A_112 = arith.constant 0 : i32
    %dma_start3A_113 = tpu.memref_slice %arg9[%dma_start3A_110, %dma_start3A_111, %dma_start3A_112] : memref<3x80x128xf32, #tpu.memory_space<vmem>> -> memref<1x80x128xf32, #tpu.memory_space<vmem>>
    %dma_start3A_114 = tpu.memref_squeeze %dma_start3A_113 : memref<1x80x128xf32, #tpu.memory_space<vmem>> -> memref<80x128xf32, #tpu.memory_space<vmem>>
    %dma_start3A_115 = arith.constant 0 : i32
    %dma_start3A_116 = tpu.memref_slice %arg7[%dma_start3A_109, %dma_start3A_115] : memref<3x80xi32, #tpu.memory_space<vmem>> -> memref<1x80xi32, #tpu.memory_space<vmem>>
    %dma_start3A_117 = tpu.memref_squeeze %dma_start3A_116 : memref<1x80xi32, #tpu.memory_space<vmem>> -> memref<80xi32, #tpu.memory_space<vmem>>
    %dma_start3A_118 = arith.constant 0 : i32
    %dma_start3A_119 = arith.constant 0 : i32
    %dma_start3A_120 = tpu.memref_slice %arg2[%dma_start3A_118, %dma_start3A_119] : memref<10000x128xf32, #tpu.memory_space<hbm>> -> memref<10000x128xf32, #tpu.memory_space<hbm>>
    tpu.enqueue_indirect_dma source(%dma_start3A_120 : memref<10000x128xf32, #tpu.memory_space<hbm>>) target(%dma_start3A_114 : memref<80x128xf32, #tpu.memory_space<vmem>>) offsets(%dma_start3A_117 : memref<80xi32, #tpu.memory_space<vmem>>) semaphore(%arg12 : memref<!tpu.dma_semaphore, #tpu.memory_space<semaphore_mem>>)
    %add3A_121 = arith.constant 160 : i32
    %add3A_122 = arith.addi %mul3A_10, %add3A_121 : i32
    %dma_wait3A_123 = arith.constant 2 : i32
    %dma_wait3A_124 = arith.constant 0 : i32
    %dma_wait3A_125 = tpu.memref_slice %arg7[%dma_wait3A_123, %dma_wait3A_124] : memref<3x80xi32, #tpu.memory_space<vmem>> -> memref<1x80xi32, #tpu.memory_space<vmem>>
    %dma_wait3A_126 = tpu.memref_squeeze %dma_wait3A_125 : memref<1x80xi32, #tpu.memory_space<vmem>> -> memref<80xi32, #tpu.memory_space<vmem>>
    %dma_wait3A_127 = tpu.memref_slice %arg3[%add3A_122] : memref<320000xi32, #tpu.memory_space<hbm>> -> memref<80xi32, #tpu.memory_space<hbm>>
    %dma_wait3A_128 = arith.constant 0 : i32
    %dma_wait3A_129 = tpu.memref_slice %arg7[%dma_wait3A_123, %dma_wait3A_128] : memref<3x80xi32, #tpu.memory_space<vmem>> -> memref<1x80xi32, #tpu.memory_space<vmem>>
    %dma_wait3A_130 = tpu.memref_squeeze %dma_wait3A_129 : memref<1x80xi32, #tpu.memory_space<vmem>> -> memref<80xi32, #tpu.memory_space<vmem>>
    %dma_wait3A_131 = tpu.memref_slice %arg3[%add3A_122] : memref<320000xi32, #tpu.memory_space<hbm>> -> memref<80xi32, #tpu.memory_space<hbm>>
    tpu.wait_dma2 semaphore(%arg16 : memref<!tpu.dma_semaphore, #tpu.memory_space<semaphore_mem>>) src(%dma_wait3A_131 : memref<80xi32, #tpu.memory_space<hbm>>) dst(%dma_wait3A_130 : memref<80xi32, #tpu.memory_space<vmem>>)
    %dma_start3A_132 = arith.constant 2 : i32
    %dma_start3A_133 = arith.constant 2 : i32
    %dma_start3A_134 = arith.constant 0 : i32
    %dma_start3A_135 = arith.constant 0 : i32
    %dma_start3A_136 = tpu.memref_slice %arg9[%dma_start3A_133, %dma_start3A_134, %dma_start3A_135] : memref<3x80x128xf32, #tpu.memory_space<vmem>> -> memref<1x80x128xf32, #tpu.memory_space<vmem>>
    %dma_start3A_137 = tpu.memref_squeeze %dma_start3A_136 : memref<1x80x128xf32, #tpu.memory_space<vmem>> -> memref<80x128xf32, #tpu.memory_space<vmem>>
    %dma_start3A_138 = arith.constant 0 : i32
    %dma_start3A_139 = tpu.memref_slice %arg7[%dma_start3A_132, %dma_start3A_138] : memref<3x80xi32, #tpu.memory_space<vmem>> -> memref<1x80xi32, #tpu.memory_space<vmem>>
    %dma_start3A_140 = tpu.memref_squeeze %dma_start3A_139 : memref<1x80xi32, #tpu.memory_space<vmem>> -> memref<80xi32, #tpu.memory_space<vmem>>
    %dma_start3A_141 = arith.constant 0 : i32
    %dma_start3A_142 = arith.constant 0 : i32
    %dma_start3A_143 = tpu.memref_slice %arg2[%dma_start3A_141, %dma_start3A_142] : memref<10000x128xf32, #tpu.memory_space<hbm>> -> memref<10000x128xf32, #tpu.memory_space<hbm>>
    tpu.enqueue_indirect_dma source(%dma_start3A_143 : memref<10000x128xf32, #tpu.memory_space<hbm>>) target(%dma_start3A_137 : memref<80x128xf32, #tpu.memory_space<vmem>>) offsets(%dma_start3A_140 : memref<80xi32, #tpu.memory_space<vmem>>) semaphore(%arg13 : memref<!tpu.dma_semaphore, #tpu.memory_space<semaphore_mem>>)
    %scan3A = arith.constant 0 : i32
    %scan3A_144 = arith.constant 0 : i32
    %scan3A_145 = arith.constant 41 : i32
    %scan3A_146 = arith.addi %scan3A_144, %scan3A_145 : i32
    %scan3A_147 = arith.constant 1 : i32
    scf.for %scan3A_207 = %scan3A_144 to %scan3A_146 step %scan3A_147  : i32 {
      %mul3A_208 = arith.constant 3 : i32
      %mul3A_209 = arith.muli %scan3A_207, %mul3A_208 : i32
      %add3A_210 = arith.constant 0 : i32
      %add3A_211 = arith.addi %mul3A_209, %add3A_210 : i32
      %dma_wait3A_212 = arith.constant 0 : i32
      %dma_wait3A_213 = arith.constant 0 : i32
      %dma_wait3A_214 = arith.constant 0 : i32
      %dma_wait3A_215 = arith.constant 0 : i32
      %dma_wait3A_216 = tpu.memref_slice %arg9[%dma_wait3A_213, %dma_wait3A_214, %dma_wait3A_215] : memref<3x80x128xf32, #tpu.memory_space<vmem>> -> memref<1x80x128xf32, #tpu.memory_space<vmem>>
      %dma_wait3A_217 = tpu.memref_squeeze %dma_wait3A_216 : memref<1x80x128xf32, #tpu.memory_space<vmem>> -> memref<80x128xf32, #tpu.memory_space<vmem>>
      %dma_wait3A_218 = arith.constant 0 : i32
      %dma_wait3A_219 = tpu.memref_slice %arg7[%dma_wait3A_212, %dma_wait3A_218] : memref<3x80xi32, #tpu.memory_space<vmem>> -> memref<1x80xi32, #tpu.memory_space<vmem>>
      %dma_wait3A_220 = tpu.memref_squeeze %dma_wait3A_219 : memref<1x80xi32, #tpu.memory_space<vmem>> -> memref<80xi32, #tpu.memory_space<vmem>>
      %dma_wait3A_221 = arith.constant 0 : i32
      %dma_wait3A_222 = arith.constant 0 : i32
      %dma_wait3A_223 = tpu.memref_slice %arg2[%dma_wait3A_221, %dma_wait3A_222] : memref<10000x128xf32, #tpu.memory_space<hbm>> -> memref<10000x128xf32, #tpu.memory_space<hbm>>
      tpu.wait_indirect_dma semaphore(%arg11 : memref<!tpu.dma_semaphore, #tpu.memory_space<semaphore_mem>>) src(%dma_wait3A_223 : memref<10000x128xf32, #tpu.memory_space<hbm>>) dst(%dma_wait3A_217 : memref<80x128xf32, #tpu.memory_space<vmem>>)
      %add3A_224 = arith.constant 3 : i32
      %add3A_225 = arith.addi %add3A_211, %add3A_224 : i32
      %lt3A = arith.constant 125 : i32
      %lt3A_226 = arith.cmpi slt, %add3A_225, %lt3A : i32
      %convert_element_type3A_227 = arith.extui %lt3A_226 : i1 to i32
      %cond3A_228 = arith.constant 0 : i32
      %cond3A_229 = arith.cmpi ne, %convert_element_type3A_227, %cond3A_228 : i32
      scf.if %cond3A_229 {
        %add3A_339 = arith.constant 3 : i32
        %add3A_340 = arith.addi %add3A_211, %add3A_339 : i32
        %mul3A_341 = arith.constant 80 : i32
        %mul3A_342 = arith.muli %add3A_340, %mul3A_341 : i32
        %add3A_343 = arith.addi %mul3A_10, %mul3A_342 : i32
        %dma_start3A_344 = arith.constant 0 : i32
        %dma_start3A_345 = arith.constant 0 : i32
        %dma_start3A_346 = tpu.memref_slice %arg7[%dma_start3A_344, %dma_start3A_345] : memref<3x80xi32, #tpu.memory_space<vmem>> -> memref<1x80xi32, #tpu.memory_space<vmem>>
        %dma_start3A_347 = tpu.memref_squeeze %dma_start3A_346 : memref<1x80xi32, #tpu.memory_space<vmem>> -> memref<80xi32, #tpu.memory_space<vmem>>
        %dma_start3A_348 = tpu.memref_slice %arg3[%add3A_343] : memref<320000xi32, #tpu.memory_space<hbm>> -> memref<80xi32, #tpu.memory_space<hbm>>
        %dma_start3A_349 = arith.constant 0 : i32
        %dma_start3A_350 = tpu.memref_slice %arg7[%dma_start3A_344, %dma_start3A_349] : memref<3x80xi32, #tpu.memory_space<vmem>> -> memref<1x80xi32, #tpu.memory_space<vmem>>
        %dma_start3A_351 = tpu.memref_squeeze %dma_start3A_350 : memref<1x80xi32, #tpu.memory_space<vmem>> -> memref<80xi32, #tpu.memory_space<vmem>>
        %dma_start3A_352 = tpu.memref_slice %arg3[%add3A_343] : memref<320000xi32, #tpu.memory_space<hbm>> -> memref<80xi32, #tpu.memory_space<hbm>>
        tpu.enqueue_dma source(%dma_start3A_352 : memref<80xi32, #tpu.memory_space<hbm>>) target(%dma_start3A_351 : memref<80xi32, #tpu.memory_space<vmem>>) target_semaphore(%arg14 : memref<!tpu.dma_semaphore, #tpu.memory_space<semaphore_mem>>)
      } else {
      }
      %mul3A_230 = arith.constant 80 : i32
      %mul3A_231 = arith.muli %add3A_211, %mul3A_230 : i32
      %add3A_232 = arith.addi %mul3A_10, %mul3A_231 : i32
      %dma_wait3A_233 = arith.constant 0 : i32
      %dma_wait3A_234 = arith.constant 0 : i32
      %dma_wait3A_235 = tpu.memref_slice %arg8[%dma_wait3A_233, %dma_wait3A_234] : memref<3x80xi32, #tpu.memory_space<vmem>> -> memref<1x80xi32, #tpu.memory_space<vmem>>
      %dma_wait3A_236 = tpu.memref_squeeze %dma_wait3A_235 : memref<1x80xi32, #tpu.memory_space<vmem>> -> memref<80xi32, #tpu.memory_space<vmem>>
      %dma_wait3A_237 = tpu.memref_slice %arg4[%add3A_232] : memref<320000xi32, #tpu.memory_space<hbm>> -> memref<80xi32, #tpu.memory_space<hbm>>
      %dma_wait3A_238 = arith.constant 0 : i32
      %dma_wait3A_239 = tpu.memref_slice %arg8[%dma_wait3A_233, %dma_wait3A_238] : memref<3x80xi32, #tpu.memory_space<vmem>> -> memref<1x80xi32, #tpu.memory_space<vmem>>
      %dma_wait3A_240 = tpu.memref_squeeze %dma_wait3A_239 : memref<1x80xi32, #tpu.memory_space<vmem>> -> memref<80xi32, #tpu.memory_space<vmem>>
      %dma_wait3A_241 = tpu.memref_slice %arg4[%add3A_232] : memref<320000xi32, #tpu.memory_space<hbm>> -> memref<80xi32, #tpu.memory_space<hbm>>
      tpu.wait_dma2 semaphore(%arg17 : memref<!tpu.dma_semaphore, #tpu.memory_space<semaphore_mem>>) src(%dma_wait3A_241 : memref<80xi32, #tpu.memory_space<hbm>>) dst(%dma_wait3A_240 : memref<80xi32, #tpu.memory_space<vmem>>)
      %run_scoped3A_242 = arith.constant 0 : i32
      %run_scoped3A_243 = arith.constant 0 : i32
      "tpu.region"() ({
        %run_scoped3A_339 = tpu.sem_alloc : memref<!tpu.dma_semaphore, #tpu.memory_space<semaphore_mem>>
        %dma_start3A_340 = arith.constant 0 : i32
        %dma_start3A_341 = arith.constant 0 : i32
        %dma_start3A_342 = tpu.memref_slice %arg9[%run_scoped3A_242, %dma_start3A_340, %dma_start3A_341] : memref<3x80x128xf32, #tpu.memory_space<vmem>> -> memref<1x80x128xf32, #tpu.memory_space<vmem>>
        %dma_start3A_343 = tpu.memref_squeeze %dma_start3A_342 : memref<1x80x128xf32, #tpu.memory_space<vmem>> -> memref<80x128xf32, #tpu.memory_space<vmem>>
        %dma_start3A_344 = arith.constant 0 : i32
        %dma_start3A_345 = tpu.memref_slice %arg8[%run_scoped3A_243, %dma_start3A_344] : memref<3x80xi32, #tpu.memory_space<vmem>> -> memref<1x80xi32, #tpu.memory_space<vmem>>
        %dma_start3A_346 = tpu.memref_squeeze %dma_start3A_345 : memref<1x80xi32, #tpu.memory_space<vmem>> -> memref<80xi32, #tpu.memory_space<vmem>>
        %dma_start3A_347 = arith.constant 0 : i32
        %dma_start3A_348 = arith.constant 0 : i32
        %dma_start3A_349 = tpu.memref_slice %arg10[%dma_start3A_347, %dma_start3A_348] : memref<10000x128xf32, #tpu.memory_space<vmem_shared>> -> memref<10000x128xf32, #tpu.memory_space<vmem_shared>>
        tpu.enqueue_indirect_dma source(%dma_start3A_343 : memref<80x128xf32, #tpu.memory_space<vmem>>) target(%dma_start3A_349 : memref<10000x128xf32, #tpu.memory_space<vmem_shared>>) offsets(%dma_start3A_346 : memref<80xi32, #tpu.memory_space<vmem>>) semaphore(%run_scoped3A_339 : memref<!tpu.dma_semaphore, #tpu.memory_space<semaphore_mem>>) {add = true}
        %dma_wait3A_350 = arith.constant 0 : i32
        %dma_wait3A_351 = arith.constant 0 : i32
        %dma_wait3A_352 = tpu.memref_slice %arg9[%run_scoped3A_242, %dma_wait3A_350, %dma_wait3A_351] : memref<3x80x128xf32, #tpu.memory_space<vmem>> -> memref<1x80x128xf32, #tpu.memory_space<vmem>>
        %dma_wait3A_353 = tpu.memref_squeeze %dma_wait3A_352 : memref<1x80x128xf32, #tpu.memory_space<vmem>> -> memref<80x128xf32, #tpu.memory_space<vmem>>
        %dma_wait3A_354 = arith.constant 0 : i32
        %dma_wait3A_355 = tpu.memref_slice %arg8[%run_scoped3A_243, %dma_wait3A_354] : memref<3x80xi32, #tpu.memory_space<vmem>> -> memref<1x80xi32, #tpu.memory_space<vmem>>
        %dma_wait3A_356 = tpu.memref_squeeze %dma_wait3A_355 : memref<1x80xi32, #tpu.memory_space<vmem>> -> memref<80xi32, #tpu.memory_space<vmem>>
        %dma_wait3A_357 = arith.constant 0 : i32
        %dma_wait3A_358 = arith.constant 0 : i32
        %dma_wait3A_359 = tpu.memref_slice %arg10[%dma_wait3A_357, %dma_wait3A_358] : memref<10000x128xf32, #tpu.memory_space<vmem_shared>> -> memref<10000x128xf32, #tpu.memory_space<vmem_shared>>
        tpu.wait_indirect_dma semaphore(%run_scoped3A_339 : memref<!tpu.dma_semaphore, #tpu.memory_space<semaphore_mem>>) src(%dma_wait3A_353 : memref<80x128xf32, #tpu.memory_space<vmem>>) dst(%dma_wait3A_359 : memref<10000x128xf32, #tpu.memory_space<vmem_shared>>)
        tpu.yield
      }) : () -> ()
      %add3A_244 = arith.constant 3 : i32
      %add3A_245 = arith.addi %add3A_211, %add3A_244 : i32
      %lt3A_246 = arith.constant 125 : i32
      %lt3A_247 = arith.cmpi slt, %add3A_245, %lt3A_246 : i32
      %convert_element_type3A_248 = arith.extui %lt3A_247 : i1 to i32
      %cond3A_249 = arith.constant 0 : i32
      %cond3A_250 = arith.cmpi ne, %convert_element_type3A_248, %cond3A_249 : i32
      scf.if %cond3A_250 {
        %add3A_339 = arith.constant 3 : i32
        %add3A_340 = arith.addi %add3A_211, %add3A_339 : i32
        %mul3A_341 = arith.constant 80 : i32
        %mul3A_342 = arith.muli %add3A_340, %mul3A_341 : i32
        %add3A_343 = arith.addi %mul3A_10, %mul3A_342 : i32
        %dma_start3A_344 = arith.constant 0 : i32
        %dma_start3A_345 = arith.constant 0 : i32
        %dma_start3A_346 = tpu.memref_slice %arg8[%dma_start3A_344, %dma_start3A_345] : memref<3x80xi32, #tpu.memory_space<vmem>> -> memref<1x80xi32, #tpu.memory_space<vmem>>
        %dma_start3A_347 = tpu.memref_squeeze %dma_start3A_346 : memref<1x80xi32, #tpu.memory_space<vmem>> -> memref<80xi32, #tpu.memory_space<vmem>>
        %dma_start3A_348 = tpu.memref_slice %arg4[%add3A_343] : memref<320000xi32, #tpu.memory_space<hbm>> -> memref<80xi32, #tpu.memory_space<hbm>>
        %dma_start3A_349 = arith.constant 0 : i32
        %dma_start3A_350 = tpu.memref_slice %arg8[%dma_start3A_344, %dma_start3A_349] : memref<3x80xi32, #tpu.memory_space<vmem>> -> memref<1x80xi32, #tpu.memory_space<vmem>>
        %dma_start3A_351 = tpu.memref_squeeze %dma_start3A_350 : memref<1x80xi32, #tpu.memory_space<vmem>> -> memref<80xi32, #tpu.memory_space<vmem>>
        %dma_start3A_352 = tpu.memref_slice %arg4[%add3A_343] : memref<320000xi32, #tpu.memory_space<hbm>> -> memref<80xi32, #tpu.memory_space<hbm>>
        tpu.enqueue_dma source(%dma_start3A_352 : memref<80xi32, #tpu.memory_space<hbm>>) target(%dma_start3A_351 : memref<80xi32, #tpu.memory_space<vmem>>) target_semaphore(%arg17 : memref<!tpu.dma_semaphore, #tpu.memory_space<semaphore_mem>>)
        %add3A_353 = arith.constant 3 : i32
        %add3A_354 = arith.addi %add3A_211, %add3A_353 : i32
        %mul3A_355 = arith.constant 80 : i32
        %mul3A_356 = arith.muli %add3A_354, %mul3A_355 : i32
        %add3A_357 = arith.addi %mul3A_10, %mul3A_356 : i32
        %dma_wait3A_358 = arith.constant 0 : i32
        %dma_wait3A_359 = arith.constant 0 : i32
        %dma_wait3A_360 = tpu.memref_slice %arg7[%dma_wait3A_358, %dma_wait3A_359] : memref<3x80xi32, #tpu.memory_space<vmem>> -> memref<1x80xi32, #tpu.memory_space<vmem>>
        %dma_wait3A_361 = tpu.memref_squeeze %dma_wait3A_360 : memref<1x80xi32, #tpu.memory_space<vmem>> -> memref<80xi32, #tpu.memory_space<vmem>>
        %dma_wait3A_362 = tpu.memref_slice %arg3[%add3A_357] : memref<320000xi32, #tpu.memory_space<hbm>> -> memref<80xi32, #tpu.memory_space<hbm>>
        %dma_wait3A_363 = arith.constant 0 : i32
        %dma_wait3A_364 = tpu.memref_slice %arg7[%dma_wait3A_358, %dma_wait3A_363] : memref<3x80xi32, #tpu.memory_space<vmem>> -> memref<1x80xi32, #tpu.memory_space<vmem>>
        %dma_wait3A_365 = tpu.memref_squeeze %dma_wait3A_364 : memref<1x80xi32, #tpu.memory_space<vmem>> -> memref<80xi32, #tpu.memory_space<vmem>>
        %dma_wait3A_366 = tpu.memref_slice %arg3[%add3A_357] : memref<320000xi32, #tpu.memory_space<hbm>> -> memref<80xi32, #tpu.memory_space<hbm>>
        tpu.wait_dma2 semaphore(%arg14 : memref<!tpu.dma_semaphore, #tpu.memory_space<semaphore_mem>>) src(%dma_wait3A_366 : memref<80xi32, #tpu.memory_space<hbm>>) dst(%dma_wait3A_365 : memref<80xi32, #tpu.memory_space<vmem>>)
        %dma_start3A_367 = arith.constant 0 : i32
        %dma_start3A_368 = arith.constant 0 : i32
        %dma_start3A_369 = arith.constant 0 : i32
        %dma_start3A_370 = arith.constant 0 : i32
        %dma_start3A_371 = tpu.memref_slice %arg9[%dma_start3A_368, %dma_start3A_369, %dma_start3A_370] : memref<3x80x128xf32, #tpu.memory_space<vmem>> -> memref<1x80x128xf32, #tpu.memory_space<vmem>>
        %dma_start3A_372 = tpu.memref_squeeze %dma_start3A_371 : memref<1x80x128xf32, #tpu.memory_space<vmem>> -> memref<80x128xf32, #tpu.memory_space<vmem>>
        %dma_start3A_373 = arith.constant 0 : i32
        %dma_start3A_374 = tpu.memref_slice %arg7[%dma_start3A_367, %dma_start3A_373] : memref<3x80xi32, #tpu.memory_space<vmem>> -> memref<1x80xi32, #tpu.memory_space<vmem>>
        %dma_start3A_375 = tpu.memref_squeeze %dma_start3A_374 : memref<1x80xi32, #tpu.memory_space<vmem>> -> memref<80xi32, #tpu.memory_space<vmem>>
        %dma_start3A_376 = arith.constant 0 : i32
        %dma_start3A_377 = arith.constant 0 : i32
        %dma_start3A_378 = tpu.memref_slice %arg2[%dma_start3A_376, %dma_start3A_377] : memref<10000x128xf32, #tpu.memory_space<hbm>> -> memref<10000x128xf32, #tpu.memory_space<hbm>>
        tpu.enqueue_indirect_dma source(%dma_start3A_378 : memref<10000x128xf32, #tpu.memory_space<hbm>>) target(%dma_start3A_372 : memref<80x128xf32, #tpu.memory_space<vmem>>) offsets(%dma_start3A_375 : memref<80xi32, #tpu.memory_space<vmem>>) semaphore(%arg11 : memref<!tpu.dma_semaphore, #tpu.memory_space<semaphore_mem>>)
      } else {
      }
      %mul3A_251 = arith.constant 3 : i32
      %mul3A_252 = arith.muli %scan3A_207, %mul3A_251 : i32
      %add3A_253 = arith.constant 1 : i32
      %add3A_254 = arith.addi %mul3A_252, %add3A_253 : i32
      %dma_wait3A_255 = arith.constant 1 : i32
      %dma_wait3A_256 = arith.constant 1 : i32
      %dma_wait3A_257 = arith.constant 0 : i32
      %dma_wait3A_258 = arith.constant 0 : i32
      %dma_wait3A_259 = tpu.memref_slice %arg9[%dma_wait3A_256, %dma_wait3A_257, %dma_wait3A_258] : memref<3x80x128xf32, #tpu.memory_space<vmem>> -> memref<1x80x128xf32, #tpu.memory_space<vmem>>
      %dma_wait3A_260 = tpu.memref_squeeze %dma_wait3A_259 : memref<1x80x128xf32, #tpu.memory_space<vmem>> -> memref<80x128xf32, #tpu.memory_space<vmem>>
      %dma_wait3A_261 = arith.constant 0 : i32
      %dma_wait3A_262 = tpu.memref_slice %arg7[%dma_wait3A_255, %dma_wait3A_261] : memref<3x80xi32, #tpu.memory_space<vmem>> -> memref<1x80xi32, #tpu.memory_space<vmem>>
      %dma_wait3A_263 = tpu.memref_squeeze %dma_wait3A_262 : memref<1x80xi32, #tpu.memory_space<vmem>> -> memref<80xi32, #tpu.memory_space<vmem>>
      %dma_wait3A_264 = arith.constant 0 : i32
      %dma_wait3A_265 = arith.constant 0 : i32
      %dma_wait3A_266 = tpu.memref_slice %arg2[%dma_wait3A_264, %dma_wait3A_265] : memref<10000x128xf32, #tpu.memory_space<hbm>> -> memref<10000x128xf32, #tpu.memory_space<hbm>>
      tpu.wait_indirect_dma semaphore(%arg12 : memref<!tpu.dma_semaphore, #tpu.memory_space<semaphore_mem>>) src(%dma_wait3A_266 : memref<10000x128xf32, #tpu.memory_space<hbm>>) dst(%dma_wait3A_260 : memref<80x128xf32, #tpu.memory_space<vmem>>)
      %add3A_267 = arith.constant 3 : i32
      %add3A_268 = arith.addi %add3A_254, %add3A_267 : i32
      %lt3A_269 = arith.constant 125 : i32
      %lt3A_270 = arith.cmpi slt, %add3A_268, %lt3A_269 : i32
      %convert_element_type3A_271 = arith.extui %lt3A_270 : i1 to i32
      %cond3A_272 = arith.constant 0 : i32
      %cond3A_273 = arith.cmpi ne, %convert_element_type3A_271, %cond3A_272 : i32
      scf.if %cond3A_273 {
        %add3A_339 = arith.constant 3 : i32
        %add3A_340 = arith.addi %add3A_254, %add3A_339 : i32
        %mul3A_341 = arith.constant 80 : i32
        %mul3A_342 = arith.muli %add3A_340, %mul3A_341 : i32
        %add3A_343 = arith.addi %mul3A_10, %mul3A_342 : i32
        %dma_start3A_344 = arith.constant 1 : i32
        %dma_start3A_345 = arith.constant 0 : i32
        %dma_start3A_346 = tpu.memref_slice %arg7[%dma_start3A_344, %dma_start3A_345] : memref<3x80xi32, #tpu.memory_space<vmem>> -> memref<1x80xi32, #tpu.memory_space<vmem>>
        %dma_start3A_347 = tpu.memref_squeeze %dma_start3A_346 : memref<1x80xi32, #tpu.memory_space<vmem>> -> memref<80xi32, #tpu.memory_space<vmem>>
        %dma_start3A_348 = tpu.memref_slice %arg3[%add3A_343] : memref<320000xi32, #tpu.memory_space<hbm>> -> memref<80xi32, #tpu.memory_space<hbm>>
        %dma_start3A_349 = arith.constant 0 : i32
        %dma_start3A_350 = tpu.memref_slice %arg7[%dma_start3A_344, %dma_start3A_349] : memref<3x80xi32, #tpu.memory_space<vmem>> -> memref<1x80xi32, #tpu.memory_space<vmem>>
        %dma_start3A_351 = tpu.memref_squeeze %dma_start3A_350 : memref<1x80xi32, #tpu.memory_space<vmem>> -> memref<80xi32, #tpu.memory_space<vmem>>
        %dma_start3A_352 = tpu.memref_slice %arg3[%add3A_343] : memref<320000xi32, #tpu.memory_space<hbm>> -> memref<80xi32, #tpu.memory_space<hbm>>
        tpu.enqueue_dma source(%dma_start3A_352 : memref<80xi32, #tpu.memory_space<hbm>>) target(%dma_start3A_351 : memref<80xi32, #tpu.memory_space<vmem>>) target_semaphore(%arg15 : memref<!tpu.dma_semaphore, #tpu.memory_space<semaphore_mem>>)
      } else {
      }
      %mul3A_274 = arith.constant 80 : i32
      %mul3A_275 = arith.muli %add3A_254, %mul3A_274 : i32
      %add3A_276 = arith.addi %mul3A_10, %mul3A_275 : i32
      %dma_wait3A_277 = arith.constant 1 : i32
      %dma_wait3A_278 = arith.constant 0 : i32
      %dma_wait3A_279 = tpu.memref_slice %arg8[%dma_wait3A_277, %dma_wait3A_278] : memref<3x80xi32, #tpu.memory_space<vmem>> -> memref<1x80xi32, #tpu.memory_space<vmem>>
      %dma_wait3A_280 = tpu.memref_squeeze %dma_wait3A_279 : memref<1x80xi32, #tpu.memory_space<vmem>> -> memref<80xi32, #tpu.memory_space<vmem>>
      %dma_wait3A_281 = tpu.memref_slice %arg4[%add3A_276] : memref<320000xi32, #tpu.memory_space<hbm>> -> memref<80xi32, #tpu.memory_space<hbm>>
      %dma_wait3A_282 = arith.constant 0 : i32
      %dma_wait3A_283 = tpu.memref_slice %arg8[%dma_wait3A_277, %dma_wait3A_282] : memref<3x80xi32, #tpu.memory_space<vmem>> -> memref<1x80xi32, #tpu.memory_space<vmem>>
      %dma_wait3A_284 = tpu.memref_squeeze %dma_wait3A_283 : memref<1x80xi32, #tpu.memory_space<vmem>> -> memref<80xi32, #tpu.memory_space<vmem>>
      %dma_wait3A_285 = tpu.memref_slice %arg4[%add3A_276] : memref<320000xi32, #tpu.memory_space<hbm>> -> memref<80xi32, #tpu.memory_space<hbm>>
      tpu.wait_dma2 semaphore(%arg18 : memref<!tpu.dma_semaphore, #tpu.memory_space<semaphore_mem>>) src(%dma_wait3A_285 : memref<80xi32, #tpu.memory_space<hbm>>) dst(%dma_wait3A_284 : memref<80xi32, #tpu.memory_space<vmem>>)
      %run_scoped3A_286 = arith.constant 1 : i32
      %run_scoped3A_287 = arith.constant 1 : i32
      "tpu.region"() ({
        %run_scoped3A_339 = tpu.sem_alloc : memref<!tpu.dma_semaphore, #tpu.memory_space<semaphore_mem>>
        %dma_start3A_340 = arith.constant 0 : i32
        %dma_start3A_341 = arith.constant 0 : i32
        %dma_start3A_342 = tpu.memref_slice %arg9[%run_scoped3A_286, %dma_start3A_340, %dma_start3A_341] : memref<3x80x128xf32, #tpu.memory_space<vmem>> -> memref<1x80x128xf32, #tpu.memory_space<vmem>>
        %dma_start3A_343 = tpu.memref_squeeze %dma_start3A_342 : memref<1x80x128xf32, #tpu.memory_space<vmem>> -> memref<80x128xf32, #tpu.memory_space<vmem>>
        %dma_start3A_344 = arith.constant 0 : i32
        %dma_start3A_345 = tpu.memref_slice %arg8[%run_scoped3A_287, %dma_start3A_344] : memref<3x80xi32, #tpu.memory_space<vmem>> -> memref<1x80xi32, #tpu.memory_space<vmem>>
        %dma_start3A_346 = tpu.memref_squeeze %dma_start3A_345 : memref<1x80xi32, #tpu.memory_space<vmem>> -> memref<80xi32, #tpu.memory_space<vmem>>
        %dma_start3A_347 = arith.constant 0 : i32
        %dma_start3A_348 = arith.constant 0 : i32
        %dma_start3A_349 = tpu.memref_slice %arg10[%dma_start3A_347, %dma_start3A_348] : memref<10000x128xf32, #tpu.memory_space<vmem_shared>> -> memref<10000x128xf32, #tpu.memory_space<vmem_shared>>
        tpu.enqueue_indirect_dma source(%dma_start3A_343 : memref<80x128xf32, #tpu.memory_space<vmem>>) target(%dma_start3A_349 : memref<10000x128xf32, #tpu.memory_space<vmem_shared>>) offsets(%dma_start3A_346 : memref<80xi32, #tpu.memory_space<vmem>>) semaphore(%run_scoped3A_339 : memref<!tpu.dma_semaphore, #tpu.memory_space<semaphore_mem>>) {add = true}
        %dma_wait3A_350 = arith.constant 0 : i32
        %dma_wait3A_351 = arith.constant 0 : i32
        %dma_wait3A_352 = tpu.memref_slice %arg9[%run_scoped3A_286, %dma_wait3A_350, %dma_wait3A_351] : memref<3x80x128xf32, #tpu.memory_space<vmem>> -> memref<1x80x128xf32, #tpu.memory_space<vmem>>
        %dma_wait3A_353 = tpu.memref_squeeze %dma_wait3A_352 : memref<1x80x128xf32, #tpu.memory_space<vmem>> -> memref<80x128xf32, #tpu.memory_space<vmem>>
        %dma_wait3A_354 = arith.constant 0 : i32
        %dma_wait3A_355 = tpu.memref_slice %arg8[%run_scoped3A_287, %dma_wait3A_354] : memref<3x80xi32, #tpu.memory_space<vmem>> -> memref<1x80xi32, #tpu.memory_space<vmem>>
        %dma_wait3A_356 = tpu.memref_squeeze %dma_wait3A_355 : memref<1x80xi32, #tpu.memory_space<vmem>> -> memref<80xi32, #tpu.memory_space<vmem>>
        %dma_wait3A_357 = arith.constant 0 : i32
        %dma_wait3A_358 = arith.constant 0 : i32
        %dma_wait3A_359 = tpu.memref_slice %arg10[%dma_wait3A_357, %dma_wait3A_358] : memref<10000x128xf32, #tpu.memory_space<vmem_shared>> -> memref<10000x128xf32, #tpu.memory_space<vmem_shared>>
        tpu.wait_indirect_dma semaphore(%run_scoped3A_339 : memref<!tpu.dma_semaphore, #tpu.memory_space<semaphore_mem>>) src(%dma_wait3A_353 : memref<80x128xf32, #tpu.memory_space<vmem>>) dst(%dma_wait3A_359 : memref<10000x128xf32, #tpu.memory_space<vmem_shared>>)
        tpu.yield
      }) : () -> ()
      %add3A_288 = arith.constant 3 : i32
      %add3A_289 = arith.addi %add3A_254, %add3A_288 : i32
      %lt3A_290 = arith.constant 125 : i32
      %lt3A_291 = arith.cmpi slt, %add3A_289, %lt3A_290 : i32
      %convert_element_type3A_292 = arith.extui %lt3A_291 : i1 to i32
      %cond3A_293 = arith.constant 0 : i32
      %cond3A_294 = arith.cmpi ne, %convert_element_type3A_292, %cond3A_293 : i32
      scf.if %cond3A_294 {
        %add3A_339 = arith.constant 3 : i32
        %add3A_340 = arith.addi %add3A_254, %add3A_339 : i32
        %mul3A_341 = arith.constant 80 : i32
        %mul3A_342 = arith.muli %add3A_340, %mul3A_341 : i32
        %add3A_343 = arith.addi %mul3A_10, %mul3A_342 : i32
        %dma_start3A_344 = arith.constant 1 : i32
        %dma_start3A_345 = arith.constant 0 : i32
        %dma_start3A_346 = tpu.memref_slice %arg8[%dma_start3A_344, %dma_start3A_345] : memref<3x80xi32, #tpu.memory_space<vmem>> -> memref<1x80xi32, #tpu.memory_space<vmem>>
        %dma_start3A_347 = tpu.memref_squeeze %dma_start3A_346 : memref<1x80xi32, #tpu.memory_space<vmem>> -> memref<80xi32, #tpu.memory_space<vmem>>
        %dma_start3A_348 = tpu.memref_slice %arg4[%add3A_343] : memref<320000xi32, #tpu.memory_space<hbm>> -> memref<80xi32, #tpu.memory_space<hbm>>
        %dma_start3A_349 = arith.constant 0 : i32
        %dma_start3A_350 = tpu.memref_slice %arg8[%dma_start3A_344, %dma_start3A_349] : memref<3x80xi32, #tpu.memory_space<vmem>> -> memref<1x80xi32, #tpu.memory_space<vmem>>
        %dma_start3A_351 = tpu.memref_squeeze %dma_start3A_350 : memref<1x80xi32, #tpu.memory_space<vmem>> -> memref<80xi32, #tpu.memory_space<vmem>>
        %dma_start3A_352 = tpu.memref_slice %arg4[%add3A_343] : memref<320000xi32, #tpu.memory_space<hbm>> -> memref<80xi32, #tpu.memory_space<hbm>>
        tpu.enqueue_dma source(%dma_start3A_352 : memref<80xi32, #tpu.memory_space<hbm>>) target(%dma_start3A_351 : memref<80xi32, #tpu.memory_space<vmem>>) target_semaphore(%arg18 : memref<!tpu.dma_semaphore, #tpu.memory_space<semaphore_mem>>)
        %add3A_353 = arith.constant 3 : i32
        %add3A_354 = arith.addi %add3A_254, %add3A_353 : i32
        %mul3A_355 = arith.constant 80 : i32
        %mul3A_356 = arith.muli %add3A_354, %mul3A_355 : i32
        %add3A_357 = arith.addi %mul3A_10, %mul3A_356 : i32
        %dma_wait3A_358 = arith.constant 1 : i32
        %dma_wait3A_359 = arith.constant 0 : i32
        %dma_wait3A_360 = tpu.memref_slice %arg7[%dma_wait3A_358, %dma_wait3A_359] : memref<3x80xi32, #tpu.memory_space<vmem>> -> memref<1x80xi32, #tpu.memory_space<vmem>>
        %dma_wait3A_361 = tpu.memref_squeeze %dma_wait3A_360 : memref<1x80xi32, #tpu.memory_space<vmem>> -> memref<80xi32, #tpu.memory_space<vmem>>
        %dma_wait3A_362 = tpu.memref_slice %arg3[%add3A_357] : memref<320000xi32, #tpu.memory_space<hbm>> -> memref<80xi32, #tpu.memory_space<hbm>>
        %dma_wait3A_363 = arith.constant 0 : i32
        %dma_wait3A_364 = tpu.memref_slice %arg7[%dma_wait3A_358, %dma_wait3A_363] : memref<3x80xi32, #tpu.memory_space<vmem>> -> memref<1x80xi32, #tpu.memory_space<vmem>>
        %dma_wait3A_365 = tpu.memref_squeeze %dma_wait3A_364 : memref<1x80xi32, #tpu.memory_space<vmem>> -> memref<80xi32, #tpu.memory_space<vmem>>
        %dma_wait3A_366 = tpu.memref_slice %arg3[%add3A_357] : memref<320000xi32, #tpu.memory_space<hbm>> -> memref<80xi32, #tpu.memory_space<hbm>>
        tpu.wait_dma2 semaphore(%arg15 : memref<!tpu.dma_semaphore, #tpu.memory_space<semaphore_mem>>) src(%dma_wait3A_366 : memref<80xi32, #tpu.memory_space<hbm>>) dst(%dma_wait3A_365 : memref<80xi32, #tpu.memory_space<vmem>>)
        %dma_start3A_367 = arith.constant 1 : i32
        %dma_start3A_368 = arith.constant 1 : i32
        %dma_start3A_369 = arith.constant 0 : i32
        %dma_start3A_370 = arith.constant 0 : i32
        %dma_start3A_371 = tpu.memref_slice %arg9[%dma_start3A_368, %dma_start3A_369, %dma_start3A_370] : memref<3x80x128xf32, #tpu.memory_space<vmem>> -> memref<1x80x128xf32, #tpu.memory_space<vmem>>
        %dma_start3A_372 = tpu.memref_squeeze %dma_start3A_371 : memref<1x80x128xf32, #tpu.memory_space<vmem>> -> memref<80x128xf32, #tpu.memory_space<vmem>>
        %dma_start3A_373 = arith.constant 0 : i32
        %dma_start3A_374 = tpu.memref_slice %arg7[%dma_start3A_367, %dma_start3A_373] : memref<3x80xi32, #tpu.memory_space<vmem>> -> memref<1x80xi32, #tpu.memory_space<vmem>>
        %dma_start3A_375 = tpu.memref_squeeze %dma_start3A_374 : memref<1x80xi32, #tpu.memory_space<vmem>> -> memref<80xi32, #tpu.memory_space<vmem>>
        %dma_start3A_376 = arith.constant 0 : i32
        %dma_start3A_377 = arith.constant 0 : i32
        %dma_start3A_378 = tpu.memref_slice %arg2[%dma_start3A_376, %dma_start3A_377] : memref<10000x128xf32, #tpu.memory_space<hbm>> -> memref<10000x128xf32, #tpu.memory_space<hbm>>
        tpu.enqueue_indirect_dma source(%dma_start3A_378 : memref<10000x128xf32, #tpu.memory_space<hbm>>) target(%dma_start3A_372 : memref<80x128xf32, #tpu.memory_space<vmem>>) offsets(%dma_start3A_375 : memref<80xi32, #tpu.memory_space<vmem>>) semaphore(%arg12 : memref<!tpu.dma_semaphore, #tpu.memory_space<semaphore_mem>>)
      } else {
      }
      %mul3A_295 = arith.constant 3 : i32
      %mul3A_296 = arith.muli %scan3A_207, %mul3A_295 : i32
      %add3A_297 = arith.constant 2 : i32
      %add3A_298 = arith.addi %mul3A_296, %add3A_297 : i32
      %dma_wait3A_299 = arith.constant 2 : i32
      %dma_wait3A_300 = arith.constant 2 : i32
      %dma_wait3A_301 = arith.constant 0 : i32
      %dma_wait3A_302 = arith.constant 0 : i32
      %dma_wait3A_303 = tpu.memref_slice %arg9[%dma_wait3A_300, %dma_wait3A_301, %dma_wait3A_302] : memref<3x80x128xf32, #tpu.memory_space<vmem>> -> memref<1x80x128xf32, #tpu.memory_space<vmem>>
      %dma_wait3A_304 = tpu.memref_squeeze %dma_wait3A_303 : memref<1x80x128xf32, #tpu.memory_space<vmem>> -> memref<80x128xf32, #tpu.memory_space<vmem>>
      %dma_wait3A_305 = arith.constant 0 : i32
      %dma_wait3A_306 = tpu.memref_slice %arg7[%dma_wait3A_299, %dma_wait3A_305] : memref<3x80xi32, #tpu.memory_space<vmem>> -> memref<1x80xi32, #tpu.memory_space<vmem>>
      %dma_wait3A_307 = tpu.memref_squeeze %dma_wait3A_306 : memref<1x80xi32, #tpu.memory_space<vmem>> -> memref<80xi32, #tpu.memory_space<vmem>>
      %dma_wait3A_308 = arith.constant 0 : i32
      %dma_wait3A_309 = arith.constant 0 : i32
      %dma_wait3A_310 = tpu.memref_slice %arg2[%dma_wait3A_308, %dma_wait3A_309] : memref<10000x128xf32, #tpu.memory_space<hbm>> -> memref<10000x128xf32, #tpu.memory_space<hbm>>
      tpu.wait_indirect_dma semaphore(%arg13 : memref<!tpu.dma_semaphore, #tpu.memory_space<semaphore_mem>>) src(%dma_wait3A_310 : memref<10000x128xf32, #tpu.memory_space<hbm>>) dst(%dma_wait3A_304 : memref<80x128xf32, #tpu.memory_space<vmem>>)
      %add3A_311 = arith.constant 3 : i32
      %add3A_312 = arith.addi %add3A_298, %add3A_311 : i32
      %lt3A_313 = arith.constant 125 : i32
      %lt3A_314 = arith.cmpi slt, %add3A_312, %lt3A_313 : i32
      %convert_element_type3A_315 = arith.extui %lt3A_314 : i1 to i32
      %cond3A_316 = arith.constant 0 : i32
      %cond3A_317 = arith.cmpi ne, %convert_element_type3A_315, %cond3A_316 : i32
      scf.if %cond3A_317 {
        %add3A_339 = arith.constant 3 : i32
        %add3A_340 = arith.addi %add3A_298, %add3A_339 : i32
        %mul3A_341 = arith.constant 80 : i32
        %mul3A_342 = arith.muli %add3A_340, %mul3A_341 : i32
        %add3A_343 = arith.addi %mul3A_10, %mul3A_342 : i32
        %dma_start3A_344 = arith.constant 2 : i32
        %dma_start3A_345 = arith.constant 0 : i32
        %dma_start3A_346 = tpu.memref_slice %arg7[%dma_start3A_344, %dma_start3A_345] : memref<3x80xi32, #tpu.memory_space<vmem>> -> memref<1x80xi32, #tpu.memory_space<vmem>>
        %dma_start3A_347 = tpu.memref_squeeze %dma_start3A_346 : memref<1x80xi32, #tpu.memory_space<vmem>> -> memref<80xi32, #tpu.memory_space<vmem>>
        %dma_start3A_348 = tpu.memref_slice %arg3[%add3A_343] : memref<320000xi32, #tpu.memory_space<hbm>> -> memref<80xi32, #tpu.memory_space<hbm>>
        %dma_start3A_349 = arith.constant 0 : i32
        %dma_start3A_350 = tpu.memref_slice %arg7[%dma_start3A_344, %dma_start3A_349] : memref<3x80xi32, #tpu.memory_space<vmem>> -> memref<1x80xi32, #tpu.memory_space<vmem>>
        %dma_start3A_351 = tpu.memref_squeeze %dma_start3A_350 : memref<1x80xi32, #tpu.memory_space<vmem>> -> memref<80xi32, #tpu.memory_space<vmem>>
        %dma_start3A_352 = tpu.memref_slice %arg3[%add3A_343] : memref<320000xi32, #tpu.memory_space<hbm>> -> memref<80xi32, #tpu.memory_space<hbm>>
        tpu.enqueue_dma source(%dma_start3A_352 : memref<80xi32, #tpu.memory_space<hbm>>) target(%dma_start3A_351 : memref<80xi32, #tpu.memory_space<vmem>>) target_semaphore(%arg16 : memref<!tpu.dma_semaphore, #tpu.memory_space<semaphore_mem>>)
      } else {
      }
      %mul3A_318 = arith.constant 80 : i32
      %mul3A_319 = arith.muli %add3A_298, %mul3A_318 : i32
      %add3A_320 = arith.addi %mul3A_10, %mul3A_319 : i32
      %dma_wait3A_321 = arith.constant 2 : i32
      %dma_wait3A_322 = arith.constant 0 : i32
      %dma_wait3A_323 = tpu.memref_slice %arg8[%dma_wait3A_321, %dma_wait3A_322] : memref<3x80xi32, #tpu.memory_space<vmem>> -> memref<1x80xi32, #tpu.memory_space<vmem>>
      %dma_wait3A_324 = tpu.memref_squeeze %dma_wait3A_323 : memref<1x80xi32, #tpu.memory_space<vmem>> -> memref<80xi32, #tpu.memory_space<vmem>>
      %dma_wait3A_325 = tpu.memref_slice %arg4[%add3A_320] : memref<320000xi32, #tpu.memory_space<hbm>> -> memref<80xi32, #tpu.memory_space<hbm>>
      %dma_wait3A_326 = arith.constant 0 : i32
      %dma_wait3A_327 = tpu.memref_slice %arg8[%dma_wait3A_321, %dma_wait3A_326] : memref<3x80xi32, #tpu.memory_space<vmem>> -> memref<1x80xi32, #tpu.memory_space<vmem>>
      %dma_wait3A_328 = tpu.memref_squeeze %dma_wait3A_327 : memref<1x80xi32, #tpu.memory_space<vmem>> -> memref<80xi32, #tpu.memory_space<vmem>>
      %dma_wait3A_329 = tpu.memref_slice %arg4[%add3A_320] : memref<320000xi32, #tpu.memory_space<hbm>> -> memref<80xi32, #tpu.memory_space<hbm>>
      tpu.wait_dma2 semaphore(%arg19 : memref<!tpu.dma_semaphore, #tpu.memory_space<semaphore_mem>>) src(%dma_wait3A_329 : memref<80xi32, #tpu.memory_space<hbm>>) dst(%dma_wait3A_328 : memref<80xi32, #tpu.memory_space<vmem>>)
      %run_scoped3A_330 = arith.constant 2 : i32
      %run_scoped3A_331 = arith.constant 2 : i32
      "tpu.region"() ({
        %run_scoped3A_339 = tpu.sem_alloc : memref<!tpu.dma_semaphore, #tpu.memory_space<semaphore_mem>>
        %dma_start3A_340 = arith.constant 0 : i32
        %dma_start3A_341 = arith.constant 0 : i32
        %dma_start3A_342 = tpu.memref_slice %arg9[%run_scoped3A_330, %dma_start3A_340, %dma_start3A_341] : memref<3x80x128xf32, #tpu.memory_space<vmem>> -> memref<1x80x128xf32, #tpu.memory_space<vmem>>
        %dma_start3A_343 = tpu.memref_squeeze %dma_start3A_342 : memref<1x80x128xf32, #tpu.memory_space<vmem>> -> memref<80x128xf32, #tpu.memory_space<vmem>>
        %dma_start3A_344 = arith.constant 0 : i32
        %dma_start3A_345 = tpu.memref_slice %arg8[%run_scoped3A_331, %dma_start3A_344] : memref<3x80xi32, #tpu.memory_space<vmem>> -> memref<1x80xi32, #tpu.memory_space<vmem>>
        %dma_start3A_346 = tpu.memref_squeeze %dma_start3A_345 : memref<1x80xi32, #tpu.memory_space<vmem>> -> memref<80xi32, #tpu.memory_space<vmem>>
        %dma_start3A_347 = arith.constant 0 : i32
        %dma_start3A_348 = arith.constant 0 : i32
        %dma_start3A_349 = tpu.memref_slice %arg10[%dma_start3A_347, %dma_start3A_348] : memref<10000x128xf32, #tpu.memory_space<vmem_shared>> -> memref<10000x128xf32, #tpu.memory_space<vmem_shared>>
        tpu.enqueue_indirect_dma source(%dma_start3A_343 : memref<80x128xf32, #tpu.memory_space<vmem>>) target(%dma_start3A_349 : memref<10000x128xf32, #tpu.memory_space<vmem_shared>>) offsets(%dma_start3A_346 : memref<80xi32, #tpu.memory_space<vmem>>) semaphore(%run_scoped3A_339 : memref<!tpu.dma_semaphore, #tpu.memory_space<semaphore_mem>>) {add = true}
        %dma_wait3A_350 = arith.constant 0 : i32
        %dma_wait3A_351 = arith.constant 0 : i32
        %dma_wait3A_352 = tpu.memref_slice %arg9[%run_scoped3A_330, %dma_wait3A_350, %dma_wait3A_351] : memref<3x80x128xf32, #tpu.memory_space<vmem>> -> memref<1x80x128xf32, #tpu.memory_space<vmem>>
        %dma_wait3A_353 = tpu.memref_squeeze %dma_wait3A_352 : memref<1x80x128xf32, #tpu.memory_space<vmem>> -> memref<80x128xf32, #tpu.memory_space<vmem>>
        %dma_wait3A_354 = arith.constant 0 : i32
        %dma_wait3A_355 = tpu.memref_slice %arg8[%run_scoped3A_331, %dma_wait3A_354] : memref<3x80xi32, #tpu.memory_space<vmem>> -> memref<1x80xi32, #tpu.memory_space<vmem>>
        %dma_wait3A_356 = tpu.memref_squeeze %dma_wait3A_355 : memref<1x80xi32, #tpu.memory_space<vmem>> -> memref<80xi32, #tpu.memory_space<vmem>>
        %dma_wait3A_357 = arith.constant 0 : i32
        %dma_wait3A_358 = arith.constant 0 : i32
        %dma_wait3A_359 = tpu.memref_slice %arg10[%dma_wait3A_357, %dma_wait3A_358] : memref<10000x128xf32, #tpu.memory_space<vmem_shared>> -> memref<10000x128xf32, #tpu.memory_space<vmem_shared>>
        tpu.wait_indirect_dma semaphore(%run_scoped3A_339 : memref<!tpu.dma_semaphore, #tpu.memory_space<semaphore_mem>>) src(%dma_wait3A_353 : memref<80x128xf32, #tpu.memory_space<vmem>>) dst(%dma_wait3A_359 : memref<10000x128xf32, #tpu.memory_space<vmem_shared>>)
        tpu.yield
      }) : () -> ()
      %add3A_332 = arith.constant 3 : i32
      %add3A_333 = arith.addi %add3A_298, %add3A_332 : i32
      %lt3A_334 = arith.constant 125 : i32
      %lt3A_335 = arith.cmpi slt, %add3A_333, %lt3A_334 : i32
      %convert_element_type3A_336 = arith.extui %lt3A_335 : i1 to i32
      %cond3A_337 = arith.constant 0 : i32
      %cond3A_338 = arith.cmpi ne, %convert_element_type3A_336, %cond3A_337 : i32
      scf.if %cond3A_338 {
        %add3A_339 = arith.constant 3 : i32
        %add3A_340 = arith.addi %add3A_298, %add3A_339 : i32
        %mul3A_341 = arith.constant 80 : i32
        %mul3A_342 = arith.muli %add3A_340, %mul3A_341 : i32
        %add3A_343 = arith.addi %mul3A_10, %mul3A_342 : i32
        %dma_start3A_344 = arith.constant 2 : i32
        %dma_start3A_345 = arith.constant 0 : i32
        %dma_start3A_346 = tpu.memref_slice %arg8[%dma_start3A_344, %dma_start3A_345] : memref<3x80xi32, #tpu.memory_space<vmem>> -> memref<1x80xi32, #tpu.memory_space<vmem>>
        %dma_start3A_347 = tpu.memref_squeeze %dma_start3A_346 : memref<1x80xi32, #tpu.memory_space<vmem>> -> memref<80xi32, #tpu.memory_space<vmem>>
        %dma_start3A_348 = tpu.memref_slice %arg4[%add3A_343] : memref<320000xi32, #tpu.memory_space<hbm>> -> memref<80xi32, #tpu.memory_space<hbm>>
        %dma_start3A_349 = arith.constant 0 : i32
        %dma_start3A_350 = tpu.memref_slice %arg8[%dma_start3A_344, %dma_start3A_349] : memref<3x80xi32, #tpu.memory_space<vmem>> -> memref<1x80xi32, #tpu.memory_space<vmem>>
        %dma_start3A_351 = tpu.memref_squeeze %dma_start3A_350 : memref<1x80xi32, #tpu.memory_space<vmem>> -> memref<80xi32, #tpu.memory_space<vmem>>
        %dma_start3A_352 = tpu.memref_slice %arg4[%add3A_343] : memref<320000xi32, #tpu.memory_space<hbm>> -> memref<80xi32, #tpu.memory_space<hbm>>
        tpu.enqueue_dma source(%dma_start3A_352 : memref<80xi32, #tpu.memory_space<hbm>>) target(%dma_start3A_351 : memref<80xi32, #tpu.memory_space<vmem>>) target_semaphore(%arg19 : memref<!tpu.dma_semaphore, #tpu.memory_space<semaphore_mem>>)
        %add3A_353 = arith.constant 3 : i32
        %add3A_354 = arith.addi %add3A_298, %add3A_353 : i32
        %mul3A_355 = arith.constant 80 : i32
        %mul3A_356 = arith.muli %add3A_354, %mul3A_355 : i32
        %add3A_357 = arith.addi %mul3A_10, %mul3A_356 : i32
        %dma_wait3A_358 = arith.constant 2 : i32
        %dma_wait3A_359 = arith.constant 0 : i32
        %dma_wait3A_360 = tpu.memref_slice %arg7[%dma_wait3A_358, %dma_wait3A_359] : memref<3x80xi32, #tpu.memory_space<vmem>> -> memref<1x80xi32, #tpu.memory_space<vmem>>
        %dma_wait3A_361 = tpu.memref_squeeze %dma_wait3A_360 : memref<1x80xi32, #tpu.memory_space<vmem>> -> memref<80xi32, #tpu.memory_space<vmem>>
        %dma_wait3A_362 = tpu.memref_slice %arg3[%add3A_357] : memref<320000xi32, #tpu.memory_space<hbm>> -> memref<80xi32, #tpu.memory_space<hbm>>
        %dma_wait3A_363 = arith.constant 0 : i32
        %dma_wait3A_364 = tpu.memref_slice %arg7[%dma_wait3A_358, %dma_wait3A_363] : memref<3x80xi32, #tpu.memory_space<vmem>> -> memref<1x80xi32, #tpu.memory_space<vmem>>
        %dma_wait3A_365 = tpu.memref_squeeze %dma_wait3A_364 : memref<1x80xi32, #tpu.memory_space<vmem>> -> memref<80xi32, #tpu.memory_space<vmem>>
        %dma_wait3A_366 = tpu.memref_slice %arg3[%add3A_357] : memref<320000xi32, #tpu.memory_space<hbm>> -> memref<80xi32, #tpu.memory_space<hbm>>
        tpu.wait_dma2 semaphore(%arg16 : memref<!tpu.dma_semaphore, #tpu.memory_space<semaphore_mem>>) src(%dma_wait3A_366 : memref<80xi32, #tpu.memory_space<hbm>>) dst(%dma_wait3A_365 : memref<80xi32, #tpu.memory_space<vmem>>)
        %dma_start3A_367 = arith.constant 2 : i32
        %dma_start3A_368 = arith.constant 2 : i32
        %dma_start3A_369 = arith.constant 0 : i32
        %dma_start3A_370 = arith.constant 0 : i32
        %dma_start3A_371 = tpu.memref_slice %arg9[%dma_start3A_368, %dma_start3A_369, %dma_start3A_370] : memref<3x80x128xf32, #tpu.memory_space<vmem>> -> memref<1x80x128xf32, #tpu.memory_space<vmem>>
        %dma_start3A_372 = tpu.memref_squeeze %dma_start3A_371 : memref<1x80x128xf32, #tpu.memory_space<vmem>> -> memref<80x128xf32, #tpu.memory_space<vmem>>
        %dma_start3A_373 = arith.constant 0 : i32
        %dma_start3A_374 = tpu.memref_slice %arg7[%dma_start3A_367, %dma_start3A_373] : memref<3x80xi32, #tpu.memory_space<vmem>> -> memref<1x80xi32, #tpu.memory_space<vmem>>
        %dma_start3A_375 = tpu.memref_squeeze %dma_start3A_374 : memref<1x80xi32, #tpu.memory_space<vmem>> -> memref<80xi32, #tpu.memory_space<vmem>>
        %dma_start3A_376 = arith.constant 0 : i32
        %dma_start3A_377 = arith.constant 0 : i32
        %dma_start3A_378 = tpu.memref_slice %arg2[%dma_start3A_376, %dma_start3A_377] : memref<10000x128xf32, #tpu.memory_space<hbm>> -> memref<10000x128xf32, #tpu.memory_space<hbm>>
        tpu.enqueue_indirect_dma source(%dma_start3A_378 : memref<10000x128xf32, #tpu.memory_space<hbm>>) target(%dma_start3A_372 : memref<80x128xf32, #tpu.memory_space<vmem>>) offsets(%dma_start3A_375 : memref<80xi32, #tpu.memory_space<vmem>>) semaphore(%arg13 : memref<!tpu.dma_semaphore, #tpu.memory_space<semaphore_mem>>)
      } else {
      }
    }
    %scan3A_148 = arith.constant 41 : i32
    %dma_wait3A_149 = arith.constant 0 : i32
    %dma_wait3A_150 = arith.constant 0 : i32
    %dma_wait3A_151 = arith.constant 0 : i32
    %dma_wait3A_152 = arith.constant 0 : i32
    %dma_wait3A_153 = tpu.memref_slice %arg9[%dma_wait3A_150, %dma_wait3A_151, %dma_wait3A_152] : memref<3x80x128xf32, #tpu.memory_space<vmem>> -> memref<1x80x128xf32, #tpu.memory_space<vmem>>
    %dma_wait3A_154 = tpu.memref_squeeze %dma_wait3A_153 : memref<1x80x128xf32, #tpu.memory_space<vmem>> -> memref<80x128xf32, #tpu.memory_space<vmem>>
    %dma_wait3A_155 = arith.constant 0 : i32
    %dma_wait3A_156 = tpu.memref_slice %arg7[%dma_wait3A_149, %dma_wait3A_155] : memref<3x80xi32, #tpu.memory_space<vmem>> -> memref<1x80xi32, #tpu.memory_space<vmem>>
    %dma_wait3A_157 = tpu.memref_squeeze %dma_wait3A_156 : memref<1x80xi32, #tpu.memory_space<vmem>> -> memref<80xi32, #tpu.memory_space<vmem>>
    %dma_wait3A_158 = arith.constant 0 : i32
    %dma_wait3A_159 = arith.constant 0 : i32
    %dma_wait3A_160 = tpu.memref_slice %arg2[%dma_wait3A_158, %dma_wait3A_159] : memref<10000x128xf32, #tpu.memory_space<hbm>> -> memref<10000x128xf32, #tpu.memory_space<hbm>>
    tpu.wait_indirect_dma semaphore(%arg11 : memref<!tpu.dma_semaphore, #tpu.memory_space<semaphore_mem>>) src(%dma_wait3A_160 : memref<10000x128xf32, #tpu.memory_space<hbm>>) dst(%dma_wait3A_154 : memref<80x128xf32, #tpu.memory_space<vmem>>)
    %add3A_161 = arith.constant 9840 : i32
    %add3A_162 = arith.addi %mul3A_10, %add3A_161 : i32
    %dma_wait3A_163 = arith.constant 0 : i32
    %dma_wait3A_164 = arith.constant 0 : i32
    %dma_wait3A_165 = tpu.memref_slice %arg8[%dma_wait3A_163, %dma_wait3A_164] : memref<3x80xi32, #tpu.memory_space<vmem>> -> memref<1x80xi32, #tpu.memory_space<vmem>>
    %dma_wait3A_166 = tpu.memref_squeeze %dma_wait3A_165 : memref<1x80xi32, #tpu.memory_space<vmem>> -> memref<80xi32, #tpu.memory_space<vmem>>
    %dma_wait3A_167 = tpu.memref_slice %arg4[%add3A_162] : memref<320000xi32, #tpu.memory_space<hbm>> -> memref<80xi32, #tpu.memory_space<hbm>>
    %dma_wait3A_168 = arith.constant 0 : i32
    %dma_wait3A_169 = tpu.memref_slice %arg8[%dma_wait3A_163, %dma_wait3A_168] : memref<3x80xi32, #tpu.memory_space<vmem>> -> memref<1x80xi32, #tpu.memory_space<vmem>>
    %dma_wait3A_170 = tpu.memref_squeeze %dma_wait3A_169 : memref<1x80xi32, #tpu.memory_space<vmem>> -> memref<80xi32, #tpu.memory_space<vmem>>
    %dma_wait3A_171 = tpu.memref_slice %arg4[%add3A_162] : memref<320000xi32, #tpu.memory_space<hbm>> -> memref<80xi32, #tpu.memory_space<hbm>>
    tpu.wait_dma2 semaphore(%arg17 : memref<!tpu.dma_semaphore, #tpu.memory_space<semaphore_mem>>) src(%dma_wait3A_171 : memref<80xi32, #tpu.memory_space<hbm>>) dst(%dma_wait3A_170 : memref<80xi32, #tpu.memory_space<vmem>>)
    %run_scoped3A = arith.constant 0 : i32
    %run_scoped3A_172 = arith.constant 0 : i32
    "tpu.region"() ({
      %run_scoped3A_207 = tpu.sem_alloc : memref<!tpu.dma_semaphore, #tpu.memory_space<semaphore_mem>>
      %dma_start3A_208 = arith.constant 0 : i32
      %dma_start3A_209 = arith.constant 0 : i32
      %dma_start3A_210 = tpu.memref_slice %arg9[%run_scoped3A, %dma_start3A_208, %dma_start3A_209] : memref<3x80x128xf32, #tpu.memory_space<vmem>> -> memref<1x80x128xf32, #tpu.memory_space<vmem>>
      %dma_start3A_211 = tpu.memref_squeeze %dma_start3A_210 : memref<1x80x128xf32, #tpu.memory_space<vmem>> -> memref<80x128xf32, #tpu.memory_space<vmem>>
      %dma_start3A_212 = arith.constant 0 : i32
      %dma_start3A_213 = tpu.memref_slice %arg8[%run_scoped3A_172, %dma_start3A_212] : memref<3x80xi32, #tpu.memory_space<vmem>> -> memref<1x80xi32, #tpu.memory_space<vmem>>
      %dma_start3A_214 = tpu.memref_squeeze %dma_start3A_213 : memref<1x80xi32, #tpu.memory_space<vmem>> -> memref<80xi32, #tpu.memory_space<vmem>>
      %dma_start3A_215 = arith.constant 0 : i32
      %dma_start3A_216 = arith.constant 0 : i32
      %dma_start3A_217 = tpu.memref_slice %arg10[%dma_start3A_215, %dma_start3A_216] : memref<10000x128xf32, #tpu.memory_space<vmem_shared>> -> memref<10000x128xf32, #tpu.memory_space<vmem_shared>>
      tpu.enqueue_indirect_dma source(%dma_start3A_211 : memref<80x128xf32, #tpu.memory_space<vmem>>) target(%dma_start3A_217 : memref<10000x128xf32, #tpu.memory_space<vmem_shared>>) offsets(%dma_start3A_214 : memref<80xi32, #tpu.memory_space<vmem>>) semaphore(%run_scoped3A_207 : memref<!tpu.dma_semaphore, #tpu.memory_space<semaphore_mem>>) {add = true}
      %dma_wait3A_218 = arith.constant 0 : i32
      %dma_wait3A_219 = arith.constant 0 : i32
      %dma_wait3A_220 = tpu.memref_slice %arg9[%run_scoped3A, %dma_wait3A_218, %dma_wait3A_219] : memref<3x80x128xf32, #tpu.memory_space<vmem>> -> memref<1x80x128xf32, #tpu.memory_space<vmem>>
      %dma_wait3A_221 = tpu.memref_squeeze %dma_wait3A_220 : memref<1x80x128xf32, #tpu.memory_space<vmem>> -> memref<80x128xf32, #tpu.memory_space<vmem>>
      %dma_wait3A_222 = arith.constant 0 : i32
      %dma_wait3A_223 = tpu.memref_slice %arg8[%run_scoped3A_172, %dma_wait3A_222] : memref<3x80xi32, #tpu.memory_space<vmem>> -> memref<1x80xi32, #tpu.memory_space<vmem>>
      %dma_wait3A_224 = tpu.memref_squeeze %dma_wait3A_223 : memref<1x80xi32, #tpu.memory_space<vmem>> -> memref<80xi32, #tpu.memory_space<vmem>>
      %dma_wait3A_225 = arith.constant 0 : i32
      %dma_wait3A_226 = arith.constant 0 : i32
      %dma_wait3A_227 = tpu.memref_slice %arg10[%dma_wait3A_225, %dma_wait3A_226] : memref<10000x128xf32, #tpu.memory_space<vmem_shared>> -> memref<10000x128xf32, #tpu.memory_space<vmem_shared>>
      tpu.wait_indirect_dma semaphore(%run_scoped3A_207 : memref<!tpu.dma_semaphore, #tpu.memory_space<semaphore_mem>>) src(%dma_wait3A_221 : memref<80x128xf32, #tpu.memory_space<vmem>>) dst(%dma_wait3A_227 : memref<10000x128xf32, #tpu.memory_space<vmem_shared>>)
      tpu.yield
    }) : () -> ()
    %dma_wait3A_173 = arith.constant 1 : i32
    %dma_wait3A_174 = arith.constant 1 : i32
    %dma_wait3A_175 = arith.constant 0 : i32
    %dma_wait3A_176 = arith.constant 0 : i32
    %dma_wait3A_177 = tpu.memref_slice %arg9[%dma_wait3A_174, %dma_wait3A_175, %dma_wait3A_176] : memref<3x80x128xf32, #tpu.memory_space<vmem>> -> memref<1x80x128xf32, #tpu.memory_space<vmem>>
    %dma_wait3A_178 = tpu.memref_squeeze %dma_wait3A_177 : memref<1x80x128xf32, #tpu.memory_space<vmem>> -> memref<80x128xf32, #tpu.memory_space<vmem>>
    %dma_wait3A_179 = arith.constant 0 : i32
    %dma_wait3A_180 = tpu.memref_slice %arg7[%dma_wait3A_173, %dma_wait3A_179] : memref<3x80xi32, #tpu.memory_space<vmem>> -> memref<1x80xi32, #tpu.memory_space<vmem>>
    %dma_wait3A_181 = tpu.memref_squeeze %dma_wait3A_180 : memref<1x80xi32, #tpu.memory_space<vmem>> -> memref<80xi32, #tpu.memory_space<vmem>>
    %dma_wait3A_182 = arith.constant 0 : i32
    %dma_wait3A_183 = arith.constant 0 : i32
    %dma_wait3A_184 = tpu.memref_slice %arg2[%dma_wait3A_182, %dma_wait3A_183] : memref<10000x128xf32, #tpu.memory_space<hbm>> -> memref<10000x128xf32, #tpu.memory_space<hbm>>
    tpu.wait_indirect_dma semaphore(%arg12 : memref<!tpu.dma_semaphore, #tpu.memory_space<semaphore_mem>>) src(%dma_wait3A_184 : memref<10000x128xf32, #tpu.memory_space<hbm>>) dst(%dma_wait3A_178 : memref<80x128xf32, #tpu.memory_space<vmem>>)
    %add3A_185 = arith.constant 9920 : i32
    %add3A_186 = arith.addi %mul3A_10, %add3A_185 : i32
    %dma_wait3A_187 = arith.constant 1 : i32
    %dma_wait3A_188 = arith.constant 0 : i32
    %dma_wait3A_189 = tpu.memref_slice %arg8[%dma_wait3A_187, %dma_wait3A_188] : memref<3x80xi32, #tpu.memory_space<vmem>> -> memref<1x80xi32, #tpu.memory_space<vmem>>
    %dma_wait3A_190 = tpu.memref_squeeze %dma_wait3A_189 : memref<1x80xi32, #tpu.memory_space<vmem>> -> memref<80xi32, #tpu.memory_space<vmem>>
    %dma_wait3A_191 = tpu.memref_slice %arg4[%add3A_186] : memref<320000xi32, #tpu.memory_space<hbm>> -> memref<80xi32, #tpu.memory_space<hbm>>
    %dma_wait3A_192 = arith.constant 0 : i32
    %dma_wait3A_193 = tpu.memref_slice %arg8[%dma_wait3A_187, %dma_wait3A_192] : memref<3x80xi32, #tpu.memory_space<vmem>> -> memref<1x80xi32, #tpu.memory_space<vmem>>
    %dma_wait3A_194 = tpu.memref_squeeze %dma_wait3A_193 : memref<1x80xi32, #tpu.memory_space<vmem>> -> memref<80xi32, #tpu.memory_space<vmem>>
    %dma_wait3A_195 = tpu.memref_slice %arg4[%add3A_186] : memref<320000xi32, #tpu.memory_space<hbm>> -> memref<80xi32, #tpu.memory_space<hbm>>
    tpu.wait_dma2 semaphore(%arg18 : memref<!tpu.dma_semaphore, #tpu.memory_space<semaphore_mem>>) src(%dma_wait3A_195 : memref<80xi32, #tpu.memory_space<hbm>>) dst(%dma_wait3A_194 : memref<80xi32, #tpu.memory_space<vmem>>)
    %run_scoped3A_196 = arith.constant 1 : i32
    %run_scoped3A_197 = arith.constant 1 : i32
    "tpu.region"() ({
      %run_scoped3A_207 = tpu.sem_alloc : memref<!tpu.dma_semaphore, #tpu.memory_space<semaphore_mem>>
      %dma_start3A_208 = arith.constant 0 : i32
      %dma_start3A_209 = arith.constant 0 : i32
      %dma_start3A_210 = tpu.memref_slice %arg9[%run_scoped3A_196, %dma_start3A_208, %dma_start3A_209] : memref<3x80x128xf32, #tpu.memory_space<vmem>> -> memref<1x80x128xf32, #tpu.memory_space<vmem>>
      %dma_start3A_211 = tpu.memref_squeeze %dma_start3A_210 : memref<1x80x128xf32, #tpu.memory_space<vmem>> -> memref<80x128xf32, #tpu.memory_space<vmem>>
      %dma_start3A_212 = arith.constant 0 : i32
      %dma_start3A_213 = tpu.memref_slice %arg8[%run_scoped3A_197, %dma_start3A_212] : memref<3x80xi32, #tpu.memory_space<vmem>> -> memref<1x80xi32, #tpu.memory_space<vmem>>
      %dma_start3A_214 = tpu.memref_squeeze %dma_start3A_213 : memref<1x80xi32, #tpu.memory_space<vmem>> -> memref<80xi32, #tpu.memory_space<vmem>>
      %dma_start3A_215 = arith.constant 0 : i32
      %dma_start3A_216 = arith.constant 0 : i32
      %dma_start3A_217 = tpu.memref_slice %arg10[%dma_start3A_215, %dma_start3A_216] : memref<10000x128xf32, #tpu.memory_space<vmem_shared>> -> memref<10000x128xf32, #tpu.memory_space<vmem_shared>>
      tpu.enqueue_indirect_dma source(%dma_start3A_211 : memref<80x128xf32, #tpu.memory_space<vmem>>) target(%dma_start3A_217 : memref<10000x128xf32, #tpu.memory_space<vmem_shared>>) offsets(%dma_start3A_214 : memref<80xi32, #tpu.memory_space<vmem>>) semaphore(%run_scoped3A_207 : memref<!tpu.dma_semaphore, #tpu.memory_space<semaphore_mem>>) {add = true}
      %dma_wait3A_218 = arith.constant 0 : i32
      %dma_wait3A_219 = arith.constant 0 : i32
      %dma_wait3A_220 = tpu.memref_slice %arg9[%run_scoped3A_196, %dma_wait3A_218, %dma_wait3A_219] : memref<3x80x128xf32, #tpu.memory_space<vmem>> -> memref<1x80x128xf32, #tpu.memory_space<vmem>>
      %dma_wait3A_221 = tpu.memref_squeeze %dma_wait3A_220 : memref<1x80x128xf32, #tpu.memory_space<vmem>> -> memref<80x128xf32, #tpu.memory_space<vmem>>
      %dma_wait3A_222 = arith.constant 0 : i32
      %dma_wait3A_223 = tpu.memref_slice %arg8[%run_scoped3A_197, %dma_wait3A_222] : memref<3x80xi32, #tpu.memory_space<vmem>> -> memref<1x80xi32, #tpu.memory_space<vmem>>
      %dma_wait3A_224 = tpu.memref_squeeze %dma_wait3A_223 : memref<1x80xi32, #tpu.memory_space<vmem>> -> memref<80xi32, #tpu.memory_space<vmem>>
      %dma_wait3A_225 = arith.constant 0 : i32
      %dma_wait3A_226 = arith.constant 0 : i32
      %dma_wait3A_227 = tpu.memref_slice %arg10[%dma_wait3A_225, %dma_wait3A_226] : memref<10000x128xf32, #tpu.memory_space<vmem_shared>> -> memref<10000x128xf32, #tpu.memory_space<vmem_shared>>
      tpu.wait_indirect_dma semaphore(%run_scoped3A_207 : memref<!tpu.dma_semaphore, #tpu.memory_space<semaphore_mem>>) src(%dma_wait3A_221 : memref<80x128xf32, #tpu.memory_space<vmem>>) dst(%dma_wait3A_227 : memref<10000x128xf32, #tpu.memory_space<vmem_shared>>)
      tpu.yield
    }) : () -> ()
    %barrier3A_198 = arith.constant 0 : index
    tpu.barrier barrier_id(%barrier3A_198)
    %mul3A_199 = arith.constant 10000 : i32
    %mul3A_200 = arith.muli %arg0, %mul3A_199 : i32
    %add3A_201 = arith.addi %mul3A_200, %mul3A_2 : i32
    "tpu.region"() ({
      %run_scoped3A_207 = tpu.sem_alloc : memref<!tpu.dma_semaphore, #tpu.memory_space<semaphore_mem>>
      %dma_start3A_208 = arith.constant 0 : i32
      %dma_start3A_209 = tpu.memref_slice %arg6[%add3A_201, %dma_start3A_208] : memref<20000x128xf32, #tpu.memory_space<hbm>> -> memref<624x128xf32, #tpu.memory_space<hbm>>
      %dma_start3A_210 = arith.constant 0 : i32
      %dma_start3A_211 = tpu.memref_slice %arg10[%mul3A_2, %dma_start3A_210] : memref<10000x128xf32, #tpu.memory_space<vmem_shared>> -> memref<624x128xf32, #tpu.memory_space<vmem_shared>>
      tpu.enqueue_dma source(%dma_start3A_211 : memref<624x128xf32, #tpu.memory_space<vmem_shared>>) target(%dma_start3A_209 : memref<624x128xf32, #tpu.memory_space<hbm>>) target_semaphore(%run_scoped3A_207 : memref<!tpu.dma_semaphore, #tpu.memory_space<semaphore_mem>>)
      %dma_wait3A_212 = arith.constant 0 : i32
      %dma_wait3A_213 = tpu.memref_slice %arg6[%add3A_201, %dma_wait3A_212] : memref<20000x128xf32, #tpu.memory_space<hbm>> -> memref<624x128xf32, #tpu.memory_space<hbm>>
      %dma_wait3A_214 = arith.constant 0 : i32
      %dma_wait3A_215 = tpu.memref_slice %arg10[%mul3A_2, %dma_wait3A_214] : memref<10000x128xf32, #tpu.memory_space<vmem_shared>> -> memref<624x128xf32, #tpu.memory_space<vmem_shared>>
      tpu.wait_dma2 semaphore(%run_scoped3A_207 : memref<!tpu.dma_semaphore, #tpu.memory_space<semaphore_mem>>) src(%dma_wait3A_215 : memref<624x128xf32, #tpu.memory_space<vmem_shared>>) dst(%dma_wait3A_213 : memref<624x128xf32, #tpu.memory_space<hbm>>)
      tpu.yield
    }) : () -> ()
    %eq3A_202 = arith.constant 0 : i32
    %eq3A_203 = arith.cmpi eq, %arg1, %eq3A_202 : i32
    %convert_element_type3A_204 = arith.extui %eq3A_203 : i1 to i32
    %cond3A_205 = arith.constant 0 : i32
    %cond3A_206 = arith.cmpi ne, %convert_element_type3A_204, %cond3A_205 : i32
    scf.if %cond3A_206 {
      %mul3A_207 = arith.constant 10000 : i32
      %mul3A_208 = arith.muli %arg0, %mul3A_207 : i32
      %add3A_209 = arith.constant 9984 : i32
      %add3A_210 = arith.addi %mul3A_208, %add3A_209 : i32
      "tpu.region"() ({
        %run_scoped3A_211 = tpu.sem_alloc : memref<!tpu.dma_semaphore, #tpu.memory_space<semaphore_mem>>
        %dma_start3A_212 = arith.constant 0 : i32
        %dma_start3A_213 = tpu.memref_slice %arg6[%add3A_210, %dma_start3A_212] : memref<20000x128xf32, #tpu.memory_space<hbm>> -> memref<16x128xf32, #tpu.memory_space<hbm>>
        %dma_start3A_214 = arith.constant 9984 : i32
        %dma_start3A_215 = arith.constant 0 : i32
        %dma_start3A_216 = tpu.memref_slice %arg10[%dma_start3A_214, %dma_start3A_215] : memref<10000x128xf32, #tpu.memory_space<vmem_shared>> -> memref<16x128xf32, #tpu.memory_space<vmem_shared>>
        tpu.enqueue_dma source(%dma_start3A_216 : memref<16x128xf32, #tpu.memory_space<vmem_shared>>) target(%dma_start3A_213 : memref<16x128xf32, #tpu.memory_space<hbm>>) target_semaphore(%run_scoped3A_211 : memref<!tpu.dma_semaphore, #tpu.memory_space<semaphore_mem>>)
        %dma_wait3A_217 = arith.constant 0 : i32
        %dma_wait3A_218 = tpu.memref_slice %arg6[%add3A_210, %dma_wait3A_217] : memref<20000x128xf32, #tpu.memory_space<hbm>> -> memref<16x128xf32, #tpu.memory_space<hbm>>
        %dma_wait3A_219 = arith.constant 9984 : i32
        %dma_wait3A_220 = arith.constant 0 : i32
        %dma_wait3A_221 = tpu.memref_slice %arg10[%dma_wait3A_219, %dma_wait3A_220] : memref<10000x128xf32, #tpu.memory_space<vmem_shared>> -> memref<16x128xf32, #tpu.memory_space<vmem_shared>>
        tpu.wait_dma2 semaphore(%run_scoped3A_211 : memref<!tpu.dma_semaphore, #tpu.memory_space<semaphore_mem>>) src(%dma_wait3A_221 : memref<16x128xf32, #tpu.memory_space<vmem_shared>>) dst(%dma_wait3A_218 : memref<16x128xf32, #tpu.memory_space<hbm>>)
        tpu.yield
      }) : () -> ()
    } else {
    }
    return
  }
}

#map = affine_map<(d0, d1) -> (0, 0)>
#map1 = affine_map<(d0, d1) -> (0)>
module attributes {stable_mosaic.version = 14 : i64} {
  func.func @k(%arg0: i32, %arg1: i32, %arg2: memref<10000x128xf32, #tpu.memory_space<hbm>>, %arg3: memref<320000xi32, #tpu.memory_space<hbm>>, %arg4: memref<320000xi32, #tpu.memory_space<hbm>>, %arg5: memref<10000x128xf32, #tpu.memory_space<hbm>>, %arg6: memref<20000x128xf32, #tpu.memory_space<hbm>>, %arg7: memref<3x80xi32, #tpu.memory_space<vmem>>, %arg8: memref<3x80xi32, #tpu.memory_space<vmem>>, %arg9: memref<3x80x128xf32, #tpu.memory_space<vmem>>, %arg10: memref<10000x128xf32, #tpu.memory_space<vmem_shared>>, %arg11: memref<!tpu.dma_semaphore, #tpu.memory_space<semaphore_mem>>, %arg12: memref<!tpu.dma_semaphore, #tpu.memory_space<semaphore_mem>>, %arg13: memref<!tpu.dma_semaphore, #tpu.memory_space<semaphore_mem>>, %arg14: memref<!tpu.dma_semaphore, #tpu.memory_space<semaphore_mem>>, %arg15: memref<!tpu.dma_semaphore, #tpu.memory_space<semaphore_mem>>, %arg16: memref<!tpu.dma_semaphore, #tpu.memory_space<semaphore_mem>>, %arg17: memref<!tpu.dma_semaphore, #tpu.memory_space<semaphore_mem>>, %arg18: memref<!tpu.dma_semaphore, #tpu.memory_space<semaphore_mem>>, %arg19: memref<!tpu.dma_semaphore, #tpu.memory_space<semaphore_mem>>) attributes {dimension_semantics = [#tpu.dimension_semantics<core_parallel>, #tpu.dimension_semantics<subcore_parallel>], iteration_bounds = array<i64: 2, 16>, scalar_prefetch = 0 : i64, scratch_operands = 13 : i64, tpu.core_type = #tpu.core_type<sc_vector_subcore>, window_params = [{transform_indices = #map}, {transform_indices = #map1}, {transform_indices = #map1}, {transform_indices = #map}, {transform_indices = #map}]} {
    %mul3A = arith.constant 2 : i32
    %mul3A_0 = arith.muli %arg1, %mul3A : i32
    %add3A = arith.addi %mul3A_0, %arg0 : i32
    %mul3A_1 = arith.constant 624 : i32
    %mul3A_2 = arith.muli %arg1, %mul3A_1 : i32
    %eq3A = arith.constant 0 : i32
    %eq3A_3 = arith.cmpi eq, %arg0, %eq3A : i32
    %convert_element_type3A = arith.extui %eq3A_3 : i1 to i32
    %cond3A = arith.constant 0 : i32
    %cond3A_4 = arith.cmpi ne, %convert_element_type3A, %cond3A : i32
    scf.if %cond3A_4 {
      "tpu.region"() ({
        %run_scoped3A_212 = tpu.sem_alloc : memref<!tpu.dma_semaphore, #tpu.memory_space<semaphore_mem>>
        %dma_start3A_213 = arith.constant 0 : i32
        %dma_start3A_214 = tpu.memref_slice %arg10[%mul3A_2, %dma_start3A_213] : memref<10000x128xf32, #tpu.memory_space<vmem_shared>> -> memref<624x128xf32, #tpu.memory_space<vmem_shared>>
        %dma_start3A_215 = arith.constant 0 : i32
        %dma_start3A_216 = tpu.memref_slice %arg2[%mul3A_2, %dma_start3A_215] : memref<10000x128xf32, #tpu.memory_space<hbm>> -> memref<624x128xf32, #tpu.memory_space<hbm>>
        tpu.enqueue_dma source(%dma_start3A_216 : memref<624x128xf32, #tpu.memory_space<hbm>>) target(%dma_start3A_214 : memref<624x128xf32, #tpu.memory_space<vmem_shared>>) target_semaphore(%run_scoped3A_212 : memref<!tpu.dma_semaphore, #tpu.memory_space<semaphore_mem>>)
        %dma_wait3A_217 = arith.constant 0 : i32
        %dma_wait3A_218 = tpu.memref_slice %arg10[%mul3A_2, %dma_wait3A_217] : memref<10000x128xf32, #tpu.memory_space<vmem_shared>> -> memref<624x128xf32, #tpu.memory_space<vmem_shared>>
        %dma_wait3A_219 = arith.constant 0 : i32
        %dma_wait3A_220 = tpu.memref_slice %arg2[%mul3A_2, %dma_wait3A_219] : memref<10000x128xf32, #tpu.memory_space<hbm>> -> memref<624x128xf32, #tpu.memory_space<hbm>>
        tpu.wait_dma2 semaphore(%run_scoped3A_212 : memref<!tpu.dma_semaphore, #tpu.memory_space<semaphore_mem>>) src(%dma_wait3A_220 : memref<624x128xf32, #tpu.memory_space<hbm>>) dst(%dma_wait3A_218 : memref<624x128xf32, #tpu.memory_space<vmem_shared>>)
        tpu.yield
      }) : () -> ()
      %eq3A_207 = arith.constant 0 : i32
      %eq3A_208 = arith.cmpi eq, %arg1, %eq3A_207 : i32
      %convert_element_type3A_209 = arith.extui %eq3A_208 : i1 to i32
      %cond3A_210 = arith.constant 0 : i32
      %cond3A_211 = arith.cmpi ne, %convert_element_type3A_209, %cond3A_210 : i32
      scf.if %cond3A_211 {
        "tpu.region"() ({
          %run_scoped3A_212 = tpu.sem_alloc : memref<!tpu.dma_semaphore, #tpu.memory_space<semaphore_mem>>
          %dma_start3A_213 = arith.constant 9984 : i32
          %dma_start3A_214 = arith.constant 0 : i32
          %dma_start3A_215 = tpu.memref_slice %arg10[%dma_start3A_213, %dma_start3A_214] : memref<10000x128xf32, #tpu.memory_space<vmem_shared>> -> memref<16x128xf32, #tpu.memory_space<vmem_shared>>
          %dma_start3A_216 = arith.constant 9984 : i32
          %dma_start3A_217 = arith.constant 0 : i32
          %dma_start3A_218 = tpu.memref_slice %arg2[%dma_start3A_216, %dma_start3A_217] : memref<10000x128xf32, #tpu.memory_space<hbm>> -> memref<16x128xf32, #tpu.memory_space<hbm>>
          tpu.enqueue_dma source(%dma_start3A_218 : memref<16x128xf32, #tpu.memory_space<hbm>>) target(%dma_start3A_215 : memref<16x128xf32, #tpu.memory_space<vmem_shared>>) target_semaphore(%run_scoped3A_212 : memref<!tpu.dma_semaphore, #tpu.memory_space<semaphore_mem>>)
          %dma_wait3A_219 = arith.constant 9984 : i32
          %dma_wait3A_220 = arith.constant 0 : i32
          %dma_wait3A_221 = tpu.memref_slice %arg10[%dma_wait3A_219, %dma_wait3A_220] : memref<10000x128xf32, #tpu.memory_space<vmem_shared>> -> memref<16x128xf32, #tpu.memory_space<vmem_shared>>
          %dma_wait3A_222 = arith.constant 9984 : i32
          %dma_wait3A_223 = arith.constant 0 : i32
          %dma_wait3A_224 = tpu.memref_slice %arg2[%dma_wait3A_222, %dma_wait3A_223] : memref<10000x128xf32, #tpu.memory_space<hbm>> -> memref<16x128xf32, #tpu.memory_space<hbm>>
          tpu.wait_dma2 semaphore(%run_scoped3A_212 : memref<!tpu.dma_semaphore, #tpu.memory_space<semaphore_mem>>) src(%dma_wait3A_224 : memref<16x128xf32, #tpu.memory_space<hbm>>) dst(%dma_wait3A_221 : memref<16x128xf32, #tpu.memory_space<vmem_shared>>)
          tpu.yield
        }) : () -> ()
      } else {
      }
    } else {
    }
    %ne3A = arith.constant 0 : i32
    %ne3A_5 = arith.cmpi ne, %arg0, %ne3A : i32
    %convert_element_type3A_6 = arith.extui %ne3A_5 : i1 to i32
    %cond3A_7 = arith.constant 0 : i32
    %cond3A_8 = arith.cmpi ne, %convert_element_type3A_6, %cond3A_7 : i32
    scf.if %cond3A_8 {
      "tpu.region"() ({
        %run_scoped3A_212 = tpu.sem_alloc : memref<!tpu.dma_semaphore, #tpu.memory_space<semaphore_mem>>
        %dma_start3A_213 = arith.constant 0 : i32
        %dma_start3A_214 = tpu.memref_slice %arg10[%mul3A_2, %dma_start3A_213] : memref<10000x128xf32, #tpu.memory_space<vmem_shared>> -> memref<624x128xf32, #tpu.memory_space<vmem_shared>>
        %dma_start3A_215 = arith.constant 0 : i32
        %dma_start3A_216 = tpu.memref_slice %arg5[%mul3A_2, %dma_start3A_215] : memref<10000x128xf32, #tpu.memory_space<hbm>> -> memref<624x128xf32, #tpu.memory_space<hbm>>
        tpu.enqueue_dma source(%dma_start3A_216 : memref<624x128xf32, #tpu.memory_space<hbm>>) target(%dma_start3A_214 : memref<624x128xf32, #tpu.memory_space<vmem_shared>>) target_semaphore(%run_scoped3A_212 : memref<!tpu.dma_semaphore, #tpu.memory_space<semaphore_mem>>)
        %dma_wait3A_217 = arith.constant 0 : i32
        %dma_wait3A_218 = tpu.memref_slice %arg10[%mul3A_2, %dma_wait3A_217] : memref<10000x128xf32, #tpu.memory_space<vmem_shared>> -> memref<624x128xf32, #tpu.memory_space<vmem_shared>>
        %dma_wait3A_219 = arith.constant 0 : i32
        %dma_wait3A_220 = tpu.memref_slice %arg5[%mul3A_2, %dma_wait3A_219] : memref<10000x128xf32, #tpu.memory_space<hbm>> -> memref<624x128xf32, #tpu.memory_space<hbm>>
        tpu.wait_dma2 semaphore(%run_scoped3A_212 : memref<!tpu.dma_semaphore, #tpu.memory_space<semaphore_mem>>) src(%dma_wait3A_220 : memref<624x128xf32, #tpu.memory_space<hbm>>) dst(%dma_wait3A_218 : memref<624x128xf32, #tpu.memory_space<vmem_shared>>)
        tpu.yield
      }) : () -> ()
      %eq3A_207 = arith.constant 0 : i32
      %eq3A_208 = arith.cmpi eq, %arg1, %eq3A_207 : i32
      %convert_element_type3A_209 = arith.extui %eq3A_208 : i1 to i32
      %cond3A_210 = arith.constant 0 : i32
      %cond3A_211 = arith.cmpi ne, %convert_element_type3A_209, %cond3A_210 : i32
      scf.if %cond3A_211 {
        "tpu.region"() ({
          %run_scoped3A_212 = tpu.sem_alloc : memref<!tpu.dma_semaphore, #tpu.memory_space<semaphore_mem>>
          %dma_start3A_213 = arith.constant 9984 : i32
          %dma_start3A_214 = arith.constant 0 : i32
          %dma_start3A_215 = tpu.memref_slice %arg10[%dma_start3A_213, %dma_start3A_214] : memref<10000x128xf32, #tpu.memory_space<vmem_shared>> -> memref<16x128xf32, #tpu.memory_space<vmem_shared>>
          %dma_start3A_216 = arith.constant 9984 : i32
          %dma_start3A_217 = arith.constant 0 : i32
          %dma_start3A_218 = tpu.memref_slice %arg5[%dma_start3A_216, %dma_start3A_217] : memref<10000x128xf32, #tpu.memory_space<hbm>> -> memref<16x128xf32, #tpu.memory_space<hbm>>
          tpu.enqueue_dma source(%dma_start3A_218 : memref<16x128xf32, #tpu.memory_space<hbm>>) target(%dma_start3A_215 : memref<16x128xf32, #tpu.memory_space<vmem_shared>>) target_semaphore(%run_scoped3A_212 : memref<!tpu.dma_semaphore, #tpu.memory_space<semaphore_mem>>)
          %dma_wait3A_219 = arith.constant 9984 : i32
          %dma_wait3A_220 = arith.constant 0 : i32
          %dma_wait3A_221 = tpu.memref_slice %arg10[%dma_wait3A_219, %dma_wait3A_220] : memref<10000x128xf32, #tpu.memory_space<vmem_shared>> -> memref<16x128xf32, #tpu.memory_space<vmem_shared>>
          %dma_wait3A_222 = arith.constant 9984 : i32
          %dma_wait3A_223 = arith.constant 0 : i32
          %dma_wait3A_224 = tpu.memref_slice %arg5[%dma_wait3A_222, %dma_wait3A_223] : memref<10000x128xf32, #tpu.memory_space<hbm>> -> memref<16x128xf32, #tpu.memory_space<hbm>>
          tpu.wait_dma2 semaphore(%run_scoped3A_212 : memref<!tpu.dma_semaphore, #tpu.memory_space<semaphore_mem>>) src(%dma_wait3A_224 : memref<16x128xf32, #tpu.memory_space<hbm>>) dst(%dma_wait3A_221 : memref<16x128xf32, #tpu.memory_space<vmem_shared>>)
          tpu.yield
        }) : () -> ()
      } else {
      }
    } else {
    }
    %barrier3A = arith.constant 0 : index
    tpu.barrier barrier_id(%barrier3A)
    %mul3A_9 = arith.constant 10000 : i32
    %mul3A_10 = arith.muli %add3A, %mul3A_9 : i32
    %add3A_11 = arith.constant 0 : i32
    %add3A_12 = arith.addi %mul3A_10, %add3A_11 : i32
    %dma_start3A = arith.constant 0 : i32
    %dma_start3A_13 = arith.constant 0 : i32
    %dma_start3A_14 = tpu.memref_slice %arg7[%dma_start3A, %dma_start3A_13] : memref<3x80xi32, #tpu.memory_space<vmem>> -> memref<1x80xi32, #tpu.memory_space<vmem>>
    %dma_start3A_15 = tpu.memref_squeeze %dma_start3A_14 : memref<1x80xi32, #tpu.memory_space<vmem>> -> memref<80xi32, #tpu.memory_space<vmem>>
    %dma_start3A_16 = tpu.memref_slice %arg3[%add3A_12] : memref<320000xi32, #tpu.memory_space<hbm>> -> memref<80xi32, #tpu.memory_space<hbm>>
    %dma_start3A_17 = arith.constant 0 : i32
    %dma_start3A_18 = tpu.memref_slice %arg7[%dma_start3A, %dma_start3A_17] : memref<3x80xi32, #tpu.memory_space<vmem>> -> memref<1x80xi32, #tpu.memory_space<vmem>>
    %dma_start3A_19 = tpu.memref_squeeze %dma_start3A_18 : memref<1x80xi32, #tpu.memory_space<vmem>> -> memref<80xi32, #tpu.memory_space<vmem>>
    %dma_start3A_20 = tpu.memref_slice %arg3[%add3A_12] : memref<320000xi32, #tpu.memory_space<hbm>> -> memref<80xi32, #tpu.memory_space<hbm>>
    tpu.enqueue_dma source(%dma_start3A_20 : memref<80xi32, #tpu.memory_space<hbm>>) target(%dma_start3A_19 : memref<80xi32, #tpu.memory_space<vmem>>) target_semaphore(%arg14 : memref<!tpu.dma_semaphore, #tpu.memory_space<semaphore_mem>>)
    %add3A_21 = arith.constant 0 : i32
    %add3A_22 = arith.addi %mul3A_10, %add3A_21 : i32
    %dma_start3A_23 = arith.constant 0 : i32
    %dma_start3A_24 = arith.constant 0 : i32
    %dma_start3A_25 = tpu.memref_slice %arg8[%dma_start3A_23, %dma_start3A_24] : memref<3x80xi32, #tpu.memory_space<vmem>> -> memref<1x80xi32, #tpu.memory_space<vmem>>
    %dma_start3A_26 = tpu.memref_squeeze %dma_start3A_25 : memref<1x80xi32, #tpu.memory_space<vmem>> -> memref<80xi32, #tpu.memory_space<vmem>>
    %dma_start3A_27 = tpu.memref_slice %arg4[%add3A_22] : memref<320000xi32, #tpu.memory_space<hbm>> -> memref<80xi32, #tpu.memory_space<hbm>>
    %dma_start3A_28 = arith.constant 0 : i32
    %dma_start3A_29 = tpu.memref_slice %arg8[%dma_start3A_23, %dma_start3A_28] : memref<3x80xi32, #tpu.memory_space<vmem>> -> memref<1x80xi32, #tpu.memory_space<vmem>>
    %dma_start3A_30 = tpu.memref_squeeze %dma_start3A_29 : memref<1x80xi32, #tpu.memory_space<vmem>> -> memref<80xi32, #tpu.memory_space<vmem>>
    %dma_start3A_31 = tpu.memref_slice %arg4[%add3A_22] : memref<320000xi32, #tpu.memory_space<hbm>> -> memref<80xi32, #tpu.memory_space<hbm>>
    tpu.enqueue_dma source(%dma_start3A_31 : memref<80xi32, #tpu.memory_space<hbm>>) target(%dma_start3A_30 : memref<80xi32, #tpu.memory_space<vmem>>) target_semaphore(%arg17 : memref<!tpu.dma_semaphore, #tpu.memory_space<semaphore_mem>>)
    %add3A_32 = arith.constant 80 : i32
    %add3A_33 = arith.addi %mul3A_10, %add3A_32 : i32
    %dma_start3A_34 = arith.constant 1 : i32
    %dma_start3A_35 = arith.constant 0 : i32
    %dma_start3A_36 = tpu.memref_slice %arg7[%dma_start3A_34, %dma_start3A_35] : memref<3x80xi32, #tpu.memory_space<vmem>> -> memref<1x80xi32, #tpu.memory_space<vmem>>
    %dma_start3A_37 = tpu.memref_squeeze %dma_start3A_36 : memref<1x80xi32, #tpu.memory_space<vmem>> -> memref<80xi32, #tpu.memory_space<vmem>>
    %dma_start3A_38 = tpu.memref_slice %arg3[%add3A_33] : memref<320000xi32, #tpu.memory_space<hbm>> -> memref<80xi32, #tpu.memory_space<hbm>>
    %dma_start3A_39 = arith.constant 0 : i32
    %dma_start3A_40 = tpu.memref_slice %arg7[%dma_start3A_34, %dma_start3A_39] : memref<3x80xi32, #tpu.memory_space<vmem>> -> memref<1x80xi32, #tpu.memory_space<vmem>>
    %dma_start3A_41 = tpu.memref_squeeze %dma_start3A_40 : memref<1x80xi32, #tpu.memory_space<vmem>> -> memref<80xi32, #tpu.memory_space<vmem>>
    %dma_start3A_42 = tpu.memref_slice %arg3[%add3A_33] : memref<320000xi32, #tpu.memory_space<hbm>> -> memref<80xi32, #tpu.memory_space<hbm>>
    tpu.enqueue_dma source(%dma_start3A_42 : memref<80xi32, #tpu.memory_space<hbm>>) target(%dma_start3A_41 : memref<80xi32, #tpu.memory_space<vmem>>) target_semaphore(%arg15 : memref<!tpu.dma_semaphore, #tpu.memory_space<semaphore_mem>>)
    %add3A_43 = arith.constant 80 : i32
    %add3A_44 = arith.addi %mul3A_10, %add3A_43 : i32
    %dma_start3A_45 = arith.constant 1 : i32
    %dma_start3A_46 = arith.constant 0 : i32
    %dma_start3A_47 = tpu.memref_slice %arg8[%dma_start3A_45, %dma_start3A_46] : memref<3x80xi32, #tpu.memory_space<vmem>> -> memref<1x80xi32, #tpu.memory_space<vmem>>
    %dma_start3A_48 = tpu.memref_squeeze %dma_start3A_47 : memref<1x80xi32, #tpu.memory_space<vmem>> -> memref<80xi32, #tpu.memory_space<vmem>>
    %dma_start3A_49 = tpu.memref_slice %arg4[%add3A_44] : memref<320000xi32, #tpu.memory_space<hbm>> -> memref<80xi32, #tpu.memory_space<hbm>>
    %dma_start3A_50 = arith.constant 0 : i32
    %dma_start3A_51 = tpu.memref_slice %arg8[%dma_start3A_45, %dma_start3A_50] : memref<3x80xi32, #tpu.memory_space<vmem>> -> memref<1x80xi32, #tpu.memory_space<vmem>>
    %dma_start3A_52 = tpu.memref_squeeze %dma_start3A_51 : memref<1x80xi32, #tpu.memory_space<vmem>> -> memref<80xi32, #tpu.memory_space<vmem>>
    %dma_start3A_53 = tpu.memref_slice %arg4[%add3A_44] : memref<320000xi32, #tpu.memory_space<hbm>> -> memref<80xi32, #tpu.memory_space<hbm>>
    tpu.enqueue_dma source(%dma_start3A_53 : memref<80xi32, #tpu.memory_space<hbm>>) target(%dma_start3A_52 : memref<80xi32, #tpu.memory_space<vmem>>) target_semaphore(%arg18 : memref<!tpu.dma_semaphore, #tpu.memory_space<semaphore_mem>>)
    %add3A_54 = arith.constant 160 : i32
    %add3A_55 = arith.addi %mul3A_10, %add3A_54 : i32
    %dma_start3A_56 = arith.constant 2 : i32
    %dma_start3A_57 = arith.constant 0 : i32
    %dma_start3A_58 = tpu.memref_slice %arg7[%dma_start3A_56, %dma_start3A_57] : memref<3x80xi32, #tpu.memory_space<vmem>> -> memref<1x80xi32, #tpu.memory_space<vmem>>
    %dma_start3A_59 = tpu.memref_squeeze %dma_start3A_58 : memref<1x80xi32, #tpu.memory_space<vmem>> -> memref<80xi32, #tpu.memory_space<vmem>>
    %dma_start3A_60 = tpu.memref_slice %arg3[%add3A_55] : memref<320000xi32, #tpu.memory_space<hbm>> -> memref<80xi32, #tpu.memory_space<hbm>>
    %dma_start3A_61 = arith.constant 0 : i32
    %dma_start3A_62 = tpu.memref_slice %arg7[%dma_start3A_56, %dma_start3A_61] : memref<3x80xi32, #tpu.memory_space<vmem>> -> memref<1x80xi32, #tpu.memory_space<vmem>>
    %dma_start3A_63 = tpu.memref_squeeze %dma_start3A_62 : memref<1x80xi32, #tpu.memory_space<vmem>> -> memref<80xi32, #tpu.memory_space<vmem>>
    %dma_start3A_64 = tpu.memref_slice %arg3[%add3A_55] : memref<320000xi32, #tpu.memory_space<hbm>> -> memref<80xi32, #tpu.memory_space<hbm>>
    tpu.enqueue_dma source(%dma_start3A_64 : memref<80xi32, #tpu.memory_space<hbm>>) target(%dma_start3A_63 : memref<80xi32, #tpu.memory_space<vmem>>) target_semaphore(%arg16 : memref<!tpu.dma_semaphore, #tpu.memory_space<semaphore_mem>>)
    %add3A_65 = arith.constant 160 : i32
    %add3A_66 = arith.addi %mul3A_10, %add3A_65 : i32
    %dma_start3A_67 = arith.constant 2 : i32
    %dma_start3A_68 = arith.constant 0 : i32
    %dma_start3A_69 = tpu.memref_slice %arg8[%dma_start3A_67, %dma_start3A_68] : memref<3x80xi32, #tpu.memory_space<vmem>> -> memref<1x80xi32, #tpu.memory_space<vmem>>
    %dma_start3A_70 = tpu.memref_squeeze %dma_start3A_69 : memref<1x80xi32, #tpu.memory_space<vmem>> -> memref<80xi32, #tpu.memory_space<vmem>>
    %dma_start3A_71 = tpu.memref_slice %arg4[%add3A_66] : memref<320000xi32, #tpu.memory_space<hbm>> -> memref<80xi32, #tpu.memory_space<hbm>>
    %dma_start3A_72 = arith.constant 0 : i32
    %dma_start3A_73 = tpu.memref_slice %arg8[%dma_start3A_67, %dma_start3A_72] : memref<3x80xi32, #tpu.memory_space<vmem>> -> memref<1x80xi32, #tpu.memory_space<vmem>>
    %dma_start3A_74 = tpu.memref_squeeze %dma_start3A_73 : memref<1x80xi32, #tpu.memory_space<vmem>> -> memref<80xi32, #tpu.memory_space<vmem>>
    %dma_start3A_75 = tpu.memref_slice %arg4[%add3A_66] : memref<320000xi32, #tpu.memory_space<hbm>> -> memref<80xi32, #tpu.memory_space<hbm>>
    tpu.enqueue_dma source(%dma_start3A_75 : memref<80xi32, #tpu.memory_space<hbm>>) target(%dma_start3A_74 : memref<80xi32, #tpu.memory_space<vmem>>) target_semaphore(%arg19 : memref<!tpu.dma_semaphore, #tpu.memory_space<semaphore_mem>>)
    %add3A_76 = arith.constant 0 : i32
    %add3A_77 = arith.addi %mul3A_10, %add3A_76 : i32
    %dma_wait3A = arith.constant 0 : i32
    %dma_wait3A_78 = arith.constant 0 : i32
    %dma_wait3A_79 = tpu.memref_slice %arg7[%dma_wait3A, %dma_wait3A_78] : memref<3x80xi32, #tpu.memory_space<vmem>> -> memref<1x80xi32, #tpu.memory_space<vmem>>
    %dma_wait3A_80 = tpu.memref_squeeze %dma_wait3A_79 : memref<1x80xi32, #tpu.memory_space<vmem>> -> memref<80xi32, #tpu.memory_space<vmem>>
    %dma_wait3A_81 = tpu.memref_slice %arg3[%add3A_77] : memref<320000xi32, #tpu.memory_space<hbm>> -> memref<80xi32, #tpu.memory_space<hbm>>
    %dma_wait3A_82 = arith.constant 0 : i32
    %dma_wait3A_83 = tpu.memref_slice %arg7[%dma_wait3A, %dma_wait3A_82] : memref<3x80xi32, #tpu.memory_space<vmem>> -> memref<1x80xi32, #tpu.memory_space<vmem>>
    %dma_wait3A_84 = tpu.memref_squeeze %dma_wait3A_83 : memref<1x80xi32, #tpu.memory_space<vmem>> -> memref<80xi32, #tpu.memory_space<vmem>>
    %dma_wait3A_85 = tpu.memref_slice %arg3[%add3A_77] : memref<320000xi32, #tpu.memory_space<hbm>> -> memref<80xi32, #tpu.memory_space<hbm>>
    tpu.wait_dma2 semaphore(%arg14 : memref<!tpu.dma_semaphore, #tpu.memory_space<semaphore_mem>>) src(%dma_wait3A_85 : memref<80xi32, #tpu.memory_space<hbm>>) dst(%dma_wait3A_84 : memref<80xi32, #tpu.memory_space<vmem>>)
    %dma_start3A_86 = arith.constant 0 : i32
    %dma_start3A_87 = arith.constant 0 : i32
    %dma_start3A_88 = arith.constant 0 : i32
    %dma_start3A_89 = arith.constant 0 : i32
    %dma_start3A_90 = tpu.memref_slice %arg9[%dma_start3A_87, %dma_start3A_88, %dma_start3A_89] : memref<3x80x128xf32, #tpu.memory_space<vmem>> -> memref<1x80x128xf32, #tpu.memory_space<vmem>>
    %dma_start3A_91 = tpu.memref_squeeze %dma_start3A_90 : memref<1x80x128xf32, #tpu.memory_space<vmem>> -> memref<80x128xf32, #tpu.memory_space<vmem>>
    %dma_start3A_92 = arith.constant 0 : i32
    %dma_start3A_93 = tpu.memref_slice %arg7[%dma_start3A_86, %dma_start3A_92] : memref<3x80xi32, #tpu.memory_space<vmem>> -> memref<1x80xi32, #tpu.memory_space<vmem>>
    %dma_start3A_94 = tpu.memref_squeeze %dma_start3A_93 : memref<1x80xi32, #tpu.memory_space<vmem>> -> memref<80xi32, #tpu.memory_space<vmem>>
    %dma_start3A_95 = arith.constant 0 : i32
    %dma_start3A_96 = arith.constant 0 : i32
    %dma_start3A_97 = tpu.memref_slice %arg2[%dma_start3A_95, %dma_start3A_96] : memref<10000x128xf32, #tpu.memory_space<hbm>> -> memref<10000x128xf32, #tpu.memory_space<hbm>>
    tpu.enqueue_indirect_dma source(%dma_start3A_97 : memref<10000x128xf32, #tpu.memory_space<hbm>>) target(%dma_start3A_91 : memref<80x128xf32, #tpu.memory_space<vmem>>) offsets(%dma_start3A_94 : memref<80xi32, #tpu.memory_space<vmem>>) semaphore(%arg11 : memref<!tpu.dma_semaphore, #tpu.memory_space<semaphore_mem>>)
    %add3A_98 = arith.constant 80 : i32
    %add3A_99 = arith.addi %mul3A_10, %add3A_98 : i32
    %dma_wait3A_100 = arith.constant 1 : i32
    %dma_wait3A_101 = arith.constant 0 : i32
    %dma_wait3A_102 = tpu.memref_slice %arg7[%dma_wait3A_100, %dma_wait3A_101] : memref<3x80xi32, #tpu.memory_space<vmem>> -> memref<1x80xi32, #tpu.memory_space<vmem>>
    %dma_wait3A_103 = tpu.memref_squeeze %dma_wait3A_102 : memref<1x80xi32, #tpu.memory_space<vmem>> -> memref<80xi32, #tpu.memory_space<vmem>>
    %dma_wait3A_104 = tpu.memref_slice %arg3[%add3A_99] : memref<320000xi32, #tpu.memory_space<hbm>> -> memref<80xi32, #tpu.memory_space<hbm>>
    %dma_wait3A_105 = arith.constant 0 : i32
    %dma_wait3A_106 = tpu.memref_slice %arg7[%dma_wait3A_100, %dma_wait3A_105] : memref<3x80xi32, #tpu.memory_space<vmem>> -> memref<1x80xi32, #tpu.memory_space<vmem>>
    %dma_wait3A_107 = tpu.memref_squeeze %dma_wait3A_106 : memref<1x80xi32, #tpu.memory_space<vmem>> -> memref<80xi32, #tpu.memory_space<vmem>>
    %dma_wait3A_108 = tpu.memref_slice %arg3[%add3A_99] : memref<320000xi32, #tpu.memory_space<hbm>> -> memref<80xi32, #tpu.memory_space<hbm>>
    tpu.wait_dma2 semaphore(%arg15 : memref<!tpu.dma_semaphore, #tpu.memory_space<semaphore_mem>>) src(%dma_wait3A_108 : memref<80xi32, #tpu.memory_space<hbm>>) dst(%dma_wait3A_107 : memref<80xi32, #tpu.memory_space<vmem>>)
    %dma_start3A_109 = arith.constant 1 : i32
    %dma_start3A_110 = arith.constant 1 : i32
    %dma_start3A_111 = arith.constant 0 : i32
    %dma_start3A_112 = arith.constant 0 : i32
    %dma_start3A_113 = tpu.memref_slice %arg9[%dma_start3A_110, %dma_start3A_111, %dma_start3A_112] : memref<3x80x128xf32, #tpu.memory_space<vmem>> -> memref<1x80x128xf32, #tpu.memory_space<vmem>>
    %dma_start3A_114 = tpu.memref_squeeze %dma_start3A_113 : memref<1x80x128xf32, #tpu.memory_space<vmem>> -> memref<80x128xf32, #tpu.memory_space<vmem>>
    %dma_start3A_115 = arith.constant 0 : i32
    %dma_start3A_116 = tpu.memref_slice %arg7[%dma_start3A_109, %dma_start3A_115] : memref<3x80xi32, #tpu.memory_space<vmem>> -> memref<1x80xi32, #tpu.memory_space<vmem>>
    %dma_start3A_117 = tpu.memref_squeeze %dma_start3A_116 : memref<1x80xi32, #tpu.memory_space<vmem>> -> memref<80xi32, #tpu.memory_space<vmem>>
    %dma_start3A_118 = arith.constant 0 : i32
    %dma_start3A_119 = arith.constant 0 : i32
    %dma_start3A_120 = tpu.memref_slice %arg2[%dma_start3A_118, %dma_start3A_119] : memref<10000x128xf32, #tpu.memory_space<hbm>> -> memref<10000x128xf32, #tpu.memory_space<hbm>>
    tpu.enqueue_indirect_dma source(%dma_start3A_120 : memref<10000x128xf32, #tpu.memory_space<hbm>>) target(%dma_start3A_114 : memref<80x128xf32, #tpu.memory_space<vmem>>) offsets(%dma_start3A_117 : memref<80xi32, #tpu.memory_space<vmem>>) semaphore(%arg12 : memref<!tpu.dma_semaphore, #tpu.memory_space<semaphore_mem>>)
    %add3A_121 = arith.constant 160 : i32
    %add3A_122 = arith.addi %mul3A_10, %add3A_121 : i32
    %dma_wait3A_123 = arith.constant 2 : i32
    %dma_wait3A_124 = arith.constant 0 : i32
    %dma_wait3A_125 = tpu.memref_slice %arg7[%dma_wait3A_123, %dma_wait3A_124] : memref<3x80xi32, #tpu.memory_space<vmem>> -> memref<1x80xi32, #tpu.memory_space<vmem>>
    %dma_wait3A_126 = tpu.memref_squeeze %dma_wait3A_125 : memref<1x80xi32, #tpu.memory_space<vmem>> -> memref<80xi32, #tpu.memory_space<vmem>>
    %dma_wait3A_127 = tpu.memref_slice %arg3[%add3A_122] : memref<320000xi32, #tpu.memory_space<hbm>> -> memref<80xi32, #tpu.memory_space<hbm>>
    %dma_wait3A_128 = arith.constant 0 : i32
    %dma_wait3A_129 = tpu.memref_slice %arg7[%dma_wait3A_123, %dma_wait3A_128] : memref<3x80xi32, #tpu.memory_space<vmem>> -> memref<1x80xi32, #tpu.memory_space<vmem>>
    %dma_wait3A_130 = tpu.memref_squeeze %dma_wait3A_129 : memref<1x80xi32, #tpu.memory_space<vmem>> -> memref<80xi32, #tpu.memory_space<vmem>>
    %dma_wait3A_131 = tpu.memref_slice %arg3[%add3A_122] : memref<320000xi32, #tpu.memory_space<hbm>> -> memref<80xi32, #tpu.memory_space<hbm>>
    tpu.wait_dma2 semaphore(%arg16 : memref<!tpu.dma_semaphore, #tpu.memory_space<semaphore_mem>>) src(%dma_wait3A_131 : memref<80xi32, #tpu.memory_space<hbm>>) dst(%dma_wait3A_130 : memref<80xi32, #tpu.memory_space<vmem>>)
    %dma_start3A_132 = arith.constant 2 : i32
    %dma_start3A_133 = arith.constant 2 : i32
    %dma_start3A_134 = arith.constant 0 : i32
    %dma_start3A_135 = arith.constant 0 : i32
    %dma_start3A_136 = tpu.memref_slice %arg9[%dma_start3A_133, %dma_start3A_134, %dma_start3A_135] : memref<3x80x128xf32, #tpu.memory_space<vmem>> -> memref<1x80x128xf32, #tpu.memory_space<vmem>>
    %dma_start3A_137 = tpu.memref_squeeze %dma_start3A_136 : memref<1x80x128xf32, #tpu.memory_space<vmem>> -> memref<80x128xf32, #tpu.memory_space<vmem>>
    %dma_start3A_138 = arith.constant 0 : i32
    %dma_start3A_139 = tpu.memref_slice %arg7[%dma_start3A_132, %dma_start3A_138] : memref<3x80xi32, #tpu.memory_space<vmem>> -> memref<1x80xi32, #tpu.memory_space<vmem>>
    %dma_start3A_140 = tpu.memref_squeeze %dma_start3A_139 : memref<1x80xi32, #tpu.memory_space<vmem>> -> memref<80xi32, #tpu.memory_space<vmem>>
    %dma_start3A_141 = arith.constant 0 : i32
    %dma_start3A_142 = arith.constant 0 : i32
    %dma_start3A_143 = tpu.memref_slice %arg2[%dma_start3A_141, %dma_start3A_142] : memref<10000x128xf32, #tpu.memory_space<hbm>> -> memref<10000x128xf32, #tpu.memory_space<hbm>>
    tpu.enqueue_indirect_dma source(%dma_start3A_143 : memref<10000x128xf32, #tpu.memory_space<hbm>>) target(%dma_start3A_137 : memref<80x128xf32, #tpu.memory_space<vmem>>) offsets(%dma_start3A_140 : memref<80xi32, #tpu.memory_space<vmem>>) semaphore(%arg13 : memref<!tpu.dma_semaphore, #tpu.memory_space<semaphore_mem>>)
    %scan3A = arith.constant 0 : i32
    %scan3A_144 = arith.constant 0 : i32
    %scan3A_145 = arith.constant 41 : i32
    %scan3A_146 = arith.addi %scan3A_144, %scan3A_145 : i32
    %scan3A_147 = arith.constant 1 : i32
    scf.for %scan3A_207 = %scan3A_144 to %scan3A_146 step %scan3A_147  : i32 {
      %mul3A_208 = arith.constant 3 : i32
      %mul3A_209 = arith.muli %scan3A_207, %mul3A_208 : i32
      %add3A_210 = arith.constant 0 : i32
      %add3A_211 = arith.addi %mul3A_209, %add3A_210 : i32
      %dma_wait3A_212 = arith.constant 0 : i32
      %dma_wait3A_213 = arith.constant 0 : i32
      %dma_wait3A_214 = arith.constant 0 : i32
      %dma_wait3A_215 = arith.constant 0 : i32
      %dma_wait3A_216 = tpu.memref_slice %arg9[%dma_wait3A_213, %dma_wait3A_214, %dma_wait3A_215] : memref<3x80x128xf32, #tpu.memory_space<vmem>> -> memref<1x80x128xf32, #tpu.memory_space<vmem>>
      %dma_wait3A_217 = tpu.memref_squeeze %dma_wait3A_216 : memref<1x80x128xf32, #tpu.memory_space<vmem>> -> memref<80x128xf32, #tpu.memory_space<vmem>>
      %dma_wait3A_218 = arith.constant 0 : i32
      %dma_wait3A_219 = tpu.memref_slice %arg7[%dma_wait3A_212, %dma_wait3A_218] : memref<3x80xi32, #tpu.memory_space<vmem>> -> memref<1x80xi32, #tpu.memory_space<vmem>>
      %dma_wait3A_220 = tpu.memref_squeeze %dma_wait3A_219 : memref<1x80xi32, #tpu.memory_space<vmem>> -> memref<80xi32, #tpu.memory_space<vmem>>
      %dma_wait3A_221 = arith.constant 0 : i32
      %dma_wait3A_222 = arith.constant 0 : i32
      %dma_wait3A_223 = tpu.memref_slice %arg2[%dma_wait3A_221, %dma_wait3A_222] : memref<10000x128xf32, #tpu.memory_space<hbm>> -> memref<10000x128xf32, #tpu.memory_space<hbm>>
      tpu.wait_indirect_dma semaphore(%arg11 : memref<!tpu.dma_semaphore, #tpu.memory_space<semaphore_mem>>) src(%dma_wait3A_223 : memref<10000x128xf32, #tpu.memory_space<hbm>>) dst(%dma_wait3A_217 : memref<80x128xf32, #tpu.memory_space<vmem>>)
      %add3A_224 = arith.constant 3 : i32
      %add3A_225 = arith.addi %add3A_211, %add3A_224 : i32
      %lt3A = arith.constant 125 : i32
      %lt3A_226 = arith.cmpi slt, %add3A_225, %lt3A : i32
      %convert_element_type3A_227 = arith.extui %lt3A_226 : i1 to i32
      %cond3A_228 = arith.constant 0 : i32
      %cond3A_229 = arith.cmpi ne, %convert_element_type3A_227, %cond3A_228 : i32
      scf.if %cond3A_229 {
        %add3A_339 = arith.constant 3 : i32
        %add3A_340 = arith.addi %add3A_211, %add3A_339 : i32
        %mul3A_341 = arith.constant 80 : i32
        %mul3A_342 = arith.muli %add3A_340, %mul3A_341 : i32
        %add3A_343 = arith.addi %mul3A_10, %mul3A_342 : i32
        %dma_start3A_344 = arith.constant 0 : i32
        %dma_start3A_345 = arith.constant 0 : i32
        %dma_start3A_346 = tpu.memref_slice %arg7[%dma_start3A_344, %dma_start3A_345] : memref<3x80xi32, #tpu.memory_space<vmem>> -> memref<1x80xi32, #tpu.memory_space<vmem>>
        %dma_start3A_347 = tpu.memref_squeeze %dma_start3A_346 : memref<1x80xi32, #tpu.memory_space<vmem>> -> memref<80xi32, #tpu.memory_space<vmem>>
        %dma_start3A_348 = tpu.memref_slice %arg3[%add3A_343] : memref<320000xi32, #tpu.memory_space<hbm>> -> memref<80xi32, #tpu.memory_space<hbm>>
        %dma_start3A_349 = arith.constant 0 : i32
        %dma_start3A_350 = tpu.memref_slice %arg7[%dma_start3A_344, %dma_start3A_349] : memref<3x80xi32, #tpu.memory_space<vmem>> -> memref<1x80xi32, #tpu.memory_space<vmem>>
        %dma_start3A_351 = tpu.memref_squeeze %dma_start3A_350 : memref<1x80xi32, #tpu.memory_space<vmem>> -> memref<80xi32, #tpu.memory_space<vmem>>
        %dma_start3A_352 = tpu.memref_slice %arg3[%add3A_343] : memref<320000xi32, #tpu.memory_space<hbm>> -> memref<80xi32, #tpu.memory_space<hbm>>
        tpu.enqueue_dma source(%dma_start3A_352 : memref<80xi32, #tpu.memory_space<hbm>>) target(%dma_start3A_351 : memref<80xi32, #tpu.memory_space<vmem>>) target_semaphore(%arg14 : memref<!tpu.dma_semaphore, #tpu.memory_space<semaphore_mem>>)
      } else {
      }
      %mul3A_230 = arith.constant 80 : i32
      %mul3A_231 = arith.muli %add3A_211, %mul3A_230 : i32
      %add3A_232 = arith.addi %mul3A_10, %mul3A_231 : i32
      %dma_wait3A_233 = arith.constant 0 : i32
      %dma_wait3A_234 = arith.constant 0 : i32
      %dma_wait3A_235 = tpu.memref_slice %arg8[%dma_wait3A_233, %dma_wait3A_234] : memref<3x80xi32, #tpu.memory_space<vmem>> -> memref<1x80xi32, #tpu.memory_space<vmem>>
      %dma_wait3A_236 = tpu.memref_squeeze %dma_wait3A_235 : memref<1x80xi32, #tpu.memory_space<vmem>> -> memref<80xi32, #tpu.memory_space<vmem>>
      %dma_wait3A_237 = tpu.memref_slice %arg4[%add3A_232] : memref<320000xi32, #tpu.memory_space<hbm>> -> memref<80xi32, #tpu.memory_space<hbm>>
      %dma_wait3A_238 = arith.constant 0 : i32
      %dma_wait3A_239 = tpu.memref_slice %arg8[%dma_wait3A_233, %dma_wait3A_238] : memref<3x80xi32, #tpu.memory_space<vmem>> -> memref<1x80xi32, #tpu.memory_space<vmem>>
      %dma_wait3A_240 = tpu.memref_squeeze %dma_wait3A_239 : memref<1x80xi32, #tpu.memory_space<vmem>> -> memref<80xi32, #tpu.memory_space<vmem>>
      %dma_wait3A_241 = tpu.memref_slice %arg4[%add3A_232] : memref<320000xi32, #tpu.memory_space<hbm>> -> memref<80xi32, #tpu.memory_space<hbm>>
      tpu.wait_dma2 semaphore(%arg17 : memref<!tpu.dma_semaphore, #tpu.memory_space<semaphore_mem>>) src(%dma_wait3A_241 : memref<80xi32, #tpu.memory_space<hbm>>) dst(%dma_wait3A_240 : memref<80xi32, #tpu.memory_space<vmem>>)
      %run_scoped3A_242 = arith.constant 0 : i32
      %run_scoped3A_243 = arith.constant 0 : i32
      "tpu.region"() ({
        %run_scoped3A_339 = tpu.sem_alloc : memref<!tpu.dma_semaphore, #tpu.memory_space<semaphore_mem>>
        %dma_start3A_340 = arith.constant 0 : i32
        %dma_start3A_341 = arith.constant 0 : i32
        %dma_start3A_342 = tpu.memref_slice %arg9[%run_scoped3A_242, %dma_start3A_340, %dma_start3A_341] : memref<3x80x128xf32, #tpu.memory_space<vmem>> -> memref<1x80x128xf32, #tpu.memory_space<vmem>>
        %dma_start3A_343 = tpu.memref_squeeze %dma_start3A_342 : memref<1x80x128xf32, #tpu.memory_space<vmem>> -> memref<80x128xf32, #tpu.memory_space<vmem>>
        %dma_start3A_344 = arith.constant 0 : i32
        %dma_start3A_345 = tpu.memref_slice %arg8[%run_scoped3A_243, %dma_start3A_344] : memref<3x80xi32, #tpu.memory_space<vmem>> -> memref<1x80xi32, #tpu.memory_space<vmem>>
        %dma_start3A_346 = tpu.memref_squeeze %dma_start3A_345 : memref<1x80xi32, #tpu.memory_space<vmem>> -> memref<80xi32, #tpu.memory_space<vmem>>
        %dma_start3A_347 = arith.constant 0 : i32
        %dma_start3A_348 = arith.constant 0 : i32
        %dma_start3A_349 = tpu.memref_slice %arg10[%dma_start3A_347, %dma_start3A_348] : memref<10000x128xf32, #tpu.memory_space<vmem_shared>> -> memref<10000x128xf32, #tpu.memory_space<vmem_shared>>
        tpu.enqueue_indirect_dma source(%dma_start3A_343 : memref<80x128xf32, #tpu.memory_space<vmem>>) target(%dma_start3A_349 : memref<10000x128xf32, #tpu.memory_space<vmem_shared>>) offsets(%dma_start3A_346 : memref<80xi32, #tpu.memory_space<vmem>>) semaphore(%run_scoped3A_339 : memref<!tpu.dma_semaphore, #tpu.memory_space<semaphore_mem>>) {add = true}
        %dma_wait3A_350 = arith.constant 0 : i32
        %dma_wait3A_351 = arith.constant 0 : i32
        %dma_wait3A_352 = tpu.memref_slice %arg9[%run_scoped3A_242, %dma_wait3A_350, %dma_wait3A_351] : memref<3x80x128xf32, #tpu.memory_space<vmem>> -> memref<1x80x128xf32, #tpu.memory_space<vmem>>
        %dma_wait3A_353 = tpu.memref_squeeze %dma_wait3A_352 : memref<1x80x128xf32, #tpu.memory_space<vmem>> -> memref<80x128xf32, #tpu.memory_space<vmem>>
        %dma_wait3A_354 = arith.constant 0 : i32
        %dma_wait3A_355 = tpu.memref_slice %arg8[%run_scoped3A_243, %dma_wait3A_354] : memref<3x80xi32, #tpu.memory_space<vmem>> -> memref<1x80xi32, #tpu.memory_space<vmem>>
        %dma_wait3A_356 = tpu.memref_squeeze %dma_wait3A_355 : memref<1x80xi32, #tpu.memory_space<vmem>> -> memref<80xi32, #tpu.memory_space<vmem>>
        %dma_wait3A_357 = arith.constant 0 : i32
        %dma_wait3A_358 = arith.constant 0 : i32
        %dma_wait3A_359 = tpu.memref_slice %arg10[%dma_wait3A_357, %dma_wait3A_358] : memref<10000x128xf32, #tpu.memory_space<vmem_shared>> -> memref<10000x128xf32, #tpu.memory_space<vmem_shared>>
        tpu.wait_indirect_dma semaphore(%run_scoped3A_339 : memref<!tpu.dma_semaphore, #tpu.memory_space<semaphore_mem>>) src(%dma_wait3A_353 : memref<80x128xf32, #tpu.memory_space<vmem>>) dst(%dma_wait3A_359 : memref<10000x128xf32, #tpu.memory_space<vmem_shared>>)
        tpu.yield
      }) : () -> ()
      %add3A_244 = arith.constant 3 : i32
      %add3A_245 = arith.addi %add3A_211, %add3A_244 : i32
      %lt3A_246 = arith.constant 125 : i32
      %lt3A_247 = arith.cmpi slt, %add3A_245, %lt3A_246 : i32
      %convert_element_type3A_248 = arith.extui %lt3A_247 : i1 to i32
      %cond3A_249 = arith.constant 0 : i32
      %cond3A_250 = arith.cmpi ne, %convert_element_type3A_248, %cond3A_249 : i32
      scf.if %cond3A_250 {
        %add3A_339 = arith.constant 3 : i32
        %add3A_340 = arith.addi %add3A_211, %add3A_339 : i32
        %mul3A_341 = arith.constant 80 : i32
        %mul3A_342 = arith.muli %add3A_340, %mul3A_341 : i32
        %add3A_343 = arith.addi %mul3A_10, %mul3A_342 : i32
        %dma_start3A_344 = arith.constant 0 : i32
        %dma_start3A_345 = arith.constant 0 : i32
        %dma_start3A_346 = tpu.memref_slice %arg8[%dma_start3A_344, %dma_start3A_345] : memref<3x80xi32, #tpu.memory_space<vmem>> -> memref<1x80xi32, #tpu.memory_space<vmem>>
        %dma_start3A_347 = tpu.memref_squeeze %dma_start3A_346 : memref<1x80xi32, #tpu.memory_space<vmem>> -> memref<80xi32, #tpu.memory_space<vmem>>
        %dma_start3A_348 = tpu.memref_slice %arg4[%add3A_343] : memref<320000xi32, #tpu.memory_space<hbm>> -> memref<80xi32, #tpu.memory_space<hbm>>
        %dma_start3A_349 = arith.constant 0 : i32
        %dma_start3A_350 = tpu.memref_slice %arg8[%dma_start3A_344, %dma_start3A_349] : memref<3x80xi32, #tpu.memory_space<vmem>> -> memref<1x80xi32, #tpu.memory_space<vmem>>
        %dma_start3A_351 = tpu.memref_squeeze %dma_start3A_350 : memref<1x80xi32, #tpu.memory_space<vmem>> -> memref<80xi32, #tpu.memory_space<vmem>>
        %dma_start3A_352 = tpu.memref_slice %arg4[%add3A_343] : memref<320000xi32, #tpu.memory_space<hbm>> -> memref<80xi32, #tpu.memory_space<hbm>>
        tpu.enqueue_dma source(%dma_start3A_352 : memref<80xi32, #tpu.memory_space<hbm>>) target(%dma_start3A_351 : memref<80xi32, #tpu.memory_space<vmem>>) target_semaphore(%arg17 : memref<!tpu.dma_semaphore, #tpu.memory_space<semaphore_mem>>)
        %add3A_353 = arith.constant 3 : i32
        %add3A_354 = arith.addi %add3A_211, %add3A_353 : i32
        %mul3A_355 = arith.constant 80 : i32
        %mul3A_356 = arith.muli %add3A_354, %mul3A_355 : i32
        %add3A_357 = arith.addi %mul3A_10, %mul3A_356 : i32
        %dma_wait3A_358 = arith.constant 0 : i32
        %dma_wait3A_359 = arith.constant 0 : i32
        %dma_wait3A_360 = tpu.memref_slice %arg7[%dma_wait3A_358, %dma_wait3A_359] : memref<3x80xi32, #tpu.memory_space<vmem>> -> memref<1x80xi32, #tpu.memory_space<vmem>>
        %dma_wait3A_361 = tpu.memref_squeeze %dma_wait3A_360 : memref<1x80xi32, #tpu.memory_space<vmem>> -> memref<80xi32, #tpu.memory_space<vmem>>
        %dma_wait3A_362 = tpu.memref_slice %arg3[%add3A_357] : memref<320000xi32, #tpu.memory_space<hbm>> -> memref<80xi32, #tpu.memory_space<hbm>>
        %dma_wait3A_363 = arith.constant 0 : i32
        %dma_wait3A_364 = tpu.memref_slice %arg7[%dma_wait3A_358, %dma_wait3A_363] : memref<3x80xi32, #tpu.memory_space<vmem>> -> memref<1x80xi32, #tpu.memory_space<vmem>>
        %dma_wait3A_365 = tpu.memref_squeeze %dma_wait3A_364 : memref<1x80xi32, #tpu.memory_space<vmem>> -> memref<80xi32, #tpu.memory_space<vmem>>
        %dma_wait3A_366 = tpu.memref_slice %arg3[%add3A_357] : memref<320000xi32, #tpu.memory_space<hbm>> -> memref<80xi32, #tpu.memory_space<hbm>>
        tpu.wait_dma2 semaphore(%arg14 : memref<!tpu.dma_semaphore, #tpu.memory_space<semaphore_mem>>) src(%dma_wait3A_366 : memref<80xi32, #tpu.memory_space<hbm>>) dst(%dma_wait3A_365 : memref<80xi32, #tpu.memory_space<vmem>>)
        %dma_start3A_367 = arith.constant 0 : i32
        %dma_start3A_368 = arith.constant 0 : i32
        %dma_start3A_369 = arith.constant 0 : i32
        %dma_start3A_370 = arith.constant 0 : i32
        %dma_start3A_371 = tpu.memref_slice %arg9[%dma_start3A_368, %dma_start3A_369, %dma_start3A_370] : memref<3x80x128xf32, #tpu.memory_space<vmem>> -> memref<1x80x128xf32, #tpu.memory_space<vmem>>
        %dma_start3A_372 = tpu.memref_squeeze %dma_start3A_371 : memref<1x80x128xf32, #tpu.memory_space<vmem>> -> memref<80x128xf32, #tpu.memory_space<vmem>>
        %dma_start3A_373 = arith.constant 0 : i32
        %dma_start3A_374 = tpu.memref_slice %arg7[%dma_start3A_367, %dma_start3A_373] : memref<3x80xi32, #tpu.memory_space<vmem>> -> memref<1x80xi32, #tpu.memory_space<vmem>>
        %dma_start3A_375 = tpu.memref_squeeze %dma_start3A_374 : memref<1x80xi32, #tpu.memory_space<vmem>> -> memref<80xi32, #tpu.memory_space<vmem>>
        %dma_start3A_376 = arith.constant 0 : i32
        %dma_start3A_377 = arith.constant 0 : i32
        %dma_start3A_378 = tpu.memref_slice %arg2[%dma_start3A_376, %dma_start3A_377] : memref<10000x128xf32, #tpu.memory_space<hbm>> -> memref<10000x128xf32, #tpu.memory_space<hbm>>
        tpu.enqueue_indirect_dma source(%dma_start3A_378 : memref<10000x128xf32, #tpu.memory_space<hbm>>) target(%dma_start3A_372 : memref<80x128xf32, #tpu.memory_space<vmem>>) offsets(%dma_start3A_375 : memref<80xi32, #tpu.memory_space<vmem>>) semaphore(%arg11 : memref<!tpu.dma_semaphore, #tpu.memory_space<semaphore_mem>>)
      } else {
      }
      %mul3A_251 = arith.constant 3 : i32
      %mul3A_252 = arith.muli %scan3A_207, %mul3A_251 : i32
      %add3A_253 = arith.constant 1 : i32
      %add3A_254 = arith.addi %mul3A_252, %add3A_253 : i32
      %dma_wait3A_255 = arith.constant 1 : i32
      %dma_wait3A_256 = arith.constant 1 : i32
      %dma_wait3A_257 = arith.constant 0 : i32
      %dma_wait3A_258 = arith.constant 0 : i32
      %dma_wait3A_259 = tpu.memref_slice %arg9[%dma_wait3A_256, %dma_wait3A_257, %dma_wait3A_258] : memref<3x80x128xf32, #tpu.memory_space<vmem>> -> memref<1x80x128xf32, #tpu.memory_space<vmem>>
      %dma_wait3A_260 = tpu.memref_squeeze %dma_wait3A_259 : memref<1x80x128xf32, #tpu.memory_space<vmem>> -> memref<80x128xf32, #tpu.memory_space<vmem>>
      %dma_wait3A_261 = arith.constant 0 : i32
      %dma_wait3A_262 = tpu.memref_slice %arg7[%dma_wait3A_255, %dma_wait3A_261] : memref<3x80xi32, #tpu.memory_space<vmem>> -> memref<1x80xi32, #tpu.memory_space<vmem>>
      %dma_wait3A_263 = tpu.memref_squeeze %dma_wait3A_262 : memref<1x80xi32, #tpu.memory_space<vmem>> -> memref<80xi32, #tpu.memory_space<vmem>>
      %dma_wait3A_264 = arith.constant 0 : i32
      %dma_wait3A_265 = arith.constant 0 : i32
      %dma_wait3A_266 = tpu.memref_slice %arg2[%dma_wait3A_264, %dma_wait3A_265] : memref<10000x128xf32, #tpu.memory_space<hbm>> -> memref<10000x128xf32, #tpu.memory_space<hbm>>
      tpu.wait_indirect_dma semaphore(%arg12 : memref<!tpu.dma_semaphore, #tpu.memory_space<semaphore_mem>>) src(%dma_wait3A_266 : memref<10000x128xf32, #tpu.memory_space<hbm>>) dst(%dma_wait3A_260 : memref<80x128xf32, #tpu.memory_space<vmem>>)
      %add3A_267 = arith.constant 3 : i32
      %add3A_268 = arith.addi %add3A_254, %add3A_267 : i32
      %lt3A_269 = arith.constant 125 : i32
      %lt3A_270 = arith.cmpi slt, %add3A_268, %lt3A_269 : i32
      %convert_element_type3A_271 = arith.extui %lt3A_270 : i1 to i32
      %cond3A_272 = arith.constant 0 : i32
      %cond3A_273 = arith.cmpi ne, %convert_element_type3A_271, %cond3A_272 : i32
      scf.if %cond3A_273 {
        %add3A_339 = arith.constant 3 : i32
        %add3A_340 = arith.addi %add3A_254, %add3A_339 : i32
        %mul3A_341 = arith.constant 80 : i32
        %mul3A_342 = arith.muli %add3A_340, %mul3A_341 : i32
        %add3A_343 = arith.addi %mul3A_10, %mul3A_342 : i32
        %dma_start3A_344 = arith.constant 1 : i32
        %dma_start3A_345 = arith.constant 0 : i32
        %dma_start3A_346 = tpu.memref_slice %arg7[%dma_start3A_344, %dma_start3A_345] : memref<3x80xi32, #tpu.memory_space<vmem>> -> memref<1x80xi32, #tpu.memory_space<vmem>>
        %dma_start3A_347 = tpu.memref_squeeze %dma_start3A_346 : memref<1x80xi32, #tpu.memory_space<vmem>> -> memref<80xi32, #tpu.memory_space<vmem>>
        %dma_start3A_348 = tpu.memref_slice %arg3[%add3A_343] : memref<320000xi32, #tpu.memory_space<hbm>> -> memref<80xi32, #tpu.memory_space<hbm>>
        %dma_start3A_349 = arith.constant 0 : i32
        %dma_start3A_350 = tpu.memref_slice %arg7[%dma_start3A_344, %dma_start3A_349] : memref<3x80xi32, #tpu.memory_space<vmem>> -> memref<1x80xi32, #tpu.memory_space<vmem>>
        %dma_start3A_351 = tpu.memref_squeeze %dma_start3A_350 : memref<1x80xi32, #tpu.memory_space<vmem>> -> memref<80xi32, #tpu.memory_space<vmem>>
        %dma_start3A_352 = tpu.memref_slice %arg3[%add3A_343] : memref<320000xi32, #tpu.memory_space<hbm>> -> memref<80xi32, #tpu.memory_space<hbm>>
        tpu.enqueue_dma source(%dma_start3A_352 : memref<80xi32, #tpu.memory_space<hbm>>) target(%dma_start3A_351 : memref<80xi32, #tpu.memory_space<vmem>>) target_semaphore(%arg15 : memref<!tpu.dma_semaphore, #tpu.memory_space<semaphore_mem>>)
      } else {
      }
      %mul3A_274 = arith.constant 80 : i32
      %mul3A_275 = arith.muli %add3A_254, %mul3A_274 : i32
      %add3A_276 = arith.addi %mul3A_10, %mul3A_275 : i32
      %dma_wait3A_277 = arith.constant 1 : i32
      %dma_wait3A_278 = arith.constant 0 : i32
      %dma_wait3A_279 = tpu.memref_slice %arg8[%dma_wait3A_277, %dma_wait3A_278] : memref<3x80xi32, #tpu.memory_space<vmem>> -> memref<1x80xi32, #tpu.memory_space<vmem>>
      %dma_wait3A_280 = tpu.memref_squeeze %dma_wait3A_279 : memref<1x80xi32, #tpu.memory_space<vmem>> -> memref<80xi32, #tpu.memory_space<vmem>>
      %dma_wait3A_281 = tpu.memref_slice %arg4[%add3A_276] : memref<320000xi32, #tpu.memory_space<hbm>> -> memref<80xi32, #tpu.memory_space<hbm>>
      %dma_wait3A_282 = arith.constant 0 : i32
      %dma_wait3A_283 = tpu.memref_slice %arg8[%dma_wait3A_277, %dma_wait3A_282] : memref<3x80xi32, #tpu.memory_space<vmem>> -> memref<1x80xi32, #tpu.memory_space<vmem>>
      %dma_wait3A_284 = tpu.memref_squeeze %dma_wait3A_283 : memref<1x80xi32, #tpu.memory_space<vmem>> -> memref<80xi32, #tpu.memory_space<vmem>>
      %dma_wait3A_285 = tpu.memref_slice %arg4[%add3A_276] : memref<320000xi32, #tpu.memory_space<hbm>> -> memref<80xi32, #tpu.memory_space<hbm>>
      tpu.wait_dma2 semaphore(%arg18 : memref<!tpu.dma_semaphore, #tpu.memory_space<semaphore_mem>>) src(%dma_wait3A_285 : memref<80xi32, #tpu.memory_space<hbm>>) dst(%dma_wait3A_284 : memref<80xi32, #tpu.memory_space<vmem>>)
      %run_scoped3A_286 = arith.constant 1 : i32
      %run_scoped3A_287 = arith.constant 1 : i32
      "tpu.region"() ({
        %run_scoped3A_339 = tpu.sem_alloc : memref<!tpu.dma_semaphore, #tpu.memory_space<semaphore_mem>>
        %dma_start3A_340 = arith.constant 0 : i32
        %dma_start3A_341 = arith.constant 0 : i32
        %dma_start3A_342 = tpu.memref_slice %arg9[%run_scoped3A_286, %dma_start3A_340, %dma_start3A_341] : memref<3x80x128xf32, #tpu.memory_space<vmem>> -> memref<1x80x128xf32, #tpu.memory_space<vmem>>
        %dma_start3A_343 = tpu.memref_squeeze %dma_start3A_342 : memref<1x80x128xf32, #tpu.memory_space<vmem>> -> memref<80x128xf32, #tpu.memory_space<vmem>>
        %dma_start3A_344 = arith.constant 0 : i32
        %dma_start3A_345 = tpu.memref_slice %arg8[%run_scoped3A_287, %dma_start3A_344] : memref<3x80xi32, #tpu.memory_space<vmem>> -> memref<1x80xi32, #tpu.memory_space<vmem>>
        %dma_start3A_346 = tpu.memref_squeeze %dma_start3A_345 : memref<1x80xi32, #tpu.memory_space<vmem>> -> memref<80xi32, #tpu.memory_space<vmem>>
        %dma_start3A_347 = arith.constant 0 : i32
        %dma_start3A_348 = arith.constant 0 : i32
        %dma_start3A_349 = tpu.memref_slice %arg10[%dma_start3A_347, %dma_start3A_348] : memref<10000x128xf32, #tpu.memory_space<vmem_shared>> -> memref<10000x128xf32, #tpu.memory_space<vmem_shared>>
        tpu.enqueue_indirect_dma source(%dma_start3A_343 : memref<80x128xf32, #tpu.memory_space<vmem>>) target(%dma_start3A_349 : memref<10000x128xf32, #tpu.memory_space<vmem_shared>>) offsets(%dma_start3A_346 : memref<80xi32, #tpu.memory_space<vmem>>) semaphore(%run_scoped3A_339 : memref<!tpu.dma_semaphore, #tpu.memory_space<semaphore_mem>>) {add = true}
        %dma_wait3A_350 = arith.constant 0 : i32
        %dma_wait3A_351 = arith.constant 0 : i32
        %dma_wait3A_352 = tpu.memref_slice %arg9[%run_scoped3A_286, %dma_wait3A_350, %dma_wait3A_351] : memref<3x80x128xf32, #tpu.memory_space<vmem>> -> memref<1x80x128xf32, #tpu.memory_space<vmem>>
        %dma_wait3A_353 = tpu.memref_squeeze %dma_wait3A_352 : memref<1x80x128xf32, #tpu.memory_space<vmem>> -> memref<80x128xf32, #tpu.memory_space<vmem>>
        %dma_wait3A_354 = arith.constant 0 : i32
        %dma_wait3A_355 = tpu.memref_slice %arg8[%run_scoped3A_287, %dma_wait3A_354] : memref<3x80xi32, #tpu.memory_space<vmem>> -> memref<1x80xi32, #tpu.memory_space<vmem>>
        %dma_wait3A_356 = tpu.memref_squeeze %dma_wait3A_355 : memref<1x80xi32, #tpu.memory_space<vmem>> -> memref<80xi32, #tpu.memory_space<vmem>>
        %dma_wait3A_357 = arith.constant 0 : i32
        %dma_wait3A_358 = arith.constant 0 : i32
        %dma_wait3A_359 = tpu.memref_slice %arg10[%dma_wait3A_357, %dma_wait3A_358] : memref<10000x128xf32, #tpu.memory_space<vmem_shared>> -> memref<10000x128xf32, #tpu.memory_space<vmem_shared>>
        tpu.wait_indirect_dma semaphore(%run_scoped3A_339 : memref<!tpu.dma_semaphore, #tpu.memory_space<semaphore_mem>>) src(%dma_wait3A_353 : memref<80x128xf32, #tpu.memory_space<vmem>>) dst(%dma_wait3A_359 : memref<10000x128xf32, #tpu.memory_space<vmem_shared>>)
        tpu.yield
      }) : () -> ()
      %add3A_288 = arith.constant 3 : i32
      %add3A_289 = arith.addi %add3A_254, %add3A_288 : i32
      %lt3A_290 = arith.constant 125 : i32
      %lt3A_291 = arith.cmpi slt, %add3A_289, %lt3A_290 : i32
      %convert_element_type3A_292 = arith.extui %lt3A_291 : i1 to i32
      %cond3A_293 = arith.constant 0 : i32
      %cond3A_294 = arith.cmpi ne, %convert_element_type3A_292, %cond3A_293 : i32
      scf.if %cond3A_294 {
        %add3A_339 = arith.constant 3 : i32
        %add3A_340 = arith.addi %add3A_254, %add3A_339 : i32
        %mul3A_341 = arith.constant 80 : i32
        %mul3A_342 = arith.muli %add3A_340, %mul3A_341 : i32
        %add3A_343 = arith.addi %mul3A_10, %mul3A_342 : i32
        %dma_start3A_344 = arith.constant 1 : i32
        %dma_start3A_345 = arith.constant 0 : i32
        %dma_start3A_346 = tpu.memref_slice %arg8[%dma_start3A_344, %dma_start3A_345] : memref<3x80xi32, #tpu.memory_space<vmem>> -> memref<1x80xi32, #tpu.memory_space<vmem>>
        %dma_start3A_347 = tpu.memref_squeeze %dma_start3A_346 : memref<1x80xi32, #tpu.memory_space<vmem>> -> memref<80xi32, #tpu.memory_space<vmem>>
        %dma_start3A_348 = tpu.memref_slice %arg4[%add3A_343] : memref<320000xi32, #tpu.memory_space<hbm>> -> memref<80xi32, #tpu.memory_space<hbm>>
        %dma_start3A_349 = arith.constant 0 : i32
        %dma_start3A_350 = tpu.memref_slice %arg8[%dma_start3A_344, %dma_start3A_349] : memref<3x80xi32, #tpu.memory_space<vmem>> -> memref<1x80xi32, #tpu.memory_space<vmem>>
        %dma_start3A_351 = tpu.memref_squeeze %dma_start3A_350 : memref<1x80xi32, #tpu.memory_space<vmem>> -> memref<80xi32, #tpu.memory_space<vmem>>
        %dma_start3A_352 = tpu.memref_slice %arg4[%add3A_343] : memref<320000xi32, #tpu.memory_space<hbm>> -> memref<80xi32, #tpu.memory_space<hbm>>
        tpu.enqueue_dma source(%dma_start3A_352 : memref<80xi32, #tpu.memory_space<hbm>>) target(%dma_start3A_351 : memref<80xi32, #tpu.memory_space<vmem>>) target_semaphore(%arg18 : memref<!tpu.dma_semaphore, #tpu.memory_space<semaphore_mem>>)
        %add3A_353 = arith.constant 3 : i32
        %add3A_354 = arith.addi %add3A_254, %add3A_353 : i32
        %mul3A_355 = arith.constant 80 : i32
        %mul3A_356 = arith.muli %add3A_354, %mul3A_355 : i32
        %add3A_357 = arith.addi %mul3A_10, %mul3A_356 : i32
        %dma_wait3A_358 = arith.constant 1 : i32
        %dma_wait3A_359 = arith.constant 0 : i32
        %dma_wait3A_360 = tpu.memref_slice %arg7[%dma_wait3A_358, %dma_wait3A_359] : memref<3x80xi32, #tpu.memory_space<vmem>> -> memref<1x80xi32, #tpu.memory_space<vmem>>
        %dma_wait3A_361 = tpu.memref_squeeze %dma_wait3A_360 : memref<1x80xi32, #tpu.memory_space<vmem>> -> memref<80xi32, #tpu.memory_space<vmem>>
        %dma_wait3A_362 = tpu.memref_slice %arg3[%add3A_357] : memref<320000xi32, #tpu.memory_space<hbm>> -> memref<80xi32, #tpu.memory_space<hbm>>
        %dma_wait3A_363 = arith.constant 0 : i32
        %dma_wait3A_364 = tpu.memref_slice %arg7[%dma_wait3A_358, %dma_wait3A_363] : memref<3x80xi32, #tpu.memory_space<vmem>> -> memref<1x80xi32, #tpu.memory_space<vmem>>
        %dma_wait3A_365 = tpu.memref_squeeze %dma_wait3A_364 : memref<1x80xi32, #tpu.memory_space<vmem>> -> memref<80xi32, #tpu.memory_space<vmem>>
        %dma_wait3A_366 = tpu.memref_slice %arg3[%add3A_357] : memref<320000xi32, #tpu.memory_space<hbm>> -> memref<80xi32, #tpu.memory_space<hbm>>
        tpu.wait_dma2 semaphore(%arg15 : memref<!tpu.dma_semaphore, #tpu.memory_space<semaphore_mem>>) src(%dma_wait3A_366 : memref<80xi32, #tpu.memory_space<hbm>>) dst(%dma_wait3A_365 : memref<80xi32, #tpu.memory_space<vmem>>)
        %dma_start3A_367 = arith.constant 1 : i32
        %dma_start3A_368 = arith.constant 1 : i32
        %dma_start3A_369 = arith.constant 0 : i32
        %dma_start3A_370 = arith.constant 0 : i32
        %dma_start3A_371 = tpu.memref_slice %arg9[%dma_start3A_368, %dma_start3A_369, %dma_start3A_370] : memref<3x80x128xf32, #tpu.memory_space<vmem>> -> memref<1x80x128xf32, #tpu.memory_space<vmem>>
        %dma_start3A_372 = tpu.memref_squeeze %dma_start3A_371 : memref<1x80x128xf32, #tpu.memory_space<vmem>> -> memref<80x128xf32, #tpu.memory_space<vmem>>
        %dma_start3A_373 = arith.constant 0 : i32
        %dma_start3A_374 = tpu.memref_slice %arg7[%dma_start3A_367, %dma_start3A_373] : memref<3x80xi32, #tpu.memory_space<vmem>> -> memref<1x80xi32, #tpu.memory_space<vmem>>
        %dma_start3A_375 = tpu.memref_squeeze %dma_start3A_374 : memref<1x80xi32, #tpu.memory_space<vmem>> -> memref<80xi32, #tpu.memory_space<vmem>>
        %dma_start3A_376 = arith.constant 0 : i32
        %dma_start3A_377 = arith.constant 0 : i32
        %dma_start3A_378 = tpu.memref_slice %arg2[%dma_start3A_376, %dma_start3A_377] : memref<10000x128xf32, #tpu.memory_space<hbm>> -> memref<10000x128xf32, #tpu.memory_space<hbm>>
        tpu.enqueue_indirect_dma source(%dma_start3A_378 : memref<10000x128xf32, #tpu.memory_space<hbm>>) target(%dma_start3A_372 : memref<80x128xf32, #tpu.memory_space<vmem>>) offsets(%dma_start3A_375 : memref<80xi32, #tpu.memory_space<vmem>>) semaphore(%arg12 : memref<!tpu.dma_semaphore, #tpu.memory_space<semaphore_mem>>)
      } else {
      }
      %mul3A_295 = arith.constant 3 : i32
      %mul3A_296 = arith.muli %scan3A_207, %mul3A_295 : i32
      %add3A_297 = arith.constant 2 : i32
      %add3A_298 = arith.addi %mul3A_296, %add3A_297 : i32
      %dma_wait3A_299 = arith.constant 2 : i32
      %dma_wait3A_300 = arith.constant 2 : i32
      %dma_wait3A_301 = arith.constant 0 : i32
      %dma_wait3A_302 = arith.constant 0 : i32
      %dma_wait3A_303 = tpu.memref_slice %arg9[%dma_wait3A_300, %dma_wait3A_301, %dma_wait3A_302] : memref<3x80x128xf32, #tpu.memory_space<vmem>> -> memref<1x80x128xf32, #tpu.memory_space<vmem>>
      %dma_wait3A_304 = tpu.memref_squeeze %dma_wait3A_303 : memref<1x80x128xf32, #tpu.memory_space<vmem>> -> memref<80x128xf32, #tpu.memory_space<vmem>>
      %dma_wait3A_305 = arith.constant 0 : i32
      %dma_wait3A_306 = tpu.memref_slice %arg7[%dma_wait3A_299, %dma_wait3A_305] : memref<3x80xi32, #tpu.memory_space<vmem>> -> memref<1x80xi32, #tpu.memory_space<vmem>>
      %dma_wait3A_307 = tpu.memref_squeeze %dma_wait3A_306 : memref<1x80xi32, #tpu.memory_space<vmem>> -> memref<80xi32, #tpu.memory_space<vmem>>
      %dma_wait3A_308 = arith.constant 0 : i32
      %dma_wait3A_309 = arith.constant 0 : i32
      %dma_wait3A_310 = tpu.memref_slice %arg2[%dma_wait3A_308, %dma_wait3A_309] : memref<10000x128xf32, #tpu.memory_space<hbm>> -> memref<10000x128xf32, #tpu.memory_space<hbm>>
      tpu.wait_indirect_dma semaphore(%arg13 : memref<!tpu.dma_semaphore, #tpu.memory_space<semaphore_mem>>) src(%dma_wait3A_310 : memref<10000x128xf32, #tpu.memory_space<hbm>>) dst(%dma_wait3A_304 : memref<80x128xf32, #tpu.memory_space<vmem>>)
      %add3A_311 = arith.constant 3 : i32
      %add3A_312 = arith.addi %add3A_298, %add3A_311 : i32
      %lt3A_313 = arith.constant 125 : i32
      %lt3A_314 = arith.cmpi slt, %add3A_312, %lt3A_313 : i32
      %convert_element_type3A_315 = arith.extui %lt3A_314 : i1 to i32
      %cond3A_316 = arith.constant 0 : i32
      %cond3A_317 = arith.cmpi ne, %convert_element_type3A_315, %cond3A_316 : i32
      scf.if %cond3A_317 {
        %add3A_339 = arith.constant 3 : i32
        %add3A_340 = arith.addi %add3A_298, %add3A_339 : i32
        %mul3A_341 = arith.constant 80 : i32
        %mul3A_342 = arith.muli %add3A_340, %mul3A_341 : i32
        %add3A_343 = arith.addi %mul3A_10, %mul3A_342 : i32
        %dma_start3A_344 = arith.constant 2 : i32
        %dma_start3A_345 = arith.constant 0 : i32
        %dma_start3A_346 = tpu.memref_slice %arg7[%dma_start3A_344, %dma_start3A_345] : memref<3x80xi32, #tpu.memory_space<vmem>> -> memref<1x80xi32, #tpu.memory_space<vmem>>
        %dma_start3A_347 = tpu.memref_squeeze %dma_start3A_346 : memref<1x80xi32, #tpu.memory_space<vmem>> -> memref<80xi32, #tpu.memory_space<vmem>>
        %dma_start3A_348 = tpu.memref_slice %arg3[%add3A_343] : memref<320000xi32, #tpu.memory_space<hbm>> -> memref<80xi32, #tpu.memory_space<hbm>>
        %dma_start3A_349 = arith.constant 0 : i32
        %dma_start3A_350 = tpu.memref_slice %arg7[%dma_start3A_344, %dma_start3A_349] : memref<3x80xi32, #tpu.memory_space<vmem>> -> memref<1x80xi32, #tpu.memory_space<vmem>>
        %dma_start3A_351 = tpu.memref_squeeze %dma_start3A_350 : memref<1x80xi32, #tpu.memory_space<vmem>> -> memref<80xi32, #tpu.memory_space<vmem>>
        %dma_start3A_352 = tpu.memref_slice %arg3[%add3A_343] : memref<320000xi32, #tpu.memory_space<hbm>> -> memref<80xi32, #tpu.memory_space<hbm>>
        tpu.enqueue_dma source(%dma_start3A_352 : memref<80xi32, #tpu.memory_space<hbm>>) target(%dma_start3A_351 : memref<80xi32, #tpu.memory_space<vmem>>) target_semaphore(%arg16 : memref<!tpu.dma_semaphore, #tpu.memory_space<semaphore_mem>>)
      } else {
      }
      %mul3A_318 = arith.constant 80 : i32
      %mul3A_319 = arith.muli %add3A_298, %mul3A_318 : i32
      %add3A_320 = arith.addi %mul3A_10, %mul3A_319 : i32
      %dma_wait3A_321 = arith.constant 2 : i32
      %dma_wait3A_322 = arith.constant 0 : i32
      %dma_wait3A_323 = tpu.memref_slice %arg8[%dma_wait3A_321, %dma_wait3A_322] : memref<3x80xi32, #tpu.memory_space<vmem>> -> memref<1x80xi32, #tpu.memory_space<vmem>>
      %dma_wait3A_324 = tpu.memref_squeeze %dma_wait3A_323 : memref<1x80xi32, #tpu.memory_space<vmem>> -> memref<80xi32, #tpu.memory_space<vmem>>
      %dma_wait3A_325 = tpu.memref_slice %arg4[%add3A_320] : memref<320000xi32, #tpu.memory_space<hbm>> -> memref<80xi32, #tpu.memory_space<hbm>>
      %dma_wait3A_326 = arith.constant 0 : i32
      %dma_wait3A_327 = tpu.memref_slice %arg8[%dma_wait3A_321, %dma_wait3A_326] : memref<3x80xi32, #tpu.memory_space<vmem>> -> memref<1x80xi32, #tpu.memory_space<vmem>>
      %dma_wait3A_328 = tpu.memref_squeeze %dma_wait3A_327 : memref<1x80xi32, #tpu.memory_space<vmem>> -> memref<80xi32, #tpu.memory_space<vmem>>
      %dma_wait3A_329 = tpu.memref_slice %arg4[%add3A_320] : memref<320000xi32, #tpu.memory_space<hbm>> -> memref<80xi32, #tpu.memory_space<hbm>>
      tpu.wait_dma2 semaphore(%arg19 : memref<!tpu.dma_semaphore, #tpu.memory_space<semaphore_mem>>) src(%dma_wait3A_329 : memref<80xi32, #tpu.memory_space<hbm>>) dst(%dma_wait3A_328 : memref<80xi32, #tpu.memory_space<vmem>>)
      %run_scoped3A_330 = arith.constant 2 : i32
      %run_scoped3A_331 = arith.constant 2 : i32
      "tpu.region"() ({
        %run_scoped3A_339 = tpu.sem_alloc : memref<!tpu.dma_semaphore, #tpu.memory_space<semaphore_mem>>
        %dma_start3A_340 = arith.constant 0 : i32
        %dma_start3A_341 = arith.constant 0 : i32
        %dma_start3A_342 = tpu.memref_slice %arg9[%run_scoped3A_330, %dma_start3A_340, %dma_start3A_341] : memref<3x80x128xf32, #tpu.memory_space<vmem>> -> memref<1x80x128xf32, #tpu.memory_space<vmem>>
        %dma_start3A_343 = tpu.memref_squeeze %dma_start3A_342 : memref<1x80x128xf32, #tpu.memory_space<vmem>> -> memref<80x128xf32, #tpu.memory_space<vmem>>
        %dma_start3A_344 = arith.constant 0 : i32
        %dma_start3A_345 = tpu.memref_slice %arg8[%run_scoped3A_331, %dma_start3A_344] : memref<3x80xi32, #tpu.memory_space<vmem>> -> memref<1x80xi32, #tpu.memory_space<vmem>>
        %dma_start3A_346 = tpu.memref_squeeze %dma_start3A_345 : memref<1x80xi32, #tpu.memory_space<vmem>> -> memref<80xi32, #tpu.memory_space<vmem>>
        %dma_start3A_347 = arith.constant 0 : i32
        %dma_start3A_348 = arith.constant 0 : i32
        %dma_start3A_349 = tpu.memref_slice %arg10[%dma_start3A_347, %dma_start3A_348] : memref<10000x128xf32, #tpu.memory_space<vmem_shared>> -> memref<10000x128xf32, #tpu.memory_space<vmem_shared>>
        tpu.enqueue_indirect_dma source(%dma_start3A_343 : memref<80x128xf32, #tpu.memory_space<vmem>>) target(%dma_start3A_349 : memref<10000x128xf32, #tpu.memory_space<vmem_shared>>) offsets(%dma_start3A_346 : memref<80xi32, #tpu.memory_space<vmem>>) semaphore(%run_scoped3A_339 : memref<!tpu.dma_semaphore, #tpu.memory_space<semaphore_mem>>) {add = true}
        %dma_wait3A_350 = arith.constant 0 : i32
        %dma_wait3A_351 = arith.constant 0 : i32
        %dma_wait3A_352 = tpu.memref_slice %arg9[%run_scoped3A_330, %dma_wait3A_350, %dma_wait3A_351] : memref<3x80x128xf32, #tpu.memory_space<vmem>> -> memref<1x80x128xf32, #tpu.memory_space<vmem>>
        %dma_wait3A_353 = tpu.memref_squeeze %dma_wait3A_352 : memref<1x80x128xf32, #tpu.memory_space<vmem>> -> memref<80x128xf32, #tpu.memory_space<vmem>>
        %dma_wait3A_354 = arith.constant 0 : i32
        %dma_wait3A_355 = tpu.memref_slice %arg8[%run_scoped3A_331, %dma_wait3A_354] : memref<3x80xi32, #tpu.memory_space<vmem>> -> memref<1x80xi32, #tpu.memory_space<vmem>>
        %dma_wait3A_356 = tpu.memref_squeeze %dma_wait3A_355 : memref<1x80xi32, #tpu.memory_space<vmem>> -> memref<80xi32, #tpu.memory_space<vmem>>
        %dma_wait3A_357 = arith.constant 0 : i32
        %dma_wait3A_358 = arith.constant 0 : i32
        %dma_wait3A_359 = tpu.memref_slice %arg10[%dma_wait3A_357, %dma_wait3A_358] : memref<10000x128xf32, #tpu.memory_space<vmem_shared>> -> memref<10000x128xf32, #tpu.memory_space<vmem_shared>>
        tpu.wait_indirect_dma semaphore(%run_scoped3A_339 : memref<!tpu.dma_semaphore, #tpu.memory_space<semaphore_mem>>) src(%dma_wait3A_353 : memref<80x128xf32, #tpu.memory_space<vmem>>) dst(%dma_wait3A_359 : memref<10000x128xf32, #tpu.memory_space<vmem_shared>>)
        tpu.yield
      }) : () -> ()
      %add3A_332 = arith.constant 3 : i32
      %add3A_333 = arith.addi %add3A_298, %add3A_332 : i32
      %lt3A_334 = arith.constant 125 : i32
      %lt3A_335 = arith.cmpi slt, %add3A_333, %lt3A_334 : i32
      %convert_element_type3A_336 = arith.extui %lt3A_335 : i1 to i32
      %cond3A_337 = arith.constant 0 : i32
      %cond3A_338 = arith.cmpi ne, %convert_element_type3A_336, %cond3A_337 : i32
      scf.if %cond3A_338 {
        %add3A_339 = arith.constant 3 : i32
        %add3A_340 = arith.addi %add3A_298, %add3A_339 : i32
        %mul3A_341 = arith.constant 80 : i32
        %mul3A_342 = arith.muli %add3A_340, %mul3A_341 : i32
        %add3A_343 = arith.addi %mul3A_10, %mul3A_342 : i32
        %dma_start3A_344 = arith.constant 2 : i32
        %dma_start3A_345 = arith.constant 0 : i32
        %dma_start3A_346 = tpu.memref_slice %arg8[%dma_start3A_344, %dma_start3A_345] : memref<3x80xi32, #tpu.memory_space<vmem>> -> memref<1x80xi32, #tpu.memory_space<vmem>>
        %dma_start3A_347 = tpu.memref_squeeze %dma_start3A_346 : memref<1x80xi32, #tpu.memory_space<vmem>> -> memref<80xi32, #tpu.memory_space<vmem>>
        %dma_start3A_348 = tpu.memref_slice %arg4[%add3A_343] : memref<320000xi32, #tpu.memory_space<hbm>> -> memref<80xi32, #tpu.memory_space<hbm>>
        %dma_start3A_349 = arith.constant 0 : i32
        %dma_start3A_350 = tpu.memref_slice %arg8[%dma_start3A_344, %dma_start3A_349] : memref<3x80xi32, #tpu.memory_space<vmem>> -> memref<1x80xi32, #tpu.memory_space<vmem>>
        %dma_start3A_351 = tpu.memref_squeeze %dma_start3A_350 : memref<1x80xi32, #tpu.memory_space<vmem>> -> memref<80xi32, #tpu.memory_space<vmem>>
        %dma_start3A_352 = tpu.memref_slice %arg4[%add3A_343] : memref<320000xi32, #tpu.memory_space<hbm>> -> memref<80xi32, #tpu.memory_space<hbm>>
        tpu.enqueue_dma source(%dma_start3A_352 : memref<80xi32, #tpu.memory_space<hbm>>) target(%dma_start3A_351 : memref<80xi32, #tpu.memory_space<vmem>>) target_semaphore(%arg19 : memref<!tpu.dma_semaphore, #tpu.memory_space<semaphore_mem>>)
        %add3A_353 = arith.constant 3 : i32
        %add3A_354 = arith.addi %add3A_298, %add3A_353 : i32
        %mul3A_355 = arith.constant 80 : i32
        %mul3A_356 = arith.muli %add3A_354, %mul3A_355 : i32
        %add3A_357 = arith.addi %mul3A_10, %mul3A_356 : i32
        %dma_wait3A_358 = arith.constant 2 : i32
        %dma_wait3A_359 = arith.constant 0 : i32
        %dma_wait3A_360 = tpu.memref_slice %arg7[%dma_wait3A_358, %dma_wait3A_359] : memref<3x80xi32, #tpu.memory_space<vmem>> -> memref<1x80xi32, #tpu.memory_space<vmem>>
        %dma_wait3A_361 = tpu.memref_squeeze %dma_wait3A_360 : memref<1x80xi32, #tpu.memory_space<vmem>> -> memref<80xi32, #tpu.memory_space<vmem>>
        %dma_wait3A_362 = tpu.memref_slice %arg3[%add3A_357] : memref<320000xi32, #tpu.memory_space<hbm>> -> memref<80xi32, #tpu.memory_space<hbm>>
        %dma_wait3A_363 = arith.constant 0 : i32
        %dma_wait3A_364 = tpu.memref_slice %arg7[%dma_wait3A_358, %dma_wait3A_363] : memref<3x80xi32, #tpu.memory_space<vmem>> -> memref<1x80xi32, #tpu.memory_space<vmem>>
        %dma_wait3A_365 = tpu.memref_squeeze %dma_wait3A_364 : memref<1x80xi32, #tpu.memory_space<vmem>> -> memref<80xi32, #tpu.memory_space<vmem>>
        %dma_wait3A_366 = tpu.memref_slice %arg3[%add3A_357] : memref<320000xi32, #tpu.memory_space<hbm>> -> memref<80xi32, #tpu.memory_space<hbm>>
        tpu.wait_dma2 semaphore(%arg16 : memref<!tpu.dma_semaphore, #tpu.memory_space<semaphore_mem>>) src(%dma_wait3A_366 : memref<80xi32, #tpu.memory_space<hbm>>) dst(%dma_wait3A_365 : memref<80xi32, #tpu.memory_space<vmem>>)
        %dma_start3A_367 = arith.constant 2 : i32
        %dma_start3A_368 = arith.constant 2 : i32
        %dma_start3A_369 = arith.constant 0 : i32
        %dma_start3A_370 = arith.constant 0 : i32
        %dma_start3A_371 = tpu.memref_slice %arg9[%dma_start3A_368, %dma_start3A_369, %dma_start3A_370] : memref<3x80x128xf32, #tpu.memory_space<vmem>> -> memref<1x80x128xf32, #tpu.memory_space<vmem>>
        %dma_start3A_372 = tpu.memref_squeeze %dma_start3A_371 : memref<1x80x128xf32, #tpu.memory_space<vmem>> -> memref<80x128xf32, #tpu.memory_space<vmem>>
        %dma_start3A_373 = arith.constant 0 : i32
        %dma_start3A_374 = tpu.memref_slice %arg7[%dma_start3A_367, %dma_start3A_373] : memref<3x80xi32, #tpu.memory_space<vmem>> -> memref<1x80xi32, #tpu.memory_space<vmem>>
        %dma_start3A_375 = tpu.memref_squeeze %dma_start3A_374 : memref<1x80xi32, #tpu.memory_space<vmem>> -> memref<80xi32, #tpu.memory_space<vmem>>
        %dma_start3A_376 = arith.constant 0 : i32
        %dma_start3A_377 = arith.constant 0 : i32
        %dma_start3A_378 = tpu.memref_slice %arg2[%dma_start3A_376, %dma_start3A_377] : memref<10000x128xf32, #tpu.memory_space<hbm>> -> memref<10000x128xf32, #tpu.memory_space<hbm>>
        tpu.enqueue_indirect_dma source(%dma_start3A_378 : memref<10000x128xf32, #tpu.memory_space<hbm>>) target(%dma_start3A_372 : memref<80x128xf32, #tpu.memory_space<vmem>>) offsets(%dma_start3A_375 : memref<80xi32, #tpu.memory_space<vmem>>) semaphore(%arg13 : memref<!tpu.dma_semaphore, #tpu.memory_space<semaphore_mem>>)
      } else {
      }
    }
    %scan3A_148 = arith.constant 41 : i32
    %dma_wait3A_149 = arith.constant 0 : i32
    %dma_wait3A_150 = arith.constant 0 : i32
    %dma_wait3A_151 = arith.constant 0 : i32
    %dma_wait3A_152 = arith.constant 0 : i32
    %dma_wait3A_153 = tpu.memref_slice %arg9[%dma_wait3A_150, %dma_wait3A_151, %dma_wait3A_152] : memref<3x80x128xf32, #tpu.memory_space<vmem>> -> memref<1x80x128xf32, #tpu.memory_space<vmem>>
    %dma_wait3A_154 = tpu.memref_squeeze %dma_wait3A_153 : memref<1x80x128xf32, #tpu.memory_space<vmem>> -> memref<80x128xf32, #tpu.memory_space<vmem>>
    %dma_wait3A_155 = arith.constant 0 : i32
    %dma_wait3A_156 = tpu.memref_slice %arg7[%dma_wait3A_149, %dma_wait3A_155] : memref<3x80xi32, #tpu.memory_space<vmem>> -> memref<1x80xi32, #tpu.memory_space<vmem>>
    %dma_wait3A_157 = tpu.memref_squeeze %dma_wait3A_156 : memref<1x80xi32, #tpu.memory_space<vmem>> -> memref<80xi32, #tpu.memory_space<vmem>>
    %dma_wait3A_158 = arith.constant 0 : i32
    %dma_wait3A_159 = arith.constant 0 : i32
    %dma_wait3A_160 = tpu.memref_slice %arg2[%dma_wait3A_158, %dma_wait3A_159] : memref<10000x128xf32, #tpu.memory_space<hbm>> -> memref<10000x128xf32, #tpu.memory_space<hbm>>
    tpu.wait_indirect_dma semaphore(%arg11 : memref<!tpu.dma_semaphore, #tpu.memory_space<semaphore_mem>>) src(%dma_wait3A_160 : memref<10000x128xf32, #tpu.memory_space<hbm>>) dst(%dma_wait3A_154 : memref<80x128xf32, #tpu.memory_space<vmem>>)
    %add3A_161 = arith.constant 9840 : i32
    %add3A_162 = arith.addi %mul3A_10, %add3A_161 : i32
    %dma_wait3A_163 = arith.constant 0 : i32
    %dma_wait3A_164 = arith.constant 0 : i32
    %dma_wait3A_165 = tpu.memref_slice %arg8[%dma_wait3A_163, %dma_wait3A_164] : memref<3x80xi32, #tpu.memory_space<vmem>> -> memref<1x80xi32, #tpu.memory_space<vmem>>
    %dma_wait3A_166 = tpu.memref_squeeze %dma_wait3A_165 : memref<1x80xi32, #tpu.memory_space<vmem>> -> memref<80xi32, #tpu.memory_space<vmem>>
    %dma_wait3A_167 = tpu.memref_slice %arg4[%add3A_162] : memref<320000xi32, #tpu.memory_space<hbm>> -> memref<80xi32, #tpu.memory_space<hbm>>
    %dma_wait3A_168 = arith.constant 0 : i32
    %dma_wait3A_169 = tpu.memref_slice %arg8[%dma_wait3A_163, %dma_wait3A_168] : memref<3x80xi32, #tpu.memory_space<vmem>> -> memref<1x80xi32, #tpu.memory_space<vmem>>
    %dma_wait3A_170 = tpu.memref_squeeze %dma_wait3A_169 : memref<1x80xi32, #tpu.memory_space<vmem>> -> memref<80xi32, #tpu.memory_space<vmem>>
    %dma_wait3A_171 = tpu.memref_slice %arg4[%add3A_162] : memref<320000xi32, #tpu.memory_space<hbm>> -> memref<80xi32, #tpu.memory_space<hbm>>
    tpu.wait_dma2 semaphore(%arg17 : memref<!tpu.dma_semaphore, #tpu.memory_space<semaphore_mem>>) src(%dma_wait3A_171 : memref<80xi32, #tpu.memory_space<hbm>>) dst(%dma_wait3A_170 : memref<80xi32, #tpu.memory_space<vmem>>)
    %run_scoped3A = arith.constant 0 : i32
    %run_scoped3A_172 = arith.constant 0 : i32
    "tpu.region"() ({
      %run_scoped3A_207 = tpu.sem_alloc : memref<!tpu.dma_semaphore, #tpu.memory_space<semaphore_mem>>
      %dma_start3A_208 = arith.constant 0 : i32
      %dma_start3A_209 = arith.constant 0 : i32
      %dma_start3A_210 = tpu.memref_slice %arg9[%run_scoped3A, %dma_start3A_208, %dma_start3A_209] : memref<3x80x128xf32, #tpu.memory_space<vmem>> -> memref<1x80x128xf32, #tpu.memory_space<vmem>>
      %dma_start3A_211 = tpu.memref_squeeze %dma_start3A_210 : memref<1x80x128xf32, #tpu.memory_space<vmem>> -> memref<80x128xf32, #tpu.memory_space<vmem>>
      %dma_start3A_212 = arith.constant 0 : i32
      %dma_start3A_213 = tpu.memref_slice %arg8[%run_scoped3A_172, %dma_start3A_212] : memref<3x80xi32, #tpu.memory_space<vmem>> -> memref<1x80xi32, #tpu.memory_space<vmem>>
      %dma_start3A_214 = tpu.memref_squeeze %dma_start3A_213 : memref<1x80xi32, #tpu.memory_space<vmem>> -> memref<80xi32, #tpu.memory_space<vmem>>
      %dma_start3A_215 = arith.constant 0 : i32
      %dma_start3A_216 = arith.constant 0 : i32
      %dma_start3A_217 = tpu.memref_slice %arg10[%dma_start3A_215, %dma_start3A_216] : memref<10000x128xf32, #tpu.memory_space<vmem_shared>> -> memref<10000x128xf32, #tpu.memory_space<vmem_shared>>
      tpu.enqueue_indirect_dma source(%dma_start3A_211 : memref<80x128xf32, #tpu.memory_space<vmem>>) target(%dma_start3A_217 : memref<10000x128xf32, #tpu.memory_space<vmem_shared>>) offsets(%dma_start3A_214 : memref<80xi32, #tpu.memory_space<vmem>>) semaphore(%run_scoped3A_207 : memref<!tpu.dma_semaphore, #tpu.memory_space<semaphore_mem>>) {add = true}
      %dma_wait3A_218 = arith.constant 0 : i32
      %dma_wait3A_219 = arith.constant 0 : i32
      %dma_wait3A_220 = tpu.memref_slice %arg9[%run_scoped3A, %dma_wait3A_218, %dma_wait3A_219] : memref<3x80x128xf32, #tpu.memory_space<vmem>> -> memref<1x80x128xf32, #tpu.memory_space<vmem>>
      %dma_wait3A_221 = tpu.memref_squeeze %dma_wait3A_220 : memref<1x80x128xf32, #tpu.memory_space<vmem>> -> memref<80x128xf32, #tpu.memory_space<vmem>>
      %dma_wait3A_222 = arith.constant 0 : i32
      %dma_wait3A_223 = tpu.memref_slice %arg8[%run_scoped3A_172, %dma_wait3A_222] : memref<3x80xi32, #tpu.memory_space<vmem>> -> memref<1x80xi32, #tpu.memory_space<vmem>>
      %dma_wait3A_224 = tpu.memref_squeeze %dma_wait3A_223 : memref<1x80xi32, #tpu.memory_space<vmem>> -> memref<80xi32, #tpu.memory_space<vmem>>
      %dma_wait3A_225 = arith.constant 0 : i32
      %dma_wait3A_226 = arith.constant 0 : i32
      %dma_wait3A_227 = tpu.memref_slice %arg10[%dma_wait3A_225, %dma_wait3A_226] : memref<10000x128xf32, #tpu.memory_space<vmem_shared>> -> memref<10000x128xf32, #tpu.memory_space<vmem_shared>>
      tpu.wait_indirect_dma semaphore(%run_scoped3A_207 : memref<!tpu.dma_semaphore, #tpu.memory_space<semaphore_mem>>) src(%dma_wait3A_221 : memref<80x128xf32, #tpu.memory_space<vmem>>) dst(%dma_wait3A_227 : memref<10000x128xf32, #tpu.memory_space<vmem_shared>>)
      tpu.yield
    }) : () -> ()
    %dma_wait3A_173 = arith.constant 1 : i32
    %dma_wait3A_174 = arith.constant 1 : i32
    %dma_wait3A_175 = arith.constant 0 : i32
    %dma_wait3A_176 = arith.constant 0 : i32
    %dma_wait3A_177 = tpu.memref_slice %arg9[%dma_wait3A_174, %dma_wait3A_175, %dma_wait3A_176] : memref<3x80x128xf32, #tpu.memory_space<vmem>> -> memref<1x80x128xf32, #tpu.memory_space<vmem>>
    %dma_wait3A_178 = tpu.memref_squeeze %dma_wait3A_177 : memref<1x80x128xf32, #tpu.memory_space<vmem>> -> memref<80x128xf32, #tpu.memory_space<vmem>>
    %dma_wait3A_179 = arith.constant 0 : i32
    %dma_wait3A_180 = tpu.memref_slice %arg7[%dma_wait3A_173, %dma_wait3A_179] : memref<3x80xi32, #tpu.memory_space<vmem>> -> memref<1x80xi32, #tpu.memory_space<vmem>>
    %dma_wait3A_181 = tpu.memref_squeeze %dma_wait3A_180 : memref<1x80xi32, #tpu.memory_space<vmem>> -> memref<80xi32, #tpu.memory_space<vmem>>
    %dma_wait3A_182 = arith.constant 0 : i32
    %dma_wait3A_183 = arith.constant 0 : i32
    %dma_wait3A_184 = tpu.memref_slice %arg2[%dma_wait3A_182, %dma_wait3A_183] : memref<10000x128xf32, #tpu.memory_space<hbm>> -> memref<10000x128xf32, #tpu.memory_space<hbm>>
    tpu.wait_indirect_dma semaphore(%arg12 : memref<!tpu.dma_semaphore, #tpu.memory_space<semaphore_mem>>) src(%dma_wait3A_184 : memref<10000x128xf32, #tpu.memory_space<hbm>>) dst(%dma_wait3A_178 : memref<80x128xf32, #tpu.memory_space<vmem>>)
    %add3A_185 = arith.constant 9920 : i32
    %add3A_186 = arith.addi %mul3A_10, %add3A_185 : i32
    %dma_wait3A_187 = arith.constant 1 : i32
    %dma_wait3A_188 = arith.constant 0 : i32
    %dma_wait3A_189 = tpu.memref_slice %arg8[%dma_wait3A_187, %dma_wait3A_188] : memref<3x80xi32, #tpu.memory_space<vmem>> -> memref<1x80xi32, #tpu.memory_space<vmem>>
    %dma_wait3A_190 = tpu.memref_squeeze %dma_wait3A_189 : memref<1x80xi32, #tpu.memory_space<vmem>> -> memref<80xi32, #tpu.memory_space<vmem>>
    %dma_wait3A_191 = tpu.memref_slice %arg4[%add3A_186] : memref<320000xi32, #tpu.memory_space<hbm>> -> memref<80xi32, #tpu.memory_space<hbm>>
    %dma_wait3A_192 = arith.constant 0 : i32
    %dma_wait3A_193 = tpu.memref_slice %arg8[%dma_wait3A_187, %dma_wait3A_192] : memref<3x80xi32, #tpu.memory_space<vmem>> -> memref<1x80xi32, #tpu.memory_space<vmem>>
    %dma_wait3A_194 = tpu.memref_squeeze %dma_wait3A_193 : memref<1x80xi32, #tpu.memory_space<vmem>> -> memref<80xi32, #tpu.memory_space<vmem>>
    %dma_wait3A_195 = tpu.memref_slice %arg4[%add3A_186] : memref<320000xi32, #tpu.memory_space<hbm>> -> memref<80xi32, #tpu.memory_space<hbm>>
    tpu.wait_dma2 semaphore(%arg18 : memref<!tpu.dma_semaphore, #tpu.memory_space<semaphore_mem>>) src(%dma_wait3A_195 : memref<80xi32, #tpu.memory_space<hbm>>) dst(%dma_wait3A_194 : memref<80xi32, #tpu.memory_space<vmem>>)
    %run_scoped3A_196 = arith.constant 1 : i32
    %run_scoped3A_197 = arith.constant 1 : i32
    "tpu.region"() ({
      %run_scoped3A_207 = tpu.sem_alloc : memref<!tpu.dma_semaphore, #tpu.memory_space<semaphore_mem>>
      %dma_start3A_208 = arith.constant 0 : i32
      %dma_start3A_209 = arith.constant 0 : i32
      %dma_start3A_210 = tpu.memref_slice %arg9[%run_scoped3A_196, %dma_start3A_208, %dma_start3A_209] : memref<3x80x128xf32, #tpu.memory_space<vmem>> -> memref<1x80x128xf32, #tpu.memory_space<vmem>>
      %dma_start3A_211 = tpu.memref_squeeze %dma_start3A_210 : memref<1x80x128xf32, #tpu.memory_space<vmem>> -> memref<80x128xf32, #tpu.memory_space<vmem>>
      %dma_start3A_212 = arith.constant 0 : i32
      %dma_start3A_213 = tpu.memref_slice %arg8[%run_scoped3A_197, %dma_start3A_212] : memref<3x80xi32, #tpu.memory_space<vmem>> -> memref<1x80xi32, #tpu.memory_space<vmem>>
      %dma_start3A_214 = tpu.memref_squeeze %dma_start3A_213 : memref<1x80xi32, #tpu.memory_space<vmem>> -> memref<80xi32, #tpu.memory_space<vmem>>
      %dma_start3A_215 = arith.constant 0 : i32
      %dma_start3A_216 = arith.constant 0 : i32
      %dma_start3A_217 = tpu.memref_slice %arg10[%dma_start3A_215, %dma_start3A_216] : memref<10000x128xf32, #tpu.memory_space<vmem_shared>> -> memref<10000x128xf32, #tpu.memory_space<vmem_shared>>
      tpu.enqueue_indirect_dma source(%dma_start3A_211 : memref<80x128xf32, #tpu.memory_space<vmem>>) target(%dma_start3A_217 : memref<10000x128xf32, #tpu.memory_space<vmem_shared>>) offsets(%dma_start3A_214 : memref<80xi32, #tpu.memory_space<vmem>>) semaphore(%run_scoped3A_207 : memref<!tpu.dma_semaphore, #tpu.memory_space<semaphore_mem>>) {add = true}
      %dma_wait3A_218 = arith.constant 0 : i32
      %dma_wait3A_219 = arith.constant 0 : i32
      %dma_wait3A_220 = tpu.memref_slice %arg9[%run_scoped3A_196, %dma_wait3A_218, %dma_wait3A_219] : memref<3x80x128xf32, #tpu.memory_space<vmem>> -> memref<1x80x128xf32, #tpu.memory_space<vmem>>
      %dma_wait3A_221 = tpu.memref_squeeze %dma_wait3A_220 : memref<1x80x128xf32, #tpu.memory_space<vmem>> -> memref<80x128xf32, #tpu.memory_space<vmem>>
      %dma_wait3A_222 = arith.constant 0 : i32
      %dma_wait3A_223 = tpu.memref_slice %arg8[%run_scoped3A_197, %dma_wait3A_222] : memref<3x80xi32, #tpu.memory_space<vmem>> -> memref<1x80xi32, #tpu.memory_space<vmem>>
      %dma_wait3A_224 = tpu.memref_squeeze %dma_wait3A_223 : memref<1x80xi32, #tpu.memory_space<vmem>> -> memref<80xi32, #tpu.memory_space<vmem>>
      %dma_wait3A_225 = arith.constant 0 : i32
      %dma_wait3A_226 = arith.constant 0 : i32
      %dma_wait3A_227 = tpu.memref_slice %arg10[%dma_wait3A_225, %dma_wait3A_226] : memref<10000x128xf32, #tpu.memory_space<vmem_shared>> -> memref<10000x128xf32, #tpu.memory_space<vmem_shared>>
      tpu.wait_indirect_dma semaphore(%run_scoped3A_207 : memref<!tpu.dma_semaphore, #tpu.memory_space<semaphore_mem>>) src(%dma_wait3A_221 : memref<80x128xf32, #tpu.memory_space<vmem>>) dst(%dma_wait3A_227 : memref<10000x128xf32, #tpu.memory_space<vmem_shared>>)
      tpu.yield
    }) : () -> ()
    %barrier3A_198 = arith.constant 0 : index
    tpu.barrier barrier_id(%barrier3A_198)
    %mul3A_199 = arith.constant 10000 : i32
    %mul3A_200 = arith.muli %arg0, %mul3A_199 : i32
    %add3A_201 = arith.addi %mul3A_200, %mul3A_2 : i32
    "tpu.region"() ({
      %run_scoped3A_207 = tpu.sem_alloc : memref<!tpu.dma_semaphore, #tpu.memory_space<semaphore_mem>>
      %dma_start3A_208 = arith.constant 0 : i32
      %dma_start3A_209 = tpu.memref_slice %arg6[%add3A_201, %dma_start3A_208] : memref<20000x128xf32, #tpu.memory_space<hbm>> -> memref<624x128xf32, #tpu.memory_space<hbm>>
      %dma_start3A_210 = arith.constant 0 : i32
      %dma_start3A_211 = tpu.memref_slice %arg10[%mul3A_2, %dma_start3A_210] : memref<10000x128xf32, #tpu.memory_space<vmem_shared>> -> memref<624x128xf32, #tpu.memory_space<vmem_shared>>
      tpu.enqueue_dma source(%dma_start3A_211 : memref<624x128xf32, #tpu.memory_space<vmem_shared>>) target(%dma_start3A_209 : memref<624x128xf32, #tpu.memory_space<hbm>>) target_semaphore(%run_scoped3A_207 : memref<!tpu.dma_semaphore, #tpu.memory_space<semaphore_mem>>)
      %dma_wait3A_212 = arith.constant 0 : i32
      %dma_wait3A_213 = tpu.memref_slice %arg6[%add3A_201, %dma_wait3A_212] : memref<20000x128xf32, #tpu.memory_space<hbm>> -> memref<624x128xf32, #tpu.memory_space<hbm>>
      %dma_wait3A_214 = arith.constant 0 : i32
      %dma_wait3A_215 = tpu.memref_slice %arg10[%mul3A_2, %dma_wait3A_214] : memref<10000x128xf32, #tpu.memory_space<vmem_shared>> -> memref<624x128xf32, #tpu.memory_space<vmem_shared>>
      tpu.wait_dma2 semaphore(%run_scoped3A_207 : memref<!tpu.dma_semaphore, #tpu.memory_space<semaphore_mem>>) src(%dma_wait3A_215 : memref<624x128xf32, #tpu.memory_space<vmem_shared>>) dst(%dma_wait3A_213 : memref<624x128xf32, #tpu.memory_space<hbm>>)
      tpu.yield
    }) : () -> ()
    %eq3A_202 = arith.constant 0 : i32
    %eq3A_203 = arith.cmpi eq, %arg1, %eq3A_202 : i32
    %convert_element_type3A_204 = arith.extui %eq3A_203 : i1 to i32
    %cond3A_205 = arith.constant 0 : i32
    %cond3A_206 = arith.cmpi ne, %convert_element_type3A_204, %cond3A_205 : i32
    scf.if %cond3A_206 {
      %mul3A_207 = arith.constant 10000 : i32
      %mul3A_208 = arith.muli %arg0, %mul3A_207 : i32
      %add3A_209 = arith.constant 9984 : i32
      %add3A_210 = arith.addi %mul3A_208, %add3A_209 : i32
      "tpu.region"() ({
        %run_scoped3A_211 = tpu.sem_alloc : memref<!tpu.dma_semaphore, #tpu.memory_space<semaphore_mem>>
        %dma_start3A_212 = arith.constant 0 : i32
        %dma_start3A_213 = tpu.memref_slice %arg6[%add3A_210, %dma_start3A_212] : memref<20000x128xf32, #tpu.memory_space<hbm>> -> memref<16x128xf32, #tpu.memory_space<hbm>>
        %dma_start3A_214 = arith.constant 9984 : i32
        %dma_start3A_215 = arith.constant 0 : i32
        %dma_start3A_216 = tpu.memref_slice %arg10[%dma_start3A_214, %dma_start3A_215] : memref<10000x128xf32, #tpu.memory_space<vmem_shared>> -> memref<16x128xf32, #tpu.memory_space<vmem_shared>>
        tpu.enqueue_dma source(%dma_start3A_216 : memref<16x128xf32, #tpu.memory_space<vmem_shared>>) target(%dma_start3A_213 : memref<16x128xf32, #tpu.memory_space<hbm>>) target_semaphore(%run_scoped3A_211 : memref<!tpu.dma_semaphore, #tpu.memory_space<semaphore_mem>>)
        %dma_wait3A_217 = arith.constant 0 : i32
        %dma_wait3A_218 = tpu.memref_slice %arg6[%add3A_210, %dma_wait3A_217] : memref<20000x128xf32, #tpu.memory_space<hbm>> -> memref<16x128xf32, #tpu.memory_space<hbm>>
        %dma_wait3A_219 = arith.constant 9984 : i32
        %dma_wait3A_220 = arith.constant 0 : i32
        %dma_wait3A_221 = tpu.memref_slice %arg10[%dma_wait3A_219, %dma_wait3A_220] : memref<10000x128xf32, #tpu.memory_space<vmem_shared>> -> memref<16x128xf32, #tpu.memory_space<vmem_shared>>
        tpu.wait_dma2 semaphore(%run_scoped3A_211 : memref<!tpu.dma_semaphore, #tpu.memory_space<semaphore_mem>>) src(%dma_wait3A_221 : memref<16x128xf32, #tpu.memory_space<vmem_shared>>) dst(%dma_wait3A_218 : memref<16x128xf32, #tpu.memory_space<hbm>>)
        tpu.yield
      }) : () -> ()
    } else {
    }
    return
  }
}

#map = affine_map<(d0, d1) -> (0, 0)>
#map1 = affine_map<(d0, d1) -> (0)>
module attributes {stable_mosaic.version = 14 : i64} {
  func.func @k(%arg0: i32, %arg1: i32, %arg2: memref<10000x128xf32, #tpu.memory_space<hbm>>, %arg3: memref<320000xi32, #tpu.memory_space<hbm>>, %arg4: memref<320000xi32, #tpu.memory_space<hbm>>, %arg5: memref<10000x128xf32, #tpu.memory_space<hbm>>, %arg6: memref<20000x128xf32, #tpu.memory_space<hbm>>, %arg7: memref<3x80xi32, #tpu.memory_space<vmem>>, %arg8: memref<3x80xi32, #tpu.memory_space<vmem>>, %arg9: memref<3x80x128xf32, #tpu.memory_space<vmem>>, %arg10: memref<10000x128xf32, #tpu.memory_space<vmem_shared>>, %arg11: memref<!tpu.dma_semaphore, #tpu.memory_space<semaphore_mem>>, %arg12: memref<!tpu.dma_semaphore, #tpu.memory_space<semaphore_mem>>, %arg13: memref<!tpu.dma_semaphore, #tpu.memory_space<semaphore_mem>>, %arg14: memref<!tpu.dma_semaphore, #tpu.memory_space<semaphore_mem>>, %arg15: memref<!tpu.dma_semaphore, #tpu.memory_space<semaphore_mem>>, %arg16: memref<!tpu.dma_semaphore, #tpu.memory_space<semaphore_mem>>, %arg17: memref<!tpu.dma_semaphore, #tpu.memory_space<semaphore_mem>>, %arg18: memref<!tpu.dma_semaphore, #tpu.memory_space<semaphore_mem>>, %arg19: memref<!tpu.dma_semaphore, #tpu.memory_space<semaphore_mem>>) attributes {dimension_semantics = [#tpu.dimension_semantics<core_parallel>, #tpu.dimension_semantics<subcore_parallel>], iteration_bounds = array<i64: 2, 16>, scalar_prefetch = 0 : i64, scratch_operands = 13 : i64, tpu.core_type = #tpu.core_type<sc_vector_subcore>, window_params = [{transform_indices = #map}, {transform_indices = #map1}, {transform_indices = #map1}, {transform_indices = #map}, {transform_indices = #map}]} {
    %mul3A = arith.constant 2 : i32
    %mul3A_0 = arith.muli %arg1, %mul3A : i32
    %add3A = arith.addi %mul3A_0, %arg0 : i32
    %mul3A_1 = arith.constant 624 : i32
    %mul3A_2 = arith.muli %arg1, %mul3A_1 : i32
    %eq3A = arith.constant 0 : i32
    %eq3A_3 = arith.cmpi eq, %arg0, %eq3A : i32
    %convert_element_type3A = arith.extui %eq3A_3 : i1 to i32
    %cond3A = arith.constant 0 : i32
    %cond3A_4 = arith.cmpi ne, %convert_element_type3A, %cond3A : i32
    scf.if %cond3A_4 {
      "tpu.region"() ({
        %run_scoped3A_212 = tpu.sem_alloc : memref<!tpu.dma_semaphore, #tpu.memory_space<semaphore_mem>>
        %dma_start3A_213 = arith.constant 0 : i32
        %dma_start3A_214 = tpu.memref_slice %arg10[%mul3A_2, %dma_start3A_213] : memref<10000x128xf32, #tpu.memory_space<vmem_shared>> -> memref<624x128xf32, #tpu.memory_space<vmem_shared>>
        %dma_start3A_215 = arith.constant 0 : i32
        %dma_start3A_216 = tpu.memref_slice %arg2[%mul3A_2, %dma_start3A_215] : memref<10000x128xf32, #tpu.memory_space<hbm>> -> memref<624x128xf32, #tpu.memory_space<hbm>>
        tpu.enqueue_dma source(%dma_start3A_216 : memref<624x128xf32, #tpu.memory_space<hbm>>) target(%dma_start3A_214 : memref<624x128xf32, #tpu.memory_space<vmem_shared>>) target_semaphore(%run_scoped3A_212 : memref<!tpu.dma_semaphore, #tpu.memory_space<semaphore_mem>>)
        %dma_wait3A_217 = arith.constant 0 : i32
        %dma_wait3A_218 = tpu.memref_slice %arg10[%mul3A_2, %dma_wait3A_217] : memref<10000x128xf32, #tpu.memory_space<vmem_shared>> -> memref<624x128xf32, #tpu.memory_space<vmem_shared>>
        %dma_wait3A_219 = arith.constant 0 : i32
        %dma_wait3A_220 = tpu.memref_slice %arg2[%mul3A_2, %dma_wait3A_219] : memref<10000x128xf32, #tpu.memory_space<hbm>> -> memref<624x128xf32, #tpu.memory_space<hbm>>
        tpu.wait_dma2 semaphore(%run_scoped3A_212 : memref<!tpu.dma_semaphore, #tpu.memory_space<semaphore_mem>>) src(%dma_wait3A_220 : memref<624x128xf32, #tpu.memory_space<hbm>>) dst(%dma_wait3A_218 : memref<624x128xf32, #tpu.memory_space<vmem_shared>>)
        tpu.yield
      }) : () -> ()
      %eq3A_207 = arith.constant 0 : i32
      %eq3A_208 = arith.cmpi eq, %arg1, %eq3A_207 : i32
      %convert_element_type3A_209 = arith.extui %eq3A_208 : i1 to i32
      %cond3A_210 = arith.constant 0 : i32
      %cond3A_211 = arith.cmpi ne, %convert_element_type3A_209, %cond3A_210 : i32
      scf.if %cond3A_211 {
        "tpu.region"() ({
          %run_scoped3A_212 = tpu.sem_alloc : memref<!tpu.dma_semaphore, #tpu.memory_space<semaphore_mem>>
          %dma_start3A_213 = arith.constant 9984 : i32
          %dma_start3A_214 = arith.constant 0 : i32
          %dma_start3A_215 = tpu.memref_slice %arg10[%dma_start3A_213, %dma_start3A_214] : memref<10000x128xf32, #tpu.memory_space<vmem_shared>> -> memref<16x128xf32, #tpu.memory_space<vmem_shared>>
          %dma_start3A_216 = arith.constant 9984 : i32
          %dma_start3A_217 = arith.constant 0 : i32
          %dma_start3A_218 = tpu.memref_slice %arg2[%dma_start3A_216, %dma_start3A_217] : memref<10000x128xf32, #tpu.memory_space<hbm>> -> memref<16x128xf32, #tpu.memory_space<hbm>>
          tpu.enqueue_dma source(%dma_start3A_218 : memref<16x128xf32, #tpu.memory_space<hbm>>) target(%dma_start3A_215 : memref<16x128xf32, #tpu.memory_space<vmem_shared>>) target_semaphore(%run_scoped3A_212 : memref<!tpu.dma_semaphore, #tpu.memory_space<semaphore_mem>>)
          %dma_wait3A_219 = arith.constant 9984 : i32
          %dma_wait3A_220 = arith.constant 0 : i32
          %dma_wait3A_221 = tpu.memref_slice %arg10[%dma_wait3A_219, %dma_wait3A_220] : memref<10000x128xf32, #tpu.memory_space<vmem_shared>> -> memref<16x128xf32, #tpu.memory_space<vmem_shared>>
          %dma_wait3A_222 = arith.constant 9984 : i32
          %dma_wait3A_223 = arith.constant 0 : i32
          %dma_wait3A_224 = tpu.memref_slice %arg2[%dma_wait3A_222, %dma_wait3A_223] : memref<10000x128xf32, #tpu.memory_space<hbm>> -> memref<16x128xf32, #tpu.memory_space<hbm>>
          tpu.wait_dma2 semaphore(%run_scoped3A_212 : memref<!tpu.dma_semaphore, #tpu.memory_space<semaphore_mem>>) src(%dma_wait3A_224 : memref<16x128xf32, #tpu.memory_space<hbm>>) dst(%dma_wait3A_221 : memref<16x128xf32, #tpu.memory_space<vmem_shared>>)
          tpu.yield
        }) : () -> ()
      } else {
      }
    } else {
    }
    %ne3A = arith.constant 0 : i32
    %ne3A_5 = arith.cmpi ne, %arg0, %ne3A : i32
    %convert_element_type3A_6 = arith.extui %ne3A_5 : i1 to i32
    %cond3A_7 = arith.constant 0 : i32
    %cond3A_8 = arith.cmpi ne, %convert_element_type3A_6, %cond3A_7 : i32
    scf.if %cond3A_8 {
      "tpu.region"() ({
        %run_scoped3A_212 = tpu.sem_alloc : memref<!tpu.dma_semaphore, #tpu.memory_space<semaphore_mem>>
        %dma_start3A_213 = arith.constant 0 : i32
        %dma_start3A_214 = tpu.memref_slice %arg10[%mul3A_2, %dma_start3A_213] : memref<10000x128xf32, #tpu.memory_space<vmem_shared>> -> memref<624x128xf32, #tpu.memory_space<vmem_shared>>
        %dma_start3A_215 = arith.constant 0 : i32
        %dma_start3A_216 = tpu.memref_slice %arg5[%mul3A_2, %dma_start3A_215] : memref<10000x128xf32, #tpu.memory_space<hbm>> -> memref<624x128xf32, #tpu.memory_space<hbm>>
        tpu.enqueue_dma source(%dma_start3A_216 : memref<624x128xf32, #tpu.memory_space<hbm>>) target(%dma_start3A_214 : memref<624x128xf32, #tpu.memory_space<vmem_shared>>) target_semaphore(%run_scoped3A_212 : memref<!tpu.dma_semaphore, #tpu.memory_space<semaphore_mem>>)
        %dma_wait3A_217 = arith.constant 0 : i32
        %dma_wait3A_218 = tpu.memref_slice %arg10[%mul3A_2, %dma_wait3A_217] : memref<10000x128xf32, #tpu.memory_space<vmem_shared>> -> memref<624x128xf32, #tpu.memory_space<vmem_shared>>
        %dma_wait3A_219 = arith.constant 0 : i32
        %dma_wait3A_220 = tpu.memref_slice %arg5[%mul3A_2, %dma_wait3A_219] : memref<10000x128xf32, #tpu.memory_space<hbm>> -> memref<624x128xf32, #tpu.memory_space<hbm>>
        tpu.wait_dma2 semaphore(%run_scoped3A_212 : memref<!tpu.dma_semaphore, #tpu.memory_space<semaphore_mem>>) src(%dma_wait3A_220 : memref<624x128xf32, #tpu.memory_space<hbm>>) dst(%dma_wait3A_218 : memref<624x128xf32, #tpu.memory_space<vmem_shared>>)
        tpu.yield
      }) : () -> ()
      %eq3A_207 = arith.constant 0 : i32
      %eq3A_208 = arith.cmpi eq, %arg1, %eq3A_207 : i32
      %convert_element_type3A_209 = arith.extui %eq3A_208 : i1 to i32
      %cond3A_210 = arith.constant 0 : i32
      %cond3A_211 = arith.cmpi ne, %convert_element_type3A_209, %cond3A_210 : i32
      scf.if %cond3A_211 {
        "tpu.region"() ({
          %run_scoped3A_212 = tpu.sem_alloc : memref<!tpu.dma_semaphore, #tpu.memory_space<semaphore_mem>>
          %dma_start3A_213 = arith.constant 9984 : i32
          %dma_start3A_214 = arith.constant 0 : i32
          %dma_start3A_215 = tpu.memref_slice %arg10[%dma_start3A_213, %dma_start3A_214] : memref<10000x128xf32, #tpu.memory_space<vmem_shared>> -> memref<16x128xf32, #tpu.memory_space<vmem_shared>>
          %dma_start3A_216 = arith.constant 9984 : i32
          %dma_start3A_217 = arith.constant 0 : i32
          %dma_start3A_218 = tpu.memref_slice %arg5[%dma_start3A_216, %dma_start3A_217] : memref<10000x128xf32, #tpu.memory_space<hbm>> -> memref<16x128xf32, #tpu.memory_space<hbm>>
          tpu.enqueue_dma source(%dma_start3A_218 : memref<16x128xf32, #tpu.memory_space<hbm>>) target(%dma_start3A_215 : memref<16x128xf32, #tpu.memory_space<vmem_shared>>) target_semaphore(%run_scoped3A_212 : memref<!tpu.dma_semaphore, #tpu.memory_space<semaphore_mem>>)
          %dma_wait3A_219 = arith.constant 9984 : i32
          %dma_wait3A_220 = arith.constant 0 : i32
          %dma_wait3A_221 = tpu.memref_slice %arg10[%dma_wait3A_219, %dma_wait3A_220] : memref<10000x128xf32, #tpu.memory_space<vmem_shared>> -> memref<16x128xf32, #tpu.memory_space<vmem_shared>>
          %dma_wait3A_222 = arith.constant 9984 : i32
          %dma_wait3A_223 = arith.constant 0 : i32
          %dma_wait3A_224 = tpu.memref_slice %arg5[%dma_wait3A_222, %dma_wait3A_223] : memref<10000x128xf32, #tpu.memory_space<hbm>> -> memref<16x128xf32, #tpu.memory_space<hbm>>
          tpu.wait_dma2 semaphore(%run_scoped3A_212 : memref<!tpu.dma_semaphore, #tpu.memory_space<semaphore_mem>>) src(%dma_wait3A_224 : memref<16x128xf32, #tpu.memory_space<hbm>>) dst(%dma_wait3A_221 : memref<16x128xf32, #tpu.memory_space<vmem_shared>>)
          tpu.yield
        }) : () -> ()
      } else {
      }
    } else {
    }
    %barrier3A = arith.constant 0 : index
    tpu.barrier barrier_id(%barrier3A)
    %mul3A_9 = arith.constant 10000 : i32
    %mul3A_10 = arith.muli %add3A, %mul3A_9 : i32
    %add3A_11 = arith.constant 0 : i32
    %add3A_12 = arith.addi %mul3A_10, %add3A_11 : i32
    %dma_start3A = arith.constant 0 : i32
    %dma_start3A_13 = arith.constant 0 : i32
    %dma_start3A_14 = tpu.memref_slice %arg7[%dma_start3A, %dma_start3A_13] : memref<3x80xi32, #tpu.memory_space<vmem>> -> memref<1x80xi32, #tpu.memory_space<vmem>>
    %dma_start3A_15 = tpu.memref_squeeze %dma_start3A_14 : memref<1x80xi32, #tpu.memory_space<vmem>> -> memref<80xi32, #tpu.memory_space<vmem>>
    %dma_start3A_16 = tpu.memref_slice %arg3[%add3A_12] : memref<320000xi32, #tpu.memory_space<hbm>> -> memref<80xi32, #tpu.memory_space<hbm>>
    %dma_start3A_17 = arith.constant 0 : i32
    %dma_start3A_18 = tpu.memref_slice %arg7[%dma_start3A, %dma_start3A_17] : memref<3x80xi32, #tpu.memory_space<vmem>> -> memref<1x80xi32, #tpu.memory_space<vmem>>
    %dma_start3A_19 = tpu.memref_squeeze %dma_start3A_18 : memref<1x80xi32, #tpu.memory_space<vmem>> -> memref<80xi32, #tpu.memory_space<vmem>>
    %dma_start3A_20 = tpu.memref_slice %arg3[%add3A_12] : memref<320000xi32, #tpu.memory_space<hbm>> -> memref<80xi32, #tpu.memory_space<hbm>>
    tpu.enqueue_dma source(%dma_start3A_20 : memref<80xi32, #tpu.memory_space<hbm>>) target(%dma_start3A_19 : memref<80xi32, #tpu.memory_space<vmem>>) target_semaphore(%arg14 : memref<!tpu.dma_semaphore, #tpu.memory_space<semaphore_mem>>)
    %add3A_21 = arith.constant 0 : i32
    %add3A_22 = arith.addi %mul3A_10, %add3A_21 : i32
    %dma_start3A_23 = arith.constant 0 : i32
    %dma_start3A_24 = arith.constant 0 : i32
    %dma_start3A_25 = tpu.memref_slice %arg8[%dma_start3A_23, %dma_start3A_24] : memref<3x80xi32, #tpu.memory_space<vmem>> -> memref<1x80xi32, #tpu.memory_space<vmem>>
    %dma_start3A_26 = tpu.memref_squeeze %dma_start3A_25 : memref<1x80xi32, #tpu.memory_space<vmem>> -> memref<80xi32, #tpu.memory_space<vmem>>
    %dma_start3A_27 = tpu.memref_slice %arg4[%add3A_22] : memref<320000xi32, #tpu.memory_space<hbm>> -> memref<80xi32, #tpu.memory_space<hbm>>
    %dma_start3A_28 = arith.constant 0 : i32
    %dma_start3A_29 = tpu.memref_slice %arg8[%dma_start3A_23, %dma_start3A_28] : memref<3x80xi32, #tpu.memory_space<vmem>> -> memref<1x80xi32, #tpu.memory_space<vmem>>
    %dma_start3A_30 = tpu.memref_squeeze %dma_start3A_29 : memref<1x80xi32, #tpu.memory_space<vmem>> -> memref<80xi32, #tpu.memory_space<vmem>>
    %dma_start3A_31 = tpu.memref_slice %arg4[%add3A_22] : memref<320000xi32, #tpu.memory_space<hbm>> -> memref<80xi32, #tpu.memory_space<hbm>>
    tpu.enqueue_dma source(%dma_start3A_31 : memref<80xi32, #tpu.memory_space<hbm>>) target(%dma_start3A_30 : memref<80xi32, #tpu.memory_space<vmem>>) target_semaphore(%arg17 : memref<!tpu.dma_semaphore, #tpu.memory_space<semaphore_mem>>)
    %add3A_32 = arith.constant 80 : i32
    %add3A_33 = arith.addi %mul3A_10, %add3A_32 : i32
    %dma_start3A_34 = arith.constant 1 : i32
    %dma_start3A_35 = arith.constant 0 : i32
    %dma_start3A_36 = tpu.memref_slice %arg7[%dma_start3A_34, %dma_start3A_35] : memref<3x80xi32, #tpu.memory_space<vmem>> -> memref<1x80xi32, #tpu.memory_space<vmem>>
    %dma_start3A_37 = tpu.memref_squeeze %dma_start3A_36 : memref<1x80xi32, #tpu.memory_space<vmem>> -> memref<80xi32, #tpu.memory_space<vmem>>
    %dma_start3A_38 = tpu.memref_slice %arg3[%add3A_33] : memref<320000xi32, #tpu.memory_space<hbm>> -> memref<80xi32, #tpu.memory_space<hbm>>
    %dma_start3A_39 = arith.constant 0 : i32
    %dma_start3A_40 = tpu.memref_slice %arg7[%dma_start3A_34, %dma_start3A_39] : memref<3x80xi32, #tpu.memory_space<vmem>> -> memref<1x80xi32, #tpu.memory_space<vmem>>
    %dma_start3A_41 = tpu.memref_squeeze %dma_start3A_40 : memref<1x80xi32, #tpu.memory_space<vmem>> -> memref<80xi32, #tpu.memory_space<vmem>>
    %dma_start3A_42 = tpu.memref_slice %arg3[%add3A_33] : memref<320000xi32, #tpu.memory_space<hbm>> -> memref<80xi32, #tpu.memory_space<hbm>>
    tpu.enqueue_dma source(%dma_start3A_42 : memref<80xi32, #tpu.memory_space<hbm>>) target(%dma_start3A_41 : memref<80xi32, #tpu.memory_space<vmem>>) target_semaphore(%arg15 : memref<!tpu.dma_semaphore, #tpu.memory_space<semaphore_mem>>)
    %add3A_43 = arith.constant 80 : i32
    %add3A_44 = arith.addi %mul3A_10, %add3A_43 : i32
    %dma_start3A_45 = arith.constant 1 : i32
    %dma_start3A_46 = arith.constant 0 : i32
    %dma_start3A_47 = tpu.memref_slice %arg8[%dma_start3A_45, %dma_start3A_46] : memref<3x80xi32, #tpu.memory_space<vmem>> -> memref<1x80xi32, #tpu.memory_space<vmem>>
    %dma_start3A_48 = tpu.memref_squeeze %dma_start3A_47 : memref<1x80xi32, #tpu.memory_space<vmem>> -> memref<80xi32, #tpu.memory_space<vmem>>
    %dma_start3A_49 = tpu.memref_slice %arg4[%add3A_44] : memref<320000xi32, #tpu.memory_space<hbm>> -> memref<80xi32, #tpu.memory_space<hbm>>
    %dma_start3A_50 = arith.constant 0 : i32
    %dma_start3A_51 = tpu.memref_slice %arg8[%dma_start3A_45, %dma_start3A_50] : memref<3x80xi32, #tpu.memory_space<vmem>> -> memref<1x80xi32, #tpu.memory_space<vmem>>
    %dma_start3A_52 = tpu.memref_squeeze %dma_start3A_51 : memref<1x80xi32, #tpu.memory_space<vmem>> -> memref<80xi32, #tpu.memory_space<vmem>>
    %dma_start3A_53 = tpu.memref_slice %arg4[%add3A_44] : memref<320000xi32, #tpu.memory_space<hbm>> -> memref<80xi32, #tpu.memory_space<hbm>>
    tpu.enqueue_dma source(%dma_start3A_53 : memref<80xi32, #tpu.memory_space<hbm>>) target(%dma_start3A_52 : memref<80xi32, #tpu.memory_space<vmem>>) target_semaphore(%arg18 : memref<!tpu.dma_semaphore, #tpu.memory_space<semaphore_mem>>)
    %add3A_54 = arith.constant 160 : i32
    %add3A_55 = arith.addi %mul3A_10, %add3A_54 : i32
    %dma_start3A_56 = arith.constant 2 : i32
    %dma_start3A_57 = arith.constant 0 : i32
    %dma_start3A_58 = tpu.memref_slice %arg7[%dma_start3A_56, %dma_start3A_57] : memref<3x80xi32, #tpu.memory_space<vmem>> -> memref<1x80xi32, #tpu.memory_space<vmem>>
    %dma_start3A_59 = tpu.memref_squeeze %dma_start3A_58 : memref<1x80xi32, #tpu.memory_space<vmem>> -> memref<80xi32, #tpu.memory_space<vmem>>
    %dma_start3A_60 = tpu.memref_slice %arg3[%add3A_55] : memref<320000xi32, #tpu.memory_space<hbm>> -> memref<80xi32, #tpu.memory_space<hbm>>
    %dma_start3A_61 = arith.constant 0 : i32
    %dma_start3A_62 = tpu.memref_slice %arg7[%dma_start3A_56, %dma_start3A_61] : memref<3x80xi32, #tpu.memory_space<vmem>> -> memref<1x80xi32, #tpu.memory_space<vmem>>
    %dma_start3A_63 = tpu.memref_squeeze %dma_start3A_62 : memref<1x80xi32, #tpu.memory_space<vmem>> -> memref<80xi32, #tpu.memory_space<vmem>>
    %dma_start3A_64 = tpu.memref_slice %arg3[%add3A_55] : memref<320000xi32, #tpu.memory_space<hbm>> -> memref<80xi32, #tpu.memory_space<hbm>>
    tpu.enqueue_dma source(%dma_start3A_64 : memref<80xi32, #tpu.memory_space<hbm>>) target(%dma_start3A_63 : memref<80xi32, #tpu.memory_space<vmem>>) target_semaphore(%arg16 : memref<!tpu.dma_semaphore, #tpu.memory_space<semaphore_mem>>)
    %add3A_65 = arith.constant 160 : i32
    %add3A_66 = arith.addi %mul3A_10, %add3A_65 : i32
    %dma_start3A_67 = arith.constant 2 : i32
    %dma_start3A_68 = arith.constant 0 : i32
    %dma_start3A_69 = tpu.memref_slice %arg8[%dma_start3A_67, %dma_start3A_68] : memref<3x80xi32, #tpu.memory_space<vmem>> -> memref<1x80xi32, #tpu.memory_space<vmem>>
    %dma_start3A_70 = tpu.memref_squeeze %dma_start3A_69 : memref<1x80xi32, #tpu.memory_space<vmem>> -> memref<80xi32, #tpu.memory_space<vmem>>
    %dma_start3A_71 = tpu.memref_slice %arg4[%add3A_66] : memref<320000xi32, #tpu.memory_space<hbm>> -> memref<80xi32, #tpu.memory_space<hbm>>
    %dma_start3A_72 = arith.constant 0 : i32
    %dma_start3A_73 = tpu.memref_slice %arg8[%dma_start3A_67, %dma_start3A_72] : memref<3x80xi32, #tpu.memory_space<vmem>> -> memref<1x80xi32, #tpu.memory_space<vmem>>
    %dma_start3A_74 = tpu.memref_squeeze %dma_start3A_73 : memref<1x80xi32, #tpu.memory_space<vmem>> -> memref<80xi32, #tpu.memory_space<vmem>>
    %dma_start3A_75 = tpu.memref_slice %arg4[%add3A_66] : memref<320000xi32, #tpu.memory_space<hbm>> -> memref<80xi32, #tpu.memory_space<hbm>>
    tpu.enqueue_dma source(%dma_start3A_75 : memref<80xi32, #tpu.memory_space<hbm>>) target(%dma_start3A_74 : memref<80xi32, #tpu.memory_space<vmem>>) target_semaphore(%arg19 : memref<!tpu.dma_semaphore, #tpu.memory_space<semaphore_mem>>)
    %add3A_76 = arith.constant 0 : i32
    %add3A_77 = arith.addi %mul3A_10, %add3A_76 : i32
    %dma_wait3A = arith.constant 0 : i32
    %dma_wait3A_78 = arith.constant 0 : i32
    %dma_wait3A_79 = tpu.memref_slice %arg7[%dma_wait3A, %dma_wait3A_78] : memref<3x80xi32, #tpu.memory_space<vmem>> -> memref<1x80xi32, #tpu.memory_space<vmem>>
    %dma_wait3A_80 = tpu.memref_squeeze %dma_wait3A_79 : memref<1x80xi32, #tpu.memory_space<vmem>> -> memref<80xi32, #tpu.memory_space<vmem>>
    %dma_wait3A_81 = tpu.memref_slice %arg3[%add3A_77] : memref<320000xi32, #tpu.memory_space<hbm>> -> memref<80xi32, #tpu.memory_space<hbm>>
    %dma_wait3A_82 = arith.constant 0 : i32
    %dma_wait3A_83 = tpu.memref_slice %arg7[%dma_wait3A, %dma_wait3A_82] : memref<3x80xi32, #tpu.memory_space<vmem>> -> memref<1x80xi32, #tpu.memory_space<vmem>>
    %dma_wait3A_84 = tpu.memref_squeeze %dma_wait3A_83 : memref<1x80xi32, #tpu.memory_space<vmem>> -> memref<80xi32, #tpu.memory_space<vmem>>
    %dma_wait3A_85 = tpu.memref_slice %arg3[%add3A_77] : memref<320000xi32, #tpu.memory_space<hbm>> -> memref<80xi32, #tpu.memory_space<hbm>>
    tpu.wait_dma2 semaphore(%arg14 : memref<!tpu.dma_semaphore, #tpu.memory_space<semaphore_mem>>) src(%dma_wait3A_85 : memref<80xi32, #tpu.memory_space<hbm>>) dst(%dma_wait3A_84 : memref<80xi32, #tpu.memory_space<vmem>>)
    %dma_start3A_86 = arith.constant 0 : i32
    %dma_start3A_87 = arith.constant 0 : i32
    %dma_start3A_88 = arith.constant 0 : i32
    %dma_start3A_89 = arith.constant 0 : i32
    %dma_start3A_90 = tpu.memref_slice %arg9[%dma_start3A_87, %dma_start3A_88, %dma_start3A_89] : memref<3x80x128xf32, #tpu.memory_space<vmem>> -> memref<1x80x128xf32, #tpu.memory_space<vmem>>
    %dma_start3A_91 = tpu.memref_squeeze %dma_start3A_90 : memref<1x80x128xf32, #tpu.memory_space<vmem>> -> memref<80x128xf32, #tpu.memory_space<vmem>>
    %dma_start3A_92 = arith.constant 0 : i32
    %dma_start3A_93 = tpu.memref_slice %arg7[%dma_start3A_86, %dma_start3A_92] : memref<3x80xi32, #tpu.memory_space<vmem>> -> memref<1x80xi32, #tpu.memory_space<vmem>>
    %dma_start3A_94 = tpu.memref_squeeze %dma_start3A_93 : memref<1x80xi32, #tpu.memory_space<vmem>> -> memref<80xi32, #tpu.memory_space<vmem>>
    %dma_start3A_95 = arith.constant 0 : i32
    %dma_start3A_96 = arith.constant 0 : i32
    %dma_start3A_97 = tpu.memref_slice %arg2[%dma_start3A_95, %dma_start3A_96] : memref<10000x128xf32, #tpu.memory_space<hbm>> -> memref<10000x128xf32, #tpu.memory_space<hbm>>
    tpu.enqueue_indirect_dma source(%dma_start3A_97 : memref<10000x128xf32, #tpu.memory_space<hbm>>) target(%dma_start3A_91 : memref<80x128xf32, #tpu.memory_space<vmem>>) offsets(%dma_start3A_94 : memref<80xi32, #tpu.memory_space<vmem>>) semaphore(%arg11 : memref<!tpu.dma_semaphore, #tpu.memory_space<semaphore_mem>>)
    %add3A_98 = arith.constant 80 : i32
    %add3A_99 = arith.addi %mul3A_10, %add3A_98 : i32
    %dma_wait3A_100 = arith.constant 1 : i32
    %dma_wait3A_101 = arith.constant 0 : i32
    %dma_wait3A_102 = tpu.memref_slice %arg7[%dma_wait3A_100, %dma_wait3A_101] : memref<3x80xi32, #tpu.memory_space<vmem>> -> memref<1x80xi32, #tpu.memory_space<vmem>>
    %dma_wait3A_103 = tpu.memref_squeeze %dma_wait3A_102 : memref<1x80xi32, #tpu.memory_space<vmem>> -> memref<80xi32, #tpu.memory_space<vmem>>
    %dma_wait3A_104 = tpu.memref_slice %arg3[%add3A_99] : memref<320000xi32, #tpu.memory_space<hbm>> -> memref<80xi32, #tpu.memory_space<hbm>>
    %dma_wait3A_105 = arith.constant 0 : i32
    %dma_wait3A_106 = tpu.memref_slice %arg7[%dma_wait3A_100, %dma_wait3A_105] : memref<3x80xi32, #tpu.memory_space<vmem>> -> memref<1x80xi32, #tpu.memory_space<vmem>>
    %dma_wait3A_107 = tpu.memref_squeeze %dma_wait3A_106 : memref<1x80xi32, #tpu.memory_space<vmem>> -> memref<80xi32, #tpu.memory_space<vmem>>
    %dma_wait3A_108 = tpu.memref_slice %arg3[%add3A_99] : memref<320000xi32, #tpu.memory_space<hbm>> -> memref<80xi32, #tpu.memory_space<hbm>>
    tpu.wait_dma2 semaphore(%arg15 : memref<!tpu.dma_semaphore, #tpu.memory_space<semaphore_mem>>) src(%dma_wait3A_108 : memref<80xi32, #tpu.memory_space<hbm>>) dst(%dma_wait3A_107 : memref<80xi32, #tpu.memory_space<vmem>>)
    %dma_start3A_109 = arith.constant 1 : i32
    %dma_start3A_110 = arith.constant 1 : i32
    %dma_start3A_111 = arith.constant 0 : i32
    %dma_start3A_112 = arith.constant 0 : i32
    %dma_start3A_113 = tpu.memref_slice %arg9[%dma_start3A_110, %dma_start3A_111, %dma_start3A_112] : memref<3x80x128xf32, #tpu.memory_space<vmem>> -> memref<1x80x128xf32, #tpu.memory_space<vmem>>
    %dma_start3A_114 = tpu.memref_squeeze %dma_start3A_113 : memref<1x80x128xf32, #tpu.memory_space<vmem>> -> memref<80x128xf32, #tpu.memory_space<vmem>>
    %dma_start3A_115 = arith.constant 0 : i32
    %dma_start3A_116 = tpu.memref_slice %arg7[%dma_start3A_109, %dma_start3A_115] : memref<3x80xi32, #tpu.memory_space<vmem>> -> memref<1x80xi32, #tpu.memory_space<vmem>>
    %dma_start3A_117 = tpu.memref_squeeze %dma_start3A_116 : memref<1x80xi32, #tpu.memory_space<vmem>> -> memref<80xi32, #tpu.memory_space<vmem>>
    %dma_start3A_118 = arith.constant 0 : i32
    %dma_start3A_119 = arith.constant 0 : i32
    %dma_start3A_120 = tpu.memref_slice %arg2[%dma_start3A_118, %dma_start3A_119] : memref<10000x128xf32, #tpu.memory_space<hbm>> -> memref<10000x128xf32, #tpu.memory_space<hbm>>
    tpu.enqueue_indirect_dma source(%dma_start3A_120 : memref<10000x128xf32, #tpu.memory_space<hbm>>) target(%dma_start3A_114 : memref<80x128xf32, #tpu.memory_space<vmem>>) offsets(%dma_start3A_117 : memref<80xi32, #tpu.memory_space<vmem>>) semaphore(%arg12 : memref<!tpu.dma_semaphore, #tpu.memory_space<semaphore_mem>>)
    %add3A_121 = arith.constant 160 : i32
    %add3A_122 = arith.addi %mul3A_10, %add3A_121 : i32
    %dma_wait3A_123 = arith.constant 2 : i32
    %dma_wait3A_124 = arith.constant 0 : i32
    %dma_wait3A_125 = tpu.memref_slice %arg7[%dma_wait3A_123, %dma_wait3A_124] : memref<3x80xi32, #tpu.memory_space<vmem>> -> memref<1x80xi32, #tpu.memory_space<vmem>>
    %dma_wait3A_126 = tpu.memref_squeeze %dma_wait3A_125 : memref<1x80xi32, #tpu.memory_space<vmem>> -> memref<80xi32, #tpu.memory_space<vmem>>
    %dma_wait3A_127 = tpu.memref_slice %arg3[%add3A_122] : memref<320000xi32, #tpu.memory_space<hbm>> -> memref<80xi32, #tpu.memory_space<hbm>>
    %dma_wait3A_128 = arith.constant 0 : i32
    %dma_wait3A_129 = tpu.memref_slice %arg7[%dma_wait3A_123, %dma_wait3A_128] : memref<3x80xi32, #tpu.memory_space<vmem>> -> memref<1x80xi32, #tpu.memory_space<vmem>>
    %dma_wait3A_130 = tpu.memref_squeeze %dma_wait3A_129 : memref<1x80xi32, #tpu.memory_space<vmem>> -> memref<80xi32, #tpu.memory_space<vmem>>
    %dma_wait3A_131 = tpu.memref_slice %arg3[%add3A_122] : memref<320000xi32, #tpu.memory_space<hbm>> -> memref<80xi32, #tpu.memory_space<hbm>>
    tpu.wait_dma2 semaphore(%arg16 : memref<!tpu.dma_semaphore, #tpu.memory_space<semaphore_mem>>) src(%dma_wait3A_131 : memref<80xi32, #tpu.memory_space<hbm>>) dst(%dma_wait3A_130 : memref<80xi32, #tpu.memory_space<vmem>>)
    %dma_start3A_132 = arith.constant 2 : i32
    %dma_start3A_133 = arith.constant 2 : i32
    %dma_start3A_134 = arith.constant 0 : i32
    %dma_start3A_135 = arith.constant 0 : i32
    %dma_start3A_136 = tpu.memref_slice %arg9[%dma_start3A_133, %dma_start3A_134, %dma_start3A_135] : memref<3x80x128xf32, #tpu.memory_space<vmem>> -> memref<1x80x128xf32, #tpu.memory_space<vmem>>
    %dma_start3A_137 = tpu.memref_squeeze %dma_start3A_136 : memref<1x80x128xf32, #tpu.memory_space<vmem>> -> memref<80x128xf32, #tpu.memory_space<vmem>>
    %dma_start3A_138 = arith.constant 0 : i32
    %dma_start3A_139 = tpu.memref_slice %arg7[%dma_start3A_132, %dma_start3A_138] : memref<3x80xi32, #tpu.memory_space<vmem>> -> memref<1x80xi32, #tpu.memory_space<vmem>>
    %dma_start3A_140 = tpu.memref_squeeze %dma_start3A_139 : memref<1x80xi32, #tpu.memory_space<vmem>> -> memref<80xi32, #tpu.memory_space<vmem>>
    %dma_start3A_141 = arith.constant 0 : i32
    %dma_start3A_142 = arith.constant 0 : i32
    %dma_start3A_143 = tpu.memref_slice %arg2[%dma_start3A_141, %dma_start3A_142] : memref<10000x128xf32, #tpu.memory_space<hbm>> -> memref<10000x128xf32, #tpu.memory_space<hbm>>
    tpu.enqueue_indirect_dma source(%dma_start3A_143 : memref<10000x128xf32, #tpu.memory_space<hbm>>) target(%dma_start3A_137 : memref<80x128xf32, #tpu.memory_space<vmem>>) offsets(%dma_start3A_140 : memref<80xi32, #tpu.memory_space<vmem>>) semaphore(%arg13 : memref<!tpu.dma_semaphore, #tpu.memory_space<semaphore_mem>>)
    %scan3A = arith.constant 0 : i32
    %scan3A_144 = arith.constant 0 : i32
    %scan3A_145 = arith.constant 41 : i32
    %scan3A_146 = arith.addi %scan3A_144, %scan3A_145 : i32
    %scan3A_147 = arith.constant 1 : i32
    scf.for %scan3A_207 = %scan3A_144 to %scan3A_146 step %scan3A_147  : i32 {
      %mul3A_208 = arith.constant 3 : i32
      %mul3A_209 = arith.muli %scan3A_207, %mul3A_208 : i32
      %add3A_210 = arith.constant 0 : i32
      %add3A_211 = arith.addi %mul3A_209, %add3A_210 : i32
      %dma_wait3A_212 = arith.constant 0 : i32
      %dma_wait3A_213 = arith.constant 0 : i32
      %dma_wait3A_214 = arith.constant 0 : i32
      %dma_wait3A_215 = arith.constant 0 : i32
      %dma_wait3A_216 = tpu.memref_slice %arg9[%dma_wait3A_213, %dma_wait3A_214, %dma_wait3A_215] : memref<3x80x128xf32, #tpu.memory_space<vmem>> -> memref<1x80x128xf32, #tpu.memory_space<vmem>>
      %dma_wait3A_217 = tpu.memref_squeeze %dma_wait3A_216 : memref<1x80x128xf32, #tpu.memory_space<vmem>> -> memref<80x128xf32, #tpu.memory_space<vmem>>
      %dma_wait3A_218 = arith.constant 0 : i32
      %dma_wait3A_219 = tpu.memref_slice %arg7[%dma_wait3A_212, %dma_wait3A_218] : memref<3x80xi32, #tpu.memory_space<vmem>> -> memref<1x80xi32, #tpu.memory_space<vmem>>
      %dma_wait3A_220 = tpu.memref_squeeze %dma_wait3A_219 : memref<1x80xi32, #tpu.memory_space<vmem>> -> memref<80xi32, #tpu.memory_space<vmem>>
      %dma_wait3A_221 = arith.constant 0 : i32
      %dma_wait3A_222 = arith.constant 0 : i32
      %dma_wait3A_223 = tpu.memref_slice %arg2[%dma_wait3A_221, %dma_wait3A_222] : memref<10000x128xf32, #tpu.memory_space<hbm>> -> memref<10000x128xf32, #tpu.memory_space<hbm>>
      tpu.wait_indirect_dma semaphore(%arg11 : memref<!tpu.dma_semaphore, #tpu.memory_space<semaphore_mem>>) src(%dma_wait3A_223 : memref<10000x128xf32, #tpu.memory_space<hbm>>) dst(%dma_wait3A_217 : memref<80x128xf32, #tpu.memory_space<vmem>>)
      %add3A_224 = arith.constant 3 : i32
      %add3A_225 = arith.addi %add3A_211, %add3A_224 : i32
      %lt3A = arith.constant 125 : i32
      %lt3A_226 = arith.cmpi slt, %add3A_225, %lt3A : i32
      %convert_element_type3A_227 = arith.extui %lt3A_226 : i1 to i32
      %cond3A_228 = arith.constant 0 : i32
      %cond3A_229 = arith.cmpi ne, %convert_element_type3A_227, %cond3A_228 : i32
      scf.if %cond3A_229 {
        %add3A_339 = arith.constant 3 : i32
        %add3A_340 = arith.addi %add3A_211, %add3A_339 : i32
        %mul3A_341 = arith.constant 80 : i32
        %mul3A_342 = arith.muli %add3A_340, %mul3A_341 : i32
        %add3A_343 = arith.addi %mul3A_10, %mul3A_342 : i32
        %dma_start3A_344 = arith.constant 0 : i32
        %dma_start3A_345 = arith.constant 0 : i32
        %dma_start3A_346 = tpu.memref_slice %arg7[%dma_start3A_344, %dma_start3A_345] : memref<3x80xi32, #tpu.memory_space<vmem>> -> memref<1x80xi32, #tpu.memory_space<vmem>>
        %dma_start3A_347 = tpu.memref_squeeze %dma_start3A_346 : memref<1x80xi32, #tpu.memory_space<vmem>> -> memref<80xi32, #tpu.memory_space<vmem>>
        %dma_start3A_348 = tpu.memref_slice %arg3[%add3A_343] : memref<320000xi32, #tpu.memory_space<hbm>> -> memref<80xi32, #tpu.memory_space<hbm>>
        %dma_start3A_349 = arith.constant 0 : i32
        %dma_start3A_350 = tpu.memref_slice %arg7[%dma_start3A_344, %dma_start3A_349] : memref<3x80xi32, #tpu.memory_space<vmem>> -> memref<1x80xi32, #tpu.memory_space<vmem>>
        %dma_start3A_351 = tpu.memref_squeeze %dma_start3A_350 : memref<1x80xi32, #tpu.memory_space<vmem>> -> memref<80xi32, #tpu.memory_space<vmem>>
        %dma_start3A_352 = tpu.memref_slice %arg3[%add3A_343] : memref<320000xi32, #tpu.memory_space<hbm>> -> memref<80xi32, #tpu.memory_space<hbm>>
        tpu.enqueue_dma source(%dma_start3A_352 : memref<80xi32, #tpu.memory_space<hbm>>) target(%dma_start3A_351 : memref<80xi32, #tpu.memory_space<vmem>>) target_semaphore(%arg14 : memref<!tpu.dma_semaphore, #tpu.memory_space<semaphore_mem>>)
      } else {
      }
      %mul3A_230 = arith.constant 80 : i32
      %mul3A_231 = arith.muli %add3A_211, %mul3A_230 : i32
      %add3A_232 = arith.addi %mul3A_10, %mul3A_231 : i32
      %dma_wait3A_233 = arith.constant 0 : i32
      %dma_wait3A_234 = arith.constant 0 : i32
      %dma_wait3A_235 = tpu.memref_slice %arg8[%dma_wait3A_233, %dma_wait3A_234] : memref<3x80xi32, #tpu.memory_space<vmem>> -> memref<1x80xi32, #tpu.memory_space<vmem>>
      %dma_wait3A_236 = tpu.memref_squeeze %dma_wait3A_235 : memref<1x80xi32, #tpu.memory_space<vmem>> -> memref<80xi32, #tpu.memory_space<vmem>>
      %dma_wait3A_237 = tpu.memref_slice %arg4[%add3A_232] : memref<320000xi32, #tpu.memory_space<hbm>> -> memref<80xi32, #tpu.memory_space<hbm>>
      %dma_wait3A_238 = arith.constant 0 : i32
      %dma_wait3A_239 = tpu.memref_slice %arg8[%dma_wait3A_233, %dma_wait3A_238] : memref<3x80xi32, #tpu.memory_space<vmem>> -> memref<1x80xi32, #tpu.memory_space<vmem>>
      %dma_wait3A_240 = tpu.memref_squeeze %dma_wait3A_239 : memref<1x80xi32, #tpu.memory_space<vmem>> -> memref<80xi32, #tpu.memory_space<vmem>>
      %dma_wait3A_241 = tpu.memref_slice %arg4[%add3A_232] : memref<320000xi32, #tpu.memory_space<hbm>> -> memref<80xi32, #tpu.memory_space<hbm>>
      tpu.wait_dma2 semaphore(%arg17 : memref<!tpu.dma_semaphore, #tpu.memory_space<semaphore_mem>>) src(%dma_wait3A_241 : memref<80xi32, #tpu.memory_space<hbm>>) dst(%dma_wait3A_240 : memref<80xi32, #tpu.memory_space<vmem>>)
      %run_scoped3A_242 = arith.constant 0 : i32
      %run_scoped3A_243 = arith.constant 0 : i32
      "tpu.region"() ({
        %run_scoped3A_339 = tpu.sem_alloc : memref<!tpu.dma_semaphore, #tpu.memory_space<semaphore_mem>>
        %dma_start3A_340 = arith.constant 0 : i32
        %dma_start3A_341 = arith.constant 0 : i32
        %dma_start3A_342 = tpu.memref_slice %arg9[%run_scoped3A_242, %dma_start3A_340, %dma_start3A_341] : memref<3x80x128xf32, #tpu.memory_space<vmem>> -> memref<1x80x128xf32, #tpu.memory_space<vmem>>
        %dma_start3A_343 = tpu.memref_squeeze %dma_start3A_342 : memref<1x80x128xf32, #tpu.memory_space<vmem>> -> memref<80x128xf32, #tpu.memory_space<vmem>>
        %dma_start3A_344 = arith.constant 0 : i32
        %dma_start3A_345 = tpu.memref_slice %arg8[%run_scoped3A_243, %dma_start3A_344] : memref<3x80xi32, #tpu.memory_space<vmem>> -> memref<1x80xi32, #tpu.memory_space<vmem>>
        %dma_start3A_346 = tpu.memref_squeeze %dma_start3A_345 : memref<1x80xi32, #tpu.memory_space<vmem>> -> memref<80xi32, #tpu.memory_space<vmem>>
        %dma_start3A_347 = arith.constant 0 : i32
        %dma_start3A_348 = arith.constant 0 : i32
        %dma_start3A_349 = tpu.memref_slice %arg10[%dma_start3A_347, %dma_start3A_348] : memref<10000x128xf32, #tpu.memory_space<vmem_shared>> -> memref<10000x128xf32, #tpu.memory_space<vmem_shared>>
        tpu.enqueue_indirect_dma source(%dma_start3A_343 : memref<80x128xf32, #tpu.memory_space<vmem>>) target(%dma_start3A_349 : memref<10000x128xf32, #tpu.memory_space<vmem_shared>>) offsets(%dma_start3A_346 : memref<80xi32, #tpu.memory_space<vmem>>) semaphore(%run_scoped3A_339 : memref<!tpu.dma_semaphore, #tpu.memory_space<semaphore_mem>>) {add = true}
        %dma_wait3A_350 = arith.constant 0 : i32
        %dma_wait3A_351 = arith.constant 0 : i32
        %dma_wait3A_352 = tpu.memref_slice %arg9[%run_scoped3A_242, %dma_wait3A_350, %dma_wait3A_351] : memref<3x80x128xf32, #tpu.memory_space<vmem>> -> memref<1x80x128xf32, #tpu.memory_space<vmem>>
        %dma_wait3A_353 = tpu.memref_squeeze %dma_wait3A_352 : memref<1x80x128xf32, #tpu.memory_space<vmem>> -> memref<80x128xf32, #tpu.memory_space<vmem>>
        %dma_wait3A_354 = arith.constant 0 : i32
        %dma_wait3A_355 = tpu.memref_slice %arg8[%run_scoped3A_243, %dma_wait3A_354] : memref<3x80xi32, #tpu.memory_space<vmem>> -> memref<1x80xi32, #tpu.memory_space<vmem>>
        %dma_wait3A_356 = tpu.memref_squeeze %dma_wait3A_355 : memref<1x80xi32, #tpu.memory_space<vmem>> -> memref<80xi32, #tpu.memory_space<vmem>>
        %dma_wait3A_357 = arith.constant 0 : i32
        %dma_wait3A_358 = arith.constant 0 : i32
        %dma_wait3A_359 = tpu.memref_slice %arg10[%dma_wait3A_357, %dma_wait3A_358] : memref<10000x128xf32, #tpu.memory_space<vmem_shared>> -> memref<10000x128xf32, #tpu.memory_space<vmem_shared>>
        tpu.wait_indirect_dma semaphore(%run_scoped3A_339 : memref<!tpu.dma_semaphore, #tpu.memory_space<semaphore_mem>>) src(%dma_wait3A_353 : memref<80x128xf32, #tpu.memory_space<vmem>>) dst(%dma_wait3A_359 : memref<10000x128xf32, #tpu.memory_space<vmem_shared>>)
        tpu.yield
      }) : () -> ()
      %add3A_244 = arith.constant 3 : i32
      %add3A_245 = arith.addi %add3A_211, %add3A_244 : i32
      %lt3A_246 = arith.constant 125 : i32
      %lt3A_247 = arith.cmpi slt, %add3A_245, %lt3A_246 : i32
      %convert_element_type3A_248 = arith.extui %lt3A_247 : i1 to i32
      %cond3A_249 = arith.constant 0 : i32
      %cond3A_250 = arith.cmpi ne, %convert_element_type3A_248, %cond3A_249 : i32
      scf.if %cond3A_250 {
        %add3A_339 = arith.constant 3 : i32
        %add3A_340 = arith.addi %add3A_211, %add3A_339 : i32
        %mul3A_341 = arith.constant 80 : i32
        %mul3A_342 = arith.muli %add3A_340, %mul3A_341 : i32
        %add3A_343 = arith.addi %mul3A_10, %mul3A_342 : i32
        %dma_start3A_344 = arith.constant 0 : i32
        %dma_start3A_345 = arith.constant 0 : i32
        %dma_start3A_346 = tpu.memref_slice %arg8[%dma_start3A_344, %dma_start3A_345] : memref<3x80xi32, #tpu.memory_space<vmem>> -> memref<1x80xi32, #tpu.memory_space<vmem>>
        %dma_start3A_347 = tpu.memref_squeeze %dma_start3A_346 : memref<1x80xi32, #tpu.memory_space<vmem>> -> memref<80xi32, #tpu.memory_space<vmem>>
        %dma_start3A_348 = tpu.memref_slice %arg4[%add3A_343] : memref<320000xi32, #tpu.memory_space<hbm>> -> memref<80xi32, #tpu.memory_space<hbm>>
        %dma_start3A_349 = arith.constant 0 : i32
        %dma_start3A_350 = tpu.memref_slice %arg8[%dma_start3A_344, %dma_start3A_349] : memref<3x80xi32, #tpu.memory_space<vmem>> -> memref<1x80xi32, #tpu.memory_space<vmem>>
        %dma_start3A_351 = tpu.memref_squeeze %dma_start3A_350 : memref<1x80xi32, #tpu.memory_space<vmem>> -> memref<80xi32, #tpu.memory_space<vmem>>
        %dma_start3A_352 = tpu.memref_slice %arg4[%add3A_343] : memref<320000xi32, #tpu.memory_space<hbm>> -> memref<80xi32, #tpu.memory_space<hbm>>
        tpu.enqueue_dma source(%dma_start3A_352 : memref<80xi32, #tpu.memory_space<hbm>>) target(%dma_start3A_351 : memref<80xi32, #tpu.memory_space<vmem>>) target_semaphore(%arg17 : memref<!tpu.dma_semaphore, #tpu.memory_space<semaphore_mem>>)
        %add3A_353 = arith.constant 3 : i32
        %add3A_354 = arith.addi %add3A_211, %add3A_353 : i32
        %mul3A_355 = arith.constant 80 : i32
        %mul3A_356 = arith.muli %add3A_354, %mul3A_355 : i32
        %add3A_357 = arith.addi %mul3A_10, %mul3A_356 : i32
        %dma_wait3A_358 = arith.constant 0 : i32
        %dma_wait3A_359 = arith.constant 0 : i32
        %dma_wait3A_360 = tpu.memref_slice %arg7[%dma_wait3A_358, %dma_wait3A_359] : memref<3x80xi32, #tpu.memory_space<vmem>> -> memref<1x80xi32, #tpu.memory_space<vmem>>
        %dma_wait3A_361 = tpu.memref_squeeze %dma_wait3A_360 : memref<1x80xi32, #tpu.memory_space<vmem>> -> memref<80xi32, #tpu.memory_space<vmem>>
        %dma_wait3A_362 = tpu.memref_slice %arg3[%add3A_357] : memref<320000xi32, #tpu.memory_space<hbm>> -> memref<80xi32, #tpu.memory_space<hbm>>
        %dma_wait3A_363 = arith.constant 0 : i32
        %dma_wait3A_364 = tpu.memref_slice %arg7[%dma_wait3A_358, %dma_wait3A_363] : memref<3x80xi32, #tpu.memory_space<vmem>> -> memref<1x80xi32, #tpu.memory_space<vmem>>
        %dma_wait3A_365 = tpu.memref_squeeze %dma_wait3A_364 : memref<1x80xi32, #tpu.memory_space<vmem>> -> memref<80xi32, #tpu.memory_space<vmem>>
        %dma_wait3A_366 = tpu.memref_slice %arg3[%add3A_357] : memref<320000xi32, #tpu.memory_space<hbm>> -> memref<80xi32, #tpu.memory_space<hbm>>
        tpu.wait_dma2 semaphore(%arg14 : memref<!tpu.dma_semaphore, #tpu.memory_space<semaphore_mem>>) src(%dma_wait3A_366 : memref<80xi32, #tpu.memory_space<hbm>>) dst(%dma_wait3A_365 : memref<80xi32, #tpu.memory_space<vmem>>)
        %dma_start3A_367 = arith.constant 0 : i32
        %dma_start3A_368 = arith.constant 0 : i32
        %dma_start3A_369 = arith.constant 0 : i32
        %dma_start3A_370 = arith.constant 0 : i32
        %dma_start3A_371 = tpu.memref_slice %arg9[%dma_start3A_368, %dma_start3A_369, %dma_start3A_370] : memref<3x80x128xf32, #tpu.memory_space<vmem>> -> memref<1x80x128xf32, #tpu.memory_space<vmem>>
        %dma_start3A_372 = tpu.memref_squeeze %dma_start3A_371 : memref<1x80x128xf32, #tpu.memory_space<vmem>> -> memref<80x128xf32, #tpu.memory_space<vmem>>
        %dma_start3A_373 = arith.constant 0 : i32
        %dma_start3A_374 = tpu.memref_slice %arg7[%dma_start3A_367, %dma_start3A_373] : memref<3x80xi32, #tpu.memory_space<vmem>> -> memref<1x80xi32, #tpu.memory_space<vmem>>
        %dma_start3A_375 = tpu.memref_squeeze %dma_start3A_374 : memref<1x80xi32, #tpu.memory_space<vmem>> -> memref<80xi32, #tpu.memory_space<vmem>>
        %dma_start3A_376 = arith.constant 0 : i32
        %dma_start3A_377 = arith.constant 0 : i32
        %dma_start3A_378 = tpu.memref_slice %arg2[%dma_start3A_376, %dma_start3A_377] : memref<10000x128xf32, #tpu.memory_space<hbm>> -> memref<10000x128xf32, #tpu.memory_space<hbm>>
        tpu.enqueue_indirect_dma source(%dma_start3A_378 : memref<10000x128xf32, #tpu.memory_space<hbm>>) target(%dma_start3A_372 : memref<80x128xf32, #tpu.memory_space<vmem>>) offsets(%dma_start3A_375 : memref<80xi32, #tpu.memory_space<vmem>>) semaphore(%arg11 : memref<!tpu.dma_semaphore, #tpu.memory_space<semaphore_mem>>)
      } else {
      }
      %mul3A_251 = arith.constant 3 : i32
      %mul3A_252 = arith.muli %scan3A_207, %mul3A_251 : i32
      %add3A_253 = arith.constant 1 : i32
      %add3A_254 = arith.addi %mul3A_252, %add3A_253 : i32
      %dma_wait3A_255 = arith.constant 1 : i32
      %dma_wait3A_256 = arith.constant 1 : i32
      %dma_wait3A_257 = arith.constant 0 : i32
      %dma_wait3A_258 = arith.constant 0 : i32
      %dma_wait3A_259 = tpu.memref_slice %arg9[%dma_wait3A_256, %dma_wait3A_257, %dma_wait3A_258] : memref<3x80x128xf32, #tpu.memory_space<vmem>> -> memref<1x80x128xf32, #tpu.memory_space<vmem>>
      %dma_wait3A_260 = tpu.memref_squeeze %dma_wait3A_259 : memref<1x80x128xf32, #tpu.memory_space<vmem>> -> memref<80x128xf32, #tpu.memory_space<vmem>>
      %dma_wait3A_261 = arith.constant 0 : i32
      %dma_wait3A_262 = tpu.memref_slice %arg7[%dma_wait3A_255, %dma_wait3A_261] : memref<3x80xi32, #tpu.memory_space<vmem>> -> memref<1x80xi32, #tpu.memory_space<vmem>>
      %dma_wait3A_263 = tpu.memref_squeeze %dma_wait3A_262 : memref<1x80xi32, #tpu.memory_space<vmem>> -> memref<80xi32, #tpu.memory_space<vmem>>
      %dma_wait3A_264 = arith.constant 0 : i32
      %dma_wait3A_265 = arith.constant 0 : i32
      %dma_wait3A_266 = tpu.memref_slice %arg2[%dma_wait3A_264, %dma_wait3A_265] : memref<10000x128xf32, #tpu.memory_space<hbm>> -> memref<10000x128xf32, #tpu.memory_space<hbm>>
      tpu.wait_indirect_dma semaphore(%arg12 : memref<!tpu.dma_semaphore, #tpu.memory_space<semaphore_mem>>) src(%dma_wait3A_266 : memref<10000x128xf32, #tpu.memory_space<hbm>>) dst(%dma_wait3A_260 : memref<80x128xf32, #tpu.memory_space<vmem>>)
      %add3A_267 = arith.constant 3 : i32
      %add3A_268 = arith.addi %add3A_254, %add3A_267 : i32
      %lt3A_269 = arith.constant 125 : i32
      %lt3A_270 = arith.cmpi slt, %add3A_268, %lt3A_269 : i32
      %convert_element_type3A_271 = arith.extui %lt3A_270 : i1 to i32
      %cond3A_272 = arith.constant 0 : i32
      %cond3A_273 = arith.cmpi ne, %convert_element_type3A_271, %cond3A_272 : i32
      scf.if %cond3A_273 {
        %add3A_339 = arith.constant 3 : i32
        %add3A_340 = arith.addi %add3A_254, %add3A_339 : i32
        %mul3A_341 = arith.constant 80 : i32
        %mul3A_342 = arith.muli %add3A_340, %mul3A_341 : i32
        %add3A_343 = arith.addi %mul3A_10, %mul3A_342 : i32
        %dma_start3A_344 = arith.constant 1 : i32
        %dma_start3A_345 = arith.constant 0 : i32
        %dma_start3A_346 = tpu.memref_slice %arg7[%dma_start3A_344, %dma_start3A_345] : memref<3x80xi32, #tpu.memory_space<vmem>> -> memref<1x80xi32, #tpu.memory_space<vmem>>
        %dma_start3A_347 = tpu.memref_squeeze %dma_start3A_346 : memref<1x80xi32, #tpu.memory_space<vmem>> -> memref<80xi32, #tpu.memory_space<vmem>>
        %dma_start3A_348 = tpu.memref_slice %arg3[%add3A_343] : memref<320000xi32, #tpu.memory_space<hbm>> -> memref<80xi32, #tpu.memory_space<hbm>>
        %dma_start3A_349 = arith.constant 0 : i32
        %dma_start3A_350 = tpu.memref_slice %arg7[%dma_start3A_344, %dma_start3A_349] : memref<3x80xi32, #tpu.memory_space<vmem>> -> memref<1x80xi32, #tpu.memory_space<vmem>>
        %dma_start3A_351 = tpu.memref_squeeze %dma_start3A_350 : memref<1x80xi32, #tpu.memory_space<vmem>> -> memref<80xi32, #tpu.memory_space<vmem>>
        %dma_start3A_352 = tpu.memref_slice %arg3[%add3A_343] : memref<320000xi32, #tpu.memory_space<hbm>> -> memref<80xi32, #tpu.memory_space<hbm>>
        tpu.enqueue_dma source(%dma_start3A_352 : memref<80xi32, #tpu.memory_space<hbm>>) target(%dma_start3A_351 : memref<80xi32, #tpu.memory_space<vmem>>) target_semaphore(%arg15 : memref<!tpu.dma_semaphore, #tpu.memory_space<semaphore_mem>>)
      } else {
      }
      %mul3A_274 = arith.constant 80 : i32
      %mul3A_275 = arith.muli %add3A_254, %mul3A_274 : i32
      %add3A_276 = arith.addi %mul3A_10, %mul3A_275 : i32
      %dma_wait3A_277 = arith.constant 1 : i32
      %dma_wait3A_278 = arith.constant 0 : i32
      %dma_wait3A_279 = tpu.memref_slice %arg8[%dma_wait3A_277, %dma_wait3A_278] : memref<3x80xi32, #tpu.memory_space<vmem>> -> memref<1x80xi32, #tpu.memory_space<vmem>>
      %dma_wait3A_280 = tpu.memref_squeeze %dma_wait3A_279 : memref<1x80xi32, #tpu.memory_space<vmem>> -> memref<80xi32, #tpu.memory_space<vmem>>
      %dma_wait3A_281 = tpu.memref_slice %arg4[%add3A_276] : memref<320000xi32, #tpu.memory_space<hbm>> -> memref<80xi32, #tpu.memory_space<hbm>>
      %dma_wait3A_282 = arith.constant 0 : i32
      %dma_wait3A_283 = tpu.memref_slice %arg8[%dma_wait3A_277, %dma_wait3A_282] : memref<3x80xi32, #tpu.memory_space<vmem>> -> memref<1x80xi32, #tpu.memory_space<vmem>>
      %dma_wait3A_284 = tpu.memref_squeeze %dma_wait3A_283 : memref<1x80xi32, #tpu.memory_space<vmem>> -> memref<80xi32, #tpu.memory_space<vmem>>
      %dma_wait3A_285 = tpu.memref_slice %arg4[%add3A_276] : memref<320000xi32, #tpu.memory_space<hbm>> -> memref<80xi32, #tpu.memory_space<hbm>>
      tpu.wait_dma2 semaphore(%arg18 : memref<!tpu.dma_semaphore, #tpu.memory_space<semaphore_mem>>) src(%dma_wait3A_285 : memref<80xi32, #tpu.memory_space<hbm>>) dst(%dma_wait3A_284 : memref<80xi32, #tpu.memory_space<vmem>>)
      %run_scoped3A_286 = arith.constant 1 : i32
      %run_scoped3A_287 = arith.constant 1 : i32
      "tpu.region"() ({
        %run_scoped3A_339 = tpu.sem_alloc : memref<!tpu.dma_semaphore, #tpu.memory_space<semaphore_mem>>
        %dma_start3A_340 = arith.constant 0 : i32
        %dma_start3A_341 = arith.constant 0 : i32
        %dma_start3A_342 = tpu.memref_slice %arg9[%run_scoped3A_286, %dma_start3A_340, %dma_start3A_341] : memref<3x80x128xf32, #tpu.memory_space<vmem>> -> memref<1x80x128xf32, #tpu.memory_space<vmem>>
        %dma_start3A_343 = tpu.memref_squeeze %dma_start3A_342 : memref<1x80x128xf32, #tpu.memory_space<vmem>> -> memref<80x128xf32, #tpu.memory_space<vmem>>
        %dma_start3A_344 = arith.constant 0 : i32
        %dma_start3A_345 = tpu.memref_slice %arg8[%run_scoped3A_287, %dma_start3A_344] : memref<3x80xi32, #tpu.memory_space<vmem>> -> memref<1x80xi32, #tpu.memory_space<vmem>>
        %dma_start3A_346 = tpu.memref_squeeze %dma_start3A_345 : memref<1x80xi32, #tpu.memory_space<vmem>> -> memref<80xi32, #tpu.memory_space<vmem>>
        %dma_start3A_347 = arith.constant 0 : i32
        %dma_start3A_348 = arith.constant 0 : i32
        %dma_start3A_349 = tpu.memref_slice %arg10[%dma_start3A_347, %dma_start3A_348] : memref<10000x128xf32, #tpu.memory_space<vmem_shared>> -> memref<10000x128xf32, #tpu.memory_space<vmem_shared>>
        tpu.enqueue_indirect_dma source(%dma_start3A_343 : memref<80x128xf32, #tpu.memory_space<vmem>>) target(%dma_start3A_349 : memref<10000x128xf32, #tpu.memory_space<vmem_shared>>) offsets(%dma_start3A_346 : memref<80xi32, #tpu.memory_space<vmem>>) semaphore(%run_scoped3A_339 : memref<!tpu.dma_semaphore, #tpu.memory_space<semaphore_mem>>) {add = true}
        %dma_wait3A_350 = arith.constant 0 : i32
        %dma_wait3A_351 = arith.constant 0 : i32
        %dma_wait3A_352 = tpu.memref_slice %arg9[%run_scoped3A_286, %dma_wait3A_350, %dma_wait3A_351] : memref<3x80x128xf32, #tpu.memory_space<vmem>> -> memref<1x80x128xf32, #tpu.memory_space<vmem>>
        %dma_wait3A_353 = tpu.memref_squeeze %dma_wait3A_352 : memref<1x80x128xf32, #tpu.memory_space<vmem>> -> memref<80x128xf32, #tpu.memory_space<vmem>>
        %dma_wait3A_354 = arith.constant 0 : i32
        %dma_wait3A_355 = tpu.memref_slice %arg8[%run_scoped3A_287, %dma_wait3A_354] : memref<3x80xi32, #tpu.memory_space<vmem>> -> memref<1x80xi32, #tpu.memory_space<vmem>>
        %dma_wait3A_356 = tpu.memref_squeeze %dma_wait3A_355 : memref<1x80xi32, #tpu.memory_space<vmem>> -> memref<80xi32, #tpu.memory_space<vmem>>
        %dma_wait3A_357 = arith.constant 0 : i32
        %dma_wait3A_358 = arith.constant 0 : i32
        %dma_wait3A_359 = tpu.memref_slice %arg10[%dma_wait3A_357, %dma_wait3A_358] : memref<10000x128xf32, #tpu.memory_space<vmem_shared>> -> memref<10000x128xf32, #tpu.memory_space<vmem_shared>>
        tpu.wait_indirect_dma semaphore(%run_scoped3A_339 : memref<!tpu.dma_semaphore, #tpu.memory_space<semaphore_mem>>) src(%dma_wait3A_353 : memref<80x128xf32, #tpu.memory_space<vmem>>) dst(%dma_wait3A_359 : memref<10000x128xf32, #tpu.memory_space<vmem_shared>>)
        tpu.yield
      }) : () -> ()
      %add3A_288 = arith.constant 3 : i32
      %add3A_289 = arith.addi %add3A_254, %add3A_288 : i32
      %lt3A_290 = arith.constant 125 : i32
      %lt3A_291 = arith.cmpi slt, %add3A_289, %lt3A_290 : i32
      %convert_element_type3A_292 = arith.extui %lt3A_291 : i1 to i32
      %cond3A_293 = arith.constant 0 : i32
      %cond3A_294 = arith.cmpi ne, %convert_element_type3A_292, %cond3A_293 : i32
      scf.if %cond3A_294 {
        %add3A_339 = arith.constant 3 : i32
        %add3A_340 = arith.addi %add3A_254, %add3A_339 : i32
        %mul3A_341 = arith.constant 80 : i32
        %mul3A_342 = arith.muli %add3A_340, %mul3A_341 : i32
        %add3A_343 = arith.addi %mul3A_10, %mul3A_342 : i32
        %dma_start3A_344 = arith.constant 1 : i32
        %dma_start3A_345 = arith.constant 0 : i32
        %dma_start3A_346 = tpu.memref_slice %arg8[%dma_start3A_344, %dma_start3A_345] : memref<3x80xi32, #tpu.memory_space<vmem>> -> memref<1x80xi32, #tpu.memory_space<vmem>>
        %dma_start3A_347 = tpu.memref_squeeze %dma_start3A_346 : memref<1x80xi32, #tpu.memory_space<vmem>> -> memref<80xi32, #tpu.memory_space<vmem>>
        %dma_start3A_348 = tpu.memref_slice %arg4[%add3A_343] : memref<320000xi32, #tpu.memory_space<hbm>> -> memref<80xi32, #tpu.memory_space<hbm>>
        %dma_start3A_349 = arith.constant 0 : i32
        %dma_start3A_350 = tpu.memref_slice %arg8[%dma_start3A_344, %dma_start3A_349] : memref<3x80xi32, #tpu.memory_space<vmem>> -> memref<1x80xi32, #tpu.memory_space<vmem>>
        %dma_start3A_351 = tpu.memref_squeeze %dma_start3A_350 : memref<1x80xi32, #tpu.memory_space<vmem>> -> memref<80xi32, #tpu.memory_space<vmem>>
        %dma_start3A_352 = tpu.memref_slice %arg4[%add3A_343] : memref<320000xi32, #tpu.memory_space<hbm>> -> memref<80xi32, #tpu.memory_space<hbm>>
        tpu.enqueue_dma source(%dma_start3A_352 : memref<80xi32, #tpu.memory_space<hbm>>) target(%dma_start3A_351 : memref<80xi32, #tpu.memory_space<vmem>>) target_semaphore(%arg18 : memref<!tpu.dma_semaphore, #tpu.memory_space<semaphore_mem>>)
        %add3A_353 = arith.constant 3 : i32
        %add3A_354 = arith.addi %add3A_254, %add3A_353 : i32
        %mul3A_355 = arith.constant 80 : i32
        %mul3A_356 = arith.muli %add3A_354, %mul3A_355 : i32
        %add3A_357 = arith.addi %mul3A_10, %mul3A_356 : i32
        %dma_wait3A_358 = arith.constant 1 : i32
        %dma_wait3A_359 = arith.constant 0 : i32
        %dma_wait3A_360 = tpu.memref_slice %arg7[%dma_wait3A_358, %dma_wait3A_359] : memref<3x80xi32, #tpu.memory_space<vmem>> -> memref<1x80xi32, #tpu.memory_space<vmem>>
        %dma_wait3A_361 = tpu.memref_squeeze %dma_wait3A_360 : memref<1x80xi32, #tpu.memory_space<vmem>> -> memref<80xi32, #tpu.memory_space<vmem>>
        %dma_wait3A_362 = tpu.memref_slice %arg3[%add3A_357] : memref<320000xi32, #tpu.memory_space<hbm>> -> memref<80xi32, #tpu.memory_space<hbm>>
        %dma_wait3A_363 = arith.constant 0 : i32
        %dma_wait3A_364 = tpu.memref_slice %arg7[%dma_wait3A_358, %dma_wait3A_363] : memref<3x80xi32, #tpu.memory_space<vmem>> -> memref<1x80xi32, #tpu.memory_space<vmem>>
        %dma_wait3A_365 = tpu.memref_squeeze %dma_wait3A_364 : memref<1x80xi32, #tpu.memory_space<vmem>> -> memref<80xi32, #tpu.memory_space<vmem>>
        %dma_wait3A_366 = tpu.memref_slice %arg3[%add3A_357] : memref<320000xi32, #tpu.memory_space<hbm>> -> memref<80xi32, #tpu.memory_space<hbm>>
        tpu.wait_dma2 semaphore(%arg15 : memref<!tpu.dma_semaphore, #tpu.memory_space<semaphore_mem>>) src(%dma_wait3A_366 : memref<80xi32, #tpu.memory_space<hbm>>) dst(%dma_wait3A_365 : memref<80xi32, #tpu.memory_space<vmem>>)
        %dma_start3A_367 = arith.constant 1 : i32
        %dma_start3A_368 = arith.constant 1 : i32
        %dma_start3A_369 = arith.constant 0 : i32
        %dma_start3A_370 = arith.constant 0 : i32
        %dma_start3A_371 = tpu.memref_slice %arg9[%dma_start3A_368, %dma_start3A_369, %dma_start3A_370] : memref<3x80x128xf32, #tpu.memory_space<vmem>> -> memref<1x80x128xf32, #tpu.memory_space<vmem>>
        %dma_start3A_372 = tpu.memref_squeeze %dma_start3A_371 : memref<1x80x128xf32, #tpu.memory_space<vmem>> -> memref<80x128xf32, #tpu.memory_space<vmem>>
        %dma_start3A_373 = arith.constant 0 : i32
        %dma_start3A_374 = tpu.memref_slice %arg7[%dma_start3A_367, %dma_start3A_373] : memref<3x80xi32, #tpu.memory_space<vmem>> -> memref<1x80xi32, #tpu.memory_space<vmem>>
        %dma_start3A_375 = tpu.memref_squeeze %dma_start3A_374 : memref<1x80xi32, #tpu.memory_space<vmem>> -> memref<80xi32, #tpu.memory_space<vmem>>
        %dma_start3A_376 = arith.constant 0 : i32
        %dma_start3A_377 = arith.constant 0 : i32
        %dma_start3A_378 = tpu.memref_slice %arg2[%dma_start3A_376, %dma_start3A_377] : memref<10000x128xf32, #tpu.memory_space<hbm>> -> memref<10000x128xf32, #tpu.memory_space<hbm>>
        tpu.enqueue_indirect_dma source(%dma_start3A_378 : memref<10000x128xf32, #tpu.memory_space<hbm>>) target(%dma_start3A_372 : memref<80x128xf32, #tpu.memory_space<vmem>>) offsets(%dma_start3A_375 : memref<80xi32, #tpu.memory_space<vmem>>) semaphore(%arg12 : memref<!tpu.dma_semaphore, #tpu.memory_space<semaphore_mem>>)
      } else {
      }
      %mul3A_295 = arith.constant 3 : i32
      %mul3A_296 = arith.muli %scan3A_207, %mul3A_295 : i32
      %add3A_297 = arith.constant 2 : i32
      %add3A_298 = arith.addi %mul3A_296, %add3A_297 : i32
      %dma_wait3A_299 = arith.constant 2 : i32
      %dma_wait3A_300 = arith.constant 2 : i32
      %dma_wait3A_301 = arith.constant 0 : i32
      %dma_wait3A_302 = arith.constant 0 : i32
      %dma_wait3A_303 = tpu.memref_slice %arg9[%dma_wait3A_300, %dma_wait3A_301, %dma_wait3A_302] : memref<3x80x128xf32, #tpu.memory_space<vmem>> -> memref<1x80x128xf32, #tpu.memory_space<vmem>>
      %dma_wait3A_304 = tpu.memref_squeeze %dma_wait3A_303 : memref<1x80x128xf32, #tpu.memory_space<vmem>> -> memref<80x128xf32, #tpu.memory_space<vmem>>
      %dma_wait3A_305 = arith.constant 0 : i32
      %dma_wait3A_306 = tpu.memref_slice %arg7[%dma_wait3A_299, %dma_wait3A_305] : memref<3x80xi32, #tpu.memory_space<vmem>> -> memref<1x80xi32, #tpu.memory_space<vmem>>
      %dma_wait3A_307 = tpu.memref_squeeze %dma_wait3A_306 : memref<1x80xi32, #tpu.memory_space<vmem>> -> memref<80xi32, #tpu.memory_space<vmem>>
      %dma_wait3A_308 = arith.constant 0 : i32
      %dma_wait3A_309 = arith.constant 0 : i32
      %dma_wait3A_310 = tpu.memref_slice %arg2[%dma_wait3A_308, %dma_wait3A_309] : memref<10000x128xf32, #tpu.memory_space<hbm>> -> memref<10000x128xf32, #tpu.memory_space<hbm>>
      tpu.wait_indirect_dma semaphore(%arg13 : memref<!tpu.dma_semaphore, #tpu.memory_space<semaphore_mem>>) src(%dma_wait3A_310 : memref<10000x128xf32, #tpu.memory_space<hbm>>) dst(%dma_wait3A_304 : memref<80x128xf32, #tpu.memory_space<vmem>>)
      %add3A_311 = arith.constant 3 : i32
      %add3A_312 = arith.addi %add3A_298, %add3A_311 : i32
      %lt3A_313 = arith.constant 125 : i32
      %lt3A_314 = arith.cmpi slt, %add3A_312, %lt3A_313 : i32
      %convert_element_type3A_315 = arith.extui %lt3A_314 : i1 to i32
      %cond3A_316 = arith.constant 0 : i32
      %cond3A_317 = arith.cmpi ne, %convert_element_type3A_315, %cond3A_316 : i32
      scf.if %cond3A_317 {
        %add3A_339 = arith.constant 3 : i32
        %add3A_340 = arith.addi %add3A_298, %add3A_339 : i32
        %mul3A_341 = arith.constant 80 : i32
        %mul3A_342 = arith.muli %add3A_340, %mul3A_341 : i32
        %add3A_343 = arith.addi %mul3A_10, %mul3A_342 : i32
        %dma_start3A_344 = arith.constant 2 : i32
        %dma_start3A_345 = arith.constant 0 : i32
        %dma_start3A_346 = tpu.memref_slice %arg7[%dma_start3A_344, %dma_start3A_345] : memref<3x80xi32, #tpu.memory_space<vmem>> -> memref<1x80xi32, #tpu.memory_space<vmem>>
        %dma_start3A_347 = tpu.memref_squeeze %dma_start3A_346 : memref<1x80xi32, #tpu.memory_space<vmem>> -> memref<80xi32, #tpu.memory_space<vmem>>
        %dma_start3A_348 = tpu.memref_slice %arg3[%add3A_343] : memref<320000xi32, #tpu.memory_space<hbm>> -> memref<80xi32, #tpu.memory_space<hbm>>
        %dma_start3A_349 = arith.constant 0 : i32
        %dma_start3A_350 = tpu.memref_slice %arg7[%dma_start3A_344, %dma_start3A_349] : memref<3x80xi32, #tpu.memory_space<vmem>> -> memref<1x80xi32, #tpu.memory_space<vmem>>
        %dma_start3A_351 = tpu.memref_squeeze %dma_start3A_350 : memref<1x80xi32, #tpu.memory_space<vmem>> -> memref<80xi32, #tpu.memory_space<vmem>>
        %dma_start3A_352 = tpu.memref_slice %arg3[%add3A_343] : memref<320000xi32, #tpu.memory_space<hbm>> -> memref<80xi32, #tpu.memory_space<hbm>>
        tpu.enqueue_dma source(%dma_start3A_352 : memref<80xi32, #tpu.memory_space<hbm>>) target(%dma_start3A_351 : memref<80xi32, #tpu.memory_space<vmem>>) target_semaphore(%arg16 : memref<!tpu.dma_semaphore, #tpu.memory_space<semaphore_mem>>)
      } else {
      }
      %mul3A_318 = arith.constant 80 : i32
      %mul3A_319 = arith.muli %add3A_298, %mul3A_318 : i32
      %add3A_320 = arith.addi %mul3A_10, %mul3A_319 : i32
      %dma_wait3A_321 = arith.constant 2 : i32
      %dma_wait3A_322 = arith.constant 0 : i32
      %dma_wait3A_323 = tpu.memref_slice %arg8[%dma_wait3A_321, %dma_wait3A_322] : memref<3x80xi32, #tpu.memory_space<vmem>> -> memref<1x80xi32, #tpu.memory_space<vmem>>
      %dma_wait3A_324 = tpu.memref_squeeze %dma_wait3A_323 : memref<1x80xi32, #tpu.memory_space<vmem>> -> memref<80xi32, #tpu.memory_space<vmem>>
      %dma_wait3A_325 = tpu.memref_slice %arg4[%add3A_320] : memref<320000xi32, #tpu.memory_space<hbm>> -> memref<80xi32, #tpu.memory_space<hbm>>
      %dma_wait3A_326 = arith.constant 0 : i32
      %dma_wait3A_327 = tpu.memref_slice %arg8[%dma_wait3A_321, %dma_wait3A_326] : memref<3x80xi32, #tpu.memory_space<vmem>> -> memref<1x80xi32, #tpu.memory_space<vmem>>
      %dma_wait3A_328 = tpu.memref_squeeze %dma_wait3A_327 : memref<1x80xi32, #tpu.memory_space<vmem>> -> memref<80xi32, #tpu.memory_space<vmem>>
      %dma_wait3A_329 = tpu.memref_slice %arg4[%add3A_320] : memref<320000xi32, #tpu.memory_space<hbm>> -> memref<80xi32, #tpu.memory_space<hbm>>
      tpu.wait_dma2 semaphore(%arg19 : memref<!tpu.dma_semaphore, #tpu.memory_space<semaphore_mem>>) src(%dma_wait3A_329 : memref<80xi32, #tpu.memory_space<hbm>>) dst(%dma_wait3A_328 : memref<80xi32, #tpu.memory_space<vmem>>)
      %run_scoped3A_330 = arith.constant 2 : i32
      %run_scoped3A_331 = arith.constant 2 : i32
      "tpu.region"() ({
        %run_scoped3A_339 = tpu.sem_alloc : memref<!tpu.dma_semaphore, #tpu.memory_space<semaphore_mem>>
        %dma_start3A_340 = arith.constant 0 : i32
        %dma_start3A_341 = arith.constant 0 : i32
        %dma_start3A_342 = tpu.memref_slice %arg9[%run_scoped3A_330, %dma_start3A_340, %dma_start3A_341] : memref<3x80x128xf32, #tpu.memory_space<vmem>> -> memref<1x80x128xf32, #tpu.memory_space<vmem>>
        %dma_start3A_343 = tpu.memref_squeeze %dma_start3A_342 : memref<1x80x128xf32, #tpu.memory_space<vmem>> -> memref<80x128xf32, #tpu.memory_space<vmem>>
        %dma_start3A_344 = arith.constant 0 : i32
        %dma_start3A_345 = tpu.memref_slice %arg8[%run_scoped3A_331, %dma_start3A_344] : memref<3x80xi32, #tpu.memory_space<vmem>> -> memref<1x80xi32, #tpu.memory_space<vmem>>
        %dma_start3A_346 = tpu.memref_squeeze %dma_start3A_345 : memref<1x80xi32, #tpu.memory_space<vmem>> -> memref<80xi32, #tpu.memory_space<vmem>>
        %dma_start3A_347 = arith.constant 0 : i32
        %dma_start3A_348 = arith.constant 0 : i32
        %dma_start3A_349 = tpu.memref_slice %arg10[%dma_start3A_347, %dma_start3A_348] : memref<10000x128xf32, #tpu.memory_space<vmem_shared>> -> memref<10000x128xf32, #tpu.memory_space<vmem_shared>>
        tpu.enqueue_indirect_dma source(%dma_start3A_343 : memref<80x128xf32, #tpu.memory_space<vmem>>) target(%dma_start3A_349 : memref<10000x128xf32, #tpu.memory_space<vmem_shared>>) offsets(%dma_start3A_346 : memref<80xi32, #tpu.memory_space<vmem>>) semaphore(%run_scoped3A_339 : memref<!tpu.dma_semaphore, #tpu.memory_space<semaphore_mem>>) {add = true}
        %dma_wait3A_350 = arith.constant 0 : i32
        %dma_wait3A_351 = arith.constant 0 : i32
        %dma_wait3A_352 = tpu.memref_slice %arg9[%run_scoped3A_330, %dma_wait3A_350, %dma_wait3A_351] : memref<3x80x128xf32, #tpu.memory_space<vmem>> -> memref<1x80x128xf32, #tpu.memory_space<vmem>>
        %dma_wait3A_353 = tpu.memref_squeeze %dma_wait3A_352 : memref<1x80x128xf32, #tpu.memory_space<vmem>> -> memref<80x128xf32, #tpu.memory_space<vmem>>
        %dma_wait3A_354 = arith.constant 0 : i32
        %dma_wait3A_355 = tpu.memref_slice %arg8[%run_scoped3A_331, %dma_wait3A_354] : memref<3x80xi32, #tpu.memory_space<vmem>> -> memref<1x80xi32, #tpu.memory_space<vmem>>
        %dma_wait3A_356 = tpu.memref_squeeze %dma_wait3A_355 : memref<1x80xi32, #tpu.memory_space<vmem>> -> memref<80xi32, #tpu.memory_space<vmem>>
        %dma_wait3A_357 = arith.constant 0 : i32
        %dma_wait3A_358 = arith.constant 0 : i32
        %dma_wait3A_359 = tpu.memref_slice %arg10[%dma_wait3A_357, %dma_wait3A_358] : memref<10000x128xf32, #tpu.memory_space<vmem_shared>> -> memref<10000x128xf32, #tpu.memory_space<vmem_shared>>
        tpu.wait_indirect_dma semaphore(%run_scoped3A_339 : memref<!tpu.dma_semaphore, #tpu.memory_space<semaphore_mem>>) src(%dma_wait3A_353 : memref<80x128xf32, #tpu.memory_space<vmem>>) dst(%dma_wait3A_359 : memref<10000x128xf32, #tpu.memory_space<vmem_shared>>)
        tpu.yield
      }) : () -> ()
      %add3A_332 = arith.constant 3 : i32
      %add3A_333 = arith.addi %add3A_298, %add3A_332 : i32
      %lt3A_334 = arith.constant 125 : i32
      %lt3A_335 = arith.cmpi slt, %add3A_333, %lt3A_334 : i32
      %convert_element_type3A_336 = arith.extui %lt3A_335 : i1 to i32
      %cond3A_337 = arith.constant 0 : i32
      %cond3A_338 = arith.cmpi ne, %convert_element_type3A_336, %cond3A_337 : i32
      scf.if %cond3A_338 {
        %add3A_339 = arith.constant 3 : i32
        %add3A_340 = arith.addi %add3A_298, %add3A_339 : i32
        %mul3A_341 = arith.constant 80 : i32
        %mul3A_342 = arith.muli %add3A_340, %mul3A_341 : i32
        %add3A_343 = arith.addi %mul3A_10, %mul3A_342 : i32
        %dma_start3A_344 = arith.constant 2 : i32
        %dma_start3A_345 = arith.constant 0 : i32
        %dma_start3A_346 = tpu.memref_slice %arg8[%dma_start3A_344, %dma_start3A_345] : memref<3x80xi32, #tpu.memory_space<vmem>> -> memref<1x80xi32, #tpu.memory_space<vmem>>
        %dma_start3A_347 = tpu.memref_squeeze %dma_start3A_346 : memref<1x80xi32, #tpu.memory_space<vmem>> -> memref<80xi32, #tpu.memory_space<vmem>>
        %dma_start3A_348 = tpu.memref_slice %arg4[%add3A_343] : memref<320000xi32, #tpu.memory_space<hbm>> -> memref<80xi32, #tpu.memory_space<hbm>>
        %dma_start3A_349 = arith.constant 0 : i32
        %dma_start3A_350 = tpu.memref_slice %arg8[%dma_start3A_344, %dma_start3A_349] : memref<3x80xi32, #tpu.memory_space<vmem>> -> memref<1x80xi32, #tpu.memory_space<vmem>>
        %dma_start3A_351 = tpu.memref_squeeze %dma_start3A_350 : memref<1x80xi32, #tpu.memory_space<vmem>> -> memref<80xi32, #tpu.memory_space<vmem>>
        %dma_start3A_352 = tpu.memref_slice %arg4[%add3A_343] : memref<320000xi32, #tpu.memory_space<hbm>> -> memref<80xi32, #tpu.memory_space<hbm>>
        tpu.enqueue_dma source(%dma_start3A_352 : memref<80xi32, #tpu.memory_space<hbm>>) target(%dma_start3A_351 : memref<80xi32, #tpu.memory_space<vmem>>) target_semaphore(%arg19 : memref<!tpu.dma_semaphore, #tpu.memory_space<semaphore_mem>>)
        %add3A_353 = arith.constant 3 : i32
        %add3A_354 = arith.addi %add3A_298, %add3A_353 : i32
        %mul3A_355 = arith.constant 80 : i32
        %mul3A_356 = arith.muli %add3A_354, %mul3A_355 : i32
        %add3A_357 = arith.addi %mul3A_10, %mul3A_356 : i32
        %dma_wait3A_358 = arith.constant 2 : i32
        %dma_wait3A_359 = arith.constant 0 : i32
        %dma_wait3A_360 = tpu.memref_slice %arg7[%dma_wait3A_358, %dma_wait3A_359] : memref<3x80xi32, #tpu.memory_space<vmem>> -> memref<1x80xi32, #tpu.memory_space<vmem>>
        %dma_wait3A_361 = tpu.memref_squeeze %dma_wait3A_360 : memref<1x80xi32, #tpu.memory_space<vmem>> -> memref<80xi32, #tpu.memory_space<vmem>>
        %dma_wait3A_362 = tpu.memref_slice %arg3[%add3A_357] : memref<320000xi32, #tpu.memory_space<hbm>> -> memref<80xi32, #tpu.memory_space<hbm>>
        %dma_wait3A_363 = arith.constant 0 : i32
        %dma_wait3A_364 = tpu.memref_slice %arg7[%dma_wait3A_358, %dma_wait3A_363] : memref<3x80xi32, #tpu.memory_space<vmem>> -> memref<1x80xi32, #tpu.memory_space<vmem>>
        %dma_wait3A_365 = tpu.memref_squeeze %dma_wait3A_364 : memref<1x80xi32, #tpu.memory_space<vmem>> -> memref<80xi32, #tpu.memory_space<vmem>>
        %dma_wait3A_366 = tpu.memref_slice %arg3[%add3A_357] : memref<320000xi32, #tpu.memory_space<hbm>> -> memref<80xi32, #tpu.memory_space<hbm>>
        tpu.wait_dma2 semaphore(%arg16 : memref<!tpu.dma_semaphore, #tpu.memory_space<semaphore_mem>>) src(%dma_wait3A_366 : memref<80xi32, #tpu.memory_space<hbm>>) dst(%dma_wait3A_365 : memref<80xi32, #tpu.memory_space<vmem>>)
        %dma_start3A_367 = arith.constant 2 : i32
        %dma_start3A_368 = arith.constant 2 : i32
        %dma_start3A_369 = arith.constant 0 : i32
        %dma_start3A_370 = arith.constant 0 : i32
        %dma_start3A_371 = tpu.memref_slice %arg9[%dma_start3A_368, %dma_start3A_369, %dma_start3A_370] : memref<3x80x128xf32, #tpu.memory_space<vmem>> -> memref<1x80x128xf32, #tpu.memory_space<vmem>>
        %dma_start3A_372 = tpu.memref_squeeze %dma_start3A_371 : memref<1x80x128xf32, #tpu.memory_space<vmem>> -> memref<80x128xf32, #tpu.memory_space<vmem>>
        %dma_start3A_373 = arith.constant 0 : i32
        %dma_start3A_374 = tpu.memref_slice %arg7[%dma_start3A_367, %dma_start3A_373] : memref<3x80xi32, #tpu.memory_space<vmem>> -> memref<1x80xi32, #tpu.memory_space<vmem>>
        %dma_start3A_375 = tpu.memref_squeeze %dma_start3A_374 : memref<1x80xi32, #tpu.memory_space<vmem>> -> memref<80xi32, #tpu.memory_space<vmem>>
        %dma_start3A_376 = arith.constant 0 : i32
        %dma_start3A_377 = arith.constant 0 : i32
        %dma_start3A_378 = tpu.memref_slice %arg2[%dma_start3A_376, %dma_start3A_377] : memref<10000x128xf32, #tpu.memory_space<hbm>> -> memref<10000x128xf32, #tpu.memory_space<hbm>>
        tpu.enqueue_indirect_dma source(%dma_start3A_378 : memref<10000x128xf32, #tpu.memory_space<hbm>>) target(%dma_start3A_372 : memref<80x128xf32, #tpu.memory_space<vmem>>) offsets(%dma_start3A_375 : memref<80xi32, #tpu.memory_space<vmem>>) semaphore(%arg13 : memref<!tpu.dma_semaphore, #tpu.memory_space<semaphore_mem>>)
      } else {
      }
    }
    %scan3A_148 = arith.constant 41 : i32
    %dma_wait3A_149 = arith.constant 0 : i32
    %dma_wait3A_150 = arith.constant 0 : i32
    %dma_wait3A_151 = arith.constant 0 : i32
    %dma_wait3A_152 = arith.constant 0 : i32
    %dma_wait3A_153 = tpu.memref_slice %arg9[%dma_wait3A_150, %dma_wait3A_151, %dma_wait3A_152] : memref<3x80x128xf32, #tpu.memory_space<vmem>> -> memref<1x80x128xf32, #tpu.memory_space<vmem>>
    %dma_wait3A_154 = tpu.memref_squeeze %dma_wait3A_153 : memref<1x80x128xf32, #tpu.memory_space<vmem>> -> memref<80x128xf32, #tpu.memory_space<vmem>>
    %dma_wait3A_155 = arith.constant 0 : i32
    %dma_wait3A_156 = tpu.memref_slice %arg7[%dma_wait3A_149, %dma_wait3A_155] : memref<3x80xi32, #tpu.memory_space<vmem>> -> memref<1x80xi32, #tpu.memory_space<vmem>>
    %dma_wait3A_157 = tpu.memref_squeeze %dma_wait3A_156 : memref<1x80xi32, #tpu.memory_space<vmem>> -> memref<80xi32, #tpu.memory_space<vmem>>
    %dma_wait3A_158 = arith.constant 0 : i32
    %dma_wait3A_159 = arith.constant 0 : i32
    %dma_wait3A_160 = tpu.memref_slice %arg2[%dma_wait3A_158, %dma_wait3A_159] : memref<10000x128xf32, #tpu.memory_space<hbm>> -> memref<10000x128xf32, #tpu.memory_space<hbm>>
    tpu.wait_indirect_dma semaphore(%arg11 : memref<!tpu.dma_semaphore, #tpu.memory_space<semaphore_mem>>) src(%dma_wait3A_160 : memref<10000x128xf32, #tpu.memory_space<hbm>>) dst(%dma_wait3A_154 : memref<80x128xf32, #tpu.memory_space<vmem>>)
    %add3A_161 = arith.constant 9840 : i32
    %add3A_162 = arith.addi %mul3A_10, %add3A_161 : i32
    %dma_wait3A_163 = arith.constant 0 : i32
    %dma_wait3A_164 = arith.constant 0 : i32
    %dma_wait3A_165 = tpu.memref_slice %arg8[%dma_wait3A_163, %dma_wait3A_164] : memref<3x80xi32, #tpu.memory_space<vmem>> -> memref<1x80xi32, #tpu.memory_space<vmem>>
    %dma_wait3A_166 = tpu.memref_squeeze %dma_wait3A_165 : memref<1x80xi32, #tpu.memory_space<vmem>> -> memref<80xi32, #tpu.memory_space<vmem>>
    %dma_wait3A_167 = tpu.memref_slice %arg4[%add3A_162] : memref<320000xi32, #tpu.memory_space<hbm>> -> memref<80xi32, #tpu.memory_space<hbm>>
    %dma_wait3A_168 = arith.constant 0 : i32
    %dma_wait3A_169 = tpu.memref_slice %arg8[%dma_wait3A_163, %dma_wait3A_168] : memref<3x80xi32, #tpu.memory_space<vmem>> -> memref<1x80xi32, #tpu.memory_space<vmem>>
    %dma_wait3A_170 = tpu.memref_squeeze %dma_wait3A_169 : memref<1x80xi32, #tpu.memory_space<vmem>> -> memref<80xi32, #tpu.memory_space<vmem>>
    %dma_wait3A_171 = tpu.memref_slice %arg4[%add3A_162] : memref<320000xi32, #tpu.memory_space<hbm>> -> memref<80xi32, #tpu.memory_space<hbm>>
    tpu.wait_dma2 semaphore(%arg17 : memref<!tpu.dma_semaphore, #tpu.memory_space<semaphore_mem>>) src(%dma_wait3A_171 : memref<80xi32, #tpu.memory_space<hbm>>) dst(%dma_wait3A_170 : memref<80xi32, #tpu.memory_space<vmem>>)
    %run_scoped3A = arith.constant 0 : i32
    %run_scoped3A_172 = arith.constant 0 : i32
    "tpu.region"() ({
      %run_scoped3A_207 = tpu.sem_alloc : memref<!tpu.dma_semaphore, #tpu.memory_space<semaphore_mem>>
      %dma_start3A_208 = arith.constant 0 : i32
      %dma_start3A_209 = arith.constant 0 : i32
      %dma_start3A_210 = tpu.memref_slice %arg9[%run_scoped3A, %dma_start3A_208, %dma_start3A_209] : memref<3x80x128xf32, #tpu.memory_space<vmem>> -> memref<1x80x128xf32, #tpu.memory_space<vmem>>
      %dma_start3A_211 = tpu.memref_squeeze %dma_start3A_210 : memref<1x80x128xf32, #tpu.memory_space<vmem>> -> memref<80x128xf32, #tpu.memory_space<vmem>>
      %dma_start3A_212 = arith.constant 0 : i32
      %dma_start3A_213 = tpu.memref_slice %arg8[%run_scoped3A_172, %dma_start3A_212] : memref<3x80xi32, #tpu.memory_space<vmem>> -> memref<1x80xi32, #tpu.memory_space<vmem>>
      %dma_start3A_214 = tpu.memref_squeeze %dma_start3A_213 : memref<1x80xi32, #tpu.memory_space<vmem>> -> memref<80xi32, #tpu.memory_space<vmem>>
      %dma_start3A_215 = arith.constant 0 : i32
      %dma_start3A_216 = arith.constant 0 : i32
      %dma_start3A_217 = tpu.memref_slice %arg10[%dma_start3A_215, %dma_start3A_216] : memref<10000x128xf32, #tpu.memory_space<vmem_shared>> -> memref<10000x128xf32, #tpu.memory_space<vmem_shared>>
      tpu.enqueue_indirect_dma source(%dma_start3A_211 : memref<80x128xf32, #tpu.memory_space<vmem>>) target(%dma_start3A_217 : memref<10000x128xf32, #tpu.memory_space<vmem_shared>>) offsets(%dma_start3A_214 : memref<80xi32, #tpu.memory_space<vmem>>) semaphore(%run_scoped3A_207 : memref<!tpu.dma_semaphore, #tpu.memory_space<semaphore_mem>>) {add = true}
      %dma_wait3A_218 = arith.constant 0 : i32
      %dma_wait3A_219 = arith.constant 0 : i32
      %dma_wait3A_220 = tpu.memref_slice %arg9[%run_scoped3A, %dma_wait3A_218, %dma_wait3A_219] : memref<3x80x128xf32, #tpu.memory_space<vmem>> -> memref<1x80x128xf32, #tpu.memory_space<vmem>>
      %dma_wait3A_221 = tpu.memref_squeeze %dma_wait3A_220 : memref<1x80x128xf32, #tpu.memory_space<vmem>> -> memref<80x128xf32, #tpu.memory_space<vmem>>
      %dma_wait3A_222 = arith.constant 0 : i32
      %dma_wait3A_223 = tpu.memref_slice %arg8[%run_scoped3A_172, %dma_wait3A_222] : memref<3x80xi32, #tpu.memory_space<vmem>> -> memref<1x80xi32, #tpu.memory_space<vmem>>
      %dma_wait3A_224 = tpu.memref_squeeze %dma_wait3A_223 : memref<1x80xi32, #tpu.memory_space<vmem>> -> memref<80xi32, #tpu.memory_space<vmem>>
      %dma_wait3A_225 = arith.constant 0 : i32
      %dma_wait3A_226 = arith.constant 0 : i32
      %dma_wait3A_227 = tpu.memref_slice %arg10[%dma_wait3A_225, %dma_wait3A_226] : memref<10000x128xf32, #tpu.memory_space<vmem_shared>> -> memref<10000x128xf32, #tpu.memory_space<vmem_shared>>
      tpu.wait_indirect_dma semaphore(%run_scoped3A_207 : memref<!tpu.dma_semaphore, #tpu.memory_space<semaphore_mem>>) src(%dma_wait3A_221 : memref<80x128xf32, #tpu.memory_space<vmem>>) dst(%dma_wait3A_227 : memref<10000x128xf32, #tpu.memory_space<vmem_shared>>)
      tpu.yield
    }) : () -> ()
    %dma_wait3A_173 = arith.constant 1 : i32
    %dma_wait3A_174 = arith.constant 1 : i32
    %dma_wait3A_175 = arith.constant 0 : i32
    %dma_wait3A_176 = arith.constant 0 : i32
    %dma_wait3A_177 = tpu.memref_slice %arg9[%dma_wait3A_174, %dma_wait3A_175, %dma_wait3A_176] : memref<3x80x128xf32, #tpu.memory_space<vmem>> -> memref<1x80x128xf32, #tpu.memory_space<vmem>>
    %dma_wait3A_178 = tpu.memref_squeeze %dma_wait3A_177 : memref<1x80x128xf32, #tpu.memory_space<vmem>> -> memref<80x128xf32, #tpu.memory_space<vmem>>
    %dma_wait3A_179 = arith.constant 0 : i32
    %dma_wait3A_180 = tpu.memref_slice %arg7[%dma_wait3A_173, %dma_wait3A_179] : memref<3x80xi32, #tpu.memory_space<vmem>> -> memref<1x80xi32, #tpu.memory_space<vmem>>
    %dma_wait3A_181 = tpu.memref_squeeze %dma_wait3A_180 : memref<1x80xi32, #tpu.memory_space<vmem>> -> memref<80xi32, #tpu.memory_space<vmem>>
    %dma_wait3A_182 = arith.constant 0 : i32
    %dma_wait3A_183 = arith.constant 0 : i32
    %dma_wait3A_184 = tpu.memref_slice %arg2[%dma_wait3A_182, %dma_wait3A_183] : memref<10000x128xf32, #tpu.memory_space<hbm>> -> memref<10000x128xf32, #tpu.memory_space<hbm>>
    tpu.wait_indirect_dma semaphore(%arg12 : memref<!tpu.dma_semaphore, #tpu.memory_space<semaphore_mem>>) src(%dma_wait3A_184 : memref<10000x128xf32, #tpu.memory_space<hbm>>) dst(%dma_wait3A_178 : memref<80x128xf32, #tpu.memory_space<vmem>>)
    %add3A_185 = arith.constant 9920 : i32
    %add3A_186 = arith.addi %mul3A_10, %add3A_185 : i32
    %dma_wait3A_187 = arith.constant 1 : i32
    %dma_wait3A_188 = arith.constant 0 : i32
    %dma_wait3A_189 = tpu.memref_slice %arg8[%dma_wait3A_187, %dma_wait3A_188] : memref<3x80xi32, #tpu.memory_space<vmem>> -> memref<1x80xi32, #tpu.memory_space<vmem>>
    %dma_wait3A_190 = tpu.memref_squeeze %dma_wait3A_189 : memref<1x80xi32, #tpu.memory_space<vmem>> -> memref<80xi32, #tpu.memory_space<vmem>>
    %dma_wait3A_191 = tpu.memref_slice %arg4[%add3A_186] : memref<320000xi32, #tpu.memory_space<hbm>> -> memref<80xi32, #tpu.memory_space<hbm>>
    %dma_wait3A_192 = arith.constant 0 : i32
    %dma_wait3A_193 = tpu.memref_slice %arg8[%dma_wait3A_187, %dma_wait3A_192] : memref<3x80xi32, #tpu.memory_space<vmem>> -> memref<1x80xi32, #tpu.memory_space<vmem>>
    %dma_wait3A_194 = tpu.memref_squeeze %dma_wait3A_193 : memref<1x80xi32, #tpu.memory_space<vmem>> -> memref<80xi32, #tpu.memory_space<vmem>>
    %dma_wait3A_195 = tpu.memref_slice %arg4[%add3A_186] : memref<320000xi32, #tpu.memory_space<hbm>> -> memref<80xi32, #tpu.memory_space<hbm>>
    tpu.wait_dma2 semaphore(%arg18 : memref<!tpu.dma_semaphore, #tpu.memory_space<semaphore_mem>>) src(%dma_wait3A_195 : memref<80xi32, #tpu.memory_space<hbm>>) dst(%dma_wait3A_194 : memref<80xi32, #tpu.memory_space<vmem>>)
    %run_scoped3A_196 = arith.constant 1 : i32
    %run_scoped3A_197 = arith.constant 1 : i32
    "tpu.region"() ({
      %run_scoped3A_207 = tpu.sem_alloc : memref<!tpu.dma_semaphore, #tpu.memory_space<semaphore_mem>>
      %dma_start3A_208 = arith.constant 0 : i32
      %dma_start3A_209 = arith.constant 0 : i32
      %dma_start3A_210 = tpu.memref_slice %arg9[%run_scoped3A_196, %dma_start3A_208, %dma_start3A_209] : memref<3x80x128xf32, #tpu.memory_space<vmem>> -> memref<1x80x128xf32, #tpu.memory_space<vmem>>
      %dma_start3A_211 = tpu.memref_squeeze %dma_start3A_210 : memref<1x80x128xf32, #tpu.memory_space<vmem>> -> memref<80x128xf32, #tpu.memory_space<vmem>>
      %dma_start3A_212 = arith.constant 0 : i32
      %dma_start3A_213 = tpu.memref_slice %arg8[%run_scoped3A_197, %dma_start3A_212] : memref<3x80xi32, #tpu.memory_space<vmem>> -> memref<1x80xi32, #tpu.memory_space<vmem>>
      %dma_start3A_214 = tpu.memref_squeeze %dma_start3A_213 : memref<1x80xi32, #tpu.memory_space<vmem>> -> memref<80xi32, #tpu.memory_space<vmem>>
      %dma_start3A_215 = arith.constant 0 : i32
      %dma_start3A_216 = arith.constant 0 : i32
      %dma_start3A_217 = tpu.memref_slice %arg10[%dma_start3A_215, %dma_start3A_216] : memref<10000x128xf32, #tpu.memory_space<vmem_shared>> -> memref<10000x128xf32, #tpu.memory_space<vmem_shared>>
      tpu.enqueue_indirect_dma source(%dma_start3A_211 : memref<80x128xf32, #tpu.memory_space<vmem>>) target(%dma_start3A_217 : memref<10000x128xf32, #tpu.memory_space<vmem_shared>>) offsets(%dma_start3A_214 : memref<80xi32, #tpu.memory_space<vmem>>) semaphore(%run_scoped3A_207 : memref<!tpu.dma_semaphore, #tpu.memory_space<semaphore_mem>>) {add = true}
      %dma_wait3A_218 = arith.constant 0 : i32
      %dma_wait3A_219 = arith.constant 0 : i32
      %dma_wait3A_220 = tpu.memref_slice %arg9[%run_scoped3A_196, %dma_wait3A_218, %dma_wait3A_219] : memref<3x80x128xf32, #tpu.memory_space<vmem>> -> memref<1x80x128xf32, #tpu.memory_space<vmem>>
      %dma_wait3A_221 = tpu.memref_squeeze %dma_wait3A_220 : memref<1x80x128xf32, #tpu.memory_space<vmem>> -> memref<80x128xf32, #tpu.memory_space<vmem>>
      %dma_wait3A_222 = arith.constant 0 : i32
      %dma_wait3A_223 = tpu.memref_slice %arg8[%run_scoped3A_197, %dma_wait3A_222] : memref<3x80xi32, #tpu.memory_space<vmem>> -> memref<1x80xi32, #tpu.memory_space<vmem>>
      %dma_wait3A_224 = tpu.memref_squeeze %dma_wait3A_223 : memref<1x80xi32, #tpu.memory_space<vmem>> -> memref<80xi32, #tpu.memory_space<vmem>>
      %dma_wait3A_225 = arith.constant 0 : i32
      %dma_wait3A_226 = arith.constant 0 : i32
      %dma_wait3A_227 = tpu.memref_slice %arg10[%dma_wait3A_225, %dma_wait3A_226] : memref<10000x128xf32, #tpu.memory_space<vmem_shared>> -> memref<10000x128xf32, #tpu.memory_space<vmem_shared>>
      tpu.wait_indirect_dma semaphore(%run_scoped3A_207 : memref<!tpu.dma_semaphore, #tpu.memory_space<semaphore_mem>>) src(%dma_wait3A_221 : memref<80x128xf32, #tpu.memory_space<vmem>>) dst(%dma_wait3A_227 : memref<10000x128xf32, #tpu.memory_space<vmem_shared>>)
      tpu.yield
    }) : () -> ()
    %barrier3A_198 = arith.constant 0 : index
    tpu.barrier barrier_id(%barrier3A_198)
    %mul3A_199 = arith.constant 10000 : i32
    %mul3A_200 = arith.muli %arg0, %mul3A_199 : i32
    %add3A_201 = arith.addi %mul3A_200, %mul3A_2 : i32
    "tpu.region"() ({
      %run_scoped3A_207 = tpu.sem_alloc : memref<!tpu.dma_semaphore, #tpu.memory_space<semaphore_mem>>
      %dma_start3A_208 = arith.constant 0 : i32
      %dma_start3A_209 = tpu.memref_slice %arg6[%add3A_201, %dma_start3A_208] : memref<20000x128xf32, #tpu.memory_space<hbm>> -> memref<624x128xf32, #tpu.memory_space<hbm>>
      %dma_start3A_210 = arith.constant 0 : i32
      %dma_start3A_211 = tpu.memref_slice %arg10[%mul3A_2, %dma_start3A_210] : memref<10000x128xf32, #tpu.memory_space<vmem_shared>> -> memref<624x128xf32, #tpu.memory_space<vmem_shared>>
      tpu.enqueue_dma source(%dma_start3A_211 : memref<624x128xf32, #tpu.memory_space<vmem_shared>>) target(%dma_start3A_209 : memref<624x128xf32, #tpu.memory_space<hbm>>) target_semaphore(%run_scoped3A_207 : memref<!tpu.dma_semaphore, #tpu.memory_space<semaphore_mem>>)
      %dma_wait3A_212 = arith.constant 0 : i32
      %dma_wait3A_213 = tpu.memref_slice %arg6[%add3A_201, %dma_wait3A_212] : memref<20000x128xf32, #tpu.memory_space<hbm>> -> memref<624x128xf32, #tpu.memory_space<hbm>>
      %dma_wait3A_214 = arith.constant 0 : i32
      %dma_wait3A_215 = tpu.memref_slice %arg10[%mul3A_2, %dma_wait3A_214] : memref<10000x128xf32, #tpu.memory_space<vmem_shared>> -> memref<624x128xf32, #tpu.memory_space<vmem_shared>>
      tpu.wait_dma2 semaphore(%run_scoped3A_207 : memref<!tpu.dma_semaphore, #tpu.memory_space<semaphore_mem>>) src(%dma_wait3A_215 : memref<624x128xf32, #tpu.memory_space<vmem_shared>>) dst(%dma_wait3A_213 : memref<624x128xf32, #tpu.memory_space<hbm>>)
      tpu.yield
    }) : () -> ()
    %eq3A_202 = arith.constant 0 : i32
    %eq3A_203 = arith.cmpi eq, %arg1, %eq3A_202 : i32
    %convert_element_type3A_204 = arith.extui %eq3A_203 : i1 to i32
    %cond3A_205 = arith.constant 0 : i32
    %cond3A_206 = arith.cmpi ne, %convert_element_type3A_204, %cond3A_205 : i32
    scf.if %cond3A_206 {
      %mul3A_207 = arith.constant 10000 : i32
      %mul3A_208 = arith.muli %arg0, %mul3A_207 : i32
      %add3A_209 = arith.constant 9984 : i32
      %add3A_210 = arith.addi %mul3A_208, %add3A_209 : i32
      "tpu.region"() ({
        %run_scoped3A_211 = tpu.sem_alloc : memref<!tpu.dma_semaphore, #tpu.memory_space<semaphore_mem>>
        %dma_start3A_212 = arith.constant 0 : i32
        %dma_start3A_213 = tpu.memref_slice %arg6[%add3A_210, %dma_start3A_212] : memref<20000x128xf32, #tpu.memory_space<hbm>> -> memref<16x128xf32, #tpu.memory_space<hbm>>
        %dma_start3A_214 = arith.constant 9984 : i32
        %dma_start3A_215 = arith.constant 0 : i32
        %dma_start3A_216 = tpu.memref_slice %arg10[%dma_start3A_214, %dma_start3A_215] : memref<10000x128xf32, #tpu.memory_space<vmem_shared>> -> memref<16x128xf32, #tpu.memory_space<vmem_shared>>
        tpu.enqueue_dma source(%dma_start3A_216 : memref<16x128xf32, #tpu.memory_space<vmem_shared>>) target(%dma_start3A_213 : memref<16x128xf32, #tpu.memory_space<hbm>>) target_semaphore(%run_scoped3A_211 : memref<!tpu.dma_semaphore, #tpu.memory_space<semaphore_mem>>)
        %dma_wait3A_217 = arith.constant 0 : i32
        %dma_wait3A_218 = tpu.memref_slice %arg6[%add3A_210, %dma_wait3A_217] : memref<20000x128xf32, #tpu.memory_space<hbm>> -> memref<16x128xf32, #tpu.memory_space<hbm>>
        %dma_wait3A_219 = arith.constant 9984 : i32
        %dma_wait3A_220 = arith.constant 0 : i32
        %dma_wait3A_221 = tpu.memref_slice %arg10[%dma_wait3A_219, %dma_wait3A_220] : memref<10000x128xf32, #tpu.memory_space<vmem_shared>> -> memref<16x128xf32, #tpu.memory_space<vmem_shared>>
        tpu.wait_dma2 semaphore(%run_scoped3A_211 : memref<!tpu.dma_semaphore, #tpu.memory_space<semaphore_mem>>) src(%dma_wait3A_221 : memref<16x128xf32, #tpu.memory_space<vmem_shared>>) dst(%dma_wait3A_218 : memref<16x128xf32, #tpu.memory_space<hbm>>)
        tpu.yield
      }) : () -> ()
    } else {
    }
    return
  }
}

module attributes {stable_mosaic.version = 14 : i64} {
  func.func @body(%arg0: memref<10000x128xf32, #tpu.memory_space<vmem>>, %arg1: memref<128x128xf32, #tpu.memory_space<vmem>>, %arg2: memref<1x128xf32, #tpu.memory_space<vmem>>, %arg3: memref<1x128xf32, #tpu.memory_space<vmem>>, %arg4: memref<1x128xf32, #tpu.memory_space<vmem>>, %arg5: memref<10000x128xf32, #tpu.memory_space<vmem>>) attributes {dimension_semantics = [], scalar_prefetch = 0 : i64, scratch_operands = 0 : i64, tpu.core_type = #tpu.core_type<tc>} {
    %get3A = arith.constant 0 : index
    %get3A_0 = arith.constant 0 : index
    %get3A_1 = vector.load %arg0[%get3A, %get3A_0] : memref<10000x128xf32, #tpu.memory_space<vmem>>, vector<10000x128xf32>
    %get3A_2 = arith.constant 0 : index
    %get3A_3 = arith.constant 0 : index
    %get3A_4 = vector.load %arg1[%get3A_2, %get3A_3] : memref<128x128xf32, #tpu.memory_space<vmem>>, vector<128x128xf32>
    %dot_general3A = arith.constant dense<0.000000e+00> : vector<10000x128xf32>
    %dot_general3A_5 = tpu.matmul %get3A_1, %get3A_4, %dot_general3A {dimension_numbers = #tpu.dot_dimension_numbers<[1], [0], [0], [1], [0, 0, 1, 1], [], []>, transpose_lhs_hint = false} : vector<10000x128xf32>, vector<128x128xf32>, vector<10000x128xf32> -> vector<10000x128xf32>
    %get3A_6 = arith.constant 0 : index
    %get3A_7 = arith.constant 0 : index
    %get3A_8 = vector.load %arg2[%get3A_6, %get3A_7] : memref<1x128xf32, #tpu.memory_space<vmem>>, vector<1x128xf32>
    %add3A = vector.broadcast %get3A_8 : vector<1x128xf32> to vector<10000x128xf32>
    %add3A_9 = arith.addf %dot_general3A_5, %add3A : vector<10000x128xf32>
    %get3A_10 = arith.constant 0 : index
    %get3A_11 = arith.constant 0 : index
    %get3A_12 = vector.load %arg3[%get3A_10, %get3A_11] : memref<1x128xf32, #tpu.memory_space<vmem>>, vector<1x128xf32>
    %get3A_13 = arith.constant 0 : index
    %get3A_14 = arith.constant 0 : index
    %get3A_15 = vector.load %arg4[%get3A_13, %get3A_14] : memref<1x128xf32, #tpu.memory_space<vmem>>, vector<1x128xf32>
    %reshape3A = vector.shape_cast %add3A_9 : vector<10000x128xf32> to vector<125x80x128xf32>
    %reduce_sum3A = arith.constant dense<0.000000e+00> : vector<80x128xf32>
    %reduce_sum3A_16 = vector.multi_reduction <add>, %reshape3A, %reduce_sum3A [0] : vector<125x80x128xf32> to vector<80x128xf32>
    %reduce_sum3A_17 = arith.constant dense<0.000000e+00> : vector<128xf32>
    %reduce_sum3A_18 = vector.multi_reduction <add>, %reduce_sum3A_16, %reduce_sum3A_17 [0] : vector<80x128xf32> to vector<128xf32>
    %broadcast_in_dim3A = vector.shape_cast %reduce_sum3A_18 : vector<128xf32> to vector<1x128xf32>
    %mul3A = arith.constant 9.99999974E-5 : f32
    %mul3A_19 = vector.broadcast %mul3A : f32 to vector<1x128xf32>
    %mul3A_20 = arith.mulf %broadcast_in_dim3A, %mul3A_19 : vector<1x128xf32>
    %sub3A = vector.broadcast %mul3A_20 : vector<1x128xf32> to vector<10000x128xf32>
    %sub3A_21 = arith.subf %add3A_9, %sub3A : vector<10000x128xf32>
    %mul3A_22 = arith.mulf %sub3A_21, %sub3A_21 : vector<10000x128xf32>
    %reshape3A_23 = vector.shape_cast %mul3A_22 : vector<10000x128xf32> to vector<125x80x128xf32>
    %reduce_sum3A_24 = arith.constant dense<0.000000e+00> : vector<80x128xf32>
    %reduce_sum3A_25 = vector.multi_reduction <add>, %reshape3A_23, %reduce_sum3A_24 [0] : vector<125x80x128xf32> to vector<80x128xf32>
    %reduce_sum3A_26 = arith.constant dense<0.000000e+00> : vector<128xf32>
    %reduce_sum3A_27 = vector.multi_reduction <add>, %reduce_sum3A_25, %reduce_sum3A_26 [0] : vector<80x128xf32> to vector<128xf32>
    %broadcast_in_dim3A_28 = vector.shape_cast %reduce_sum3A_27 : vector<128xf32> to vector<1x128xf32>
    %mul3A_29 = arith.constant 9.99999974E-5 : f32
    %mul3A_30 = vector.broadcast %mul3A_29 : f32 to vector<1x128xf32>
    %mul3A_31 = arith.mulf %broadcast_in_dim3A_28, %mul3A_30 : vector<1x128xf32>
    %add3A_32 = arith.constant 9.99999974E-6 : f32
    %add3A_33 = vector.broadcast %add3A_32 : f32 to vector<1x128xf32>
    %add3A_34 = arith.addf %mul3A_31, %add3A_33 : vector<1x128xf32>
    %rsqrt3A = math.rsqrt %add3A_34 : vector<1x128xf32>
    %mul3A_35 = arith.constant 5.000000e-01 : f32
    %mul3A_36 = vector.broadcast %mul3A_35 : f32 to vector<1x128xf32>
    %mul3A_37 = arith.mulf %mul3A_36, %add3A_34 : vector<1x128xf32>
    %mul3A_38 = arith.mulf %mul3A_37, %rsqrt3A : vector<1x128xf32>
    %mul3A_39 = arith.mulf %mul3A_38, %rsqrt3A : vector<1x128xf32>
    %sub3A_40 = arith.constant 1.500000e+00 : f32
    %sub3A_41 = vector.broadcast %sub3A_40 : f32 to vector<1x128xf32>
    %sub3A_42 = arith.subf %sub3A_41, %mul3A_39 : vector<1x128xf32>
    %mul3A_43 = arith.mulf %rsqrt3A, %sub3A_42 : vector<1x128xf32>
    %mul3A_44 = vector.broadcast %mul3A_43 : vector<1x128xf32> to vector<10000x128xf32>
    %mul3A_45 = arith.mulf %sub3A_21, %mul3A_44 : vector<10000x128xf32>
    %mul3A_46 = vector.broadcast %get3A_12 : vector<1x128xf32> to vector<10000x128xf32>
    %mul3A_47 = arith.mulf %mul3A_45, %mul3A_46 : vector<10000x128xf32>
    %add3A_48 = vector.broadcast %get3A_15 : vector<1x128xf32> to vector<10000x128xf32>
    %add3A_49 = arith.addf %mul3A_47, %add3A_48 : vector<10000x128xf32>
    %swap3A = arith.constant 0 : index
    %swap3A_50 = arith.constant 0 : index
    %swap3A_51 = vector.load %arg5[%swap3A, %swap3A_50] : memref<10000x128xf32, #tpu.memory_space<vmem>>, vector<10000x128xf32>
    tpu.vector_store %arg5[%swap3A, %swap3A_50], %add3A_49 {strides = array<i32>} : memref<10000x128xf32, #tpu.memory_space<vmem>>, vector<10000x128xf32>,
    return
  }
}

module attributes {stable_mosaic.version = 14 : i64} {
  func.func @body(%arg0: memref<2x10000x128xf32, #tpu.memory_space<vmem>>, %arg1: memref<128x128xf32, #tpu.memory_space<vmem>>, %arg2: memref<128x128xf32, #tpu.memory_space<vmem>>, %arg3: memref<1x128xf32, #tpu.memory_space<vmem>>, %arg4: memref<1x128xf32, #tpu.memory_space<vmem>>, %arg5: memref<10000x128xf32, #tpu.memory_space<vmem>>) attributes {dimension_semantics = [], scalar_prefetch = 0 : i64, scratch_operands = 0 : i64, tpu.core_type = #tpu.core_type<tc>} {
    %get3A = arith.constant 0 : index
    %get3A_0 = arith.constant 0 : index
    %get3A_1 = arith.constant 0 : index
    %get3A_2 = vector.load %arg0[%get3A, %get3A_0, %get3A_1] : memref<2x10000x128xf32, #tpu.memory_space<vmem>>, vector<1x10000x128xf32>
    %get3A_3 = vector.shape_cast %get3A_2 : vector<1x10000x128xf32> to vector<10000x128xf32>
    %get3A_4 = arith.constant 1 : index
    %get3A_5 = arith.constant 0 : index
    %get3A_6 = arith.constant 0 : index
    %get3A_7 = vector.load %arg0[%get3A_4, %get3A_5, %get3A_6] : memref<2x10000x128xf32, #tpu.memory_space<vmem>>, vector<1x10000x128xf32>
    %get3A_8 = vector.shape_cast %get3A_7 : vector<1x10000x128xf32> to vector<10000x128xf32>
    %add3A = arith.addf %get3A_3, %get3A_8 : vector<10000x128xf32>
    %get3A_9 = arith.constant 0 : index
    %get3A_10 = arith.constant 0 : index
    %get3A_11 = vector.load %arg1[%get3A_9, %get3A_10] : memref<128x128xf32, #tpu.memory_space<vmem>>, vector<128x128xf32>
    %dot_general3A = arith.constant dense<0.000000e+00> : vector<10000x128xf32>
    %dot_general3A_12 = tpu.matmul %add3A, %get3A_11, %dot_general3A {dimension_numbers = #tpu.dot_dimension_numbers<[1], [0], [0], [1], [0, 0, 1, 1], [], []>, transpose_lhs_hint = false} : vector<10000x128xf32>, vector<128x128xf32>, vector<10000x128xf32> -> vector<10000x128xf32>
    %max3A = arith.constant 0.000000e+00 : f32
    %max3A_13 = vector.broadcast %max3A : f32 to vector<10000x128xf32>
    %max3A_14 = arith.maximumf %dot_general3A_12, %max3A_13 : vector<10000x128xf32>
    %get3A_15 = arith.constant 0 : index
    %get3A_16 = arith.constant 0 : index
    %get3A_17 = vector.load %arg2[%get3A_15, %get3A_16] : memref<128x128xf32, #tpu.memory_space<vmem>>, vector<128x128xf32>
    %dot_general3A_18 = arith.constant dense<0.000000e+00> : vector<10000x128xf32>
    %dot_general3A_19 = tpu.matmul %max3A_14, %get3A_17, %dot_general3A_18 {dimension_numbers = #tpu.dot_dimension_numbers<[1], [0], [0], [1], [0, 0, 1, 1], [], []>, transpose_lhs_hint = false} : vector<10000x128xf32>, vector<128x128xf32>, vector<10000x128xf32> -> vector<10000x128xf32>
    %max3A_20 = arith.constant 0.000000e+00 : f32
    %max3A_21 = vector.broadcast %max3A_20 : f32 to vector<10000x128xf32>
    %max3A_22 = arith.maximumf %dot_general3A_19, %max3A_21 : vector<10000x128xf32>
    %get3A_23 = arith.constant 0 : index
    %get3A_24 = arith.constant 0 : index
    %get3A_25 = vector.load %arg3[%get3A_23, %get3A_24] : memref<1x128xf32, #tpu.memory_space<vmem>>, vector<1x128xf32>
    %get3A_26 = arith.constant 0 : index
    %get3A_27 = arith.constant 0 : index
    %get3A_28 = vector.load %arg4[%get3A_26, %get3A_27] : memref<1x128xf32, #tpu.memory_space<vmem>>, vector<1x128xf32>
    %reshape3A = vector.shape_cast %max3A_22 : vector<10000x128xf32> to vector<125x80x128xf32>
    %reduce_sum3A = arith.constant dense<0.000000e+00> : vector<80x128xf32>
    %reduce_sum3A_29 = vector.multi_reduction <add>, %reshape3A, %reduce_sum3A [0] : vector<125x80x128xf32> to vector<80x128xf32>
    %reduce_sum3A_30 = arith.constant dense<0.000000e+00> : vector<128xf32>
    %reduce_sum3A_31 = vector.multi_reduction <add>, %reduce_sum3A_29, %reduce_sum3A_30 [0] : vector<80x128xf32> to vector<128xf32>
    %broadcast_in_dim3A = vector.shape_cast %reduce_sum3A_31 : vector<128xf32> to vector<1x128xf32>
    %mul3A = arith.constant 9.99999974E-5 : f32
    %mul3A_32 = vector.broadcast %mul3A : f32 to vector<1x128xf32>
    %mul3A_33 = arith.mulf %broadcast_in_dim3A, %mul3A_32 : vector<1x128xf32>
    %sub3A = vector.broadcast %mul3A_33 : vector<1x128xf32> to vector<10000x128xf32>
    %sub3A_34 = arith.subf %max3A_22, %sub3A : vector<10000x128xf32>
    %mul3A_35 = arith.mulf %sub3A_34, %sub3A_34 : vector<10000x128xf32>
    %reshape3A_36 = vector.shape_cast %mul3A_35 : vector<10000x128xf32> to vector<125x80x128xf32>
    %reduce_sum3A_37 = arith.constant dense<0.000000e+00> : vector<80x128xf32>
    %reduce_sum3A_38 = vector.multi_reduction <add>, %reshape3A_36, %reduce_sum3A_37 [0] : vector<125x80x128xf32> to vector<80x128xf32>
    %reduce_sum3A_39 = arith.constant dense<0.000000e+00> : vector<128xf32>
    %reduce_sum3A_40 = vector.multi_reduction <add>, %reduce_sum3A_38, %reduce_sum3A_39 [0] : vector<80x128xf32> to vector<128xf32>
    %broadcast_in_dim3A_41 = vector.shape_cast %reduce_sum3A_40 : vector<128xf32> to vector<1x128xf32>
    %mul3A_42 = arith.constant 9.99999974E-5 : f32
    %mul3A_43 = vector.broadcast %mul3A_42 : f32 to vector<1x128xf32>
    %mul3A_44 = arith.mulf %broadcast_in_dim3A_41, %mul3A_43 : vector<1x128xf32>
    %add3A_45 = arith.constant 9.99999974E-6 : f32
    %add3A_46 = vector.broadcast %add3A_45 : f32 to vector<1x128xf32>
    %add3A_47 = arith.addf %mul3A_44, %add3A_46 : vector<1x128xf32>
    %rsqrt3A = math.rsqrt %add3A_47 : vector<1x128xf32>
    %mul3A_48 = arith.constant 5.000000e-01 : f32
    %mul3A_49 = vector.broadcast %mul3A_48 : f32 to vector<1x128xf32>
    %mul3A_50 = arith.mulf %mul3A_49, %add3A_47 : vector<1x128xf32>
    %mul3A_51 = arith.mulf %mul3A_50, %rsqrt3A : vector<1x128xf32>
    %mul3A_52 = arith.mulf %mul3A_51, %rsqrt3A : vector<1x128xf32>
    %sub3A_53 = arith.constant 1.500000e+00 : f32
    %sub3A_54 = vector.broadcast %sub3A_53 : f32 to vector<1x128xf32>
    %sub3A_55 = arith.subf %sub3A_54, %mul3A_52 : vector<1x128xf32>
    %mul3A_56 = arith.mulf %rsqrt3A, %sub3A_55 : vector<1x128xf32>
    %mul3A_57 = vector.broadcast %mul3A_56 : vector<1x128xf32> to vector<10000x128xf32>
    %mul3A_58 = arith.mulf %sub3A_34, %mul3A_57 : vector<10000x128xf32>
    %mul3A_59 = vector.broadcast %get3A_25 : vector<1x128xf32> to vector<10000x128xf32>
    %mul3A_60 = arith.mulf %mul3A_58, %mul3A_59 : vector<10000x128xf32>
    %add3A_61 = vector.broadcast %get3A_28 : vector<1x128xf32> to vector<10000x128xf32>
    %add3A_62 = arith.addf %mul3A_60, %add3A_61 : vector<10000x128xf32>
    %swap3A = arith.constant 0 : index
    %swap3A_63 = arith.constant 0 : index
    %swap3A_64 = vector.load %arg5[%swap3A, %swap3A_63] : memref<10000x128xf32, #tpu.memory_space<vmem>>, vector<10000x128xf32>
    tpu.vector_store %arg5[%swap3A, %swap3A_63], %add3A_62 {strides = array<i32>} : memref<10000x128xf32, #tpu.memory_space<vmem>>, vector<10000x128xf32>,
    return
  }
}

module attributes {stable_mosaic.version = 14 : i64} {
  func.func @body(%arg0: memref<2x10000x128xf32, #tpu.memory_space<vmem>>, %arg1: memref<128x128xf32, #tpu.memory_space<vmem>>, %arg2: memref<128x128xf32, #tpu.memory_space<vmem>>, %arg3: memref<1x128xf32, #tpu.memory_space<vmem>>, %arg4: memref<1x128xf32, #tpu.memory_space<vmem>>, %arg5: memref<10000x128xf32, #tpu.memory_space<vmem>>) attributes {dimension_semantics = [], scalar_prefetch = 0 : i64, scratch_operands = 0 : i64, tpu.core_type = #tpu.core_type<tc>} {
    %get3A = arith.constant 0 : index
    %get3A_0 = arith.constant 0 : index
    %get3A_1 = arith.constant 0 : index
    %get3A_2 = vector.load %arg0[%get3A, %get3A_0, %get3A_1] : memref<2x10000x128xf32, #tpu.memory_space<vmem>>, vector<1x10000x128xf32>
    %get3A_3 = vector.shape_cast %get3A_2 : vector<1x10000x128xf32> to vector<10000x128xf32>
    %get3A_4 = arith.constant 1 : index
    %get3A_5 = arith.constant 0 : index
    %get3A_6 = arith.constant 0 : index
    %get3A_7 = vector.load %arg0[%get3A_4, %get3A_5, %get3A_6] : memref<2x10000x128xf32, #tpu.memory_space<vmem>>, vector<1x10000x128xf32>
    %get3A_8 = vector.shape_cast %get3A_7 : vector<1x10000x128xf32> to vector<10000x128xf32>
    %add3A = arith.addf %get3A_3, %get3A_8 : vector<10000x128xf32>
    %get3A_9 = arith.constant 0 : index
    %get3A_10 = arith.constant 0 : index
    %get3A_11 = vector.load %arg1[%get3A_9, %get3A_10] : memref<128x128xf32, #tpu.memory_space<vmem>>, vector<128x128xf32>
    %dot_general3A = arith.constant dense<0.000000e+00> : vector<10000x128xf32>
    %dot_general3A_12 = tpu.matmul %add3A, %get3A_11, %dot_general3A {dimension_numbers = #tpu.dot_dimension_numbers<[1], [0], [0], [1], [0, 0, 1, 1], [], []>, transpose_lhs_hint = false} : vector<10000x128xf32>, vector<128x128xf32>, vector<10000x128xf32> -> vector<10000x128xf32>
    %max3A = arith.constant 0.000000e+00 : f32
    %max3A_13 = vector.broadcast %max3A : f32 to vector<10000x128xf32>
    %max3A_14 = arith.maximumf %dot_general3A_12, %max3A_13 : vector<10000x128xf32>
    %get3A_15 = arith.constant 0 : index
    %get3A_16 = arith.constant 0 : index
    %get3A_17 = vector.load %arg2[%get3A_15, %get3A_16] : memref<128x128xf32, #tpu.memory_space<vmem>>, vector<128x128xf32>
    %dot_general3A_18 = arith.constant dense<0.000000e+00> : vector<10000x128xf32>
    %dot_general3A_19 = tpu.matmul %max3A_14, %get3A_17, %dot_general3A_18 {dimension_numbers = #tpu.dot_dimension_numbers<[1], [0], [0], [1], [0, 0, 1, 1], [], []>, transpose_lhs_hint = false} : vector<10000x128xf32>, vector<128x128xf32>, vector<10000x128xf32> -> vector<10000x128xf32>
    %max3A_20 = arith.constant 0.000000e+00 : f32
    %max3A_21 = vector.broadcast %max3A_20 : f32 to vector<10000x128xf32>
    %max3A_22 = arith.maximumf %dot_general3A_19, %max3A_21 : vector<10000x128xf32>
    %get3A_23 = arith.constant 0 : index
    %get3A_24 = arith.constant 0 : index
    %get3A_25 = vector.load %arg3[%get3A_23, %get3A_24] : memref<1x128xf32, #tpu.memory_space<vmem>>, vector<1x128xf32>
    %get3A_26 = arith.constant 0 : index
    %get3A_27 = arith.constant 0 : index
    %get3A_28 = vector.load %arg4[%get3A_26, %get3A_27] : memref<1x128xf32, #tpu.memory_space<vmem>>, vector<1x128xf32>
    %reshape3A = vector.shape_cast %max3A_22 : vector<10000x128xf32> to vector<125x80x128xf32>
    %reduce_sum3A = arith.constant dense<0.000000e+00> : vector<80x128xf32>
    %reduce_sum3A_29 = vector.multi_reduction <add>, %reshape3A, %reduce_sum3A [0] : vector<125x80x128xf32> to vector<80x128xf32>
    %reduce_sum3A_30 = arith.constant dense<0.000000e+00> : vector<128xf32>
    %reduce_sum3A_31 = vector.multi_reduction <add>, %reduce_sum3A_29, %reduce_sum3A_30 [0] : vector<80x128xf32> to vector<128xf32>
    %broadcast_in_dim3A = vector.shape_cast %reduce_sum3A_31 : vector<128xf32> to vector<1x128xf32>
    %mul3A = arith.constant 9.99999974E-5 : f32
    %mul3A_32 = vector.broadcast %mul3A : f32 to vector<1x128xf32>
    %mul3A_33 = arith.mulf %broadcast_in_dim3A, %mul3A_32 : vector<1x128xf32>
    %sub3A = vector.broadcast %mul3A_33 : vector<1x128xf32> to vector<10000x128xf32>
    %sub3A_34 = arith.subf %max3A_22, %sub3A : vector<10000x128xf32>
    %mul3A_35 = arith.mulf %sub3A_34, %sub3A_34 : vector<10000x128xf32>
    %reshape3A_36 = vector.shape_cast %mul3A_35 : vector<10000x128xf32> to vector<125x80x128xf32>
    %reduce_sum3A_37 = arith.constant dense<0.000000e+00> : vector<80x128xf32>
    %reduce_sum3A_38 = vector.multi_reduction <add>, %reshape3A_36, %reduce_sum3A_37 [0] : vector<125x80x128xf32> to vector<80x128xf32>
    %reduce_sum3A_39 = arith.constant dense<0.000000e+00> : vector<128xf32>
    %reduce_sum3A_40 = vector.multi_reduction <add>, %reduce_sum3A_38, %reduce_sum3A_39 [0] : vector<80x128xf32> to vector<128xf32>
    %broadcast_in_dim3A_41 = vector.shape_cast %reduce_sum3A_40 : vector<128xf32> to vector<1x128xf32>
    %mul3A_42 = arith.constant 9.99999974E-5 : f32
    %mul3A_43 = vector.broadcast %mul3A_42 : f32 to vector<1x128xf32>
    %mul3A_44 = arith.mulf %broadcast_in_dim3A_41, %mul3A_43 : vector<1x128xf32>
    %add3A_45 = arith.constant 9.99999974E-6 : f32
    %add3A_46 = vector.broadcast %add3A_45 : f32 to vector<1x128xf32>
    %add3A_47 = arith.addf %mul3A_44, %add3A_46 : vector<1x128xf32>
    %rsqrt3A = math.rsqrt %add3A_47 : vector<1x128xf32>
    %mul3A_48 = arith.constant 5.000000e-01 : f32
    %mul3A_49 = vector.broadcast %mul3A_48 : f32 to vector<1x128xf32>
    %mul3A_50 = arith.mulf %mul3A_49, %add3A_47 : vector<1x128xf32>
    %mul3A_51 = arith.mulf %mul3A_50, %rsqrt3A : vector<1x128xf32>
    %mul3A_52 = arith.mulf %mul3A_51, %rsqrt3A : vector<1x128xf32>
    %sub3A_53 = arith.constant 1.500000e+00 : f32
    %sub3A_54 = vector.broadcast %sub3A_53 : f32 to vector<1x128xf32>
    %sub3A_55 = arith.subf %sub3A_54, %mul3A_52 : vector<1x128xf32>
    %mul3A_56 = arith.mulf %rsqrt3A, %sub3A_55 : vector<1x128xf32>
    %mul3A_57 = vector.broadcast %mul3A_56 : vector<1x128xf32> to vector<10000x128xf32>
    %mul3A_58 = arith.mulf %sub3A_34, %mul3A_57 : vector<10000x128xf32>
    %mul3A_59 = vector.broadcast %get3A_25 : vector<1x128xf32> to vector<10000x128xf32>
    %mul3A_60 = arith.mulf %mul3A_58, %mul3A_59 : vector<10000x128xf32>
    %add3A_61 = vector.broadcast %get3A_28 : vector<1x128xf32> to vector<10000x128xf32>
    %add3A_62 = arith.addf %mul3A_60, %add3A_61 : vector<10000x128xf32>
    %swap3A = arith.constant 0 : index
    %swap3A_63 = arith.constant 0 : index
    %swap3A_64 = vector.load %arg5[%swap3A, %swap3A_63] : memref<10000x128xf32, #tpu.memory_space<vmem>>, vector<10000x128xf32>
    tpu.vector_store %arg5[%swap3A, %swap3A_63], %add3A_62 {strides = array<i32>} : memref<10000x128xf32, #tpu.memory_space<vmem>>, vector<10000x128xf32>,
    return
  }
}

</mosaic_0001>

<sc_bundles>
// kernel: kernel.12.cloned.1.call-start
scs
__scs_entry_jumppad:
0x0: {  	(pc) =	sbr.rel $0x88, $3  }
0x1: {  	(tag) =	ssettag $0x0;
	lr =	simm.s32 $0x1  }
0x2: {  	[smem:$0x3F97] =	sst lr;
	_ =	strace $0xD0000000  }
0x3: {  	_ = 	snop  }
0x4: {  	_ = 	snop  }
0x5: {  	_ = 	snop  }
0x6: {  	_ = 	snop  }
0x7: {  	_ = 	snop  }
__scs_overlays_trampoline_lowered:
0x8: {  	[smem:$0x3FA6] =	sst s0  }
0x9: {  	[smem:$0x3FA7] =	sst s1  }
0xa: {  	[smem:$0x3FA8] =	sst s2  }
0xb: {  	[smem:$0x3FA9] =	sst s3  }
0xc: {  	[smem:$0x3FAA] =	sst s4  }
0xd: {  	[smem:$0x3FAB] =	sst s5  }
0xe: {  	[smem:$0x3FAC] =	sst s6  }
0xf: {  	[smem:$0x3FAD] =	sst s7  }
0x10: {  	[smem:$0x3FAE] =	sst s8  }
0x11: {  	[smem:$0x3FAF] =	sst s9;
	s0 =	simm.s32 @!p0 $0x0  }
0x12: {  	s1 =	sld [smem:$0x3F95];
	s0 =	simm.s32 @p0 $0x1  }
0x13: {  	[smem:$0x3FB0] =	sst s0;
	s0 =	simm.s32 @!p1 $0x0  }
0x14: {  	s2 =	sld [smem:$0x3F94];
	s0 =	simm.s32 @p1 $0x1  }
0x15: {  	[smem:$0x3FB1] =	sst s0;
	s0 =	simm.s32 @!p2 $0x0  }
0x16: {  	s3 =	sld [smem:$0x3FDB];
	s0 =	simm.s32 @p2 $0x1  }
0x17: {  	s4 =	simm.s32 $0x1BF5;
	[smem:$0x3FB3] =	sst s0  }
0x18: {  	s0 =	sld [smem:$0x3F96];
	_ =	swait.ge [sflag:s4], $0x0  }
0x19: {  	s7 =	sld [smem:$0x3F97]  }
0x1a: {  	s8 =	sadd.s32 $0xFFFFE003, lr  }
0x1b: {  	s9 =	sadd.s32 $0xFFFFFEF7, lr;
	s5 =	simm.s32 $0xFFFFFFFF;
	p2 =	slt.u32 s8, $0xFFFFF086  }
0x1c: {  	p1 =	slt.u32 s9, $0xF7A;
	s5 =	simm.s32 @!p2 $0x0  }
0x1d: {  	s5 =	simm.s32 @p1 $0x1;
	p0 =	seq.s32 s7, s2  }
0x1e: {  	s7 =	smul.u32 @!p0 $0xF7A, s2;
	p2 =	seq.s32 @!p0 s5, $0x0  }
0x1f: {  	s9 =	smul.u32 $0xF7A, s1;
	s8 =	simm.s32 @!p0 $0x1BF5;
	p2 =	por !p2, p0  }
0x20: {  	[sflag:s8] =	ssyncset.s32 @!p0 $0xFFFFF086;
	s6 =	sadd.s32 @!p0 s3, s7;
	s7 =	simm.s32 @!p0 $0x108  }
0x21: {  	s3 =	sadd.s32 s3, s9;
	s6 =	sadd.s32 @!p0 $0x88, s6;
	s7 =	simm.s32 @p2 $0x1082  }
0x22: {  	[simem:s7], [sflag:s8] =	dma.local @!p0 [hbm:s6], $0xF7A  }
0x23: {  	s9 =	sor.u32 $0xD0000000, s2;
	s6 =	simm.s32 $0x108;
	_ =	swait.ge @!p0 [sflag:s8], $0x0  }
0x24: {  	s3 =	sadd.s32 $0x88, s3;
	s6 =	simm.s32 @!p1 $0x1082;
	[sflag:s4] =	ssyncset.s32 $0xFFFFF086  }
0x25: {  	[simem:s6], [sflag:s4] =	dma.local [hbm:s3], $0xF7A  }
0x26: {  	[smem:$0x3F97] =	sst s1;
	(tag) =	ssettag s2;
	_ =	strace s9  }
0x27: {  	s1 =	sld [smem:$0x3FA7]  }
0x28: {  	s2 =	sld [smem:$0x3FA8]  }
0x29: {  	s4 =	sld [smem:$0x3FAA]  }
0x2a: {  	p0 =	seq.s32 s5, $0x0;
	s5 =	sld [smem:$0x3FAB]  }
0x2b: {  	s6 =	sld [smem:$0x3FAC]  }
0x2c: {  	s7 =	sld [smem:$0x3FAD]  }
0x2d: {  	s3 =	simm.s32 $0x108;
	s8 =	sld [smem:$0x3FAE]  }
0x2e: {  	s3 =	simm.s32 @!p0 $0x1082;
	s9 =	sld [smem:$0x3FAF]  }
0x2f: {  	lr =	sadd.s32 s0, s3;
	s0 =	sld [smem:$0x3FA6]  }
0x30: {  	s3 =	sld [smem:$0x3FA9]  }
0x31: {  	[smem:$0x3FB2] =	sst s10  }
0x32: {  	s10 =	sld [smem:$0x3FB0];
	_ =	sdelay $0x3  }
0x33: {  	p0 =	seq.s32 s10, $0x1;
	s10 =	sld [smem:$0x3FB2];
	_ =	sdelay $0x3  }
0x34: {  	[smem:$0x3FB2] =	sst s10  }
0x35: {  	s10 =	sld [smem:$0x3FB1];
	_ =	sdelay $0x3  }
0x36: {  	p1 =	seq.s32 s10, $0x1;
	s10 =	sld [smem:$0x3FB2];
	_ =	sdelay $0x3  }
0x37: {  	[smem:$0x3FB2] =	sst s10  }
0x38: {  	s10 =	sld [smem:$0x3FB3]  }
0x39: {  	_ = 	snop;
	(pc) =	sbr.ind lr, $3  }
0x3a: {  	_ = 	snop  }
0x3b: {  	_ = 	snop  }
0x3c: {  	p2 =	seq.s32 s10, $0x1;
	s10 =	sld [smem:$0x3FB2]  }
0x3d: {  	_ =	shalt  }
0x3e: {  	_ =	shalt  }
0x3f: {  	_ =	shalt  }
0x40: {  	_ =	shalt  }
0x41: {  	_ =	shalt  }
0x42: {  	_ =	shalt  }
0x43: {  	_ =	shalt  }
0x44: {  	_ =	shalt  }
0x45: {  	_ =	shalt  }
0x46: {  	_ =	shalt  }
0x47: {  	_ =	shalt  }
0x48: {  	_ =	shalt  }
0x49: {  	_ =	shalt  }
0x4a: {  	_ =	shalt  }
0x4b: {  	_ =	shalt  }
0x4c: {  	_ =	shalt  }
0x4d: {  	_ =	shalt  }
0x4e: {  	_ =	shalt  }
0x4f: {  	_ =	shalt  }
0x50: {  	_ =	shalt  }
0x51: {  	_ =	shalt  }
0x52: {  	_ =	shalt  }
0x53: {  	_ =	shalt  }
0x54: {  	_ =	shalt  }
0x55: {  	_ =	shalt  }
0x56: {  	_ =	shalt  }
0x57: {  	_ =	shalt  }
0x58: {  	_ =	shalt  }
0x59: {  	_ =	shalt  }
0x5a: {  	_ =	shalt  }
0x5b: {  	_ =	shalt  }
0x5c: {  	_ =	shalt  }
0x5d: {  	_ =	shalt  }
0x5e: {  	_ =	shalt  }
0x5f: {  	_ =	shalt  }
0x60: {  	_ =	shalt  }
0x61: {  	_ =	shalt  }
0x62: {  	_ =	shalt  }
0x63: {  	_ =	shalt  }
0x64: {  	_ =	shalt  }
0x65: {  	_ =	shalt  }
0x66: {  	_ =	shalt  }
0x67: {  	_ =	shalt  }
0x68: {  	_ =	shalt  }
0x69: {  	_ =	shalt  }
0x6a: {  	_ =	shalt  }
0x6b: {  	_ =	shalt  }
0x6c: {  	_ =	shalt  }
0x6d: {  	_ =	shalt  }
0x6e: {  	_ =	shalt  }
0x6f: {  	_ =	shalt  }
0x70: {  	_ =	shalt  }
0x71: {  	_ =	shalt  }
0x72: {  	_ =	shalt  }
0x73: {  	_ =	shalt  }
0x74: {  	_ =	shalt  }
0x75: {  	_ =	shalt  }
0x76: {  	_ =	shalt  }
0x77: {  	_ =	shalt  }
0x78: {  	_ =	shalt  }
0x79: {  	_ =	shalt  }
0x7a: {  	_ =	shalt  }
0x7b: {  	_ =	shalt  }
0x7c: {  	_ =	shalt  }
0x7d: {  	_ =	shalt  }
0x7e: {  	_ =	shalt  }
0x7f: {  	_ =	shalt  }
0x80: {  	_ =	shalt  }
0x81: {  	_ =	shalt  }
0x82: {  	_ =	shalt  }
0x83: {  	_ =	shalt  }
0x84: {  	_ =	shalt  }
0x85: {  	_ =	shalt  }
0x86: {  	_ =	shalt  }
0x87: {  	_ =	shalt  }
.Lfunc_end0:
.L_simem_size_0:
called_computation.1_lowered:
.L_overlay_start_0:
0x88: {  	s2 =	sld [smem:$0x3FD9]  }
0x89: {  	s3 =	sld [smem:$0x3FFE];
	_ =	sdelay $0x1  }
0x8a: {  	s1 =	srdreg.scid  }
0x8b: {  	s0 =	sand.u32 $0x1, s1  }
0x8c: {  	s17 =	sshll.u32 s0, $0xA;
	s2 =	sadd.s32 s3, s2  }
0x8d: {  	s2 =	sadd.s32 s2, s17  }
0x8e: {  	[smem:$0x3FBE] =	sst s2  }
0x8f: {  	_ = 	snop  }
0x90: {  	s2 =	sld [smem:$0x3FD0];
	(tm) =	ssettm $0x1  }
0x91: {  	s18 =	sld [smem:$0x3FFB];
	_ =	sdelay $0x3  }
0x92: {  	_ =	strace s18  }
0x93: {  	s3 =	sld [smem:$0x3FFC];
	_ =	sdelay $0x3  }
0x94: {  	_ =	strace s3  }
0x95: {  	s3 =	sld [smem:$0x3FFD];
	_ =	sdelay $0x3  }
0x96: {  	_ =	strace s3  }
0x97: {  	_ =	strace $0x8FFFFFFF  }
0x98: {  	s19 =	sld [smem:$0x3FDB];
	_ =	sdelay $0x1  }
0x99: {  	s4 =	simm.s32 $_scs_section_size  }
0x9a: {  	s5 =	simm.s32 $_size__tile_overlayer_lowered;
	s6 =	simm.s32 $_tile_overlayer_lowered  }
0x9b: {  	s22 =	simm.s32 $0x1BFF;
	s21 =	sshll.u32 s6, $0x1;
	s3 =	sadd.s32 s4, s19  }
0x9c: {  	s7 =	simm.s32 $0x0;
	s20 =	sshll.u32 s5, $0x1;
	s5 =	sadd.s32 s21, s3  }
0x9d: {  	[timem:s7], [sflag:s22] =	dma.local [hbm:s5], s20  }
0x9e: {  	_ =	swait.ge [sflag:s22], s20  }
0x9f: {  	s4 =	ssub.s32 $0x0, s20;
	[sflag:s22] =	ssyncset.done $0x0  }
0xa0: {  	[sflag:s22] =	ssyncadd.s32 s4;
	_ =	sdelay $0x1  }
0xa1: {  	s23 =	simm.s32 $0x1B8B  }
0xa2: {  	_ =	swait.ge [sflag:s23], $0x1  }
0xa3: {  	[sflag:s23] =	ssyncset.done $0x0  }
0xa4: {  	s25 =	simm.s32 $0x1B8E;
	s24 =	sld [smem:$0x3FFE];
	[sflag:s23] =	ssyncadd.s32 $0xFFFFFFFF  }
0xa5: {  	s26 =	simm.s32 $execute0_lowered;
	[smem:$0x3FD2] =	sst s25  }
0xa6: {  	s5 =	sshll.u32 s26, $0x1;
	_ =	strace $0x80000049;
	[dreg:$0x1] =	wrdreg $0xFFFFFFFF  }
0xa7: {  	s28 =	simm.s32 $_size_execute0_lowered;
	s3 =	sadd.s32 s3, s5;
	[dreg:$0x0] =	wrdreg $0x0  }
0xa8: {  	s5 =	sshll.u32 s28, $0x1;
	[dreg:$0x2] =	wrdreg s3  }
0xa9: {  	[dreg:$0x3] =	wrdreg s5  }
0xaa: {  	[dreg:$0x4] =	wrdreg $0xC0  }
0xab: {  	_ =	task [dreg:s7], $0x5FFFF  }
0xac: {  	[dreg:$0x1] =	wrdreg $0xFFFFFFFF  }
0xad: {  	[dreg:$0x0] =	wrdreg $0x60  }
0xae: {  	[dreg:$0x2] =	wrdreg s2  }
0xaf: {  	[dreg:$0x3] =	wrdreg s24  }
0xb0: {  	[dreg:$0x4] =	wrdreg $0x7C000  }
0xb1: {  	[dreg:$0x5] =	wrdreg $0x9  }
0xb2: {  	_ =	task.clear_ibuf [dreg:s7], $0x6FFFF;
	_ =	strace $0x90000049  }
0xb3: {  	s29 =	simm.s32 $0x9;
	_ =	strace $0x8000004B  }
0xb4: {  	_ =	swait.ge [sflag:s29], $0x1  }
0xb5: {  	[sflag:s29] =	ssyncadd.s32 $0xFFFFFFFF  }
0xb6: {  	_ =	strace $0x9000004B  }
0xb7: {  	_ =	sfence  }
0xb8: {  	s30 =	sld [smem:$0x0];
	_ =	sdelay $0x2  }
0xb9: {  	s31 =	sshll.u32 s1, $0xD;
	s1 =	sshrl.u32 s1, $0x2  }
0xba: {  	s3 =	sand.u32 $0x4000, s31;
	s1 =	sadd.s32 s1, s30  }
0xbb: {  	s0 =	sor.u32 s3, s0;
	s1 =	sshll.u32 s1, $0x11  }
0xbc: {  	s0 =	sor.u32 s1, s0  }
0xbd: {  	s0 =	sadd.s32 $0x8F2B, s0  }
0xbe: {  	[sflag:s0] =	ssyncadd.remote.s32 $0x1  }
0xbf: {  	_ =	sfence.sel $0xFFFF  }
0xc0: {  	[dreg:$0x0] =	wrdreg $0xFFFFFFFF;
	(pc) =	sbr.abs _section_cstart, $3  }
0xc1: {  	[dreg:$0x1] =	wrdreg $0xFFFFFFFF  }
0xc2: {  	_ =	task.clear_ibuf [dreg:s7], $0x2FFFF;
	_ =	strace $0x9FFFFFFF  }
0xc3: {  	(tm) =	ssettm $0x7FFFFFFF  }
tec
execute0_lowered:
.L_overlay_start_1:
0x0: {  	(tag) =	ssettag $0x1  }
0x1: {  	s1 =	rddreg [dreg:$0x0]  }
0x2: {  	s0 =	rddreg [dreg:$0x1]  }
0x3: {  	s2 =	rddreg [dreg:$0x2];
	s3 =	simm.s32 $0x0  }
0x4: {  	s6 =	srdreg.scid;
	s15 =	stileid.u32;
	s28 =	simm.s32 $0x200  }
0x5: {  	s29 =	simm.s32 $0x80;
	s30 =	simm.s32 $0x280;
	s31 =	simm.s32 $0x100  }
0x6: {  	[smem:$0x7FF] =	sst s3;
	s4 =	sadd.s32 $0xC600, s0;
	s5 =	sadd.s32 $0x2800, s0  }
0x7: {  	s12 =	sadd.s32 $0x16400, s0;
	s0 =	sadd.s32 $0x3D600, s0;
	s8 =	smul.u32 $0x4E000, s15  }
0x8: {  	s6 =	sand.u32 $0x1, s6;
	s7 =	sshll.u32 s15, $0x1;
	s10 =	smul.u32 $0x2700, s15  }
0x9: {  	s20 =	sadd.s32 $0x138000, s2;
	s13 =	smul.u32 $0x4E20, s15;
	p2 =	seq.s32 s15, $0x0  }
0xa: {  	p0 =	sne.s32 s15, $0x0;
	s15 =	simm.s32 $0x7;
	_ =	strace $0x8000004A  }
0xb: {  	s9 =	ssub.s32 $0x2, s6;
	[dreg:$0x4] =	wrdreg s12;
	s21 =	smul.u32 $0x27100, s6  }
0xc: {  	s7 =	sor.u32 s6, s7;
	[dreg:$0x7] =	wrdreg s20;
	s24 =	smul.u32 $0x138800, s6  }
0xd: {  	s16 =	smul.u32 $0x2710, s6;
	p1 =	sne.s32 s6, $0x0;
	s6 =	simm.s32 $0x50  }
0xe: {  	s11 =	sshrl.u32 s9, $0x1;
	s8 =	sshrl.u32 s8, $0x2;
	s19 =	sadd.s32 s12, s10  }
0xf: {  	s7 =	smul.u32 $0x2710, s7;
	s22 =	sadd.s32 s1, s10;
	[dreg:$0x6] =	wrdreg s19  }
0x10: {  	s9 =	ssub.s32 s9, s11;
	s8 =	sadd.s32 s8, s2;
	[dreg:$0x8] =	wrdreg s22  }
0x11: {  	s18 =	sadd.s32 s10, s21;
	s19 =	sshrl.u32 s24, $0x3;
	s20 =	sadd.s32 s16, s13  }
0x12: {  	s11 =	simm.s32 $0x400;
	s13 =	simm.s32 $0x5400;
	s16 =	simm.s32 $0x2  }
0x13: {  	[dreg:$0x5] =	wrdreg s8;
	s7 =	sshrl.u32 s7, $0x3;
	s21 =	sadd.s32 $0x190, s20  }
0x14: {  	s24 =	smax.u32 s9, $0x1;
	s9 =	simm.s32 $0x4;
	s8 =	simm.s32 $0x2C00  }
0x15: {  	s23 =	sadd.s32 s4, s7;
	s25 =	sadd.s32 s5, s7;
	[dreg:$0x11] =	wrdreg s24  }
0x16: {  	s26 =	sadd.s32 $0xA, s7;
	s7 =	sadd.s32 $0x14, s7;
	[dreg:$0x9] =	wrdreg s23  }
0x17: {  	s22 =	sshrl.u32 s21, $0x3;
	[dreg:$0xa] =	wrdreg s25;
	s14 =	sadd.s32 s4, s26  }
0x18: {  	s21 =	smov.u32 s5;
	s12 =	sadd.s32 s5, s26;
	[dreg:$0xb] =	wrdreg s14  }
0x19: {  	s17 =	sadd.s32 s4, s7;
	s7 =	sadd.s32 s5, s7;
	[dreg:$0xc] =	wrdreg s12  }
0x1a: {  	s23 =	sadd.s32 $0x140, s20;
	s25 =	sadd.s32 s22, s5;
	[dreg:$0xd] =	wrdreg s17  }
0x1b: {  	s22 =	sadd.s32 s22, s4;
	s26 =	sadd.s32 $0xF0, s20;
	[dreg:$0xe] =	wrdreg s7  }
0x1c: {  	s20 =	simm.s32 $0x0;
	s7 =	sadd.s32 s0, s18;
	[dreg:$0x12] =	wrdreg s25  }
0x1d: {  	s0 =	sadd.s32 s0, s19;
	[dreg:$0x13] =	wrdreg s26;
	s26 =	simm.s32 $0xA  }
.Ltmp0:
0x1e: {  	s12 =	simm.s32 $0x6;
	s14 =	simm.s32 $0x1;
	(pc) =	sbr.rel .LBB2_1-.Ltmp0, $4  }
0x1f: {  	s17 =	simm.s32 $0x8;
	s18 =	simm.s32 $0x3;
	s19 =	simm.s32 $0x9  }
0x20: {  	[dreg:$0xf] =	wrdreg s7;
	s0 =	sadd.s32 $0x27000, s0;
	s7 =	sshrl.u32 s23, $0x3  }
0x21: {  	[dreg:$0x10] =	wrdreg s0;
	s23 =	sadd.s32 s7, s5;
	s5 =	smov.u32 s4  }
0x22: {  	s24 =	sadd.s32 s7, s4;
	s0 =	simm.s32 $0x300;
	s7 =	simm.s32 $0x5  }
.LBB2_8:
0x23: {  	_ =	swait.ge [sflag:s19], $0x50  }
0x24: {  	[sflag:s19] =	ssyncset.done $0x0  }
0x25: {  	[sflag:s19] =	ssyncadd.s32 $0xFFFFFFB0  }
0x26: {  	[spmem:s2] =	stream.indirect.scatter.add.f32 [tilespmem:s13], [sflag:$0xA], $0x80, s0, s6, $0xb8;
	[tilespmem:$0x1B480] =	vst v63  }
0x27: {  	_ =	swait.ge [sflag:s26], $0x2800  }
0x28: {  	[sflag:s26] =	ssyncset.done $0x0  }
0x29: {  	[sflag:s26] =	ssyncadd.s32 $0xFFFFD800  }
0x2a: {  	_ =	swait.ge [sflag:s14], $0x2800  }
0x2b: {  	[sflag:s14] =	ssyncset.done $0x0  }
0x2c: {  	[sflag:s14] =	ssyncadd.s32 $0xFFFFD800  }
0x2d: {  	_ =	swait.ge [sflag:s15], $0x50  }
0x2e: {  	[sflag:s15] =	ssyncset.done $0x0  }
0x2f: {  	[sflag:s15] =	ssyncadd.s32 $0xFFFFFFB0  }
0x30: {  	[spmem:s2] =	stream.indirect.scatter.add.f32 [tilespmem:s11], [sflag:$0xA], $0x80, s28, s6, $0xb8;
	[tilespmem:$0x1B480] =	vst v63  }
0x31: {  	_ =	swait.ge [sflag:s26], $0x2800  }
0x32: {  	[sflag:s26] =	ssyncset.done $0x0  }
0x33: {  	[sflag:s26] =	ssyncadd.s32 $0xFFFFD800  }
0x34: {  	_ =	swait.ge [sflag:s16], $0x2800  }
0x35: {  	[sflag:s16] =	ssyncset.done $0x0  }
0x36: {  	[sflag:s16] =	ssyncadd.s32 $0xFFFFD800  }
0x37: {  	_ =	swait.ge [sflag:s17], $0x50  }
0x38: {  	[sflag:s17] =	ssyncset.done $0x0  }
0x39: {  	[sflag:s17] =	ssyncadd.s32 $0xFFFFFFB0  }
0x3a: {  	[spmem:s2] =	stream.indirect.scatter.add.f32 [tilespmem:s8], [sflag:$0xA], $0x80, s30, s6, $0xb8;
	[tilespmem:$0x1B480] =	vst v63  }
0x3b: {  	_ =	swait.ge [sflag:s26], $0x2800  }
0x3c: {  	[sflag:s26] =	ssyncset.done $0x0  }
0x3d: {  	[sflag:s26] =	ssyncadd.s32 $0xFFFFD800  }
0x3e: {  	[bflag:$0x0] =	sbarrier.arrive $0xFFFF  }
0x3f: {  	s4 =	rddreg [dreg:$0x15]  }
0x40: {  	s10 =	rddreg [dreg:$0xf]  }
0x41: {  	s20 =	rddreg [dreg:$0x16];
	s4 =	sor.u32 $0x1C0A, s4  }
0x42: {  	[hbm:s10], [sflag:s4] =	dma.local [spmem:s20], $0x2700  }
0x43: {  	_ =	swait.ge [sflag:s26], $0x2700  }
0x44: {  	[sflag:s26] =	ssyncset.done $0x0;
	s10 =	rddreg [dreg:$0x7]  }
0x45: {  	s20 =	rddreg [dreg:$0x10];
	[sflag:s26] =	ssyncadd.s32 $0xFFFFD900;
	s10 =	sshrl.u32 @!p0 s10, $0x3  }
0x46: {  	[hbm:s20], [sflag:s4] =	dma.local @!p0 [spmem:s10], $0x100  }
0x47: {  	s4 =	simm.s32 @!p0 $0xA  }
0x48: {  	_ =	swait.ge @!p0 [sflag:s4], $0x100  }
0x49: {  	s10 =	rddreg [dreg:$0x14]  }
0x4a: {  	s25 =	rddreg [dreg:$0x11];
	s20 =	sadd.s32 $0x1, s10  }
0x4b: {  	p3 =	sne.s32 s20, s25  }
.Ltmp1:
0x4c: {  	_ = 	snop;
	(pc) =	sbr.rel @!p3 .LBB2_9-.Ltmp1, $3  }
0x4d: {  	_ =	sdelay $0x1  }
0x4e: {  	[sflag:s4] =	ssyncset.done @!p0 $0x0  }
0x4f: {  	[sflag:s4] =	ssyncadd.s32 @!p0 $0xFFFFFF00  }
.LBB2_1:
0x50: {  	s4 =	stileid.u32  }
.Ltmp2:
0x51: {  	s10 =	rddreg [dreg:$0x5];
	(pc) =	sbr.rel @p1 .LBB2_3-.Ltmp2, $4  }
0x52: {  	[dreg:$0x14] =	wrdreg s20;
	s25 =	sshll.u32 s4, $0x6  }
0x53: {  	s10 =	sshrl.u32 s10, $0x3;
	[dreg:$0x15] =	wrdreg s25  }
0x54: {  	s4 =	sor.u32 $0x1C0A, s25;
	[dreg:$0x16] =	wrdreg s10  }
0x55: {  	[dreg:$0x17] =	wrdreg s4  }
0x56: {  	s20 =	sor.u32 $0x1C0A, s25;
	s4 =	rddreg [dreg:$0x8]  }
0x57: {  	[spmem:s10], [sflag:s20] =	dma.local [hbm:s4], $0x2700  }
.Ltmp3:
0x58: {  	_ = 	snop;
	(pc) =	sbr.rel @!p2 .LBB2_5-.Ltmp3, $4  }
.Ltmp4:
0x59: {  	_ = 	snop;
	(pc) =	sbr.rel @p2 .LBB2_4-.Ltmp4, $4  }
0x5a: {  	_ =	swait.ge [sflag:s26], $0x2700  }
0x5b: {  	[sflag:s26] =	ssyncset.done $0x0  }
0x5c: {  	s25 =	smov.u32 s1;
	[sflag:s26] =	ssyncadd.s32 $0xFFFFD900  }
0x5d: {  	_ = 	snop  }
.LBB2_3:
0x5e: {  	s4 =	rddreg [dreg:$0x6]  }
.Ltmp5:
0x5f: {  	s20 =	rddreg [dreg:$0x17];
	(pc) =	sbr.rel @p0 .LBB2_5-.Ltmp5, $4  }
0x60: {  	[spmem:s10], [sflag:s20] =	dma.local [hbm:s4], $0x2700  }
0x61: {  	_ =	swait.ge [sflag:s26], $0x2700  }
0x62: {  	[sflag:s26] =	ssyncset.done $0x0  }
0x63: {  	s25 =	rddreg [dreg:$0x4];
	[sflag:s26] =	ssyncadd.s32 $0xFFFFD900  }
.LBB2_4:
0x64: {  	s4 =	rddreg [dreg:$0x7]  }
0x65: {  	s10 =	sadd.s32 $0x27000, s25;
	s4 =	sshrl.u32 s4, $0x3  }
0x66: {  	[spmem:s4], [sflag:s20] =	dma.local [hbm:s10], $0x100  }
0x67: {  	_ =	swait.ge [sflag:s26], $0x100  }
0x68: {  	[sflag:s26] =	ssyncset.done $0x0  }
0x69: {  	[sflag:s26] =	ssyncadd.s32 $0xFFFFFF00  }
.LBB2_5:
0x6a: {  	[bflag:$0x0] =	sbarrier.arrive $0xFFFF  }
0x6b: {  	s10 =	simm.s32 $0x0;
	s4 =	rddreg [dreg:$0x9]  }
0x6c: {  	[tilespmem:s10], [sflag:$0x4] =	stream.linear.gather [hbm4b:s4+s10], $0x50, $0x38;
	[tilespmem:$0x1B480] =	vst v63  }
0x6d: {  	s25 =	rddreg [dreg:$0xa]  }
0x6e: {  	[tilespmem:s28], [sflag:$0x7] =	stream.linear.gather [hbm4b:s25+s10], $0x50, $0x38;
	[tilespmem:$0x1B480] =	vst v63  }
0x6f: {  	s20 =	rddreg [dreg:$0xb]  }
0x70: {  	[tilespmem:s29], [sflag:$0x5] =	stream.linear.gather [hbm4b:s20+s10], $0x50, $0x38;
	[tilespmem:$0x1B480] =	vst v63  }
0x71: {  	s25 =	rddreg [dreg:$0xc]  }
0x72: {  	[tilespmem:s30], [sflag:$0x8] =	stream.linear.gather [hbm4b:s25+s10], $0x50, $0x38;
	[tilespmem:$0x1B480] =	vst v63  }
0x73: {  	s20 =	rddreg [dreg:$0xd]  }
0x74: {  	[tilespmem:s31], [sflag:$0x6] =	stream.linear.gather [hbm4b:s20+s10], $0x50, $0x38;
	[tilespmem:$0x1B480] =	vst v63  }
0x75: {  	s25 =	rddreg [dreg:$0xe]  }
0x76: {  	[tilespmem:s0], [sflag:$0x9] =	stream.linear.gather [hbm4b:s25+s10], $0x50, $0x38;
	[tilespmem:$0x1B480] =	vst v63  }
0x77: {  	_ =	swait.ge [sflag:s9], $0x50  }
0x78: {  	[sflag:s9] =	ssyncset.done $0x0  }
0x79: {  	[sflag:s9] =	ssyncadd.s32 $0xFFFFFFB0  }
0x7a: {  	[tilespmem:s11], [sflag:$0x1] =	stream.indirect.gather [hbm4b:s1+s6], $0x80, s10, s6, $0xb8;
	[tilespmem:$0x1B480] =	vst v63  }
0x7b: {  	_ =	swait.ge [sflag:s7], $0x50  }
0x7c: {  	[sflag:s7] =	ssyncset.done $0x0  }
0x7d: {  	[sflag:s7] =	ssyncadd.s32 $0xFFFFFFB0  }
0x7e: {  	[tilespmem:s8], [sflag:$0x2] =	stream.indirect.gather [hbm4b:s1+s6], $0x80, s29, s6, $0xb8;
	[tilespmem:$0x1B480] =	vst v63  }
0x7f: {  	_ =	swait.ge [sflag:s12], $0x50  }
0x80: {  	[sflag:s12] =	ssyncset.done $0x0  }
0x81: {  	s25 =	rddreg [dreg:$0x13];
	[sflag:s12] =	ssyncadd.s32 $0xFFFFFFB0  }
0x82: {  	[tilespmem:s13], [sflag:$0x3] =	stream.indirect.gather [hbm4b:s1+s6], $0x80, s31, s6, $0xb8;
	[tilespmem:$0x1B480] =	vst v63  }
.LBB2_6:
0x83: {  	_ =	swait.ge [sflag:s14], $0x2800  }
0x84: {  	s20 =	sshrl.u32 s25, $0x3;
	[sflag:s14] =	ssyncset.done $0x0  }
0x85: {  	s4 =	sadd.s32 s5, s20;
	[sflag:s14] =	ssyncadd.s32 $0xFFFFD800  }
0x86: {  	[tilespmem:s3], [sflag:$0x4] =	stream.linear.gather [hbm4b:s4+s3], $0x50, $0x38;
	[tilespmem:$0x1B480] =	vst v63  }
0x87: {  	_ =	swait.ge [sflag:s15], $0x50  }
0x88: {  	[sflag:s15] =	ssyncset.done $0x0  }
0x89: {  	[sflag:s15] =	ssyncadd.s32 $0xFFFFFFB0  }
0x8a: {  	[spmem:s2] =	stream.indirect.scatter.add.f32 [tilespmem:s11], [sflag:$0xA], $0x80, s28, s6, $0xb8;
	[tilespmem:$0x1B480] =	vst v63  }
0x8b: {  	_ =	swait.ge [sflag:s26], $0x2800  }
0x8c: {  	[sflag:s26] =	ssyncset.done $0x0  }
0x8d: {  	s20 =	sadd.s32 s21, s20;
	[sflag:s26] =	ssyncadd.s32 $0xFFFFD800  }
0x8e: {  	[tilespmem:s28], [sflag:$0x7] =	stream.linear.gather [hbm4b:s20+s3], $0x50, $0x38;
	[tilespmem:$0x1B480] =	vst v63  }
0x8f: {  	_ =	swait.ge [sflag:s9], $0x50  }
0x90: {  	[sflag:s9] =	ssyncset.done $0x0  }
0x91: {  	[sflag:s9] =	ssyncadd.s32 $0xFFFFFFB0  }
0x92: {  	[tilespmem:s11], [sflag:$0x1] =	stream.indirect.gather [hbm4b:s1+s6], $0x80, s3, s6, $0xb8;
	[tilespmem:$0x1B480] =	vst v63  }
0x93: {  	_ =	swait.ge [sflag:s16], $0x2800  }
0x94: {  	[sflag:s16] =	ssyncset.done $0x0  }
0x95: {  	s20 =	sadd.s32 s10, s24;
	[sflag:s16] =	ssyncadd.s32 $0xFFFFD800  }
0x96: {  	[tilespmem:s29], [sflag:$0x5] =	stream.linear.gather [hbm4b:s20+s3], $0x50, $0x38;
	[tilespmem:$0x1B480] =	vst v63  }
0x97: {  	_ =	swait.ge [sflag:s17], $0x50  }
0x98: {  	[sflag:s17] =	ssyncset.done $0x0  }
0x99: {  	[sflag:s17] =	ssyncadd.s32 $0xFFFFFFB0  }
0x9a: {  	[spmem:s2] =	stream.indirect.scatter.add.f32 [tilespmem:s8], [sflag:$0xA], $0x80, s30, s6, $0xb8;
	[tilespmem:$0x1B480] =	vst v63  }
0x9b: {  	_ =	swait.ge [sflag:s26], $0x2800  }
0x9c: {  	[sflag:s26] =	ssyncset.done $0x0  }
0x9d: {  	s20 =	sadd.s32 s10, s23;
	[sflag:s26] =	ssyncadd.s32 $0xFFFFD800  }
0x9e: {  	[tilespmem:s30], [sflag:$0x8] =	stream.linear.gather [hbm4b:s20+s3], $0x50, $0x38;
	[tilespmem:$0x1B480] =	vst v63  }
0x9f: {  	_ =	swait.ge [sflag:s7], $0x50  }
0xa0: {  	p3 =	seq.s32 s10, $0x4B0;
	[sflag:s7] =	ssyncset.done $0x0  }
.Ltmp6:
0xa1: {  	[sflag:s7] =	ssyncadd.s32 $0xFFFFFFB0;
	(pc) =	sbr.rel @p3 .LBB2_8-.Ltmp6, $4  }
0xa2: {  	[tilespmem:s8], [sflag:$0x2] =	stream.indirect.gather [hbm4b:s1+s6], $0x80, s29, s6, $0xb8;
	[tilespmem:$0x1B480] =	vst v63  }
0xa3: {  	_ =	swait.ge [sflag:s18], $0x2800  }
0xa4: {  	[sflag:s18] =	ssyncset.done $0x0  }
0xa5: {  	[sflag:s18] =	ssyncadd.s32 $0xFFFFD800  }
0xa6: {  	s4 =	sadd.s32 s10, s22  }
0xa7: {  	[tilespmem:s31], [sflag:$0x6] =	stream.linear.gather [hbm4b:s4+s3], $0x50, $0x38;
	[tilespmem:$0x1B480] =	vst v63  }
0xa8: {  	_ =	swait.ge [sflag:s19], $0x50  }
0xa9: {  	[sflag:s19] =	ssyncset.done $0x0  }
0xaa: {  	[sflag:s19] =	ssyncadd.s32 $0xFFFFFFB0  }
0xab: {  	[spmem:s2] =	stream.indirect.scatter.add.f32 [tilespmem:s13], [sflag:$0xA], $0x80, s0, s6, $0xb8;
	[tilespmem:$0x1B480] =	vst v63  }
0xac: {  	_ =	swait.ge [sflag:s26], $0x2800  }
0xad: {  	[sflag:s26] =	ssyncset.done $0x0;
	s20 =	rddreg [dreg:$0x12]  }
0xae: {  	[sflag:s26] =	ssyncadd.s32 $0xFFFFD800;
	s4 =	sadd.s32 s10, s20  }
0xaf: {  	[tilespmem:s0], [sflag:$0x9] =	stream.linear.gather [hbm4b:s4+s3], $0x50, $0x38;
	[tilespmem:$0x1B480] =	vst v63  }
.Ltmp7:
0xb0: {  	_ = 	snop;
	(pc) =	sbr.rel .LBB2_6-.Ltmp7, $4  }
0xb1: {  	_ =	swait.ge [sflag:s12], $0x50  }
0xb2: {  	[sflag:s12] =	ssyncset.done $0x0  }
0xb3: {  	s25 =	sadd.s32 $0xF0, s25;
	s10 =	sadd.s32 $0x1E, s10;
	[sflag:s12] =	ssyncadd.s32 $0xFFFFFFB0  }
0xb4: {  	[tilespmem:s13], [sflag:$0x3] =	stream.indirect.gather [hbm4b:s1+s6], $0x80, s31, s6, $0xb8;
	[tilespmem:$0x1B480] =	vst v63  }
.LBB2_9:
0xb5: {  	_ =	sfence.sel $0x180000  }
0xb6: {  	[bflag:$0x0] =	sbarrier.arrive $0xFFFF  }
0xb7: {  	_ =	strace $0x9000004A  }
0xb8: {  	[bflag:$0x2] =	sbarrier.arrive $0xFFFF  }
0xb9: {  	s0 =	rddreg [dreg:$0x3]  }
0xba: {  	s0 =	sadd.s32 @!p0 $0x100000, s0  }
0xbb: {  	[sflag:s0] =	ssyncadd.tile.s32 @!p0 $0x1;
	_ =	shalt  }
.Lfunc_end2:
_tile_overlayer_lowered:
.L_overlay_start_2:
0xbc: {  	(tag) =	ssettag $0x2  }
0xbd: {  	s0 =	rddreg [dreg:$0x0];
	s2 =	stileid.u32  }
0xbe: {  	s1 =	rddreg [dreg:$0x1];
	p0 =	sne.s32 s2, $0x0  }
0xbf: {  	s3 =	rddreg [dreg:$0x2];
	[bflag:$0x3] =	sbarrier.arrive $0xFFFF;
	s2 =	simm.s32 @!p0 $0x1C0A  }
0xc0: {  	[timem:s3], [sflag:s2] =	dma.local @!p0 [hbm:s0], s1  }
0xc1: {  	s0 =	simm.s32 @!p0 $0xA  }
0xc2: {  	_ =	swait.ge @!p0 [sflag:s0], s1  }
0xc3: {  	s1 =	ssub.s32 @!p0 $0x0, s1;
	[sflag:s0] =	ssyncset.done @!p0 $0x0  }
0xc4: {  	[sflag:s0] =	ssyncadd.s32 @!p0 s1  }
0xc5: {  	[bflag:$0x3] =	sbarrier.arrive $0xFFFF  }
0xc6: {  	_ =	shalt  }

// kernel: kernel.15.cloned.1.call-start
scs
__scs_entry_jumppad:
0x0: {  	(pc) =	sbr.rel $0x88, $3  }
0x1: {  	(tag) =	ssettag $0x0;
	lr =	simm.s32 $0x1  }
0x2: {  	[smem:$0x3F97] =	sst lr;
	_ =	strace $0xD0000000  }
0x3: {  	_ = 	snop  }
0x4: {  	_ = 	snop  }
0x5: {  	_ = 	snop  }
0x6: {  	_ = 	snop  }
0x7: {  	_ = 	snop  }
__scs_overlays_trampoline_lowered:
0x8: {  	[smem:$0x3FA6] =	sst s0  }
0x9: {  	[smem:$0x3FA7] =	sst s1  }
0xa: {  	[smem:$0x3FA8] =	sst s2  }
0xb: {  	[smem:$0x3FA9] =	sst s3  }
0xc: {  	[smem:$0x3FAA] =	sst s4  }
0xd: {  	[smem:$0x3FAB] =	sst s5  }
0xe: {  	[smem:$0x3FAC] =	sst s6  }
0xf: {  	[smem:$0x3FAD] =	sst s7  }
0x10: {  	[smem:$0x3FAE] =	sst s8  }
0x11: {  	[smem:$0x3FAF] =	sst s9;
	s0 =	simm.s32 @!p0 $0x0  }
0x12: {  	s1 =	sld [smem:$0x3F95];
	s0 =	simm.s32 @p0 $0x1  }
0x13: {  	[smem:$0x3FB0] =	sst s0;
	s0 =	simm.s32 @!p1 $0x0  }
0x14: {  	s2 =	sld [smem:$0x3F94];
	s0 =	simm.s32 @p1 $0x1  }
0x15: {  	[smem:$0x3FB1] =	sst s0;
	s0 =	simm.s32 @!p2 $0x0  }
0x16: {  	s3 =	sld [smem:$0x3FDB];
	s0 =	simm.s32 @p2 $0x1  }
0x17: {  	s4 =	simm.s32 $0x1BF5;
	[smem:$0x3FB3] =	sst s0  }
0x18: {  	s0 =	sld [smem:$0x3F96];
	_ =	swait.ge [sflag:s4], $0x0  }
0x19: {  	s7 =	sld [smem:$0x3F97]  }
0x1a: {  	s8 =	sadd.s32 $0xFFFFE003, lr  }
0x1b: {  	s9 =	sadd.s32 $0xFFFFFEF7, lr;
	s5 =	simm.s32 $0xFFFFFFFF;
	p2 =	slt.u32 s8, $0xFFFFF086  }
0x1c: {  	p1 =	slt.u32 s9, $0xF7A;
	s5 =	simm.s32 @!p2 $0x0  }
0x1d: {  	s5 =	simm.s32 @p1 $0x1;
	p0 =	seq.s32 s7, s2  }
0x1e: {  	s7 =	smul.u32 @!p0 $0xF7A, s2;
	p2 =	seq.s32 @!p0 s5, $0x0  }
0x1f: {  	s9 =	smul.u32 $0xF7A, s1;
	s8 =	simm.s32 @!p0 $0x1BF5;
	p2 =	por !p2, p0  }
0x20: {  	[sflag:s8] =	ssyncset.s32 @!p0 $0xFFFFF086;
	s6 =	sadd.s32 @!p0 s3, s7;
	s7 =	simm.s32 @!p0 $0x108  }
0x21: {  	s3 =	sadd.s32 s3, s9;
	s6 =	sadd.s32 @!p0 $0x88, s6;
	s7 =	simm.s32 @p2 $0x1082  }
0x22: {  	[simem:s7], [sflag:s8] =	dma.local @!p0 [hbm:s6], $0xF7A  }
0x23: {  	s9 =	sor.u32 $0xD0000000, s2;
	s6 =	simm.s32 $0x108;
	_ =	swait.ge @!p0 [sflag:s8], $0x0  }
0x24: {  	s3 =	sadd.s32 $0x88, s3;
	s6 =	simm.s32 @!p1 $0x1082;
	[sflag:s4] =	ssyncset.s32 $0xFFFFF086  }
0x25: {  	[simem:s6], [sflag:s4] =	dma.local [hbm:s3], $0xF7A  }
0x26: {  	[smem:$0x3F97] =	sst s1;
	(tag) =	ssettag s2;
	_ =	strace s9  }
0x27: {  	s1 =	sld [smem:$0x3FA7]  }
0x28: {  	s2 =	sld [smem:$0x3FA8]  }
0x29: {  	s4 =	sld [smem:$0x3FAA]  }
0x2a: {  	p0 =	seq.s32 s5, $0x0;
	s5 =	sld [smem:$0x3FAB]  }
0x2b: {  	s6 =	sld [smem:$0x3FAC]  }
0x2c: {  	s7 =	sld [smem:$0x3FAD]  }
0x2d: {  	s3 =	simm.s32 $0x108;
	s8 =	sld [smem:$0x3FAE]  }
0x2e: {  	s3 =	simm.s32 @!p0 $0x1082;
	s9 =	sld [smem:$0x3FAF]  }
0x2f: {  	lr =	sadd.s32 s0, s3;
	s0 =	sld [smem:$0x3FA6]  }
0x30: {  	s3 =	sld [smem:$0x3FA9]  }
0x31: {  	[smem:$0x3FB2] =	sst s10  }
0x32: {  	s10 =	sld [smem:$0x3FB0];
	_ =	sdelay $0x3  }
0x33: {  	p0 =	seq.s32 s10, $0x1;
	s10 =	sld [smem:$0x3FB2];
	_ =	sdelay $0x3  }
0x34: {  	[smem:$0x3FB2] =	sst s10  }
0x35: {  	s10 =	sld [smem:$0x3FB1];
	_ =	sdelay $0x3  }
0x36: {  	p1 =	seq.s32 s10, $0x1;
	s10 =	sld [smem:$0x3FB2];
	_ =	sdelay $0x3  }
0x37: {  	[smem:$0x3FB2] =	sst s10  }
0x38: {  	s10 =	sld [smem:$0x3FB3]  }
0x39: {  	_ = 	snop;
	(pc) =	sbr.ind lr, $3  }
0x3a: {  	_ = 	snop  }
0x3b: {  	_ = 	snop  }
0x3c: {  	p2 =	seq.s32 s10, $0x1;
	s10 =	sld [smem:$0x3FB2]  }
0x3d: {  	_ =	shalt  }
0x3e: {  	_ =	shalt  }
0x3f: {  	_ =	shalt  }
0x40: {  	_ =	shalt  }
0x41: {  	_ =	shalt  }
0x42: {  	_ =	shalt  }
0x43: {  	_ =	shalt  }
0x44: {  	_ =	shalt  }
0x45: {  	_ =	shalt  }
0x46: {  	_ =	shalt  }
0x47: {  	_ =	shalt  }
0x48: {  	_ =	shalt  }
0x49: {  	_ =	shalt  }
0x4a: {  	_ =	shalt  }
0x4b: {  	_ =	shalt  }
0x4c: {  	_ =	shalt  }
0x4d: {  	_ =	shalt  }
0x4e: {  	_ =	shalt  }
0x4f: {  	_ =	shalt  }
0x50: {  	_ =	shalt  }
0x51: {  	_ =	shalt  }
0x52: {  	_ =	shalt  }
0x53: {  	_ =	shalt  }
0x54: {  	_ =	shalt  }
0x55: {  	_ =	shalt  }
0x56: {  	_ =	shalt  }
0x57: {  	_ =	shalt  }
0x58: {  	_ =	shalt  }
0x59: {  	_ =	shalt  }
0x5a: {  	_ =	shalt  }
0x5b: {  	_ =	shalt  }
0x5c: {  	_ =	shalt  }
0x5d: {  	_ =	shalt  }
0x5e: {  	_ =	shalt  }
0x5f: {  	_ =	shalt  }
0x60: {  	_ =	shalt  }
0x61: {  	_ =	shalt  }
0x62: {  	_ =	shalt  }
0x63: {  	_ =	shalt  }
0x64: {  	_ =	shalt  }
0x65: {  	_ =	shalt  }
0x66: {  	_ =	shalt  }
0x67: {  	_ =	shalt  }
0x68: {  	_ =	shalt  }
0x69: {  	_ =	shalt  }
0x6a: {  	_ =	shalt  }
0x6b: {  	_ =	shalt  }
0x6c: {  	_ =	shalt  }
0x6d: {  	_ =	shalt  }
0x6e: {  	_ =	shalt  }
0x6f: {  	_ =	shalt  }
0x70: {  	_ =	shalt  }
0x71: {  	_ =	shalt  }
0x72: {  	_ =	shalt  }
0x73: {  	_ =	shalt  }
0x74: {  	_ =	shalt  }
0x75: {  	_ =	shalt  }
0x76: {  	_ =	shalt  }
0x77: {  	_ =	shalt  }
0x78: {  	_ =	shalt  }
0x79: {  	_ =	shalt  }
0x7a: {  	_ =	shalt  }
0x7b: {  	_ =	shalt  }
0x7c: {  	_ =	shalt  }
0x7d: {  	_ =	shalt  }
0x7e: {  	_ =	shalt  }
0x7f: {  	_ =	shalt  }
0x80: {  	_ =	shalt  }
0x81: {  	_ =	shalt  }
0x82: {  	_ =	shalt  }
0x83: {  	_ =	shalt  }
0x84: {  	_ =	shalt  }
0x85: {  	_ =	shalt  }
0x86: {  	_ =	shalt  }
0x87: {  	_ =	shalt  }
.Lfunc_end0:
.L_simem_size_0:
called_computation.2_lowered:
.L_overlay_start_0:
0x88: {  	s2 =	sld [smem:$0x3FD9]  }
0x89: {  	s3 =	sld [smem:$0x3FFE];
	_ =	sdelay $0x1  }
0x8a: {  	s1 =	srdreg.scid  }
0x8b: {  	s0 =	sand.u32 $0x1, s1  }
0x8c: {  	s17 =	sshll.u32 s0, $0xA;
	s2 =	sadd.s32 s3, s2  }
0x8d: {  	s2 =	sadd.s32 s2, s17  }
0x8e: {  	[smem:$0x3FBE] =	sst s2  }
0x8f: {  	_ = 	snop  }
0x90: {  	s2 =	sld [smem:$0x3FD0];
	(tm) =	ssettm $0x1  }
0x91: {  	s18 =	sld [smem:$0x3FFB];
	_ =	sdelay $0x3  }
0x92: {  	_ =	strace s18  }
0x93: {  	s3 =	sld [smem:$0x3FFC];
	_ =	sdelay $0x3  }
0x94: {  	_ =	strace s3  }
0x95: {  	s3 =	sld [smem:$0x3FFD];
	_ =	sdelay $0x3  }
0x96: {  	_ =	strace s3  }
0x97: {  	_ =	strace $0x8FFFFFFF  }
0x98: {  	s19 =	sld [smem:$0x3FDB];
	_ =	sdelay $0x1  }
0x99: {  	s4 =	simm.s32 $_scs_section_size  }
0x9a: {  	s5 =	simm.s32 $_size__tile_overlayer_lowered;
	s6 =	simm.s32 $_tile_overlayer_lowered  }
0x9b: {  	s22 =	simm.s32 $0x1BFF;
	s21 =	sshll.u32 s6, $0x1;
	s3 =	sadd.s32 s4, s19  }
0x9c: {  	s7 =	simm.s32 $0x0;
	s20 =	sshll.u32 s5, $0x1;
	s5 =	sadd.s32 s21, s3  }
0x9d: {  	[timem:s7], [sflag:s22] =	dma.local [hbm:s5], s20  }
0x9e: {  	_ =	swait.ge [sflag:s22], s20  }
0x9f: {  	s4 =	ssub.s32 $0x0, s20;
	[sflag:s22] =	ssyncset.done $0x0  }
0xa0: {  	[sflag:s22] =	ssyncadd.s32 s4;
	_ =	sdelay $0x1  }
0xa1: {  	s23 =	simm.s32 $0x1B8B  }
0xa2: {  	_ =	swait.ge [sflag:s23], $0x1  }
0xa3: {  	[sflag:s23] =	ssyncset.done $0x0  }
0xa4: {  	s25 =	simm.s32 $0x1B8E;
	s24 =	sld [smem:$0x3FFE];
	[sflag:s23] =	ssyncadd.s32 $0xFFFFFFFF  }
0xa5: {  	s26 =	simm.s32 $execute0_lowered;
	[smem:$0x3FD2] =	sst s25  }
0xa6: {  	s5 =	sshll.u32 s26, $0x1;
	_ =	strace $0x8000004C;
	[dreg:$0x1] =	wrdreg $0xFFFFFFFF  }
0xa7: {  	s28 =	simm.s32 $_size_execute0_lowered;
	s3 =	sadd.s32 s3, s5;
	[dreg:$0x0] =	wrdreg $0x0  }
0xa8: {  	s5 =	sshll.u32 s28, $0x1;
	[dreg:$0x2] =	wrdreg s3  }
0xa9: {  	[dreg:$0x3] =	wrdreg s5  }
0xaa: {  	[dreg:$0x4] =	wrdreg $0xC0  }
0xab: {  	_ =	task [dreg:s7], $0x5FFFF  }
0xac: {  	[dreg:$0x1] =	wrdreg $0xFFFFFFFF  }
0xad: {  	[dreg:$0x0] =	wrdreg $0x60  }
0xae: {  	[dreg:$0x2] =	wrdreg s2  }
0xaf: {  	[dreg:$0x3] =	wrdreg s24  }
0xb0: {  	[dreg:$0x4] =	wrdreg $0x7C000  }
0xb1: {  	[dreg:$0x5] =	wrdreg $0x9  }
0xb2: {  	_ =	task.clear_ibuf [dreg:s7], $0x6FFFF;
	_ =	strace $0x9000004C  }
0xb3: {  	s29 =	simm.s32 $0x9;
	_ =	strace $0x8000004E  }
0xb4: {  	_ =	swait.ge [sflag:s29], $0x1  }
0xb5: {  	[sflag:s29] =	ssyncadd.s32 $0xFFFFFFFF  }
0xb6: {  	_ =	strace $0x9000004E  }
0xb7: {  	_ =	sfence  }
0xb8: {  	s30 =	sld [smem:$0x0];
	_ =	sdelay $0x2  }
0xb9: {  	s31 =	sshll.u32 s1, $0xD;
	s1 =	sshrl.u32 s1, $0x2  }
0xba: {  	s3 =	sand.u32 $0x4000, s31;
	s1 =	sadd.s32 s1, s30  }
0xbb: {  	s0 =	sor.u32 s3, s0;
	s1 =	sshll.u32 s1, $0x11  }
0xbc: {  	s0 =	sor.u32 s1, s0  }
0xbd: {  	s0 =	sadd.s32 $0x8F2B, s0  }
0xbe: {  	[sflag:s0] =	ssyncadd.remote.s32 $0x1  }
0xbf: {  	_ =	sfence.sel $0xFFFF  }
0xc0: {  	[dreg:$0x0] =	wrdreg $0xFFFFFFFF;
	(pc) =	sbr.abs _section_cstart, $3  }
0xc1: {  	[dreg:$0x1] =	wrdreg $0xFFFFFFFF  }
0xc2: {  	_ =	task.clear_ibuf [dreg:s7], $0x2FFFF;
	_ =	strace $0x9FFFFFFF  }
0xc3: {  	(tm) =	ssettm $0x7FFFFFFF  }
tec
execute0_lowered:
.L_overlay_start_1:
0x0: {  	(tag) =	ssettag $0x1  }
0x1: {  	s1 =	rddreg [dreg:$0x0]  }
0x2: {  	s0 =	rddreg [dreg:$0x1]  }
0x3: {  	s2 =	rddreg [dreg:$0x2];
	s3 =	simm.s32 $0x0  }
0x4: {  	s6 =	srdreg.scid;
	s15 =	stileid.u32;
	s28 =	simm.s32 $0x200  }
0x5: {  	s29 =	simm.s32 $0x80;
	s30 =	simm.s32 $0x280;
	s31 =	simm.s32 $0x100  }
0x6: {  	[smem:$0x7FF] =	sst s3;
	s4 =	sadd.s32 $0xC600, s0;
	s5 =	sadd.s32 $0x2800, s0  }
0x7: {  	s12 =	sadd.s32 $0x16400, s0;
	s0 =	sadd.s32 $0x3D600, s0;
	s8 =	smul.u32 $0x4E000, s15  }
0x8: {  	s6 =	sand.u32 $0x1, s6;
	s7 =	sshll.u32 s15, $0x1;
	s10 =	smul.u32 $0x2700, s15  }
0x9: {  	s20 =	sadd.s32 $0x138000, s2;
	s13 =	smul.u32 $0x4E20, s15;
	p2 =	seq.s32 s15, $0x0  }
0xa: {  	p0 =	sne.s32 s15, $0x0;
	s15 =	simm.s32 $0x7;
	_ =	strace $0x8000004D  }
0xb: {  	s9 =	ssub.s32 $0x2, s6;
	[dreg:$0x4] =	wrdreg s12;
	s21 =	smul.u32 $0x27100, s6  }
0xc: {  	s7 =	sor.u32 s6, s7;
	[dreg:$0x7] =	wrdreg s20;
	s24 =	smul.u32 $0x138800, s6  }
0xd: {  	s16 =	smul.u32 $0x2710, s6;
	p1 =	sne.s32 s6, $0x0;
	s6 =	simm.s32 $0x50  }
0xe: {  	s11 =	sshrl.u32 s9, $0x1;
	s8 =	sshrl.u32 s8, $0x2;
	s19 =	sadd.s32 s12, s10  }
0xf: {  	s7 =	smul.u32 $0x2710, s7;
	s22 =	sadd.s32 s1, s10;
	[dreg:$0x6] =	wrdreg s19  }
0x10: {  	s9 =	ssub.s32 s9, s11;
	s8 =	sadd.s32 s8, s2;
	[dreg:$0x8] =	wrdreg s22  }
0x11: {  	s18 =	sadd.s32 s10, s21;
	s19 =	sshrl.u32 s24, $0x3;
	s20 =	sadd.s32 s16, s13  }
0x12: {  	s11 =	simm.s32 $0x400;
	s13 =	simm.s32 $0x5400;
	s16 =	simm.s32 $0x2  }
0x13: {  	[dreg:$0x5] =	wrdreg s8;
	s7 =	sshrl.u32 s7, $0x3;
	s21 =	sadd.s32 $0x190, s20  }
0x14: {  	s24 =	smax.u32 s9, $0x1;
	s9 =	simm.s32 $0x4;
	s8 =	simm.s32 $0x2C00  }
0x15: {  	s23 =	sadd.s32 s4, s7;
	s25 =	sadd.s32 s5, s7;
	[dreg:$0x11] =	wrdreg s24  }
0x16: {  	s26 =	sadd.s32 $0xA, s7;
	s7 =	sadd.s32 $0x14, s7;
	[dreg:$0x9] =	wrdreg s23  }
0x17: {  	s22 =	sshrl.u32 s21, $0x3;
	[dreg:$0xa] =	wrdreg s25;
	s14 =	sadd.s32 s4, s26  }
0x18: {  	s21 =	smov.u32 s5;
	s12 =	sadd.s32 s5, s26;
	[dreg:$0xb] =	wrdreg s14  }
0x19: {  	s17 =	sadd.s32 s4, s7;
	s7 =	sadd.s32 s5, s7;
	[dreg:$0xc] =	wrdreg s12  }
0x1a: {  	s23 =	sadd.s32 $0x140, s20;
	s25 =	sadd.s32 s22, s5;
	[dreg:$0xd] =	wrdreg s17  }
0x1b: {  	s22 =	sadd.s32 s22, s4;
	s26 =	sadd.s32 $0xF0, s20;
	[dreg:$0xe] =	wrdreg s7  }
0x1c: {  	s20 =	simm.s32 $0x0;
	s7 =	sadd.s32 s0, s18;
	[dreg:$0x12] =	wrdreg s25  }
0x1d: {  	s0 =	sadd.s32 s0, s19;
	[dreg:$0x13] =	wrdreg s26;
	s26 =	simm.s32 $0xA  }
.Ltmp0:
0x1e: {  	s12 =	simm.s32 $0x6;
	s14 =	simm.s32 $0x1;
	(pc) =	sbr.rel .LBB2_1-.Ltmp0, $4  }
0x1f: {  	s17 =	simm.s32 $0x8;
	s18 =	simm.s32 $0x3;
	s19 =	simm.s32 $0x9  }
0x20: {  	[dreg:$0xf] =	wrdreg s7;
	s0 =	sadd.s32 $0x27000, s0;
	s7 =	sshrl.u32 s23, $0x3  }
0x21: {  	[dreg:$0x10] =	wrdreg s0;
	s23 =	sadd.s32 s7, s5;
	s5 =	smov.u32 s4  }
0x22: {  	s24 =	sadd.s32 s7, s4;
	s0 =	simm.s32 $0x300;
	s7 =	simm.s32 $0x5  }
.LBB2_8:
0x23: {  	_ =	swait.ge [sflag:s19], $0x50  }
0x24: {  	[sflag:s19] =	ssyncset.done $0x0  }
0x25: {  	[sflag:s19] =	ssyncadd.s32 $0xFFFFFFB0  }
0x26: {  	[spmem:s2] =	stream.indirect.scatter.add.f32 [tilespmem:s13], [sflag:$0xA], $0x80, s0, s6, $0xb8;
	[tilespmem:$0x1B480] =	vst v63  }
0x27: {  	_ =	swait.ge [sflag:s26], $0x2800  }
0x28: {  	[sflag:s26] =	ssyncset.done $0x0  }
0x29: {  	[sflag:s26] =	ssyncadd.s32 $0xFFFFD800  }
0x2a: {  	_ =	swait.ge [sflag:s14], $0x2800  }
0x2b: {  	[sflag:s14] =	ssyncset.done $0x0  }
0x2c: {  	[sflag:s14] =	ssyncadd.s32 $0xFFFFD800  }
0x2d: {  	_ =	swait.ge [sflag:s15], $0x50  }
0x2e: {  	[sflag:s15] =	ssyncset.done $0x0  }
0x2f: {  	[sflag:s15] =	ssyncadd.s32 $0xFFFFFFB0  }
0x30: {  	[spmem:s2] =	stream.indirect.scatter.add.f32 [tilespmem:s11], [sflag:$0xA], $0x80, s28, s6, $0xb8;
	[tilespmem:$0x1B480] =	vst v63  }
0x31: {  	_ =	swait.ge [sflag:s26], $0x2800  }
0x32: {  	[sflag:s26] =	ssyncset.done $0x0  }
0x33: {  	[sflag:s26] =	ssyncadd.s32 $0xFFFFD800  }
0x34: {  	_ =	swait.ge [sflag:s16], $0x2800  }
0x35: {  	[sflag:s16] =	ssyncset.done $0x0  }
0x36: {  	[sflag:s16] =	ssyncadd.s32 $0xFFFFD800  }
0x37: {  	_ =	swait.ge [sflag:s17], $0x50  }
0x38: {  	[sflag:s17] =	ssyncset.done $0x0  }
0x39: {  	[sflag:s17] =	ssyncadd.s32 $0xFFFFFFB0  }
0x3a: {  	[spmem:s2] =	stream.indirect.scatter.add.f32 [tilespmem:s8], [sflag:$0xA], $0x80, s30, s6, $0xb8;
	[tilespmem:$0x1B480] =	vst v63  }
0x3b: {  	_ =	swait.ge [sflag:s26], $0x2800  }
0x3c: {  	[sflag:s26] =	ssyncset.done $0x0  }
0x3d: {  	[sflag:s26] =	ssyncadd.s32 $0xFFFFD800  }
0x3e: {  	[bflag:$0x0] =	sbarrier.arrive $0xFFFF  }
0x3f: {  	s4 =	rddreg [dreg:$0x15]  }
0x40: {  	s10 =	rddreg [dreg:$0xf]  }
0x41: {  	s20 =	rddreg [dreg:$0x16];
	s4 =	sor.u32 $0x1C0A, s4  }
0x42: {  	[hbm:s10], [sflag:s4] =	dma.local [spmem:s20], $0x2700  }
0x43: {  	_ =	swait.ge [sflag:s26], $0x2700  }
0x44: {  	[sflag:s26] =	ssyncset.done $0x0;
	s10 =	rddreg [dreg:$0x7]  }
0x45: {  	s20 =	rddreg [dreg:$0x10];
	[sflag:s26] =	ssyncadd.s32 $0xFFFFD900;
	s10 =	sshrl.u32 @!p0 s10, $0x3  }
0x46: {  	[hbm:s20], [sflag:s4] =	dma.local @!p0 [spmem:s10], $0x100  }
0x47: {  	s4 =	simm.s32 @!p0 $0xA  }
0x48: {  	_ =	swait.ge @!p0 [sflag:s4], $0x100  }
0x49: {  	s10 =	rddreg [dreg:$0x14]  }
0x4a: {  	s25 =	rddreg [dreg:$0x11];
	s20 =	sadd.s32 $0x1, s10  }
0x4b: {  	p3 =	sne.s32 s20, s25  }
.Ltmp1:
0x4c: {  	_ = 	snop;
	(pc) =	sbr.rel @!p3 .LBB2_9-.Ltmp1, $3  }
0x4d: {  	_ =	sdelay $0x1  }
0x4e: {  	[sflag:s4] =	ssyncset.done @!p0 $0x0  }
0x4f: {  	[sflag:s4] =	ssyncadd.s32 @!p0 $0xFFFFFF00  }
.LBB2_1:
0x50: {  	s4 =	stileid.u32  }
.Ltmp2:
0x51: {  	s10 =	rddreg [dreg:$0x5];
	(pc) =	sbr.rel @p1 .LBB2_3-.Ltmp2, $4  }
0x52: {  	[dreg:$0x14] =	wrdreg s20;
	s25 =	sshll.u32 s4, $0x6  }
0x53: {  	s10 =	sshrl.u32 s10, $0x3;
	[dreg:$0x15] =	wrdreg s25  }
0x54: {  	s4 =	sor.u32 $0x1C0A, s25;
	[dreg:$0x16] =	wrdreg s10  }
0x55: {  	[dreg:$0x17] =	wrdreg s4  }
0x56: {  	s20 =	sor.u32 $0x1C0A, s25;
	s4 =	rddreg [dreg:$0x8]  }
0x57: {  	[spmem:s10], [sflag:s20] =	dma.local [hbm:s4], $0x2700  }
.Ltmp3:
0x58: {  	_ = 	snop;
	(pc) =	sbr.rel @!p2 .LBB2_5-.Ltmp3, $4  }
.Ltmp4:
0x59: {  	_ = 	snop;
	(pc) =	sbr.rel @p2 .LBB2_4-.Ltmp4, $4  }
0x5a: {  	_ =	swait.ge [sflag:s26], $0x2700  }
0x5b: {  	[sflag:s26] =	ssyncset.done $0x0  }
0x5c: {  	s25 =	smov.u32 s1;
	[sflag:s26] =	ssyncadd.s32 $0xFFFFD900  }
0x5d: {  	_ = 	snop  }
.LBB2_3:
0x5e: {  	s4 =	rddreg [dreg:$0x6]  }
.Ltmp5:
0x5f: {  	s20 =	rddreg [dreg:$0x17];
	(pc) =	sbr.rel @p0 .LBB2_5-.Ltmp5, $4  }
0x60: {  	[spmem:s10], [sflag:s20] =	dma.local [hbm:s4], $0x2700  }
0x61: {  	_ =	swait.ge [sflag:s26], $0x2700  }
0x62: {  	[sflag:s26] =	ssyncset.done $0x0  }
0x63: {  	s25 =	rddreg [dreg:$0x4];
	[sflag:s26] =	ssyncadd.s32 $0xFFFFD900  }
.LBB2_4:
0x64: {  	s4 =	rddreg [dreg:$0x7]  }
0x65: {  	s10 =	sadd.s32 $0x27000, s25;
	s4 =	sshrl.u32 s4, $0x3  }
0x66: {  	[spmem:s4], [sflag:s20] =	dma.local [hbm:s10], $0x100  }
0x67: {  	_ =	swait.ge [sflag:s26], $0x100  }
0x68: {  	[sflag:s26] =	ssyncset.done $0x0  }
0x69: {  	[sflag:s26] =	ssyncadd.s32 $0xFFFFFF00  }
.LBB2_5:
0x6a: {  	[bflag:$0x0] =	sbarrier.arrive $0xFFFF  }
0x6b: {  	s10 =	simm.s32 $0x0;
	s4 =	rddreg [dreg:$0x9]  }
0x6c: {  	[tilespmem:s10], [sflag:$0x4] =	stream.linear.gather [hbm4b:s4+s10], $0x50, $0x38;
	[tilespmem:$0x1B480] =	vst v63  }
0x6d: {  	s25 =	rddreg [dreg:$0xa]  }
0x6e: {  	[tilespmem:s28], [sflag:$0x7] =	stream.linear.gather [hbm4b:s25+s10], $0x50, $0x38;
	[tilespmem:$0x1B480] =	vst v63  }
0x6f: {  	s20 =	rddreg [dreg:$0xb]  }
0x70: {  	[tilespmem:s29], [sflag:$0x5] =	stream.linear.gather [hbm4b:s20+s10], $0x50, $0x38;
	[tilespmem:$0x1B480] =	vst v63  }
0x71: {  	s25 =	rddreg [dreg:$0xc]  }
0x72: {  	[tilespmem:s30], [sflag:$0x8] =	stream.linear.gather [hbm4b:s25+s10], $0x50, $0x38;
	[tilespmem:$0x1B480] =	vst v63  }
0x73: {  	s20 =	rddreg [dreg:$0xd]  }
0x74: {  	[tilespmem:s31], [sflag:$0x6] =	stream.linear.gather [hbm4b:s20+s10], $0x50, $0x38;
	[tilespmem:$0x1B480] =	vst v63  }
0x75: {  	s25 =	rddreg [dreg:$0xe]  }
0x76: {  	[tilespmem:s0], [sflag:$0x9] =	stream.linear.gather [hbm4b:s25+s10], $0x50, $0x38;
	[tilespmem:$0x1B480] =	vst v63  }
0x77: {  	_ =	swait.ge [sflag:s9], $0x50  }
0x78: {  	[sflag:s9] =	ssyncset.done $0x0  }
0x79: {  	[sflag:s9] =	ssyncadd.s32 $0xFFFFFFB0  }
0x7a: {  	[tilespmem:s11], [sflag:$0x1] =	stream.indirect.gather [hbm4b:s1+s6], $0x80, s10, s6, $0xb8;
	[tilespmem:$0x1B480] =	vst v63  }
0x7b: {  	_ =	swait.ge [sflag:s7], $0x50  }
0x7c: {  	[sflag:s7] =	ssyncset.done $0x0  }
0x7d: {  	[sflag:s7] =	ssyncadd.s32 $0xFFFFFFB0  }
0x7e: {  	[tilespmem:s8], [sflag:$0x2] =	stream.indirect.gather [hbm4b:s1+s6], $0x80, s29, s6, $0xb8;
	[tilespmem:$0x1B480] =	vst v63  }
0x7f: {  	_ =	swait.ge [sflag:s12], $0x50  }
0x80: {  	[sflag:s12] =	ssyncset.done $0x0  }
0x81: {  	s25 =	rddreg [dreg:$0x13];
	[sflag:s12] =	ssyncadd.s32 $0xFFFFFFB0  }
0x82: {  	[tilespmem:s13], [sflag:$0x3] =	stream.indirect.gather [hbm4b:s1+s6], $0x80, s31, s6, $0xb8;
	[tilespmem:$0x1B480] =	vst v63  }
.LBB2_6:
0x83: {  	_ =	swait.ge [sflag:s14], $0x2800  }
0x84: {  	s20 =	sshrl.u32 s25, $0x3;
	[sflag:s14] =	ssyncset.done $0x0  }
0x85: {  	s4 =	sadd.s32 s5, s20;
	[sflag:s14] =	ssyncadd.s32 $0xFFFFD800  }
0x86: {  	[tilespmem:s3], [sflag:$0x4] =	stream.linear.gather [hbm4b:s4+s3], $0x50, $0x38;
	[tilespmem:$0x1B480] =	vst v63  }
0x87: {  	_ =	swait.ge [sflag:s15], $0x50  }
0x88: {  	[sflag:s15] =	ssyncset.done $0x0  }
0x89: {  	[sflag:s15] =	ssyncadd.s32 $0xFFFFFFB0  }
0x8a: {  	[spmem:s2] =	stream.indirect.scatter.add.f32 [tilespmem:s11], [sflag:$0xA], $0x80, s28, s6, $0xb8;
	[tilespmem:$0x1B480] =	vst v63  }
0x8b: {  	_ =	swait.ge [sflag:s26], $0x2800  }
0x8c: {  	[sflag:s26] =	ssyncset.done $0x0  }
0x8d: {  	s20 =	sadd.s32 s21, s20;
	[sflag:s26] =	ssyncadd.s32 $0xFFFFD800  }
0x8e: {  	[tilespmem:s28], [sflag:$0x7] =	stream.linear.gather [hbm4b:s20+s3], $0x50, $0x38;
	[tilespmem:$0x1B480] =	vst v63  }
0x8f: {  	_ =	swait.ge [sflag:s9], $0x50  }
0x90: {  	[sflag:s9] =	ssyncset.done $0x0  }
0x91: {  	[sflag:s9] =	ssyncadd.s32 $0xFFFFFFB0  }
0x92: {  	[tilespmem:s11], [sflag:$0x1] =	stream.indirect.gather [hbm4b:s1+s6], $0x80, s3, s6, $0xb8;
	[tilespmem:$0x1B480] =	vst v63  }
0x93: {  	_ =	swait.ge [sflag:s16], $0x2800  }
0x94: {  	[sflag:s16] =	ssyncset.done $0x0  }
0x95: {  	s20 =	sadd.s32 s10, s24;
	[sflag:s16] =	ssyncadd.s32 $0xFFFFD800  }
0x96: {  	[tilespmem:s29], [sflag:$0x5] =	stream.linear.gather [hbm4b:s20+s3], $0x50, $0x38;
	[tilespmem:$0x1B480] =	vst v63  }
0x97: {  	_ =	swait.ge [sflag:s17], $0x50  }
0x98: {  	[sflag:s17] =	ssyncset.done $0x0  }
0x99: {  	[sflag:s17] =	ssyncadd.s32 $0xFFFFFFB0  }
0x9a: {  	[spmem:s2] =	stream.indirect.scatter.add.f32 [tilespmem:s8], [sflag:$0xA], $0x80, s30, s6, $0xb8;
	[tilespmem:$0x1B480] =	vst v63  }
0x9b: {  	_ =	swait.ge [sflag:s26], $0x2800  }
0x9c: {  	[sflag:s26] =	ssyncset.done $0x0  }
0x9d: {  	s20 =	sadd.s32 s10, s23;
	[sflag:s26] =	ssyncadd.s32 $0xFFFFD800  }
0x9e: {  	[tilespmem:s30], [sflag:$0x8] =	stream.linear.gather [hbm4b:s20+s3], $0x50, $0x38;
	[tilespmem:$0x1B480] =	vst v63  }
0x9f: {  	_ =	swait.ge [sflag:s7], $0x50  }
0xa0: {  	p3 =	seq.s32 s10, $0x4B0;
	[sflag:s7] =	ssyncset.done $0x0  }
.Ltmp6:
0xa1: {  	[sflag:s7] =	ssyncadd.s32 $0xFFFFFFB0;
	(pc) =	sbr.rel @p3 .LBB2_8-.Ltmp6, $4  }
0xa2: {  	[tilespmem:s8], [sflag:$0x2] =	stream.indirect.gather [hbm4b:s1+s6], $0x80, s29, s6, $0xb8;
	[tilespmem:$0x1B480] =	vst v63  }
0xa3: {  	_ =	swait.ge [sflag:s18], $0x2800  }
0xa4: {  	[sflag:s18] =	ssyncset.done $0x0  }
0xa5: {  	[sflag:s18] =	ssyncadd.s32 $0xFFFFD800  }
0xa6: {  	s4 =	sadd.s32 s10, s22  }
0xa7: {  	[tilespmem:s31], [sflag:$0x6] =	stream.linear.gather [hbm4b:s4+s3], $0x50, $0x38;
	[tilespmem:$0x1B480] =	vst v63  }
0xa8: {  	_ =	swait.ge [sflag:s19], $0x50  }
0xa9: {  	[sflag:s19] =	ssyncset.done $0x0  }
0xaa: {  	[sflag:s19] =	ssyncadd.s32 $0xFFFFFFB0  }
0xab: {  	[spmem:s2] =	stream.indirect.scatter.add.f32 [tilespmem:s13], [sflag:$0xA], $0x80, s0, s6, $0xb8;
	[tilespmem:$0x1B480] =	vst v63  }
0xac: {  	_ =	swait.ge [sflag:s26], $0x2800  }
0xad: {  	[sflag:s26] =	ssyncset.done $0x0;
	s20 =	rddreg [dreg:$0x12]  }
0xae: {  	[sflag:s26] =	ssyncadd.s32 $0xFFFFD800;
	s4 =	sadd.s32 s10, s20  }
0xaf: {  	[tilespmem:s0], [sflag:$0x9] =	stream.linear.gather [hbm4b:s4+s3], $0x50, $0x38;
	[tilespmem:$0x1B480] =	vst v63  }
.Ltmp7:
0xb0: {  	_ = 	snop;
	(pc) =	sbr.rel .LBB2_6-.Ltmp7, $4  }
0xb1: {  	_ =	swait.ge [sflag:s12], $0x50  }
0xb2: {  	[sflag:s12] =	ssyncset.done $0x0  }
0xb3: {  	s25 =	sadd.s32 $0xF0, s25;
	s10 =	sadd.s32 $0x1E, s10;
	[sflag:s12] =	ssyncadd.s32 $0xFFFFFFB0  }
0xb4: {  	[tilespmem:s13], [sflag:$0x3] =	stream.indirect.gather [hbm4b:s1+s6], $0x80, s31, s6, $0xb8;
	[tilespmem:$0x1B480] =	vst v63  }
.LBB2_9:
0xb5: {  	_ =	sfence.sel $0x180000  }
0xb6: {  	[bflag:$0x0] =	sbarrier.arrive $0xFFFF  }
0xb7: {  	_ =	strace $0x9000004D  }
0xb8: {  	[bflag:$0x2] =	sbarrier.arrive $0xFFFF  }
0xb9: {  	s0 =	rddreg [dreg:$0x3]  }
0xba: {  	s0 =	sadd.s32 @!p0 $0x100000, s0  }
0xbb: {  	[sflag:s0] =	ssyncadd.tile.s32 @!p0 $0x1;
	_ =	shalt  }
.Lfunc_end2:
_tile_overlayer_lowered:
.L_overlay_start_2:
0xbc: {  	(tag) =	ssettag $0x2  }
0xbd: {  	s0 =	rddreg [dreg:$0x0];
	s2 =	stileid.u32  }
0xbe: {  	s1 =	rddreg [dreg:$0x1];
	p0 =	sne.s32 s2, $0x0  }
0xbf: {  	s3 =	rddreg [dreg:$0x2];
	[bflag:$0x3] =	sbarrier.arrive $0xFFFF;
	s2 =	simm.s32 @!p0 $0x1C0A  }
0xc0: {  	[timem:s3], [sflag:s2] =	dma.local @!p0 [hbm:s0], s1  }
0xc1: {  	s0 =	simm.s32 @!p0 $0xA  }
0xc2: {  	_ =	swait.ge @!p0 [sflag:s0], s1  }
0xc3: {  	s1 =	ssub.s32 @!p0 $0x0, s1;
	[sflag:s0] =	ssyncset.done @!p0 $0x0  }
0xc4: {  	[sflag:s0] =	ssyncadd.s32 @!p0 s1  }
0xc5: {  	[bflag:$0x3] =	sbarrier.arrive $0xFFFF  }
0xc6: {  	_ =	shalt  }

// kernel: kernel.9.cloned.1.call-start
scs
__scs_entry_jumppad:
0x0: {  	(pc) =	sbr.rel $0x88, $3  }
0x1: {  	(tag) =	ssettag $0x0;
	lr =	simm.s32 $0x1  }
0x2: {  	[smem:$0x3F97] =	sst lr;
	_ =	strace $0xD0000000  }
0x3: {  	_ = 	snop  }
0x4: {  	_ = 	snop  }
0x5: {  	_ = 	snop  }
0x6: {  	_ = 	snop  }
0x7: {  	_ = 	snop  }
__scs_overlays_trampoline_lowered:
0x8: {  	[smem:$0x3FA6] =	sst s0  }
0x9: {  	[smem:$0x3FA7] =	sst s1  }
0xa: {  	[smem:$0x3FA8] =	sst s2  }
0xb: {  	[smem:$0x3FA9] =	sst s3  }
0xc: {  	[smem:$0x3FAA] =	sst s4  }
0xd: {  	[smem:$0x3FAB] =	sst s5  }
0xe: {  	[smem:$0x3FAC] =	sst s6  }
0xf: {  	[smem:$0x3FAD] =	sst s7  }
0x10: {  	[smem:$0x3FAE] =	sst s8  }
0x11: {  	[smem:$0x3FAF] =	sst s9;
	s0 =	simm.s32 @!p0 $0x0  }
0x12: {  	s1 =	sld [smem:$0x3F95];
	s0 =	simm.s32 @p0 $0x1  }
0x13: {  	[smem:$0x3FB0] =	sst s0;
	s0 =	simm.s32 @!p1 $0x0  }
0x14: {  	s2 =	sld [smem:$0x3F94];
	s0 =	simm.s32 @p1 $0x1  }
0x15: {  	[smem:$0x3FB1] =	sst s0;
	s0 =	simm.s32 @!p2 $0x0  }
0x16: {  	s3 =	sld [smem:$0x3FDB];
	s0 =	simm.s32 @p2 $0x1  }
0x17: {  	s4 =	simm.s32 $0x1BF5;
	[smem:$0x3FB3] =	sst s0  }
0x18: {  	s0 =	sld [smem:$0x3F96];
	_ =	swait.ge [sflag:s4], $0x0  }
0x19: {  	s7 =	sld [smem:$0x3F97]  }
0x1a: {  	s8 =	sadd.s32 $0xFFFFE003, lr  }
0x1b: {  	s9 =	sadd.s32 $0xFFFFFEF7, lr;
	s5 =	simm.s32 $0xFFFFFFFF;
	p2 =	slt.u32 s8, $0xFFFFF086  }
0x1c: {  	p1 =	slt.u32 s9, $0xF7A;
	s5 =	simm.s32 @!p2 $0x0  }
0x1d: {  	s5 =	simm.s32 @p1 $0x1;
	p0 =	seq.s32 s7, s2  }
0x1e: {  	s7 =	smul.u32 @!p0 $0xF7A, s2;
	p2 =	seq.s32 @!p0 s5, $0x0  }
0x1f: {  	s9 =	smul.u32 $0xF7A, s1;
	s8 =	simm.s32 @!p0 $0x1BF5;
	p2 =	por !p2, p0  }
0x20: {  	[sflag:s8] =	ssyncset.s32 @!p0 $0xFFFFF086;
	s6 =	sadd.s32 @!p0 s3, s7;
	s7 =	simm.s32 @!p0 $0x108  }
0x21: {  	s3 =	sadd.s32 s3, s9;
	s6 =	sadd.s32 @!p0 $0x88, s6;
	s7 =	simm.s32 @p2 $0x1082  }
0x22: {  	[simem:s7], [sflag:s8] =	dma.local @!p0 [hbm:s6], $0xF7A  }
0x23: {  	s9 =	sor.u32 $0xD0000000, s2;
	s6 =	simm.s32 $0x108;
	_ =	swait.ge @!p0 [sflag:s8], $0x0  }
0x24: {  	s3 =	sadd.s32 $0x88, s3;
	s6 =	simm.s32 @!p1 $0x1082;
	[sflag:s4] =	ssyncset.s32 $0xFFFFF086  }
0x25: {  	[simem:s6], [sflag:s4] =	dma.local [hbm:s3], $0xF7A  }
0x26: {  	[smem:$0x3F97] =	sst s1;
	(tag) =	ssettag s2;
	_ =	strace s9  }
0x27: {  	s1 =	sld [smem:$0x3FA7]  }
0x28: {  	s2 =	sld [smem:$0x3FA8]  }
0x29: {  	s4 =	sld [smem:$0x3FAA]  }
0x2a: {  	p0 =	seq.s32 s5, $0x0;
	s5 =	sld [smem:$0x3FAB]  }
0x2b: {  	s6 =	sld [smem:$0x3FAC]  }
0x2c: {  	s7 =	sld [smem:$0x3FAD]  }
0x2d: {  	s3 =	simm.s32 $0x108;
	s8 =	sld [smem:$0x3FAE]  }
0x2e: {  	s3 =	simm.s32 @!p0 $0x1082;
	s9 =	sld [smem:$0x3FAF]  }
0x2f: {  	lr =	sadd.s32 s0, s3;
	s0 =	sld [smem:$0x3FA6]  }
0x30: {  	s3 =	sld [smem:$0x3FA9]  }
0x31: {  	[smem:$0x3FB2] =	sst s10  }
0x32: {  	s10 =	sld [smem:$0x3FB0];
	_ =	sdelay $0x3  }
0x33: {  	p0 =	seq.s32 s10, $0x1;
	s10 =	sld [smem:$0x3FB2];
	_ =	sdelay $0x3  }
0x34: {  	[smem:$0x3FB2] =	sst s10  }
0x35: {  	s10 =	sld [smem:$0x3FB1];
	_ =	sdelay $0x3  }
0x36: {  	p1 =	seq.s32 s10, $0x1;
	s10 =	sld [smem:$0x3FB2];
	_ =	sdelay $0x3  }
0x37: {  	[smem:$0x3FB2] =	sst s10  }
0x38: {  	s10 =	sld [smem:$0x3FB3]  }
0x39: {  	_ = 	snop;
	(pc) =	sbr.ind lr, $3  }
0x3a: {  	_ = 	snop  }
0x3b: {  	_ = 	snop  }
0x3c: {  	p2 =	seq.s32 s10, $0x1;
	s10 =	sld [smem:$0x3FB2]  }
0x3d: {  	_ =	shalt  }
0x3e: {  	_ =	shalt  }
0x3f: {  	_ =	shalt  }
0x40: {  	_ =	shalt  }
0x41: {  	_ =	shalt  }
0x42: {  	_ =	shalt  }
0x43: {  	_ =	shalt  }
0x44: {  	_ =	shalt  }
0x45: {  	_ =	shalt  }
0x46: {  	_ =	shalt  }
0x47: {  	_ =	shalt  }
0x48: {  	_ =	shalt  }
0x49: {  	_ =	shalt  }
0x4a: {  	_ =	shalt  }
0x4b: {  	_ =	shalt  }
0x4c: {  	_ =	shalt  }
0x4d: {  	_ =	shalt  }
0x4e: {  	_ =	shalt  }
0x4f: {  	_ =	shalt  }
0x50: {  	_ =	shalt  }
0x51: {  	_ =	shalt  }
0x52: {  	_ =	shalt  }
0x53: {  	_ =	shalt  }
0x54: {  	_ =	shalt  }
0x55: {  	_ =	shalt  }
0x56: {  	_ =	shalt  }
0x57: {  	_ =	shalt  }
0x58: {  	_ =	shalt  }
0x59: {  	_ =	shalt  }
0x5a: {  	_ =	shalt  }
0x5b: {  	_ =	shalt  }
0x5c: {  	_ =	shalt  }
0x5d: {  	_ =	shalt  }
0x5e: {  	_ =	shalt  }
0x5f: {  	_ =	shalt  }
0x60: {  	_ =	shalt  }
0x61: {  	_ =	shalt  }
0x62: {  	_ =	shalt  }
0x63: {  	_ =	shalt  }
0x64: {  	_ =	shalt  }
0x65: {  	_ =	shalt  }
0x66: {  	_ =	shalt  }
0x67: {  	_ =	shalt  }
0x68: {  	_ =	shalt  }
0x69: {  	_ =	shalt  }
0x6a: {  	_ =	shalt  }
0x6b: {  	_ =	shalt  }
0x6c: {  	_ =	shalt  }
0x6d: {  	_ =	shalt  }
0x6e: {  	_ =	shalt  }
0x6f: {  	_ =	shalt  }
0x70: {  	_ =	shalt  }
0x71: {  	_ =	shalt  }
0x72: {  	_ =	shalt  }
0x73: {  	_ =	shalt  }
0x74: {  	_ =	shalt  }
0x75: {  	_ =	shalt  }
0x76: {  	_ =	shalt  }
0x77: {  	_ =	shalt  }
0x78: {  	_ =	shalt  }
0x79: {  	_ =	shalt  }
0x7a: {  	_ =	shalt  }
0x7b: {  	_ =	shalt  }
0x7c: {  	_ =	shalt  }
0x7d: {  	_ =	shalt  }
0x7e: {  	_ =	shalt  }
0x7f: {  	_ =	shalt  }
0x80: {  	_ =	shalt  }
0x81: {  	_ =	shalt  }
0x82: {  	_ =	shalt  }
0x83: {  	_ =	shalt  }
0x84: {  	_ =	shalt  }
0x85: {  	_ =	shalt  }
0x86: {  	_ =	shalt  }
0x87: {  	_ =	shalt  }
.Lfunc_end0:
.L_simem_size_0:
called_computation_lowered:
.L_overlay_start_0:
0x88: {  	s2 =	sld [smem:$0x3FD9]  }
0x89: {  	s3 =	sld [smem:$0x3FFE];
	_ =	sdelay $0x1  }
0x8a: {  	s1 =	srdreg.scid  }
0x8b: {  	s0 =	sand.u32 $0x1, s1  }
0x8c: {  	s17 =	sshll.u32 s0, $0xA;
	s2 =	sadd.s32 s3, s2  }
0x8d: {  	s2 =	sadd.s32 s2, s17  }
0x8e: {  	[smem:$0x3FBE] =	sst s2  }
0x8f: {  	_ = 	snop  }
0x90: {  	s2 =	sld [smem:$0x3FD0];
	(tm) =	ssettm $0x1  }
0x91: {  	s18 =	sld [smem:$0x3FFB];
	_ =	sdelay $0x3  }
0x92: {  	_ =	strace s18  }
0x93: {  	s3 =	sld [smem:$0x3FFC];
	_ =	sdelay $0x3  }
0x94: {  	_ =	strace s3  }
0x95: {  	s3 =	sld [smem:$0x3FFD];
	_ =	sdelay $0x3  }
0x96: {  	_ =	strace s3  }
0x97: {  	_ =	strace $0x8FFFFFFF  }
0x98: {  	s19 =	sld [smem:$0x3FDB];
	_ =	sdelay $0x1  }
0x99: {  	s4 =	simm.s32 $_scs_section_size  }
0x9a: {  	s5 =	simm.s32 $_size__tile_overlayer_lowered;
	s6 =	simm.s32 $_tile_overlayer_lowered  }
0x9b: {  	s22 =	simm.s32 $0x1BFF;
	s21 =	sshll.u32 s6, $0x1;
	s3 =	sadd.s32 s4, s19  }
0x9c: {  	s7 =	simm.s32 $0x0;
	s20 =	sshll.u32 s5, $0x1;
	s5 =	sadd.s32 s21, s3  }
0x9d: {  	[timem:s7], [sflag:s22] =	dma.local [hbm:s5], s20  }
0x9e: {  	_ =	swait.ge [sflag:s22], s20  }
0x9f: {  	s4 =	ssub.s32 $0x0, s20;
	[sflag:s22] =	ssyncset.done $0x0  }
0xa0: {  	[sflag:s22] =	ssyncadd.s32 s4;
	_ =	sdelay $0x1  }
0xa1: {  	s23 =	simm.s32 $0x1B8B  }
0xa2: {  	_ =	swait.ge [sflag:s23], $0x1  }
0xa3: {  	[sflag:s23] =	ssyncset.done $0x0  }
0xa4: {  	s25 =	simm.s32 $0x1B8E;
	s24 =	sld [smem:$0x3FFE];
	[sflag:s23] =	ssyncadd.s32 $0xFFFFFFFF  }
0xa5: {  	s26 =	simm.s32 $execute0_lowered;
	[smem:$0x3FD2] =	sst s25  }
0xa6: {  	s5 =	sshll.u32 s26, $0x1;
	_ =	strace $0x80000046;
	[dreg:$0x1] =	wrdreg $0xFFFFFFFF  }
0xa7: {  	s28 =	simm.s32 $_size_execute0_lowered;
	s3 =	sadd.s32 s3, s5;
	[dreg:$0x0] =	wrdreg $0x0  }
0xa8: {  	s5 =	sshll.u32 s28, $0x1;
	[dreg:$0x2] =	wrdreg s3  }
0xa9: {  	[dreg:$0x3] =	wrdreg s5  }
0xaa: {  	[dreg:$0x4] =	wrdreg $0xC0  }
0xab: {  	_ =	task [dreg:s7], $0x5FFFF  }
0xac: {  	[dreg:$0x1] =	wrdreg $0xFFFFFFFF  }
0xad: {  	[dreg:$0x0] =	wrdreg $0x60  }
0xae: {  	[dreg:$0x2] =	wrdreg s2  }
0xaf: {  	[dreg:$0x3] =	wrdreg s24  }
0xb0: {  	[dreg:$0x4] =	wrdreg $0x7C000  }
0xb1: {  	[dreg:$0x5] =	wrdreg $0x9  }
0xb2: {  	_ =	task.clear_ibuf [dreg:s7], $0x6FFFF;
	_ =	strace $0x90000046  }
0xb3: {  	s29 =	simm.s32 $0x9;
	_ =	strace $0x80000048  }
0xb4: {  	_ =	swait.ge [sflag:s29], $0x1  }
0xb5: {  	[sflag:s29] =	ssyncadd.s32 $0xFFFFFFFF  }
0xb6: {  	_ =	strace $0x90000048  }
0xb7: {  	_ =	sfence  }
0xb8: {  	s30 =	sld [smem:$0x0];
	_ =	sdelay $0x2  }
0xb9: {  	s31 =	sshll.u32 s1, $0xD;
	s1 =	sshrl.u32 s1, $0x2  }
0xba: {  	s3 =	sand.u32 $0x4000, s31;
	s1 =	sadd.s32 s1, s30  }
0xbb: {  	s0 =	sor.u32 s3, s0;
	s1 =	sshll.u32 s1, $0x11  }
0xbc: {  	s0 =	sor.u32 s1, s0  }
0xbd: {  	s0 =	sadd.s32 $0x8F2B, s0  }
0xbe: {  	[sflag:s0] =	ssyncadd.remote.s32 $0x1  }
0xbf: {  	_ =	sfence.sel $0xFFFF  }
0xc0: {  	[dreg:$0x0] =	wrdreg $0xFFFFFFFF;
	(pc) =	sbr.abs _section_cstart, $3  }
0xc1: {  	[dreg:$0x1] =	wrdreg $0xFFFFFFFF  }
0xc2: {  	_ =	task.clear_ibuf [dreg:s7], $0x2FFFF;
	_ =	strace $0x9FFFFFFF  }
0xc3: {  	(tm) =	ssettm $0x7FFFFFFF  }
tec
execute0_lowered:
.L_overlay_start_1:
0x0: {  	(tag) =	ssettag $0x1  }
0x1: {  	s1 =	rddreg [dreg:$0x0]  }
0x2: {  	s0 =	rddreg [dreg:$0x1]  }
0x3: {  	s2 =	rddreg [dreg:$0x2];
	s3 =	simm.s32 $0x0  }
0x4: {  	s6 =	srdreg.scid;
	s15 =	stileid.u32;
	s28 =	simm.s32 $0x200  }
0x5: {  	s29 =	simm.s32 $0x80;
	s30 =	simm.s32 $0x280;
	s31 =	simm.s32 $0x100  }
0x6: {  	[smem:$0x7FF] =	sst s3;
	s4 =	sadd.s32 $0xC600, s0;
	s5 =	sadd.s32 $0x2800, s0  }
0x7: {  	s12 =	sadd.s32 $0x16400, s0;
	s0 =	sadd.s32 $0x3D600, s0;
	s8 =	smul.u32 $0x4E000, s15  }
0x8: {  	s6 =	sand.u32 $0x1, s6;
	s7 =	sshll.u32 s15, $0x1;
	s10 =	smul.u32 $0x2700, s15  }
0x9: {  	s20 =	sadd.s32 $0x138000, s2;
	s13 =	smul.u32 $0x4E20, s15;
	p2 =	seq.s32 s15, $0x0  }
0xa: {  	p0 =	sne.s32 s15, $0x0;
	s15 =	simm.s32 $0x7;
	_ =	strace $0x80000047  }
0xb: {  	s9 =	ssub.s32 $0x2, s6;
	[dreg:$0x4] =	wrdreg s12;
	s21 =	smul.u32 $0x27100, s6  }
0xc: {  	s7 =	sor.u32 s6, s7;
	[dreg:$0x7] =	wrdreg s20;
	s24 =	smul.u32 $0x138800, s6  }
0xd: {  	s16 =	smul.u32 $0x2710, s6;
	p1 =	sne.s32 s6, $0x0;
	s6 =	simm.s32 $0x50  }
0xe: {  	s11 =	sshrl.u32 s9, $0x1;
	s8 =	sshrl.u32 s8, $0x2;
	s19 =	sadd.s32 s12, s10  }
0xf: {  	s7 =	smul.u32 $0x2710, s7;
	s22 =	sadd.s32 s1, s10;
	[dreg:$0x6] =	wrdreg s19  }
0x10: {  	s9 =	ssub.s32 s9, s11;
	s8 =	sadd.s32 s8, s2;
	[dreg:$0x8] =	wrdreg s22  }
0x11: {  	s18 =	sadd.s32 s10, s21;
	s19 =	sshrl.u32 s24, $0x3;
	s20 =	sadd.s32 s16, s13  }
0x12: {  	s11 =	simm.s32 $0x400;
	s13 =	simm.s32 $0x5400;
	s16 =	simm.s32 $0x2  }
0x13: {  	[dreg:$0x5] =	wrdreg s8;
	s7 =	sshrl.u32 s7, $0x3;
	s21 =	sadd.s32 $0x190, s20  }
0x14: {  	s24 =	smax.u32 s9, $0x1;
	s9 =	simm.s32 $0x4;
	s8 =	simm.s32 $0x2C00  }
0x15: {  	s23 =	sadd.s32 s4, s7;
	s25 =	sadd.s32 s5, s7;
	[dreg:$0x11] =	wrdreg s24  }
0x16: {  	s26 =	sadd.s32 $0xA, s7;
	s7 =	sadd.s32 $0x14, s7;
	[dreg:$0x9] =	wrdreg s23  }
0x17: {  	s22 =	sshrl.u32 s21, $0x3;
	[dreg:$0xa] =	wrdreg s25;
	s14 =	sadd.s32 s4, s26  }
0x18: {  	s21 =	smov.u32 s5;
	s12 =	sadd.s32 s5, s26;
	[dreg:$0xb] =	wrdreg s14  }
0x19: {  	s17 =	sadd.s32 s4, s7;
	s7 =	sadd.s32 s5, s7;
	[dreg:$0xc] =	wrdreg s12  }
0x1a: {  	s23 =	sadd.s32 $0x140, s20;
	s25 =	sadd.s32 s22, s5;
	[dreg:$0xd] =	wrdreg s17  }
0x1b: {  	s22 =	sadd.s32 s22, s4;
	s26 =	sadd.s32 $0xF0, s20;
	[dreg:$0xe] =	wrdreg s7  }
0x1c: {  	s20 =	simm.s32 $0x0;
	s7 =	sadd.s32 s0, s18;
	[dreg:$0x12] =	wrdreg s25  }
0x1d: {  	s0 =	sadd.s32 s0, s19;
	[dreg:$0x13] =	wrdreg s26;
	s26 =	simm.s32 $0xA  }
.Ltmp0:
0x1e: {  	s12 =	simm.s32 $0x6;
	s14 =	simm.s32 $0x1;
	(pc) =	sbr.rel .LBB2_1-.Ltmp0, $4  }
0x1f: {  	s17 =	simm.s32 $0x8;
	s18 =	simm.s32 $0x3;
	s19 =	simm.s32 $0x9  }
0x20: {  	[dreg:$0xf] =	wrdreg s7;
	s0 =	sadd.s32 $0x27000, s0;
	s7 =	sshrl.u32 s23, $0x3  }
0x21: {  	[dreg:$0x10] =	wrdreg s0;
	s23 =	sadd.s32 s7, s5;
	s5 =	smov.u32 s4  }
0x22: {  	s24 =	sadd.s32 s7, s4;
	s0 =	simm.s32 $0x300;
	s7 =	simm.s32 $0x5  }
.LBB2_8:
0x23: {  	_ =	swait.ge [sflag:s19], $0x50  }
0x24: {  	[sflag:s19] =	ssyncset.done $0x0  }
0x25: {  	[sflag:s19] =	ssyncadd.s32 $0xFFFFFFB0  }
0x26: {  	[spmem:s2] =	stream.indirect.scatter.add.f32 [tilespmem:s13], [sflag:$0xA], $0x80, s0, s6, $0xb8;
	[tilespmem:$0x1B480] =	vst v63  }
0x27: {  	_ =	swait.ge [sflag:s26], $0x2800  }
0x28: {  	[sflag:s26] =	ssyncset.done $0x0  }
0x29: {  	[sflag:s26] =	ssyncadd.s32 $0xFFFFD800  }
0x2a: {  	_ =	swait.ge [sflag:s14], $0x2800  }
0x2b: {  	[sflag:s14] =	ssyncset.done $0x0  }
0x2c: {  	[sflag:s14] =	ssyncadd.s32 $0xFFFFD800  }
0x2d: {  	_ =	swait.ge [sflag:s15], $0x50  }
0x2e: {  	[sflag:s15] =	ssyncset.done $0x0  }
0x2f: {  	[sflag:s15] =	ssyncadd.s32 $0xFFFFFFB0  }
0x30: {  	[spmem:s2] =	stream.indirect.scatter.add.f32 [tilespmem:s11], [sflag:$0xA], $0x80, s28, s6, $0xb8;
	[tilespmem:$0x1B480] =	vst v63  }
0x31: {  	_ =	swait.ge [sflag:s26], $0x2800  }
0x32: {  	[sflag:s26] =	ssyncset.done $0x0  }
0x33: {  	[sflag:s26] =	ssyncadd.s32 $0xFFFFD800  }
0x34: {  	_ =	swait.ge [sflag:s16], $0x2800  }
0x35: {  	[sflag:s16] =	ssyncset.done $0x0  }
0x36: {  	[sflag:s16] =	ssyncadd.s32 $0xFFFFD800  }
0x37: {  	_ =	swait.ge [sflag:s17], $0x50  }
0x38: {  	[sflag:s17] =	ssyncset.done $0x0  }
0x39: {  	[sflag:s17] =	ssyncadd.s32 $0xFFFFFFB0  }
0x3a: {  	[spmem:s2] =	stream.indirect.scatter.add.f32 [tilespmem:s8], [sflag:$0xA], $0x80, s30, s6, $0xb8;
	[tilespmem:$0x1B480] =	vst v63  }
0x3b: {  	_ =	swait.ge [sflag:s26], $0x2800  }
0x3c: {  	[sflag:s26] =	ssyncset.done $0x0  }
0x3d: {  	[sflag:s26] =	ssyncadd.s32 $0xFFFFD800  }
0x3e: {  	[bflag:$0x0] =	sbarrier.arrive $0xFFFF  }
0x3f: {  	s4 =	rddreg [dreg:$0x15]  }
0x40: {  	s10 =	rddreg [dreg:$0xf]  }
0x41: {  	s20 =	rddreg [dreg:$0x16];
	s4 =	sor.u32 $0x1C0A, s4  }
0x42: {  	[hbm:s10], [sflag:s4] =	dma.local [spmem:s20], $0x2700  }
0x43: {  	_ =	swait.ge [sflag:s26], $0x2700  }
0x44: {  	[sflag:s26] =	ssyncset.done $0x0;
	s10 =	rddreg [dreg:$0x7]  }
0x45: {  	s20 =	rddreg [dreg:$0x10];
	[sflag:s26] =	ssyncadd.s32 $0xFFFFD900;
	s10 =	sshrl.u32 @!p0 s10, $0x3  }
0x46: {  	[hbm:s20], [sflag:s4] =	dma.local @!p0 [spmem:s10], $0x100  }
0x47: {  	s4 =	simm.s32 @!p0 $0xA  }
0x48: {  	_ =	swait.ge @!p0 [sflag:s4], $0x100  }
0x49: {  	s10 =	rddreg [dreg:$0x14]  }
0x4a: {  	s25 =	rddreg [dreg:$0x11];
	s20 =	sadd.s32 $0x1, s10  }
0x4b: {  	p3 =	sne.s32 s20, s25  }
.Ltmp1:
0x4c: {  	_ = 	snop;
	(pc) =	sbr.rel @!p3 .LBB2_9-.Ltmp1, $3  }
0x4d: {  	_ =	sdelay $0x1  }
0x4e: {  	[sflag:s4] =	ssyncset.done @!p0 $0x0  }
0x4f: {  	[sflag:s4] =	ssyncadd.s32 @!p0 $0xFFFFFF00  }
.LBB2_1:
0x50: {  	s4 =	stileid.u32  }
.Ltmp2:
0x51: {  	s10 =	rddreg [dreg:$0x5];
	(pc) =	sbr.rel @p1 .LBB2_3-.Ltmp2, $4  }
0x52: {  	[dreg:$0x14] =	wrdreg s20;
	s25 =	sshll.u32 s4, $0x6  }
0x53: {  	s10 =	sshrl.u32 s10, $0x3;
	[dreg:$0x15] =	wrdreg s25  }
0x54: {  	s4 =	sor.u32 $0x1C0A, s25;
	[dreg:$0x16] =	wrdreg s10  }
0x55: {  	[dreg:$0x17] =	wrdreg s4  }
0x56: {  	s20 =	sor.u32 $0x1C0A, s25;
	s4 =	rddreg [dreg:$0x8]  }
0x57: {  	[spmem:s10], [sflag:s20] =	dma.local [hbm:s4], $0x2700  }
.Ltmp3:
0x58: {  	_ = 	snop;
	(pc) =	sbr.rel @!p2 .LBB2_5-.Ltmp3, $4  }
.Ltmp4:
0x59: {  	_ = 	snop;
	(pc) =	sbr.rel @p2 .LBB2_4-.Ltmp4, $4  }
0x5a: {  	_ =	swait.ge [sflag:s26], $0x2700  }
0x5b: {  	[sflag:s26] =	ssyncset.done $0x0  }
0x5c: {  	s25 =	smov.u32 s1;
	[sflag:s26] =	ssyncadd.s32 $0xFFFFD900  }
0x5d: {  	_ = 	snop  }
.LBB2_3:
0x5e: {  	s4 =	rddreg [dreg:$0x6]  }
.Ltmp5:
0x5f: {  	s20 =	rddreg [dreg:$0x17];
	(pc) =	sbr.rel @p0 .LBB2_5-.Ltmp5, $4  }
0x60: {  	[spmem:s10], [sflag:s20] =	dma.local [hbm:s4], $0x2700  }
0x61: {  	_ =	swait.ge [sflag:s26], $0x2700  }
0x62: {  	[sflag:s26] =	ssyncset.done $0x0  }
0x63: {  	s25 =	rddreg [dreg:$0x4];
	[sflag:s26] =	ssyncadd.s32 $0xFFFFD900  }
.LBB2_4:
0x64: {  	s4 =	rddreg [dreg:$0x7]  }
0x65: {  	s10 =	sadd.s32 $0x27000, s25;
	s4 =	sshrl.u32 s4, $0x3  }
0x66: {  	[spmem:s4], [sflag:s20] =	dma.local [hbm:s10], $0x100  }
0x67: {  	_ =	swait.ge [sflag:s26], $0x100  }
0x68: {  	[sflag:s26] =	ssyncset.done $0x0  }
0x69: {  	[sflag:s26] =	ssyncadd.s32 $0xFFFFFF00  }
.LBB2_5:
0x6a: {  	[bflag:$0x0] =	sbarrier.arrive $0xFFFF  }
0x6b: {  	s10 =	simm.s32 $0x0;
	s4 =	rddreg [dreg:$0x9]  }
0x6c: {  	[tilespmem:s10], [sflag:$0x4] =	stream.linear.gather [hbm4b:s4+s10], $0x50, $0x38;
	[tilespmem:$0x1B480] =	vst v63  }
0x6d: {  	s25 =	rddreg [dreg:$0xa]  }
0x6e: {  	[tilespmem:s28], [sflag:$0x7] =	stream.linear.gather [hbm4b:s25+s10], $0x50, $0x38;
	[tilespmem:$0x1B480] =	vst v63  }
0x6f: {  	s20 =	rddreg [dreg:$0xb]  }
0x70: {  	[tilespmem:s29], [sflag:$0x5] =	stream.linear.gather [hbm4b:s20+s10], $0x50, $0x38;
	[tilespmem:$0x1B480] =	vst v63  }
0x71: {  	s25 =	rddreg [dreg:$0xc]  }
0x72: {  	[tilespmem:s30], [sflag:$0x8] =	stream.linear.gather [hbm4b:s25+s10], $0x50, $0x38;
	[tilespmem:$0x1B480] =	vst v63  }
0x73: {  	s20 =	rddreg [dreg:$0xd]  }
0x74: {  	[tilespmem:s31], [sflag:$0x6] =	stream.linear.gather [hbm4b:s20+s10], $0x50, $0x38;
	[tilespmem:$0x1B480] =	vst v63  }
0x75: {  	s25 =	rddreg [dreg:$0xe]  }
0x76: {  	[tilespmem:s0], [sflag:$0x9] =	stream.linear.gather [hbm4b:s25+s10], $0x50, $0x38;
	[tilespmem:$0x1B480] =	vst v63  }
0x77: {  	_ =	swait.ge [sflag:s9], $0x50  }
0x78: {  	[sflag:s9] =	ssyncset.done $0x0  }
0x79: {  	[sflag:s9] =	ssyncadd.s32 $0xFFFFFFB0  }
0x7a: {  	[tilespmem:s11], [sflag:$0x1] =	stream.indirect.gather [hbm4b:s1+s6], $0x80, s10, s6, $0xb8;
	[tilespmem:$0x1B480] =	vst v63  }
0x7b: {  	_ =	swait.ge [sflag:s7], $0x50  }
0x7c: {  	[sflag:s7] =	ssyncset.done $0x0  }
0x7d: {  	[sflag:s7] =	ssyncadd.s32 $0xFFFFFFB0  }
0x7e: {  	[tilespmem:s8], [sflag:$0x2] =	stream.indirect.gather [hbm4b:s1+s6], $0x80, s29, s6, $0xb8;
	[tilespmem:$0x1B480] =	vst v63  }
0x7f: {  	_ =	swait.ge [sflag:s12], $0x50  }
0x80: {  	[sflag:s12] =	ssyncset.done $0x0  }
0x81: {  	s25 =	rddreg [dreg:$0x13];
	[sflag:s12] =	ssyncadd.s32 $0xFFFFFFB0  }
0x82: {  	[tilespmem:s13], [sflag:$0x3] =	stream.indirect.gather [hbm4b:s1+s6], $0x80, s31, s6, $0xb8;
	[tilespmem:$0x1B480] =	vst v63  }
.LBB2_6:
0x83: {  	_ =	swait.ge [sflag:s14], $0x2800  }
0x84: {  	s20 =	sshrl.u32 s25, $0x3;
	[sflag:s14] =	ssyncset.done $0x0  }
0x85: {  	s4 =	sadd.s32 s5, s20;
	[sflag:s14] =	ssyncadd.s32 $0xFFFFD800  }
0x86: {  	[tilespmem:s3], [sflag:$0x4] =	stream.linear.gather [hbm4b:s4+s3], $0x50, $0x38;
	[tilespmem:$0x1B480] =	vst v63  }
0x87: {  	_ =	swait.ge [sflag:s15], $0x50  }
0x88: {  	[sflag:s15] =	ssyncset.done $0x0  }
0x89: {  	[sflag:s15] =	ssyncadd.s32 $0xFFFFFFB0  }
0x8a: {  	[spmem:s2] =	stream.indirect.scatter.add.f32 [tilespmem:s11], [sflag:$0xA], $0x80, s28, s6, $0xb8;
	[tilespmem:$0x1B480] =	vst v63  }
0x8b: {  	_ =	swait.ge [sflag:s26], $0x2800  }
0x8c: {  	[sflag:s26] =	ssyncset.done $0x0  }
0x8d: {  	s20 =	sadd.s32 s21, s20;
	[sflag:s26] =	ssyncadd.s32 $0xFFFFD800  }
0x8e: {  	[tilespmem:s28], [sflag:$0x7] =	stream.linear.gather [hbm4b:s20+s3], $0x50, $0x38;
	[tilespmem:$0x1B480] =	vst v63  }
0x8f: {  	_ =	swait.ge [sflag:s9], $0x50  }
0x90: {  	[sflag:s9] =	ssyncset.done $0x0  }
0x91: {  	[sflag:s9] =	ssyncadd.s32 $0xFFFFFFB0  }
0x92: {  	[tilespmem:s11], [sflag:$0x1] =	stream.indirect.gather [hbm4b:s1+s6], $0x80, s3, s6, $0xb8;
	[tilespmem:$0x1B480] =	vst v63  }
0x93: {  	_ =	swait.ge [sflag:s16], $0x2800  }
0x94: {  	[sflag:s16] =	ssyncset.done $0x0  }
0x95: {  	s20 =	sadd.s32 s10, s24;
	[sflag:s16] =	ssyncadd.s32 $0xFFFFD800  }
0x96: {  	[tilespmem:s29], [sflag:$0x5] =	stream.linear.gather [hbm4b:s20+s3], $0x50, $0x38;
	[tilespmem:$0x1B480] =	vst v63  }
0x97: {  	_ =	swait.ge [sflag:s17], $0x50  }
0x98: {  	[sflag:s17] =	ssyncset.done $0x0  }
0x99: {  	[sflag:s17] =	ssyncadd.s32 $0xFFFFFFB0  }
0x9a: {  	[spmem:s2] =	stream.indirect.scatter.add.f32 [tilespmem:s8], [sflag:$0xA], $0x80, s30, s6, $0xb8;
	[tilespmem:$0x1B480] =	vst v63  }
0x9b: {  	_ =	swait.ge [sflag:s26], $0x2800  }
0x9c: {  	[sflag:s26] =	ssyncset.done $0x0  }
0x9d: {  	s20 =	sadd.s32 s10, s23;
	[sflag:s26] =	ssyncadd.s32 $0xFFFFD800  }
0x9e: {  	[tilespmem:s30], [sflag:$0x8] =	stream.linear.gather [hbm4b:s20+s3], $0x50, $0x38;
	[tilespmem:$0x1B480] =	vst v63  }
0x9f: {  	_ =	swait.ge [sflag:s7], $0x50  }
0xa0: {  	p3 =	seq.s32 s10, $0x4B0;
	[sflag:s7] =	ssyncset.done $0x0  }
.Ltmp6:
0xa1: {  	[sflag:s7] =	ssyncadd.s32 $0xFFFFFFB0;
	(pc) =	sbr.rel @p3 .LBB2_8-.Ltmp6, $4  }
0xa2: {  	[tilespmem:s8], [sflag:$0x2] =	stream.indirect.gather [hbm4b:s1+s6], $0x80, s29, s6, $0xb8;
	[tilespmem:$0x1B480] =	vst v63  }
0xa3: {  	_ =	swait.ge [sflag:s18], $0x2800  }
0xa4: {  	[sflag:s18] =	ssyncset.done $0x0  }
0xa5: {  	[sflag:s18] =	ssyncadd.s32 $0xFFFFD800  }
0xa6: {  	s4 =	sadd.s32 s10, s22  }
0xa7: {  	[tilespmem:s31], [sflag:$0x6] =	stream.linear.gather [hbm4b:s4+s3], $0x50, $0x38;
	[tilespmem:$0x1B480] =	vst v63  }
0xa8: {  	_ =	swait.ge [sflag:s19], $0x50  }
0xa9: {  	[sflag:s19] =	ssyncset.done $0x0  }
0xaa: {  	[sflag:s19] =	ssyncadd.s32 $0xFFFFFFB0  }
0xab: {  	[spmem:s2] =	stream.indirect.scatter.add.f32 [tilespmem:s13], [sflag:$0xA], $0x80, s0, s6, $0xb8;
	[tilespmem:$0x1B480] =	vst v63  }
0xac: {  	_ =	swait.ge [sflag:s26], $0x2800  }
0xad: {  	[sflag:s26] =	ssyncset.done $0x0;
	s20 =	rddreg [dreg:$0x12]  }
0xae: {  	[sflag:s26] =	ssyncadd.s32 $0xFFFFD800;
	s4 =	sadd.s32 s10, s20  }
0xaf: {  	[tilespmem:s0], [sflag:$0x9] =	stream.linear.gather [hbm4b:s4+s3], $0x50, $0x38;
	[tilespmem:$0x1B480] =	vst v63  }
.Ltmp7:
0xb0: {  	_ = 	snop;
	(pc) =	sbr.rel .LBB2_6-.Ltmp7, $4  }
0xb1: {  	_ =	swait.ge [sflag:s12], $0x50  }
0xb2: {  	[sflag:s12] =	ssyncset.done $0x0  }
0xb3: {  	s25 =	sadd.s32 $0xF0, s25;
	s10 =	sadd.s32 $0x1E, s10;
	[sflag:s12] =	ssyncadd.s32 $0xFFFFFFB0  }
0xb4: {  	[tilespmem:s13], [sflag:$0x3] =	stream.indirect.gather [hbm4b:s1+s6], $0x80, s31, s6, $0xb8;
	[tilespmem:$0x1B480] =	vst v63  }
.LBB2_9:
0xb5: {  	_ =	sfence.sel $0x180000  }
0xb6: {  	[bflag:$0x0] =	sbarrier.arrive $0xFFFF  }
0xb7: {  	_ =	strace $0x90000047  }
0xb8: {  	[bflag:$0x2] =	sbarrier.arrive $0xFFFF  }
0xb9: {  	s0 =	rddreg [dreg:$0x3]  }
0xba: {  	s0 =	sadd.s32 @!p0 $0x100000, s0  }
0xbb: {  	[sflag:s0] =	ssyncadd.tile.s32 @!p0 $0x1;
	_ =	shalt  }
.Lfunc_end2:
_tile_overlayer_lowered:
.L_overlay_start_2:
0xbc: {  	(tag) =	ssettag $0x2  }
0xbd: {  	s0 =	rddreg [dreg:$0x0];
	s2 =	stileid.u32  }
0xbe: {  	s1 =	rddreg [dreg:$0x1];
	p0 =	sne.s32 s2, $0x0  }
0xbf: {  	s3 =	rddreg [dreg:$0x2];
	[bflag:$0x3] =	sbarrier.arrive $0xFFFF;
	s2 =	simm.s32 @!p0 $0x1C0A  }
0xc0: {  	[timem:s3], [sflag:s2] =	dma.local @!p0 [hbm:s0], s1  }
0xc1: {  	s0 =	simm.s32 @!p0 $0xA  }
0xc2: {  	_ =	swait.ge @!p0 [sflag:s0], s1  }
0xc3: {  	s1 =	ssub.s32 @!p0 $0x0, s1;
	[sflag:s0] =	ssyncset.done @!p0 $0x0  }
0xc4: {  	[sflag:s0] =	ssyncadd.s32 @!p0 s1  }
0xc5: {  	[bflag:$0x3] =	sbarrier.arrive $0xFFFF  }
0xc6: {  	_ =	shalt  }

</sc_bundles>
